<compile_context>
chip_gen: v7x
topology: tpu7x:2x2x1
jax: 0.10.2.dev20260603
libtpu: 0.0.44.dev20260713+nightly
codegen_flags: <defaults>
</compile_context>

<pallas_src>
import functools

import jax
import jax.numpy as jnp
from jax import lax
from jax.experimental import pallas as pl
from jax.experimental.pallas import tpu as pltpu
from jax.experimental.pallas import tpu_sc as plsc

N = 10000
NP = 10240
D = 128
E = 320000
NC = 2
NS = 16
GRP = 128
EPW = 10240
E_PAD = EPW * NC * NS
GROUPS = EPW // GRP
RPS = NP // NS
DPS = NP // NS

_mesh = plsc.VectorSubcoreMesh(core_axis_name="c", subcore_axis_name="s")


@functools.partial(
    pl.kernel,
    mesh=_mesh,
    out_type=jax.ShapeDtypeStruct((NC * NP,), jnp.float32),
    scratch_types=[
        pltpu.VMEM((GROUPS, GRP), jnp.int32),
        pltpu.VMEM((GRP,), jnp.float32),
        pltpu.VMEM((DPS,), jnp.float32),
        pltpu.VMEM_SHARED((NP,), jnp.float32),
    ] + [pltpu.SemaphoreType.DMA] * 8,
)
def _sc_degree(dst_hbm, out_hbm, dstv, ones, zbuf, acc, *sems):
    c = lax.axis_index("c")
    s = lax.axis_index("s")
    for i in range(GRP // 16):
        ones[pl.ds(i * 16, 16)] = jnp.ones((16,), jnp.float32)
    for i in range(DPS // 16):
        zbuf[pl.ds(i * 16, 16)] = jnp.zeros((16,), jnp.float32)
    pltpu.sync_copy(zbuf, acc.at[pl.ds(s * DPS, DPS)])
    row0 = (c * NS + s) * GROUPS
    pltpu.sync_copy(dst_hbm.at[pl.ds(row0, GROUPS)], dstv)
    plsc.subcore_barrier()

    nring = len(sems)

    def body(t, carry):
        for b in range(nring):
            j = t * nring + b

            @pl.when(t > 0)
            def _():
                pltpu.make_async_copy(ones, acc.at[dstv.at[j - nring]],
                                      sems[b]).wait()

            pltpu.async_copy(ones, acc.at[dstv.at[j]], sems[b], add=True)
        return carry

    lax.fori_loop(0, GROUPS // nring, body, 0)
    for b in range(nring):
        j = GROUPS - nring + b
        pltpu.make_async_copy(ones, acc.at[dstv.at[j]], sems[b]).wait()
    plsc.subcore_barrier()
    pltpu.sync_copy(acc.at[pl.ds(s * DPS, DPS)],
                    out_hbm.at[pl.ds(c * NP + s * DPS, DPS)])


@functools.partial(
    pl.kernel,
    mesh=_mesh,
    out_type=jax.ShapeDtypeStruct((NC * NP, D), jnp.float32),
    scratch_types=[
        pltpu.VMEM((GROUPS // 2, GRP), jnp.int32),
        pltpu.VMEM((GROUPS // 2, GRP), jnp.int32),
        pltpu.VMEM((2 * GRP, D), jnp.float32),
        pltpu.VMEM_SHARED((NP, D), jnp.float32),
    ] + [pltpu.SemaphoreType.DMA] * 4,
)
def _sc_propagate(g_hbm, src_hbm, dst_hbm, out_hbm, srcv, dstv, rows, acc,
                  *sems):
    c = lax.axis_index("c")
    s = lax.axis_index("s")
    semg, semsc = sems[:2], sems[2:]
    init = pltpu.async_copy(g_hbm.at[pl.ds(s * RPS, RPS)],
                            acc.at[pl.ds(s * RPS, RPS)], semg[0])
    row0 = (c * NS + s) * GROUPS

    buf = [rows.at[pl.ds(b * GRP, GRP)] for b in range(2)]
    half = GROUPS // 2

    for h in range(2):
        pltpu.sync_copy(src_hbm.at[pl.ds(row0 + h * half, half)], srcv)
        pltpu.sync_copy(dst_hbm.at[pl.ds(row0 + h * half, half)], dstv)
        if h == 0:
            init.wait()
            plsc.subcore_barrier()

        def body(t, carry):
            for b in range(2):
                j = t * 2 + b

                @pl.when(t > 0)
                def _():
                    pltpu.make_async_copy(buf[b], acc.at[dstv.at[j - 2]],
                                          semsc[b]).wait()

                pltpu.async_copy(g_hbm.at[srcv.at[j]], buf[b], semg[b])
            for b in range(2):
                j = t * 2 + b
                pltpu.make_async_copy(g_hbm.at[srcv.at[j]], buf[b],
                                      semg[b]).wait()
                pltpu.async_copy(buf[b], acc.at[dstv.at[j]], semsc[b],
                                 add=True)
            return carry

        lax.fori_loop(0, half // 2, body, 0)
        for b in range(2):
            pltpu.make_async_copy(buf[b], acc.at[dstv.at[half - 2 + b]],
                                  semsc[b]).wait()
    plsc.subcore_barrier()
    pltpu.sync_copy(acc.at[pl.ds(s * RPS, RPS)],
                    out_hbm.at[pl.ds(c * NP + s * RPS, RPS)])


def _prescale_body(d0_ref, d1_ref, x_ref, g_ref, dinv_ref):
    deg = d0_ref[...] + d1_ref[...] + 1.0
    dinv = lax.rsqrt(deg)
    dinv_ref[...] = dinv
    g_ref[...] = x_ref[...] * dinv


_BR = 640


def _tc_prescale(d0, d1, x):
    return pl.pallas_call(
        _prescale_body,
        grid=(NP // _BR,),
        in_specs=[
            pl.BlockSpec((_BR, 1), lambda i: (i, 0)),
            pl.BlockSpec((_BR, 1), lambda i: (i, 0)),
            pl.BlockSpec((_BR, D), lambda i: (i, 0)),
        ],
        out_specs=[
            pl.BlockSpec((_BR, D), lambda i: (i, 0)),
            pl.BlockSpec((_BR, 1), lambda i: (i, 0)),
        ],
        out_shape=[
            jax.ShapeDtypeStruct((NP, D), jnp.float32),
            jax.ShapeDtypeStruct((NP, 1), jnp.float32),
        ],
    )(d0, d1, x)


def _layer_body(p_ref, g_ref, dinv_ref, w_ref, b_ref, o_ref, *, relu, scale_out):
    dinv = dinv_ref[...]
    pre = (p_ref[0] + p_ref[1] - g_ref[...]) * dinv
    z = jnp.dot(pre, w_ref[...], preferred_element_type=jnp.float32) + b_ref[...]
    if relu:
        z = jnp.maximum(z, 0.0)
    if scale_out:
        z = z * dinv
    o_ref[...] = z


def _tc_layer(p, g, dinv, w, b, relu, scale_out):
    return pl.pallas_call(
        functools.partial(_layer_body, relu=relu, scale_out=scale_out),
        grid=(NP // _BR,),
        in_specs=[
            pl.BlockSpec((2, _BR, D), lambda i: (0, i, 0)),
            pl.BlockSpec((_BR, D), lambda i: (i, 0)),
            pl.BlockSpec((_BR, 1), lambda i: (i, 0)),
            pl.BlockSpec((D, D), lambda i: (0, 0)),
            pl.BlockSpec((1, D), lambda i: (0, 0)),
        ],
        out_specs=pl.BlockSpec((_BR, D), lambda i: (i, 0)),
        out_shape=jax.ShapeDtypeStruct((NP, D), jnp.float32),
    )(p, g, dinv, w, b)


def kernel(x, edge_index, W1, b1, W2, b2, Wmu, bmu, Wls, bls, W5, b5, W6, b6):
    pad = E_PAD - E
    pad_src = jnp.arange(pad, dtype=jnp.int32) % N
    pad_dst = N + (jnp.arange(pad, dtype=jnp.int32) % (NP - N))
    srcp = jnp.concatenate(
        [edge_index[0], pad_src]).reshape(E_PAD // GRP, GRP)
    dstp = jnp.concatenate(
        [edge_index[1], pad_dst]).reshape(E_PAD // GRP, GRP)

    xp = jnp.concatenate([x, jnp.zeros((NP - N, D), jnp.float32)])
    degp = _sc_degree(dstp).reshape(NC, NP)
    g, dinv = _tc_prescale(degp[0].reshape(NP, 1), degp[1].reshape(NP, 1), xp)

    layers = [
        (W1, b1, True, True),
        (W2, b2, True, True),
        (Wmu, bmu, False, True),
        (W5, b5, True, True),
        (W6, b6, True, False),
    ]
    for w, b, relu, scale_out in layers:
        p = _sc_propagate(g, srcp, dstp).reshape(2, NP, D)
        g = _tc_layer(p, g, dinv, w, b.reshape(1, D), relu, scale_out)
    return g[:N]

# --- scband reference (transcript-rebuilt; emitter-appended) ---
"""Pipeline reference for scband-node-model-43722767073862 (READ-ONLY COPY).

The authoritative reference and input builder live on the scoring server;
editing this copy changes nothing except your own understanding.
"""

import jax, jax.numpy as jnp
import numpy as np

N = 10000
E = 320000
D = 128


def _param(key, shape, scale=0.05):
    return jax.random.normal(key, shape, dtype=jnp.float32) * scale


def setup_inputs(seed: int = 0) -> dict:
    key = jax.random.key(seed)
    ks = jax.random.split(key, 16)
    inp = {}
    inp["x"] = jax.random.normal(ks[0], (N, D), dtype=jnp.float32)
    inp["edge_index"] = jax.random.randint(ks[1], (2, E), 0, N, dtype=jnp.int32)
    names = ["W1", "b1", "W2", "b2", "Wmu", "bmu", "Wls", "bls", "W5", "b5", "W6", "b6"]
    i = 2
    for nm in names:
        shape = (D, D) if nm.startswith("W") else (D,)
        inp[nm] = _param(ks[i], shape)
        i += 1
    return inp


def _gcn(x, src, dst, W, b, n):
    # GCNConv: add self-loops, symmetric normalization D^-1/2 (A+I) D^-1/2 x W + b
    h = x @ W
    deg = jnp.zeros((n,), dtype=x.dtype).at[dst].add(1.0)
    dinv = jnp.where(deg > 0, jax.lax.rsqrt(jnp.maximum(deg, 1e-12)), 0.0)
    norm = dinv[src] * dinv[dst]
    msg = h[src] * norm[:, None]
    out = jnp.zeros((n, h.shape[1]), dtype=x.dtype).at[dst].add(msg)
    return out + b


def reference(x, edge_index, W1, b1, W2, b2, Wmu, bmu, Wls, bls, W5, b5, W6, b6):
    n = x.shape[0]
    loop = jnp.arange(n, dtype=edge_index.dtype)
    src = jnp.concatenate([edge_index[0], loop])
    dst = jnp.concatenate([edge_index[1], loop])
    h = jax.nn.relu(_gcn(x, src, dst, W1, b1, n))
    h = jax.nn.relu(_gcn(h, src, dst, W2, b2, n))
    mu = _gcn(h, src, dst, Wmu, bmu, n)
    logstd = _gcn(h, src, dst, Wls, bls, n)  # computed but unused in eval mode
    z = mu  # reparametrize_nodes returns mu when not training
    h = jax.nn.relu(_gcn(z, src, dst, W5, b5, n))
    h = jax.nn.relu(_gcn(h, src, dst, W6, b6, n))
    return h

if __name__ == "__main__":
    import jax
    _d = setup_inputs()
    print(jax.jit(kernel)(*tuple(_d.values())))

</pallas_src>

<mosaic_0001>
#map = affine_map<(d0, d1) -> (0, 0)>
module attributes {stable_mosaic.version = 14 : i64} {
  func.func @_sc_propagate(%arg0: i32, %arg1: i32, %arg2: memref<10240x128xf32, #tpu.memory_space<hbm>>, %arg3: memref<2560x128xi32, #tpu.memory_space<hbm>>, %arg4: memref<2560x128xi32, #tpu.memory_space<hbm>>, %arg5: memref<20480x128xf32, #tpu.memory_space<hbm>>, %arg6: memref<40x128xi32, #tpu.memory_space<vmem>>, %arg7: memref<40x128xi32, #tpu.memory_space<vmem>>, %arg8: memref<256x128xf32, #tpu.memory_space<vmem>>, %arg9: memref<10240x128xf32, #tpu.memory_space<vmem_shared>>, %arg10: memref<!tpu.dma_semaphore, #tpu.memory_space<semaphore_mem>>, %arg11: memref<!tpu.dma_semaphore, #tpu.memory_space<semaphore_mem>>, %arg12: memref<!tpu.dma_semaphore, #tpu.memory_space<semaphore_mem>>, %arg13: memref<!tpu.dma_semaphore, #tpu.memory_space<semaphore_mem>>) attributes {dimension_semantics = [#tpu.dimension_semantics<core_parallel>, #tpu.dimension_semantics<subcore_parallel>], iteration_bounds = array<i64: 2, 16>, scalar_prefetch = 0 : i64, scratch_operands = 8 : i64, tpu.core_type = #tpu.core_type<sc_vector_subcore>, window_params = [{transform_indices = #map}, {transform_indices = #map}, {transform_indices = #map}, {transform_indices = #map}]} {
    %mul3A = arith.constant 640 : i32
    %mul3A_0 = arith.muli %arg1, %mul3A : i32
    %mul3A_1 = arith.constant 640 : i32
    %mul3A_2 = arith.muli %arg1, %mul3A_1 : i32
    %dma_start3A = arith.constant 0 : i32
    %dma_start3A_3 = tpu.memref_slice %arg9[%mul3A_2, %dma_start3A] : memref<10240x128xf32, #tpu.memory_space<vmem_shared>> -> memref<640x128xf32, #tpu.memory_space<vmem_shared>>
    %dma_start3A_4 = arith.constant 0 : i32
    %dma_start3A_5 = tpu.memref_slice %arg2[%mul3A_0, %dma_start3A_4] : memref<10240x128xf32, #tpu.memory_space<hbm>> -> memref<640x128xf32, #tpu.memory_space<hbm>>
    tpu.enqueue_dma source(%dma_start3A_5 : memref<640x128xf32, #tpu.memory_space<hbm>>) target(%dma_start3A_3 : memref<640x128xf32, #tpu.memory_space<vmem_shared>>) target_semaphore(%arg10 : memref<!tpu.dma_semaphore, #tpu.memory_space<semaphore_mem>>)
    %mul3A_6 = arith.constant 16 : i32
    %mul3A_7 = arith.muli %arg0, %mul3A_6 : i32
    %add3A = arith.addi %mul3A_7, %arg1 : i32
    %mul3A_8 = arith.constant 80 : i32
    %mul3A_9 = arith.muli %add3A, %mul3A_8 : i32
    %add3A_10 = arith.constant 0 : i32
    %add3A_11 = arith.addi %mul3A_9, %add3A_10 : i32
    "tpu.region"() ({
      %run_scoped3A = tpu.sem_alloc : memref<!tpu.dma_semaphore, #tpu.memory_space<semaphore_mem>>
      %dma_start3A_80 = arith.constant 0 : i32
      %dma_start3A_81 = tpu.memref_slice %arg3[%add3A_11, %dma_start3A_80] : memref<2560x128xi32, #tpu.memory_space<hbm>> -> memref<40x128xi32, #tpu.memory_space<hbm>>
      %dma_start3A_82 = arith.constant 0 : i32
      %dma_start3A_83 = tpu.memref_slice %arg3[%add3A_11, %dma_start3A_82] : memref<2560x128xi32, #tpu.memory_space<hbm>> -> memref<40x128xi32, #tpu.memory_space<hbm>>
      tpu.enqueue_dma source(%dma_start3A_83 : memref<40x128xi32, #tpu.memory_space<hbm>>) target(%arg6 : memref<40x128xi32, #tpu.memory_space<vmem>>) target_semaphore(%run_scoped3A : memref<!tpu.dma_semaphore, #tpu.memory_space<semaphore_mem>>)
      %dma_wait3A_84 = arith.constant 0 : i32
      %dma_wait3A_85 = tpu.memref_slice %arg3[%add3A_11, %dma_wait3A_84] : memref<2560x128xi32, #tpu.memory_space<hbm>> -> memref<40x128xi32, #tpu.memory_space<hbm>>
      %dma_wait3A_86 = arith.constant 0 : i32
      %dma_wait3A_87 = tpu.memref_slice %arg3[%add3A_11, %dma_wait3A_86] : memref<2560x128xi32, #tpu.memory_space<hbm>> -> memref<40x128xi32, #tpu.memory_space<hbm>>
      tpu.wait_dma2 semaphore(%run_scoped3A : memref<!tpu.dma_semaphore, #tpu.memory_space<semaphore_mem>>) src(%dma_wait3A_87 : memref<40x128xi32, #tpu.memory_space<hbm>>) dst(%arg6 : memref<40x128xi32, #tpu.memory_space<vmem>>)
      tpu.yield
    }) : () -> ()
    %add3A_12 = arith.constant 0 : i32
    %add3A_13 = arith.addi %mul3A_9, %add3A_12 : i32
    "tpu.region"() ({
      %run_scoped3A = tpu.sem_alloc : memref<!tpu.dma_semaphore, #tpu.memory_space<semaphore_mem>>
      %dma_start3A_80 = arith.constant 0 : i32
      %dma_start3A_81 = tpu.memref_slice %arg4[%add3A_13, %dma_start3A_80] : memref<2560x128xi32, #tpu.memory_space<hbm>> -> memref<40x128xi32, #tpu.memory_space<hbm>>
      %dma_start3A_82 = arith.constant 0 : i32
      %dma_start3A_83 = tpu.memref_slice %arg4[%add3A_13, %dma_start3A_82] : memref<2560x128xi32, #tpu.memory_space<hbm>> -> memref<40x128xi32, #tpu.memory_space<hbm>>
      tpu.enqueue_dma source(%dma_start3A_83 : memref<40x128xi32, #tpu.memory_space<hbm>>) target(%arg7 : memref<40x128xi32, #tpu.memory_space<vmem>>) target_semaphore(%run_scoped3A : memref<!tpu.dma_semaphore, #tpu.memory_space<semaphore_mem>>)
      %dma_wait3A_84 = arith.constant 0 : i32
      %dma_wait3A_85 = tpu.memref_slice %arg4[%add3A_13, %dma_wait3A_84] : memref<2560x128xi32, #tpu.memory_space<hbm>> -> memref<40x128xi32, #tpu.memory_space<hbm>>
      %dma_wait3A_86 = arith.constant 0 : i32
      %dma_wait3A_87 = tpu.memref_slice %arg4[%add3A_13, %dma_wait3A_86] : memref<2560x128xi32, #tpu.memory_space<hbm>> -> memref<40x128xi32, #tpu.memory_space<hbm>>
      tpu.wait_dma2 semaphore(%run_scoped3A : memref<!tpu.dma_semaphore, #tpu.memory_space<semaphore_mem>>) src(%dma_wait3A_87 : memref<40x128xi32, #tpu.memory_space<hbm>>) dst(%arg7 : memref<40x128xi32, #tpu.memory_space<vmem>>)
      tpu.yield
    }) : () -> ()
    %dma_wait3A = arith.constant 0 : i32
    %dma_wait3A_14 = tpu.memref_slice %arg9[%mul3A_2, %dma_wait3A] : memref<10240x128xf32, #tpu.memory_space<vmem_shared>> -> memref<640x128xf32, #tpu.memory_space<vmem_shared>>
    %dma_wait3A_15 = arith.constant 0 : i32
    %dma_wait3A_16 = tpu.memref_slice %arg2[%mul3A_0, %dma_wait3A_15] : memref<10240x128xf32, #tpu.memory_space<hbm>> -> memref<640x128xf32, #tpu.memory_space<hbm>>
    tpu.wait_dma2 semaphore(%arg10 : memref<!tpu.dma_semaphore, #tpu.memory_space<semaphore_mem>>) src(%dma_wait3A_16 : memref<640x128xf32, #tpu.memory_space<hbm>>) dst(%dma_wait3A_14 : memref<640x128xf32, #tpu.memory_space<vmem_shared>>)
    %barrier3A = arith.constant 0 : index
    tpu.barrier barrier_id(%barrier3A)
    %scan3A = arith.constant 0 : i32
    %scan3A_17 = arith.constant 0 : i32
    %scan3A_18 = arith.constant 20 : i32
    %scan3A_19 = arith.addi %scan3A_17, %scan3A_18 : i32
    %scan3A_20 = arith.constant 1 : i32
    scf.for %scan3A_80 = %scan3A_17 to %scan3A_19 step %scan3A_20  : i32 {
      %mul3A_81 = arith.constant 2 : i32
      %mul3A_82 = arith.muli %scan3A_80, %mul3A_81 : i32
      %add3A_83 = arith.constant 0 : i32
      %add3A_84 = arith.addi %mul3A_82, %add3A_83 : i32
      %gt3A = arith.constant 0 : i32
      %gt3A_85 = arith.cmpi sgt, %scan3A_80, %gt3A : i32
      %convert_element_type3A = arith.extui %gt3A_85 : i1 to i32
      %cond3A = arith.constant 0 : i32
      %cond3A_86 = arith.cmpi ne, %convert_element_type3A, %cond3A : i32
      scf.if %cond3A_86 {
        %sub3A = arith.constant 2 : i32
        %sub3A_158 = arith.subi %add3A_84, %sub3A : i32
        %dma_wait3A_159 = arith.constant 0 : i32
        %dma_wait3A_160 = arith.constant 0 : i32
        %dma_wait3A_161 = tpu.memref_slice %arg8[%dma_wait3A_159, %dma_wait3A_160] : memref<256x128xf32, #tpu.memory_space<vmem>> -> memref<128x128xf32, #tpu.memory_space<vmem>>
        %dma_wait3A_162 = arith.constant 0 : i32
        %dma_wait3A_163 = tpu.memref_slice %arg7[%sub3A_158, %dma_wait3A_162] : memref<40x128xi32, #tpu.memory_space<vmem>> -> memref<1x128xi32, #tpu.memory_space<vmem>>
        %dma_wait3A_164 = tpu.memref_squeeze %dma_wait3A_163 : memref<1x128xi32, #tpu.memory_space<vmem>> -> memref<128xi32, #tpu.memory_space<vmem>>
        %dma_wait3A_165 = arith.constant 0 : i32
        %dma_wait3A_166 = arith.constant 0 : i32
        %dma_wait3A_167 = tpu.memref_slice %arg9[%dma_wait3A_165, %dma_wait3A_166] : memref<10240x128xf32, #tpu.memory_space<vmem_shared>> -> memref<10240x128xf32, #tpu.memory_space<vmem_shared>>
        tpu.wait_indirect_dma semaphore(%arg12 : memref<!tpu.dma_semaphore, #tpu.memory_space<semaphore_mem>>) src(%dma_wait3A_161 : memref<128x128xf32, #tpu.memory_space<vmem>>) dst(%dma_wait3A_167 : memref<10240x128xf32, #tpu.memory_space<vmem_shared>>)
      } else {
      }
      %dma_start3A_87 = arith.constant 0 : i32
      %dma_start3A_88 = arith.constant 0 : i32
      %dma_start3A_89 = tpu.memref_slice %arg8[%dma_start3A_87, %dma_start3A_88] : memref<256x128xf32, #tpu.memory_space<vmem>> -> memref<128x128xf32, #tpu.memory_space<vmem>>
      %dma_start3A_90 = arith.constant 0 : i32
      %dma_start3A_91 = tpu.memref_slice %arg6[%add3A_84, %dma_start3A_90] : memref<40x128xi32, #tpu.memory_space<vmem>> -> memref<1x128xi32, #tpu.memory_space<vmem>>
      %dma_start3A_92 = tpu.memref_squeeze %dma_start3A_91 : memref<1x128xi32, #tpu.memory_space<vmem>> -> memref<128xi32, #tpu.memory_space<vmem>>
      %dma_start3A_93 = arith.constant 0 : i32
      %dma_start3A_94 = arith.constant 0 : i32
      %dma_start3A_95 = tpu.memref_slice %arg2[%dma_start3A_93, %dma_start3A_94] : memref<10240x128xf32, #tpu.memory_space<hbm>> -> memref<10240x128xf32, #tpu.memory_space<hbm>>
      tpu.enqueue_indirect_dma source(%dma_start3A_95 : memref<10240x128xf32, #tpu.memory_space<hbm>>) target(%dma_start3A_89 : memref<128x128xf32, #tpu.memory_space<vmem>>) offsets(%dma_start3A_92 : memref<128xi32, #tpu.memory_space<vmem>>) semaphore(%arg10 : memref<!tpu.dma_semaphore, #tpu.memory_space<semaphore_mem>>)
      %mul3A_96 = arith.constant 2 : i32
      %mul3A_97 = arith.muli %scan3A_80, %mul3A_96 : i32
      %add3A_98 = arith.constant 1 : i32
      %add3A_99 = arith.addi %mul3A_97, %add3A_98 : i32
      %gt3A_100 = arith.constant 0 : i32
      %gt3A_101 = arith.cmpi sgt, %scan3A_80, %gt3A_100 : i32
      %convert_element_type3A_102 = arith.extui %gt3A_101 : i1 to i32
      %cond3A_103 = arith.constant 0 : i32
      %cond3A_104 = arith.cmpi ne, %convert_element_type3A_102, %cond3A_103 : i32
      scf.if %cond3A_104 {
        %sub3A = arith.constant 2 : i32
        %sub3A_158 = arith.subi %add3A_99, %sub3A : i32
        %dma_wait3A_159 = arith.constant 128 : i32
        %dma_wait3A_160 = arith.constant 0 : i32
        %dma_wait3A_161 = tpu.memref_slice %arg8[%dma_wait3A_159, %dma_wait3A_160] : memref<256x128xf32, #tpu.memory_space<vmem>> -> memref<128x128xf32, #tpu.memory_space<vmem>>
        %dma_wait3A_162 = arith.constant 0 : i32
        %dma_wait3A_163 = tpu.memref_slice %arg7[%sub3A_158, %dma_wait3A_162] : memref<40x128xi32, #tpu.memory_space<vmem>> -> memref<1x128xi32, #tpu.memory_space<vmem>>
        %dma_wait3A_164 = tpu.memref_squeeze %dma_wait3A_163 : memref<1x128xi32, #tpu.memory_space<vmem>> -> memref<128xi32, #tpu.memory_space<vmem>>
        %dma_wait3A_165 = arith.constant 0 : i32
        %dma_wait3A_166 = arith.constant 0 : i32
        %dma_wait3A_167 = tpu.memref_slice %arg9[%dma_wait3A_165, %dma_wait3A_166] : memref<10240x128xf32, #tpu.memory_space<vmem_shared>> -> memref<10240x128xf32, #tpu.memory_space<vmem_shared>>
        tpu.wait_indirect_dma semaphore(%arg13 : memref<!tpu.dma_semaphore, #tpu.memory_space<semaphore_mem>>) src(%dma_wait3A_161 : memref<128x128xf32, #tpu.memory_space<vmem>>) dst(%dma_wait3A_167 : memref<10240x128xf32, #tpu.memory_space<vmem_shared>>)
      } else {
      }
      %dma_start3A_105 = arith.constant 128 : i32
      %dma_start3A_106 = arith.constant 0 : i32
      %dma_start3A_107 = tpu.memref_slice %arg8[%dma_start3A_105, %dma_start3A_106] : memref<256x128xf32, #tpu.memory_space<vmem>> -> memref<128x128xf32, #tpu.memory_space<vmem>>
      %dma_start3A_108 = arith.constant 0 : i32
      %dma_start3A_109 = tpu.memref_slice %arg6[%add3A_99, %dma_start3A_108] : memref<40x128xi32, #tpu.memory_space<vmem>> -> memref<1x128xi32, #tpu.memory_space<vmem>>
      %dma_start3A_110 = tpu.memref_squeeze %dma_start3A_109 : memref<1x128xi32, #tpu.memory_space<vmem>> -> memref<128xi32, #tpu.memory_space<vmem>>
      %dma_start3A_111 = arith.constant 0 : i32
      %dma_start3A_112 = arith.constant 0 : i32
      %dma_start3A_113 = tpu.memref_slice %arg2[%dma_start3A_111, %dma_start3A_112] : memref<10240x128xf32, #tpu.memory_space<hbm>> -> memref<10240x128xf32, #tpu.memory_space<hbm>>
      tpu.enqueue_indirect_dma source(%dma_start3A_113 : memref<10240x128xf32, #tpu.memory_space<hbm>>) target(%dma_start3A_107 : memref<128x128xf32, #tpu.memory_space<vmem>>) offsets(%dma_start3A_110 : memref<128xi32, #tpu.memory_space<vmem>>) semaphore(%arg11 : memref<!tpu.dma_semaphore, #tpu.memory_space<semaphore_mem>>)
      %mul3A_114 = arith.constant 2 : i32
      %mul3A_115 = arith.muli %scan3A_80, %mul3A_114 : i32
      %add3A_116 = arith.constant 0 : i32
      %add3A_117 = arith.addi %mul3A_115, %add3A_116 : i32
      %dma_wait3A_118 = arith.constant 0 : i32
      %dma_wait3A_119 = arith.constant 0 : i32
      %dma_wait3A_120 = tpu.memref_slice %arg8[%dma_wait3A_118, %dma_wait3A_119] : memref<256x128xf32, #tpu.memory_space<vmem>> -> memref<128x128xf32, #tpu.memory_space<vmem>>
      %dma_wait3A_121 = arith.constant 0 : i32
      %dma_wait3A_122 = tpu.memref_slice %arg6[%add3A_117, %dma_wait3A_121] : memref<40x128xi32, #tpu.memory_space<vmem>> -> memref<1x128xi32, #tpu.memory_space<vmem>>
      %dma_wait3A_123 = tpu.memref_squeeze %dma_wait3A_122 : memref<1x128xi32, #tpu.memory_space<vmem>> -> memref<128xi32, #tpu.memory_space<vmem>>
      %dma_wait3A_124 = arith.constant 0 : i32
      %dma_wait3A_125 = arith.constant 0 : i32
      %dma_wait3A_126 = tpu.memref_slice %arg2[%dma_wait3A_124, %dma_wait3A_125] : memref<10240x128xf32, #tpu.memory_space<hbm>> -> memref<10240x128xf32, #tpu.memory_space<hbm>>
      tpu.wait_indirect_dma semaphore(%arg10 : memref<!tpu.dma_semaphore, #tpu.memory_space<semaphore_mem>>) src(%dma_wait3A_126 : memref<10240x128xf32, #tpu.memory_space<hbm>>) dst(%dma_wait3A_120 : memref<128x128xf32, #tpu.memory_space<vmem>>)
      %dma_start3A_127 = arith.constant 0 : i32
      %dma_start3A_128 = arith.constant 0 : i32
      %dma_start3A_129 = tpu.memref_slice %arg8[%dma_start3A_127, %dma_start3A_128] : memref<256x128xf32, #tpu.memory_space<vmem>> -> memref<128x128xf32, #tpu.memory_space<vmem>>
      %dma_start3A_130 = arith.constant 0 : i32
      %dma_start3A_131 = tpu.memref_slice %arg7[%add3A_117, %dma_start3A_130] : memref<40x128xi32, #tpu.memory_space<vmem>> -> memref<1x128xi32, #tpu.memory_space<vmem>>
      %dma_start3A_132 = tpu.memref_squeeze %dma_start3A_131 : memref<1x128xi32, #tpu.memory_space<vmem>> -> memref<128xi32, #tpu.memory_space<vmem>>
      %dma_start3A_133 = arith.constant 0 : i32
      %dma_start3A_134 = arith.constant 0 : i32
      %dma_start3A_135 = tpu.memref_slice %arg9[%dma_start3A_133, %dma_start3A_134] : memref<10240x128xf32, #tpu.memory_space<vmem_shared>> -> memref<10240x128xf32, #tpu.memory_space<vmem_shared>>
      tpu.enqueue_indirect_dma source(%dma_start3A_129 : memref<128x128xf32, #tpu.memory_space<vmem>>) target(%dma_start3A_135 : memref<10240x128xf32, #tpu.memory_space<vmem_shared>>) offsets(%dma_start3A_132 : memref<128xi32, #tpu.memory_space<vmem>>) semaphore(%arg12 : memref<!tpu.dma_semaphore, #tpu.memory_space<semaphore_mem>>) {add = true}
      %mul3A_136 = arith.constant 2 : i32
      %mul3A_137 = arith.muli %scan3A_80, %mul3A_136 : i32
      %add3A_138 = arith.constant 1 : i32
      %add3A_139 = arith.addi %mul3A_137, %add3A_138 : i32
      %dma_wait3A_140 = arith.constant 128 : i32
      %dma_wait3A_141 = arith.constant 0 : i32
      %dma_wait3A_142 = tpu.memref_slice %arg8[%dma_wait3A_140, %dma_wait3A_141] : memref<256x128xf32, #tpu.memory_space<vmem>> -> memref<128x128xf32, #tpu.memory_space<vmem>>
      %dma_wait3A_143 = arith.constant 0 : i32
      %dma_wait3A_144 = tpu.memref_slice %arg6[%add3A_139, %dma_wait3A_143] : memref<40x128xi32, #tpu.memory_space<vmem>> -> memref<1x128xi32, #tpu.memory_space<vmem>>
      %dma_wait3A_145 = tpu.memref_squeeze %dma_wait3A_144 : memref<1x128xi32, #tpu.memory_space<vmem>> -> memref<128xi32, #tpu.memory_space<vmem>>
      %dma_wait3A_146 = arith.constant 0 : i32
      %dma_wait3A_147 = arith.constant 0 : i32
      %dma_wait3A_148 = tpu.memref_slice %arg2[%dma_wait3A_146, %dma_wait3A_147] : memref<10240x128xf32, #tpu.memory_space<hbm>> -> memref<10240x128xf32, #tpu.memory_space<hbm>>
      tpu.wait_indirect_dma semaphore(%arg11 : memref<!tpu.dma_semaphore, #tpu.memory_space<semaphore_mem>>) src(%dma_wait3A_148 : memref<10240x128xf32, #tpu.memory_space<hbm>>) dst(%dma_wait3A_142 : memref<128x128xf32, #tpu.memory_space<vmem>>)
      %dma_start3A_149 = arith.constant 128 : i32
      %dma_start3A_150 = arith.constant 0 : i32
      %dma_start3A_151 = tpu.memref_slice %arg8[%dma_start3A_149, %dma_start3A_150] : memref<256x128xf32, #tpu.memory_space<vmem>> -> memref<128x128xf32, #tpu.memory_space<vmem>>
      %dma_start3A_152 = arith.constant 0 : i32
      %dma_start3A_153 = tpu.memref_slice %arg7[%add3A_139, %dma_start3A_152] : memref<40x128xi32, #tpu.memory_space<vmem>> -> memref<1x128xi32, #tpu.memory_space<vmem>>
      %dma_start3A_154 = tpu.memref_squeeze %dma_start3A_153 : memref<1x128xi32, #tpu.memory_space<vmem>> -> memref<128xi32, #tpu.memory_space<vmem>>
      %dma_start3A_155 = arith.constant 0 : i32
      %dma_start3A_156 = arith.constant 0 : i32
      %dma_start3A_157 = tpu.memref_slice %arg9[%dma_start3A_155, %dma_start3A_156] : memref<10240x128xf32, #tpu.memory_space<vmem_shared>> -> memref<10240x128xf32, #tpu.memory_space<vmem_shared>>
      tpu.enqueue_indirect_dma source(%dma_start3A_151 : memref<128x128xf32, #tpu.memory_space<vmem>>) target(%dma_start3A_157 : memref<10240x128xf32, #tpu.memory_space<vmem_shared>>) offsets(%dma_start3A_154 : memref<128xi32, #tpu.memory_space<vmem>>) semaphore(%arg13 : memref<!tpu.dma_semaphore, #tpu.memory_space<semaphore_mem>>) {add = true}
    }
    %scan3A_21 = arith.constant 20 : i32
    %dma_wait3A_22 = arith.constant 38 : i32
    %dma_wait3A_23 = arith.constant 0 : i32
    %dma_wait3A_24 = arith.constant 0 : i32
    %dma_wait3A_25 = tpu.memref_slice %arg8[%dma_wait3A_23, %dma_wait3A_24] : memref<256x128xf32, #tpu.memory_space<vmem>> -> memref<128x128xf32, #tpu.memory_space<vmem>>
    %dma_wait3A_26 = arith.constant 0 : i32
    %dma_wait3A_27 = tpu.memref_slice %arg7[%dma_wait3A_22, %dma_wait3A_26] : memref<40x128xi32, #tpu.memory_space<vmem>> -> memref<1x128xi32, #tpu.memory_space<vmem>>
    %dma_wait3A_28 = tpu.memref_squeeze %dma_wait3A_27 : memref<1x128xi32, #tpu.memory_space<vmem>> -> memref<128xi32, #tpu.memory_space<vmem>>
    %dma_wait3A_29 = arith.constant 0 : i32
    %dma_wait3A_30 = arith.constant 0 : i32
    %dma_wait3A_31 = tpu.memref_slice %arg9[%dma_wait3A_29, %dma_wait3A_30] : memref<10240x128xf32, #tpu.memory_space<vmem_shared>> -> memref<10240x128xf32, #tpu.memory_space<vmem_shared>>
    tpu.wait_indirect_dma semaphore(%arg12 : memref<!tpu.dma_semaphore, #tpu.memory_space<semaphore_mem>>) src(%dma_wait3A_25 : memref<128x128xf32, #tpu.memory_space<vmem>>) dst(%dma_wait3A_31 : memref<10240x128xf32, #tpu.memory_space<vmem_shared>>)
    %dma_wait3A_32 = arith.constant 39 : i32
    %dma_wait3A_33 = arith.constant 128 : i32
    %dma_wait3A_34 = arith.constant 0 : i32
    %dma_wait3A_35 = tpu.memref_slice %arg8[%dma_wait3A_33, %dma_wait3A_34] : memref<256x128xf32, #tpu.memory_space<vmem>> -> memref<128x128xf32, #tpu.memory_space<vmem>>
    %dma_wait3A_36 = arith.constant 0 : i32
    %dma_wait3A_37 = tpu.memref_slice %arg7[%dma_wait3A_32, %dma_wait3A_36] : memref<40x128xi32, #tpu.memory_space<vmem>> -> memref<1x128xi32, #tpu.memory_space<vmem>>
    %dma_wait3A_38 = tpu.memref_squeeze %dma_wait3A_37 : memref<1x128xi32, #tpu.memory_space<vmem>> -> memref<128xi32, #tpu.memory_space<vmem>>
    %dma_wait3A_39 = arith.constant 0 : i32
    %dma_wait3A_40 = arith.constant 0 : i32
    %dma_wait3A_41 = tpu.memref_slice %arg9[%dma_wait3A_39, %dma_wait3A_40] : memref<10240x128xf32, #tpu.memory_space<vmem_shared>> -> memref<10240x128xf32, #tpu.memory_space<vmem_shared>>
    tpu.wait_indirect_dma semaphore(%arg13 : memref<!tpu.dma_semaphore, #tpu.memory_space<semaphore_mem>>) src(%dma_wait3A_35 : memref<128x128xf32, #tpu.memory_space<vmem>>) dst(%dma_wait3A_41 : memref<10240x128xf32, #tpu.memory_space<vmem_shared>>)
    %add3A_42 = arith.constant 40 : i32
    %add3A_43 = arith.addi %mul3A_9, %add3A_42 : i32
    "tpu.region"() ({
      %run_scoped3A = tpu.sem_alloc : memref<!tpu.dma_semaphore, #tpu.memory_space<semaphore_mem>>
      %dma_start3A_80 = arith.constant 0 : i32
      %dma_start3A_81 = tpu.memref_slice %arg3[%add3A_43, %dma_start3A_80] : memref<2560x128xi32, #tpu.memory_space<hbm>> -> memref<40x128xi32, #tpu.memory_space<hbm>>
      %dma_start3A_82 = arith.constant 0 : i32
      %dma_start3A_83 = tpu.memref_slice %arg3[%add3A_43, %dma_start3A_82] : memref<2560x128xi32, #tpu.memory_space<hbm>> -> memref<40x128xi32, #tpu.memory_space<hbm>>
      tpu.enqueue_dma source(%dma_start3A_83 : memref<40x128xi32, #tpu.memory_space<hbm>>) target(%arg6 : memref<40x128xi32, #tpu.memory_space<vmem>>) target_semaphore(%run_scoped3A : memref<!tpu.dma_semaphore, #tpu.memory_space<semaphore_mem>>)
      %dma_wait3A_84 = arith.constant 0 : i32
      %dma_wait3A_85 = tpu.memref_slice %arg3[%add3A_43, %dma_wait3A_84] : memref<2560x128xi32, #tpu.memory_space<hbm>> -> memref<40x128xi32, #tpu.memory_space<hbm>>
      %dma_wait3A_86 = arith.constant 0 : i32
      %dma_wait3A_87 = tpu.memref_slice %arg3[%add3A_43, %dma_wait3A_86] : memref<2560x128xi32, #tpu.memory_space<hbm>> -> memref<40x128xi32, #tpu.memory_space<hbm>>
      tpu.wait_dma2 semaphore(%run_scoped3A : memref<!tpu.dma_semaphore, #tpu.memory_space<semaphore_mem>>) src(%dma_wait3A_87 : memref<40x128xi32, #tpu.memory_space<hbm>>) dst(%arg6 : memref<40x128xi32, #tpu.memory_space<vmem>>)
      tpu.yield
    }) : () -> ()
    %add3A_44 = arith.constant 40 : i32
    %add3A_45 = arith.addi %mul3A_9, %add3A_44 : i32
    "tpu.region"() ({
      %run_scoped3A = tpu.sem_alloc : memref<!tpu.dma_semaphore, #tpu.memory_space<semaphore_mem>>
      %dma_start3A_80 = arith.constant 0 : i32
      %dma_start3A_81 = tpu.memref_slice %arg4[%add3A_45, %dma_start3A_80] : memref<2560x128xi32, #tpu.memory_space<hbm>> -> memref<40x128xi32, #tpu.memory_space<hbm>>
      %dma_start3A_82 = arith.constant 0 : i32
      %dma_start3A_83 = tpu.memref_slice %arg4[%add3A_45, %dma_start3A_82] : memref<2560x128xi32, #tpu.memory_space<hbm>> -> memref<40x128xi32, #tpu.memory_space<hbm>>
      tpu.enqueue_dma source(%dma_start3A_83 : memref<40x128xi32, #tpu.memory_space<hbm>>) target(%arg7 : memref<40x128xi32, #tpu.memory_space<vmem>>) target_semaphore(%run_scoped3A : memref<!tpu.dma_semaphore, #tpu.memory_space<semaphore_mem>>)
      %dma_wait3A_84 = arith.constant 0 : i32
      %dma_wait3A_85 = tpu.memref_slice %arg4[%add3A_45, %dma_wait3A_84] : memref<2560x128xi32, #tpu.memory_space<hbm>> -> memref<40x128xi32, #tpu.memory_space<hbm>>
      %dma_wait3A_86 = arith.constant 0 : i32
      %dma_wait3A_87 = tpu.memref_slice %arg4[%add3A_45, %dma_wait3A_86] : memref<2560x128xi32, #tpu.memory_space<hbm>> -> memref<40x128xi32, #tpu.memory_space<hbm>>
      tpu.wait_dma2 semaphore(%run_scoped3A : memref<!tpu.dma_semaphore, #tpu.memory_space<semaphore_mem>>) src(%dma_wait3A_87 : memref<40x128xi32, #tpu.memory_space<hbm>>) dst(%arg7 : memref<40x128xi32, #tpu.memory_space<vmem>>)
      tpu.yield
    }) : () -> ()
    %scan3A_46 = arith.constant 0 : i32
    %scan3A_47 = arith.constant 0 : i32
    %scan3A_48 = arith.constant 20 : i32
    %scan3A_49 = arith.addi %scan3A_47, %scan3A_48 : i32
    %scan3A_50 = arith.constant 1 : i32
    scf.for %scan3A_80 = %scan3A_47 to %scan3A_49 step %scan3A_50  : i32 {
      %mul3A_81 = arith.constant 2 : i32
      %mul3A_82 = arith.muli %scan3A_80, %mul3A_81 : i32
      %add3A_83 = arith.constant 0 : i32
      %add3A_84 = arith.addi %mul3A_82, %add3A_83 : i32
      %gt3A = arith.constant 0 : i32
      %gt3A_85 = arith.cmpi sgt, %scan3A_80, %gt3A : i32
      %convert_element_type3A = arith.extui %gt3A_85 : i1 to i32
      %cond3A = arith.constant 0 : i32
      %cond3A_86 = arith.cmpi ne, %convert_element_type3A, %cond3A : i32
      scf.if %cond3A_86 {
        %sub3A = arith.constant 2 : i32
        %sub3A_158 = arith.subi %add3A_84, %sub3A : i32
        %dma_wait3A_159 = arith.constant 0 : i32
        %dma_wait3A_160 = arith.constant 0 : i32
        %dma_wait3A_161 = tpu.memref_slice %arg8[%dma_wait3A_159, %dma_wait3A_160] : memref<256x128xf32, #tpu.memory_space<vmem>> -> memref<128x128xf32, #tpu.memory_space<vmem>>
        %dma_wait3A_162 = arith.constant 0 : i32
        %dma_wait3A_163 = tpu.memref_slice %arg7[%sub3A_158, %dma_wait3A_162] : memref<40x128xi32, #tpu.memory_space<vmem>> -> memref<1x128xi32, #tpu.memory_space<vmem>>
        %dma_wait3A_164 = tpu.memref_squeeze %dma_wait3A_163 : memref<1x128xi32, #tpu.memory_space<vmem>> -> memref<128xi32, #tpu.memory_space<vmem>>
        %dma_wait3A_165 = arith.constant 0 : i32
        %dma_wait3A_166 = arith.constant 0 : i32
        %dma_wait3A_167 = tpu.memref_slice %arg9[%dma_wait3A_165, %dma_wait3A_166] : memref<10240x128xf32, #tpu.memory_space<vmem_shared>> -> memref<10240x128xf32, #tpu.memory_space<vmem_shared>>
        tpu.wait_indirect_dma semaphore(%arg12 : memref<!tpu.dma_semaphore, #tpu.memory_space<semaphore_mem>>) src(%dma_wait3A_161 : memref<128x128xf32, #tpu.memory_space<vmem>>) dst(%dma_wait3A_167 : memref<10240x128xf32, #tpu.memory_space<vmem_shared>>)
      } else {
      }
      %dma_start3A_87 = arith.constant 0 : i32
      %dma_start3A_88 = arith.constant 0 : i32
      %dma_start3A_89 = tpu.memref_slice %arg8[%dma_start3A_87, %dma_start3A_88] : memref<256x128xf32, #tpu.memory_space<vmem>> -> memref<128x128xf32, #tpu.memory_space<vmem>>
      %dma_start3A_90 = arith.constant 0 : i32
      %dma_start3A_91 = tpu.memref_slice %arg6[%add3A_84, %dma_start3A_90] : memref<40x128xi32, #tpu.memory_space<vmem>> -> memref<1x128xi32, #tpu.memory_space<vmem>>
      %dma_start3A_92 = tpu.memref_squeeze %dma_start3A_91 : memref<1x128xi32, #tpu.memory_space<vmem>> -> memref<128xi32, #tpu.memory_space<vmem>>
      %dma_start3A_93 = arith.constant 0 : i32
      %dma_start3A_94 = arith.constant 0 : i32
      %dma_start3A_95 = tpu.memref_slice %arg2[%dma_start3A_93, %dma_start3A_94] : memref<10240x128xf32, #tpu.memory_space<hbm>> -> memref<10240x128xf32, #tpu.memory_space<hbm>>
      tpu.enqueue_indirect_dma source(%dma_start3A_95 : memref<10240x128xf32, #tpu.memory_space<hbm>>) target(%dma_start3A_89 : memref<128x128xf32, #tpu.memory_space<vmem>>) offsets(%dma_start3A_92 : memref<128xi32, #tpu.memory_space<vmem>>) semaphore(%arg10 : memref<!tpu.dma_semaphore, #tpu.memory_space<semaphore_mem>>)
      %mul3A_96 = arith.constant 2 : i32
      %mul3A_97 = arith.muli %scan3A_80, %mul3A_96 : i32
      %add3A_98 = arith.constant 1 : i32
      %add3A_99 = arith.addi %mul3A_97, %add3A_98 : i32
      %gt3A_100 = arith.constant 0 : i32
      %gt3A_101 = arith.cmpi sgt, %scan3A_80, %gt3A_100 : i32
      %convert_element_type3A_102 = arith.extui %gt3A_101 : i1 to i32
      %cond3A_103 = arith.constant 0 : i32
      %cond3A_104 = arith.cmpi ne, %convert_element_type3A_102, %cond3A_103 : i32
      scf.if %cond3A_104 {
        %sub3A = arith.constant 2 : i32
        %sub3A_158 = arith.subi %add3A_99, %sub3A : i32
        %dma_wait3A_159 = arith.constant 128 : i32
        %dma_wait3A_160 = arith.constant 0 : i32
        %dma_wait3A_161 = tpu.memref_slice %arg8[%dma_wait3A_159, %dma_wait3A_160] : memref<256x128xf32, #tpu.memory_space<vmem>> -> memref<128x128xf32, #tpu.memory_space<vmem>>
        %dma_wait3A_162 = arith.constant 0 : i32
        %dma_wait3A_163 = tpu.memref_slice %arg7[%sub3A_158, %dma_wait3A_162] : memref<40x128xi32, #tpu.memory_space<vmem>> -> memref<1x128xi32, #tpu.memory_space<vmem>>
        %dma_wait3A_164 = tpu.memref_squeeze %dma_wait3A_163 : memref<1x128xi32, #tpu.memory_space<vmem>> -> memref<128xi32, #tpu.memory_space<vmem>>
        %dma_wait3A_165 = arith.constant 0 : i32
        %dma_wait3A_166 = arith.constant 0 : i32
        %dma_wait3A_167 = tpu.memref_slice %arg9[%dma_wait3A_165, %dma_wait3A_166] : memref<10240x128xf32, #tpu.memory_space<vmem_shared>> -> memref<10240x128xf32, #tpu.memory_space<vmem_shared>>
        tpu.wait_indirect_dma semaphore(%arg13 : memref<!tpu.dma_semaphore, #tpu.memory_space<semaphore_mem>>) src(%dma_wait3A_161 : memref<128x128xf32, #tpu.memory_space<vmem>>) dst(%dma_wait3A_167 : memref<10240x128xf32, #tpu.memory_space<vmem_shared>>)
      } else {
      }
      %dma_start3A_105 = arith.constant 128 : i32
      %dma_start3A_106 = arith.constant 0 : i32
      %dma_start3A_107 = tpu.memref_slice %arg8[%dma_start3A_105, %dma_start3A_106] : memref<256x128xf32, #tpu.memory_space<vmem>> -> memref<128x128xf32, #tpu.memory_space<vmem>>
      %dma_start3A_108 = arith.constant 0 : i32
      %dma_start3A_109 = tpu.memref_slice %arg6[%add3A_99, %dma_start3A_108] : memref<40x128xi32, #tpu.memory_space<vmem>> -> memref<1x128xi32, #tpu.memory_space<vmem>>
      %dma_start3A_110 = tpu.memref_squeeze %dma_start3A_109 : memref<1x128xi32, #tpu.memory_space<vmem>> -> memref<128xi32, #tpu.memory_space<vmem>>
      %dma_start3A_111 = arith.constant 0 : i32
      %dma_start3A_112 = arith.constant 0 : i32
      %dma_start3A_113 = tpu.memref_slice %arg2[%dma_start3A_111, %dma_start3A_112] : memref<10240x128xf32, #tpu.memory_space<hbm>> -> memref<10240x128xf32, #tpu.memory_space<hbm>>
      tpu.enqueue_indirect_dma source(%dma_start3A_113 : memref<10240x128xf32, #tpu.memory_space<hbm>>) target(%dma_start3A_107 : memref<128x128xf32, #tpu.memory_space<vmem>>) offsets(%dma_start3A_110 : memref<128xi32, #tpu.memory_space<vmem>>) semaphore(%arg11 : memref<!tpu.dma_semaphore, #tpu.memory_space<semaphore_mem>>)
      %mul3A_114 = arith.constant 2 : i32
      %mul3A_115 = arith.muli %scan3A_80, %mul3A_114 : i32
      %add3A_116 = arith.constant 0 : i32
      %add3A_117 = arith.addi %mul3A_115, %add3A_116 : i32
      %dma_wait3A_118 = arith.constant 0 : i32
      %dma_wait3A_119 = arith.constant 0 : i32
      %dma_wait3A_120 = tpu.memref_slice %arg8[%dma_wait3A_118, %dma_wait3A_119] : memref<256x128xf32, #tpu.memory_space<vmem>> -> memref<128x128xf32, #tpu.memory_space<vmem>>
      %dma_wait3A_121 = arith.constant 0 : i32
      %dma_wait3A_122 = tpu.memref_slice %arg6[%add3A_117, %dma_wait3A_121] : memref<40x128xi32, #tpu.memory_space<vmem>> -> memref<1x128xi32, #tpu.memory_space<vmem>>
      %dma_wait3A_123 = tpu.memref_squeeze %dma_wait3A_122 : memref<1x128xi32, #tpu.memory_space<vmem>> -> memref<128xi32, #tpu.memory_space<vmem>>
      %dma_wait3A_124 = arith.constant 0 : i32
      %dma_wait3A_125 = arith.constant 0 : i32
      %dma_wait3A_126 = tpu.memref_slice %arg2[%dma_wait3A_124, %dma_wait3A_125] : memref<10240x128xf32, #tpu.memory_space<hbm>> -> memref<10240x128xf32, #tpu.memory_space<hbm>>
      tpu.wait_indirect_dma semaphore(%arg10 : memref<!tpu.dma_semaphore, #tpu.memory_space<semaphore_mem>>) src(%dma_wait3A_126 : memref<10240x128xf32, #tpu.memory_space<hbm>>) dst(%dma_wait3A_120 : memref<128x128xf32, #tpu.memory_space<vmem>>)
      %dma_start3A_127 = arith.constant 0 : i32
      %dma_start3A_128 = arith.constant 0 : i32
      %dma_start3A_129 = tpu.memref_slice %arg8[%dma_start3A_127, %dma_start3A_128] : memref<256x128xf32, #tpu.memory_space<vmem>> -> memref<128x128xf32, #tpu.memory_space<vmem>>
      %dma_start3A_130 = arith.constant 0 : i32
      %dma_start3A_131 = tpu.memref_slice %arg7[%add3A_117, %dma_start3A_130] : memref<40x128xi32, #tpu.memory_space<vmem>> -> memref<1x128xi32, #tpu.memory_space<vmem>>
      %dma_start3A_132 = tpu.memref_squeeze %dma_start3A_131 : memref<1x128xi32, #tpu.memory_space<vmem>> -> memref<128xi32, #tpu.memory_space<vmem>>
      %dma_start3A_133 = arith.constant 0 : i32
      %dma_start3A_134 = arith.constant 0 : i32
      %dma_start3A_135 = tpu.memref_slice %arg9[%dma_start3A_133, %dma_start3A_134] : memref<10240x128xf32, #tpu.memory_space<vmem_shared>> -> memref<10240x128xf32, #tpu.memory_space<vmem_shared>>
      tpu.enqueue_indirect_dma source(%dma_start3A_129 : memref<128x128xf32, #tpu.memory_space<vmem>>) target(%dma_start3A_135 : memref<10240x128xf32, #tpu.memory_space<vmem_shared>>) offsets(%dma_start3A_132 : memref<128xi32, #tpu.memory_space<vmem>>) semaphore(%arg12 : memref<!tpu.dma_semaphore, #tpu.memory_space<semaphore_mem>>) {add = true}
      %mul3A_136 = arith.constant 2 : i32
      %mul3A_137 = arith.muli %scan3A_80, %mul3A_136 : i32
      %add3A_138 = arith.constant 1 : i32
      %add3A_139 = arith.addi %mul3A_137, %add3A_138 : i32
      %dma_wait3A_140 = arith.constant 128 : i32
      %dma_wait3A_141 = arith.constant 0 : i32
      %dma_wait3A_142 = tpu.memref_slice %arg8[%dma_wait3A_140, %dma_wait3A_141] : memref<256x128xf32, #tpu.memory_space<vmem>> -> memref<128x128xf32, #tpu.memory_space<vmem>>
      %dma_wait3A_143 = arith.constant 0 : i32
      %dma_wait3A_144 = tpu.memref_slice %arg6[%add3A_139, %dma_wait3A_143] : memref<40x128xi32, #tpu.memory_space<vmem>> -> memref<1x128xi32, #tpu.memory_space<vmem>>
      %dma_wait3A_145 = tpu.memref_squeeze %dma_wait3A_144 : memref<1x128xi32, #tpu.memory_space<vmem>> -> memref<128xi32, #tpu.memory_space<vmem>>
      %dma_wait3A_146 = arith.constant 0 : i32
      %dma_wait3A_147 = arith.constant 0 : i32
      %dma_wait3A_148 = tpu.memref_slice %arg2[%dma_wait3A_146, %dma_wait3A_147] : memref<10240x128xf32, #tpu.memory_space<hbm>> -> memref<10240x128xf32, #tpu.memory_space<hbm>>
      tpu.wait_indirect_dma semaphore(%arg11 : memref<!tpu.dma_semaphore, #tpu.memory_space<semaphore_mem>>) src(%dma_wait3A_148 : memref<10240x128xf32, #tpu.memory_space<hbm>>) dst(%dma_wait3A_142 : memref<128x128xf32, #tpu.memory_space<vmem>>)
      %dma_start3A_149 = arith.constant 128 : i32
      %dma_start3A_150 = arith.constant 0 : i32
      %dma_start3A_151 = tpu.memref_slice %arg8[%dma_start3A_149, %dma_start3A_150] : memref<256x128xf32, #tpu.memory_space<vmem>> -> memref<128x128xf32, #tpu.memory_space<vmem>>
      %dma_start3A_152 = arith.constant 0 : i32
      %dma_start3A_153 = tpu.memref_slice %arg7[%add3A_139, %dma_start3A_152] : memref<40x128xi32, #tpu.memory_space<vmem>> -> memref<1x128xi32, #tpu.memory_space<vmem>>
      %dma_start3A_154 = tpu.memref_squeeze %dma_start3A_153 : memref<1x128xi32, #tpu.memory_space<vmem>> -> memref<128xi32, #tpu.memory_space<vmem>>
      %dma_start3A_155 = arith.constant 0 : i32
      %dma_start3A_156 = arith.constant 0 : i32
      %dma_start3A_157 = tpu.memref_slice %arg9[%dma_start3A_155, %dma_start3A_156] : memref<10240x128xf32, #tpu.memory_space<vmem_shared>> -> memref<10240x128xf32, #tpu.memory_space<vmem_shared>>
      tpu.enqueue_indirect_dma source(%dma_start3A_151 : memref<128x128xf32, #tpu.memory_space<vmem>>) target(%dma_start3A_157 : memref<10240x128xf32, #tpu.memory_space<vmem_shared>>) offsets(%dma_start3A_154 : memref<128xi32, #tpu.memory_space<vmem>>) semaphore(%arg13 : memref<!tpu.dma_semaphore, #tpu.memory_space<semaphore_mem>>) {add = true}
    }
    %scan3A_51 = arith.constant 20 : i32
    %dma_wait3A_52 = arith.constant 38 : i32
    %dma_wait3A_53 = arith.constant 0 : i32
    %dma_wait3A_54 = arith.constant 0 : i32
    %dma_wait3A_55 = tpu.memref_slice %arg8[%dma_wait3A_53, %dma_wait3A_54] : memref<256x128xf32, #tpu.memory_space<vmem>> -> memref<128x128xf32, #tpu.memory_space<vmem>>
    %dma_wait3A_56 = arith.constant 0 : i32
    %dma_wait3A_57 = tpu.memref_slice %arg7[%dma_wait3A_52, %dma_wait3A_56] : memref<40x128xi32, #tpu.memory_space<vmem>> -> memref<1x128xi32, #tpu.memory_space<vmem>>
    %dma_wait3A_58 = tpu.memref_squeeze %dma_wait3A_57 : memref<1x128xi32, #tpu.memory_space<vmem>> -> memref<128xi32, #tpu.memory_space<vmem>>
    %dma_wait3A_59 = arith.constant 0 : i32
    %dma_wait3A_60 = arith.constant 0 : i32
    %dma_wait3A_61 = tpu.memref_slice %arg9[%dma_wait3A_59, %dma_wait3A_60] : memref<10240x128xf32, #tpu.memory_space<vmem_shared>> -> memref<10240x128xf32, #tpu.memory_space<vmem_shared>>
    tpu.wait_indirect_dma semaphore(%arg12 : memref<!tpu.dma_semaphore, #tpu.memory_space<semaphore_mem>>) src(%dma_wait3A_55 : memref<128x128xf32, #tpu.memory_space<vmem>>) dst(%dma_wait3A_61 : memref<10240x128xf32, #tpu.memory_space<vmem_shared>>)
    %dma_wait3A_62 = arith.constant 39 : i32
    %dma_wait3A_63 = arith.constant 128 : i32
    %dma_wait3A_64 = arith.constant 0 : i32
    %dma_wait3A_65 = tpu.memref_slice %arg8[%dma_wait3A_63, %dma_wait3A_64] : memref<256x128xf32, #tpu.memory_space<vmem>> -> memref<128x128xf32, #tpu.memory_space<vmem>>
    %dma_wait3A_66 = arith.constant 0 : i32
    %dma_wait3A_67 = tpu.memref_slice %arg7[%dma_wait3A_62, %dma_wait3A_66] : memref<40x128xi32, #tpu.memory_space<vmem>> -> memref<1x128xi32, #tpu.memory_space<vmem>>
    %dma_wait3A_68 = tpu.memref_squeeze %dma_wait3A_67 : memref<1x128xi32, #tpu.memory_space<vmem>> -> memref<128xi32, #tpu.memory_space<vmem>>
    %dma_wait3A_69 = arith.constant 0 : i32
    %dma_wait3A_70 = arith.constant 0 : i32
    %dma_wait3A_71 = tpu.memref_slice %arg9[%dma_wait3A_69, %dma_wait3A_70] : memref<10240x128xf32, #tpu.memory_space<vmem_shared>> -> memref<10240x128xf32, #tpu.memory_space<vmem_shared>>
    tpu.wait_indirect_dma semaphore(%arg13 : memref<!tpu.dma_semaphore, #tpu.memory_space<semaphore_mem>>) src(%dma_wait3A_65 : memref<128x128xf32, #tpu.memory_space<vmem>>) dst(%dma_wait3A_71 : memref<10240x128xf32, #tpu.memory_space<vmem_shared>>)
    %barrier3A_72 = arith.constant 0 : index
    tpu.barrier barrier_id(%barrier3A_72)
    %mul3A_73 = arith.constant 640 : i32
    %mul3A_74 = arith.muli %arg1, %mul3A_73 : i32
    %mul3A_75 = arith.constant 10240 : i32
    %mul3A_76 = arith.muli %arg0, %mul3A_75 : i32
    %mul3A_77 = arith.constant 640 : i32
    %mul3A_78 = arith.muli %arg1, %mul3A_77 : i32
    %add3A_79 = arith.addi %mul3A_76, %mul3A_78 : i32
    "tpu.region"() ({
      %run_scoped3A = tpu.sem_alloc : memref<!tpu.dma_semaphore, #tpu.memory_space<semaphore_mem>>
      %dma_start3A_80 = arith.constant 0 : i32
      %dma_start3A_81 = tpu.memref_slice %arg5[%add3A_79, %dma_start3A_80] : memref<20480x128xf32, #tpu.memory_space<hbm>> -> memref<640x128xf32, #tpu.memory_space<hbm>>
      %dma_start3A_82 = arith.constant 0 : i32
      %dma_start3A_83 = tpu.memref_slice %arg9[%mul3A_74, %dma_start3A_82] : memref<10240x128xf32, #tpu.memory_space<vmem_shared>> -> memref<640x128xf32, #tpu.memory_space<vmem_shared>>
      tpu.enqueue_dma source(%dma_start3A_83 : memref<640x128xf32, #tpu.memory_space<vmem_shared>>) target(%dma_start3A_81 : memref<640x128xf32, #tpu.memory_space<hbm>>) target_semaphore(%run_scoped3A : memref<!tpu.dma_semaphore, #tpu.memory_space<semaphore_mem>>)
      %dma_wait3A_84 = arith.constant 0 : i32
      %dma_wait3A_85 = tpu.memref_slice %arg5[%add3A_79, %dma_wait3A_84] : memref<20480x128xf32, #tpu.memory_space<hbm>> -> memref<640x128xf32, #tpu.memory_space<hbm>>
      %dma_wait3A_86 = arith.constant 0 : i32
      %dma_wait3A_87 = tpu.memref_slice %arg9[%mul3A_74, %dma_wait3A_86] : memref<10240x128xf32, #tpu.memory_space<vmem_shared>> -> memref<640x128xf32, #tpu.memory_space<vmem_shared>>
      tpu.wait_dma2 semaphore(%run_scoped3A : memref<!tpu.dma_semaphore, #tpu.memory_space<semaphore_mem>>) src(%dma_wait3A_87 : memref<640x128xf32, #tpu.memory_space<vmem_shared>>) dst(%dma_wait3A_85 : memref<640x128xf32, #tpu.memory_space<hbm>>)
      tpu.yield
    }) : () -> ()
    return
  }
}

#map = affine_map<(d0, d1) -> (0, 0)>
module attributes {stable_mosaic.version = 14 : i64} {
  func.func @_sc_propagate(%arg0: i32, %arg1: i32, %arg2: memref<10240x128xf32, #tpu.memory_space<hbm>>, %arg3: memref<2560x128xi32, #tpu.memory_space<hbm>>, %arg4: memref<2560x128xi32, #tpu.memory_space<hbm>>, %arg5: memref<20480x128xf32, #tpu.memory_space<hbm>>, %arg6: memref<40x128xi32, #tpu.memory_space<vmem>>, %arg7: memref<40x128xi32, #tpu.memory_space<vmem>>, %arg8: memref<256x128xf32, #tpu.memory_space<vmem>>, %arg9: memref<10240x128xf32, #tpu.memory_space<vmem_shared>>, %arg10: memref<!tpu.dma_semaphore, #tpu.memory_space<semaphore_mem>>, %arg11: memref<!tpu.dma_semaphore, #tpu.memory_space<semaphore_mem>>, %arg12: memref<!tpu.dma_semaphore, #tpu.memory_space<semaphore_mem>>, %arg13: memref<!tpu.dma_semaphore, #tpu.memory_space<semaphore_mem>>) attributes {dimension_semantics = [#tpu.dimension_semantics<core_parallel>, #tpu.dimension_semantics<subcore_parallel>], iteration_bounds = array<i64: 2, 16>, scalar_prefetch = 0 : i64, scratch_operands = 8 : i64, tpu.core_type = #tpu.core_type<sc_vector_subcore>, window_params = [{transform_indices = #map}, {transform_indices = #map}, {transform_indices = #map}, {transform_indices = #map}]} {
    %mul3A = arith.constant 640 : i32
    %mul3A_0 = arith.muli %arg1, %mul3A : i32
    %mul3A_1 = arith.constant 640 : i32
    %mul3A_2 = arith.muli %arg1, %mul3A_1 : i32
    %dma_start3A = arith.constant 0 : i32
    %dma_start3A_3 = tpu.memref_slice %arg9[%mul3A_2, %dma_start3A] : memref<10240x128xf32, #tpu.memory_space<vmem_shared>> -> memref<640x128xf32, #tpu.memory_space<vmem_shared>>
    %dma_start3A_4 = arith.constant 0 : i32
    %dma_start3A_5 = tpu.memref_slice %arg2[%mul3A_0, %dma_start3A_4] : memref<10240x128xf32, #tpu.memory_space<hbm>> -> memref<640x128xf32, #tpu.memory_space<hbm>>
    tpu.enqueue_dma source(%dma_start3A_5 : memref<640x128xf32, #tpu.memory_space<hbm>>) target(%dma_start3A_3 : memref<640x128xf32, #tpu.memory_space<vmem_shared>>) target_semaphore(%arg10 : memref<!tpu.dma_semaphore, #tpu.memory_space<semaphore_mem>>)
    %mul3A_6 = arith.constant 16 : i32
    %mul3A_7 = arith.muli %arg0, %mul3A_6 : i32
    %add3A = arith.addi %mul3A_7, %arg1 : i32
    %mul3A_8 = arith.constant 80 : i32
    %mul3A_9 = arith.muli %add3A, %mul3A_8 : i32
    %add3A_10 = arith.constant 0 : i32
    %add3A_11 = arith.addi %mul3A_9, %add3A_10 : i32
    "tpu.region"() ({
      %run_scoped3A = tpu.sem_alloc : memref<!tpu.dma_semaphore, #tpu.memory_space<semaphore_mem>>
      %dma_start3A_80 = arith.constant 0 : i32
      %dma_start3A_81 = tpu.memref_slice %arg3[%add3A_11, %dma_start3A_80] : memref<2560x128xi32, #tpu.memory_space<hbm>> -> memref<40x128xi32, #tpu.memory_space<hbm>>
      %dma_start3A_82 = arith.constant 0 : i32
      %dma_start3A_83 = tpu.memref_slice %arg3[%add3A_11, %dma_start3A_82] : memref<2560x128xi32, #tpu.memory_space<hbm>> -> memref<40x128xi32, #tpu.memory_space<hbm>>
      tpu.enqueue_dma source(%dma_start3A_83 : memref<40x128xi32, #tpu.memory_space<hbm>>) target(%arg6 : memref<40x128xi32, #tpu.memory_space<vmem>>) target_semaphore(%run_scoped3A : memref<!tpu.dma_semaphore, #tpu.memory_space<semaphore_mem>>)
      %dma_wait3A_84 = arith.constant 0 : i32
      %dma_wait3A_85 = tpu.memref_slice %arg3[%add3A_11, %dma_wait3A_84] : memref<2560x128xi32, #tpu.memory_space<hbm>> -> memref<40x128xi32, #tpu.memory_space<hbm>>
      %dma_wait3A_86 = arith.constant 0 : i32
      %dma_wait3A_87 = tpu.memref_slice %arg3[%add3A_11, %dma_wait3A_86] : memref<2560x128xi32, #tpu.memory_space<hbm>> -> memref<40x128xi32, #tpu.memory_space<hbm>>
      tpu.wait_dma2 semaphore(%run_scoped3A : memref<!tpu.dma_semaphore, #tpu.memory_space<semaphore_mem>>) src(%dma_wait3A_87 : memref<40x128xi32, #tpu.memory_space<hbm>>) dst(%arg6 : memref<40x128xi32, #tpu.memory_space<vmem>>)
      tpu.yield
    }) : () -> ()
    %add3A_12 = arith.constant 0 : i32
    %add3A_13 = arith.addi %mul3A_9, %add3A_12 : i32
    "tpu.region"() ({
      %run_scoped3A = tpu.sem_alloc : memref<!tpu.dma_semaphore, #tpu.memory_space<semaphore_mem>>
      %dma_start3A_80 = arith.constant 0 : i32
      %dma_start3A_81 = tpu.memref_slice %arg4[%add3A_13, %dma_start3A_80] : memref<2560x128xi32, #tpu.memory_space<hbm>> -> memref<40x128xi32, #tpu.memory_space<hbm>>
      %dma_start3A_82 = arith.constant 0 : i32
      %dma_start3A_83 = tpu.memref_slice %arg4[%add3A_13, %dma_start3A_82] : memref<2560x128xi32, #tpu.memory_space<hbm>> -> memref<40x128xi32, #tpu.memory_space<hbm>>
      tpu.enqueue_dma source(%dma_start3A_83 : memref<40x128xi32, #tpu.memory_space<hbm>>) target(%arg7 : memref<40x128xi32, #tpu.memory_space<vmem>>) target_semaphore(%run_scoped3A : memref<!tpu.dma_semaphore, #tpu.memory_space<semaphore_mem>>)
      %dma_wait3A_84 = arith.constant 0 : i32
      %dma_wait3A_85 = tpu.memref_slice %arg4[%add3A_13, %dma_wait3A_84] : memref<2560x128xi32, #tpu.memory_space<hbm>> -> memref<40x128xi32, #tpu.memory_space<hbm>>
      %dma_wait3A_86 = arith.constant 0 : i32
      %dma_wait3A_87 = tpu.memref_slice %arg4[%add3A_13, %dma_wait3A_86] : memref<2560x128xi32, #tpu.memory_space<hbm>> -> memref<40x128xi32, #tpu.memory_space<hbm>>
      tpu.wait_dma2 semaphore(%run_scoped3A : memref<!tpu.dma_semaphore, #tpu.memory_space<semaphore_mem>>) src(%dma_wait3A_87 : memref<40x128xi32, #tpu.memory_space<hbm>>) dst(%arg7 : memref<40x128xi32, #tpu.memory_space<vmem>>)
      tpu.yield
    }) : () -> ()
    %dma_wait3A = arith.constant 0 : i32
    %dma_wait3A_14 = tpu.memref_slice %arg9[%mul3A_2, %dma_wait3A] : memref<10240x128xf32, #tpu.memory_space<vmem_shared>> -> memref<640x128xf32, #tpu.memory_space<vmem_shared>>
    %dma_wait3A_15 = arith.constant 0 : i32
    %dma_wait3A_16 = tpu.memref_slice %arg2[%mul3A_0, %dma_wait3A_15] : memref<10240x128xf32, #tpu.memory_space<hbm>> -> memref<640x128xf32, #tpu.memory_space<hbm>>
    tpu.wait_dma2 semaphore(%arg10 : memref<!tpu.dma_semaphore, #tpu.memory_space<semaphore_mem>>) src(%dma_wait3A_16 : memref<640x128xf32, #tpu.memory_space<hbm>>) dst(%dma_wait3A_14 : memref<640x128xf32, #tpu.memory_space<vmem_shared>>)
    %barrier3A = arith.constant 0 : index
    tpu.barrier barrier_id(%barrier3A)
    %scan3A = arith.constant 0 : i32
    %scan3A_17 = arith.constant 0 : i32
    %scan3A_18 = arith.constant 20 : i32
    %scan3A_19 = arith.addi %scan3A_17, %scan3A_18 : i32
    %scan3A_20 = arith.constant 1 : i32
    scf.for %scan3A_80 = %scan3A_17 to %scan3A_19 step %scan3A_20  : i32 {
      %mul3A_81 = arith.constant 2 : i32
      %mul3A_82 = arith.muli %scan3A_80, %mul3A_81 : i32
      %add3A_83 = arith.constant 0 : i32
      %add3A_84 = arith.addi %mul3A_82, %add3A_83 : i32
      %gt3A = arith.constant 0 : i32
      %gt3A_85 = arith.cmpi sgt, %scan3A_80, %gt3A : i32
      %convert_element_type3A = arith.extui %gt3A_85 : i1 to i32
      %cond3A = arith.constant 0 : i32
      %cond3A_86 = arith.cmpi ne, %convert_element_type3A, %cond3A : i32
      scf.if %cond3A_86 {
        %sub3A = arith.constant 2 : i32
        %sub3A_158 = arith.subi %add3A_84, %sub3A : i32
        %dma_wait3A_159 = arith.constant 0 : i32
        %dma_wait3A_160 = arith.constant 0 : i32
        %dma_wait3A_161 = tpu.memref_slice %arg8[%dma_wait3A_159, %dma_wait3A_160] : memref<256x128xf32, #tpu.memory_space<vmem>> -> memref<128x128xf32, #tpu.memory_space<vmem>>
        %dma_wait3A_162 = arith.constant 0 : i32
        %dma_wait3A_163 = tpu.memref_slice %arg7[%sub3A_158, %dma_wait3A_162] : memref<40x128xi32, #tpu.memory_space<vmem>> -> memref<1x128xi32, #tpu.memory_space<vmem>>
        %dma_wait3A_164 = tpu.memref_squeeze %dma_wait3A_163 : memref<1x128xi32, #tpu.memory_space<vmem>> -> memref<128xi32, #tpu.memory_space<vmem>>
        %dma_wait3A_165 = arith.constant 0 : i32
        %dma_wait3A_166 = arith.constant 0 : i32
        %dma_wait3A_167 = tpu.memref_slice %arg9[%dma_wait3A_165, %dma_wait3A_166] : memref<10240x128xf32, #tpu.memory_space<vmem_shared>> -> memref<10240x128xf32, #tpu.memory_space<vmem_shared>>
        tpu.wait_indirect_dma semaphore(%arg12 : memref<!tpu.dma_semaphore, #tpu.memory_space<semaphore_mem>>) src(%dma_wait3A_161 : memref<128x128xf32, #tpu.memory_space<vmem>>) dst(%dma_wait3A_167 : memref<10240x128xf32, #tpu.memory_space<vmem_shared>>)
      } else {
      }
      %dma_start3A_87 = arith.constant 0 : i32
      %dma_start3A_88 = arith.constant 0 : i32
      %dma_start3A_89 = tpu.memref_slice %arg8[%dma_start3A_87, %dma_start3A_88] : memref<256x128xf32, #tpu.memory_space<vmem>> -> memref<128x128xf32, #tpu.memory_space<vmem>>
      %dma_start3A_90 = arith.constant 0 : i32
      %dma_start3A_91 = tpu.memref_slice %arg6[%add3A_84, %dma_start3A_90] : memref<40x128xi32, #tpu.memory_space<vmem>> -> memref<1x128xi32, #tpu.memory_space<vmem>>
      %dma_start3A_92 = tpu.memref_squeeze %dma_start3A_91 : memref<1x128xi32, #tpu.memory_space<vmem>> -> memref<128xi32, #tpu.memory_space<vmem>>
      %dma_start3A_93 = arith.constant 0 : i32
      %dma_start3A_94 = arith.constant 0 : i32
      %dma_start3A_95 = tpu.memref_slice %arg2[%dma_start3A_93, %dma_start3A_94] : memref<10240x128xf32, #tpu.memory_space<hbm>> -> memref<10240x128xf32, #tpu.memory_space<hbm>>
      tpu.enqueue_indirect_dma source(%dma_start3A_95 : memref<10240x128xf32, #tpu.memory_space<hbm>>) target(%dma_start3A_89 : memref<128x128xf32, #tpu.memory_space<vmem>>) offsets(%dma_start3A_92 : memref<128xi32, #tpu.memory_space<vmem>>) semaphore(%arg10 : memref<!tpu.dma_semaphore, #tpu.memory_space<semaphore_mem>>)
      %mul3A_96 = arith.constant 2 : i32
      %mul3A_97 = arith.muli %scan3A_80, %mul3A_96 : i32
      %add3A_98 = arith.constant 1 : i32
      %add3A_99 = arith.addi %mul3A_97, %add3A_98 : i32
      %gt3A_100 = arith.constant 0 : i32
      %gt3A_101 = arith.cmpi sgt, %scan3A_80, %gt3A_100 : i32
      %convert_element_type3A_102 = arith.extui %gt3A_101 : i1 to i32
      %cond3A_103 = arith.constant 0 : i32
      %cond3A_104 = arith.cmpi ne, %convert_element_type3A_102, %cond3A_103 : i32
      scf.if %cond3A_104 {
        %sub3A = arith.constant 2 : i32
        %sub3A_158 = arith.subi %add3A_99, %sub3A : i32
        %dma_wait3A_159 = arith.constant 128 : i32
        %dma_wait3A_160 = arith.constant 0 : i32
        %dma_wait3A_161 = tpu.memref_slice %arg8[%dma_wait3A_159, %dma_wait3A_160] : memref<256x128xf32, #tpu.memory_space<vmem>> -> memref<128x128xf32, #tpu.memory_space<vmem>>
        %dma_wait3A_162 = arith.constant 0 : i32
        %dma_wait3A_163 = tpu.memref_slice %arg7[%sub3A_158, %dma_wait3A_162] : memref<40x128xi32, #tpu.memory_space<vmem>> -> memref<1x128xi32, #tpu.memory_space<vmem>>
        %dma_wait3A_164 = tpu.memref_squeeze %dma_wait3A_163 : memref<1x128xi32, #tpu.memory_space<vmem>> -> memref<128xi32, #tpu.memory_space<vmem>>
        %dma_wait3A_165 = arith.constant 0 : i32
        %dma_wait3A_166 = arith.constant 0 : i32
        %dma_wait3A_167 = tpu.memref_slice %arg9[%dma_wait3A_165, %dma_wait3A_166] : memref<10240x128xf32, #tpu.memory_space<vmem_shared>> -> memref<10240x128xf32, #tpu.memory_space<vmem_shared>>
        tpu.wait_indirect_dma semaphore(%arg13 : memref<!tpu.dma_semaphore, #tpu.memory_space<semaphore_mem>>) src(%dma_wait3A_161 : memref<128x128xf32, #tpu.memory_space<vmem>>) dst(%dma_wait3A_167 : memref<10240x128xf32, #tpu.memory_space<vmem_shared>>)
      } else {
      }
      %dma_start3A_105 = arith.constant 128 : i32
      %dma_start3A_106 = arith.constant 0 : i32
      %dma_start3A_107 = tpu.memref_slice %arg8[%dma_start3A_105, %dma_start3A_106] : memref<256x128xf32, #tpu.memory_space<vmem>> -> memref<128x128xf32, #tpu.memory_space<vmem>>
      %dma_start3A_108 = arith.constant 0 : i32
      %dma_start3A_109 = tpu.memref_slice %arg6[%add3A_99, %dma_start3A_108] : memref<40x128xi32, #tpu.memory_space<vmem>> -> memref<1x128xi32, #tpu.memory_space<vmem>>
      %dma_start3A_110 = tpu.memref_squeeze %dma_start3A_109 : memref<1x128xi32, #tpu.memory_space<vmem>> -> memref<128xi32, #tpu.memory_space<vmem>>
      %dma_start3A_111 = arith.constant 0 : i32
      %dma_start3A_112 = arith.constant 0 : i32
      %dma_start3A_113 = tpu.memref_slice %arg2[%dma_start3A_111, %dma_start3A_112] : memref<10240x128xf32, #tpu.memory_space<hbm>> -> memref<10240x128xf32, #tpu.memory_space<hbm>>
      tpu.enqueue_indirect_dma source(%dma_start3A_113 : memref<10240x128xf32, #tpu.memory_space<hbm>>) target(%dma_start3A_107 : memref<128x128xf32, #tpu.memory_space<vmem>>) offsets(%dma_start3A_110 : memref<128xi32, #tpu.memory_space<vmem>>) semaphore(%arg11 : memref<!tpu.dma_semaphore, #tpu.memory_space<semaphore_mem>>)
      %mul3A_114 = arith.constant 2 : i32
      %mul3A_115 = arith.muli %scan3A_80, %mul3A_114 : i32
      %add3A_116 = arith.constant 0 : i32
      %add3A_117 = arith.addi %mul3A_115, %add3A_116 : i32
      %dma_wait3A_118 = arith.constant 0 : i32
      %dma_wait3A_119 = arith.constant 0 : i32
      %dma_wait3A_120 = tpu.memref_slice %arg8[%dma_wait3A_118, %dma_wait3A_119] : memref<256x128xf32, #tpu.memory_space<vmem>> -> memref<128x128xf32, #tpu.memory_space<vmem>>
      %dma_wait3A_121 = arith.constant 0 : i32
      %dma_wait3A_122 = tpu.memref_slice %arg6[%add3A_117, %dma_wait3A_121] : memref<40x128xi32, #tpu.memory_space<vmem>> -> memref<1x128xi32, #tpu.memory_space<vmem>>
      %dma_wait3A_123 = tpu.memref_squeeze %dma_wait3A_122 : memref<1x128xi32, #tpu.memory_space<vmem>> -> memref<128xi32, #tpu.memory_space<vmem>>
      %dma_wait3A_124 = arith.constant 0 : i32
      %dma_wait3A_125 = arith.constant 0 : i32
      %dma_wait3A_126 = tpu.memref_slice %arg2[%dma_wait3A_124, %dma_wait3A_125] : memref<10240x128xf32, #tpu.memory_space<hbm>> -> memref<10240x128xf32, #tpu.memory_space<hbm>>
      tpu.wait_indirect_dma semaphore(%arg10 : memref<!tpu.dma_semaphore, #tpu.memory_space<semaphore_mem>>) src(%dma_wait3A_126 : memref<10240x128xf32, #tpu.memory_space<hbm>>) dst(%dma_wait3A_120 : memref<128x128xf32, #tpu.memory_space<vmem>>)
      %dma_start3A_127 = arith.constant 0 : i32
      %dma_start3A_128 = arith.constant 0 : i32
      %dma_start3A_129 = tpu.memref_slice %arg8[%dma_start3A_127, %dma_start3A_128] : memref<256x128xf32, #tpu.memory_space<vmem>> -> memref<128x128xf32, #tpu.memory_space<vmem>>
      %dma_start3A_130 = arith.constant 0 : i32
      %dma_start3A_131 = tpu.memref_slice %arg7[%add3A_117, %dma_start3A_130] : memref<40x128xi32, #tpu.memory_space<vmem>> -> memref<1x128xi32, #tpu.memory_space<vmem>>
      %dma_start3A_132 = tpu.memref_squeeze %dma_start3A_131 : memref<1x128xi32, #tpu.memory_space<vmem>> -> memref<128xi32, #tpu.memory_space<vmem>>
      %dma_start3A_133 = arith.constant 0 : i32
      %dma_start3A_134 = arith.constant 0 : i32
      %dma_start3A_135 = tpu.memref_slice %arg9[%dma_start3A_133, %dma_start3A_134] : memref<10240x128xf32, #tpu.memory_space<vmem_shared>> -> memref<10240x128xf32, #tpu.memory_space<vmem_shared>>
      tpu.enqueue_indirect_dma source(%dma_start3A_129 : memref<128x128xf32, #tpu.memory_space<vmem>>) target(%dma_start3A_135 : memref<10240x128xf32, #tpu.memory_space<vmem_shared>>) offsets(%dma_start3A_132 : memref<128xi32, #tpu.memory_space<vmem>>) semaphore(%arg12 : memref<!tpu.dma_semaphore, #tpu.memory_space<semaphore_mem>>) {add = true}
      %mul3A_136 = arith.constant 2 : i32
      %mul3A_137 = arith.muli %scan3A_80, %mul3A_136 : i32
      %add3A_138 = arith.constant 1 : i32
      %add3A_139 = arith.addi %mul3A_137, %add3A_138 : i32
      %dma_wait3A_140 = arith.constant 128 : i32
      %dma_wait3A_141 = arith.constant 0 : i32
      %dma_wait3A_142 = tpu.memref_slice %arg8[%dma_wait3A_140, %dma_wait3A_141] : memref<256x128xf32, #tpu.memory_space<vmem>> -> memref<128x128xf32, #tpu.memory_space<vmem>>
      %dma_wait3A_143 = arith.constant 0 : i32
      %dma_wait3A_144 = tpu.memref_slice %arg6[%add3A_139, %dma_wait3A_143] : memref<40x128xi32, #tpu.memory_space<vmem>> -> memref<1x128xi32, #tpu.memory_space<vmem>>
      %dma_wait3A_145 = tpu.memref_squeeze %dma_wait3A_144 : memref<1x128xi32, #tpu.memory_space<vmem>> -> memref<128xi32, #tpu.memory_space<vmem>>
      %dma_wait3A_146 = arith.constant 0 : i32
      %dma_wait3A_147 = arith.constant 0 : i32
      %dma_wait3A_148 = tpu.memref_slice %arg2[%dma_wait3A_146, %dma_wait3A_147] : memref<10240x128xf32, #tpu.memory_space<hbm>> -> memref<10240x128xf32, #tpu.memory_space<hbm>>
      tpu.wait_indirect_dma semaphore(%arg11 : memref<!tpu.dma_semaphore, #tpu.memory_space<semaphore_mem>>) src(%dma_wait3A_148 : memref<10240x128xf32, #tpu.memory_space<hbm>>) dst(%dma_wait3A_142 : memref<128x128xf32, #tpu.memory_space<vmem>>)
      %dma_start3A_149 = arith.constant 128 : i32
      %dma_start3A_150 = arith.constant 0 : i32
      %dma_start3A_151 = tpu.memref_slice %arg8[%dma_start3A_149, %dma_start3A_150] : memref<256x128xf32, #tpu.memory_space<vmem>> -> memref<128x128xf32, #tpu.memory_space<vmem>>
      %dma_start3A_152 = arith.constant 0 : i32
      %dma_start3A_153 = tpu.memref_slice %arg7[%add3A_139, %dma_start3A_152] : memref<40x128xi32, #tpu.memory_space<vmem>> -> memref<1x128xi32, #tpu.memory_space<vmem>>
      %dma_start3A_154 = tpu.memref_squeeze %dma_start3A_153 : memref<1x128xi32, #tpu.memory_space<vmem>> -> memref<128xi32, #tpu.memory_space<vmem>>
      %dma_start3A_155 = arith.constant 0 : i32
      %dma_start3A_156 = arith.constant 0 : i32
      %dma_start3A_157 = tpu.memref_slice %arg9[%dma_start3A_155, %dma_start3A_156] : memref<10240x128xf32, #tpu.memory_space<vmem_shared>> -> memref<10240x128xf32, #tpu.memory_space<vmem_shared>>
      tpu.enqueue_indirect_dma source(%dma_start3A_151 : memref<128x128xf32, #tpu.memory_space<vmem>>) target(%dma_start3A_157 : memref<10240x128xf32, #tpu.memory_space<vmem_shared>>) offsets(%dma_start3A_154 : memref<128xi32, #tpu.memory_space<vmem>>) semaphore(%arg13 : memref<!tpu.dma_semaphore, #tpu.memory_space<semaphore_mem>>) {add = true}
    }
    %scan3A_21 = arith.constant 20 : i32
    %dma_wait3A_22 = arith.constant 38 : i32
    %dma_wait3A_23 = arith.constant 0 : i32
    %dma_wait3A_24 = arith.constant 0 : i32
    %dma_wait3A_25 = tpu.memref_slice %arg8[%dma_wait3A_23, %dma_wait3A_24] : memref<256x128xf32, #tpu.memory_space<vmem>> -> memref<128x128xf32, #tpu.memory_space<vmem>>
    %dma_wait3A_26 = arith.constant 0 : i32
    %dma_wait3A_27 = tpu.memref_slice %arg7[%dma_wait3A_22, %dma_wait3A_26] : memref<40x128xi32, #tpu.memory_space<vmem>> -> memref<1x128xi32, #tpu.memory_space<vmem>>
    %dma_wait3A_28 = tpu.memref_squeeze %dma_wait3A_27 : memref<1x128xi32, #tpu.memory_space<vmem>> -> memref<128xi32, #tpu.memory_space<vmem>>
    %dma_wait3A_29 = arith.constant 0 : i32
    %dma_wait3A_30 = arith.constant 0 : i32
    %dma_wait3A_31 = tpu.memref_slice %arg9[%dma_wait3A_29, %dma_wait3A_30] : memref<10240x128xf32, #tpu.memory_space<vmem_shared>> -> memref<10240x128xf32, #tpu.memory_space<vmem_shared>>
    tpu.wait_indirect_dma semaphore(%arg12 : memref<!tpu.dma_semaphore, #tpu.memory_space<semaphore_mem>>) src(%dma_wait3A_25 : memref<128x128xf32, #tpu.memory_space<vmem>>) dst(%dma_wait3A_31 : memref<10240x128xf32, #tpu.memory_space<vmem_shared>>)
    %dma_wait3A_32 = arith.constant 39 : i32
    %dma_wait3A_33 = arith.constant 128 : i32
    %dma_wait3A_34 = arith.constant 0 : i32
    %dma_wait3A_35 = tpu.memref_slice %arg8[%dma_wait3A_33, %dma_wait3A_34] : memref<256x128xf32, #tpu.memory_space<vmem>> -> memref<128x128xf32, #tpu.memory_space<vmem>>
    %dma_wait3A_36 = arith.constant 0 : i32
    %dma_wait3A_37 = tpu.memref_slice %arg7[%dma_wait3A_32, %dma_wait3A_36] : memref<40x128xi32, #tpu.memory_space<vmem>> -> memref<1x128xi32, #tpu.memory_space<vmem>>
    %dma_wait3A_38 = tpu.memref_squeeze %dma_wait3A_37 : memref<1x128xi32, #tpu.memory_space<vmem>> -> memref<128xi32, #tpu.memory_space<vmem>>
    %dma_wait3A_39 = arith.constant 0 : i32
    %dma_wait3A_40 = arith.constant 0 : i32
    %dma_wait3A_41 = tpu.memref_slice %arg9[%dma_wait3A_39, %dma_wait3A_40] : memref<10240x128xf32, #tpu.memory_space<vmem_shared>> -> memref<10240x128xf32, #tpu.memory_space<vmem_shared>>
    tpu.wait_indirect_dma semaphore(%arg13 : memref<!tpu.dma_semaphore, #tpu.memory_space<semaphore_mem>>) src(%dma_wait3A_35 : memref<128x128xf32, #tpu.memory_space<vmem>>) dst(%dma_wait3A_41 : memref<10240x128xf32, #tpu.memory_space<vmem_shared>>)
    %add3A_42 = arith.constant 40 : i32
    %add3A_43 = arith.addi %mul3A_9, %add3A_42 : i32
    "tpu.region"() ({
      %run_scoped3A = tpu.sem_alloc : memref<!tpu.dma_semaphore, #tpu.memory_space<semaphore_mem>>
      %dma_start3A_80 = arith.constant 0 : i32
      %dma_start3A_81 = tpu.memref_slice %arg3[%add3A_43, %dma_start3A_80] : memref<2560x128xi32, #tpu.memory_space<hbm>> -> memref<40x128xi32, #tpu.memory_space<hbm>>
      %dma_start3A_82 = arith.constant 0 : i32
      %dma_start3A_83 = tpu.memref_slice %arg3[%add3A_43, %dma_start3A_82] : memref<2560x128xi32, #tpu.memory_space<hbm>> -> memref<40x128xi32, #tpu.memory_space<hbm>>
      tpu.enqueue_dma source(%dma_start3A_83 : memref<40x128xi32, #tpu.memory_space<hbm>>) target(%arg6 : memref<40x128xi32, #tpu.memory_space<vmem>>) target_semaphore(%run_scoped3A : memref<!tpu.dma_semaphore, #tpu.memory_space<semaphore_mem>>)
      %dma_wait3A_84 = arith.constant 0 : i32
      %dma_wait3A_85 = tpu.memref_slice %arg3[%add3A_43, %dma_wait3A_84] : memref<2560x128xi32, #tpu.memory_space<hbm>> -> memref<40x128xi32, #tpu.memory_space<hbm>>
      %dma_wait3A_86 = arith.constant 0 : i32
      %dma_wait3A_87 = tpu.memref_slice %arg3[%add3A_43, %dma_wait3A_86] : memref<2560x128xi32, #tpu.memory_space<hbm>> -> memref<40x128xi32, #tpu.memory_space<hbm>>
      tpu.wait_dma2 semaphore(%run_scoped3A : memref<!tpu.dma_semaphore, #tpu.memory_space<semaphore_mem>>) src(%dma_wait3A_87 : memref<40x128xi32, #tpu.memory_space<hbm>>) dst(%arg6 : memref<40x128xi32, #tpu.memory_space<vmem>>)
      tpu.yield
    }) : () -> ()
    %add3A_44 = arith.constant 40 : i32
    %add3A_45 = arith.addi %mul3A_9, %add3A_44 : i32
    "tpu.region"() ({
      %run_scoped3A = tpu.sem_alloc : memref<!tpu.dma_semaphore, #tpu.memory_space<semaphore_mem>>
      %dma_start3A_80 = arith.constant 0 : i32
      %dma_start3A_81 = tpu.memref_slice %arg4[%add3A_45, %dma_start3A_80] : memref<2560x128xi32, #tpu.memory_space<hbm>> -> memref<40x128xi32, #tpu.memory_space<hbm>>
      %dma_start3A_82 = arith.constant 0 : i32
      %dma_start3A_83 = tpu.memref_slice %arg4[%add3A_45, %dma_start3A_82] : memref<2560x128xi32, #tpu.memory_space<hbm>> -> memref<40x128xi32, #tpu.memory_space<hbm>>
      tpu.enqueue_dma source(%dma_start3A_83 : memref<40x128xi32, #tpu.memory_space<hbm>>) target(%arg7 : memref<40x128xi32, #tpu.memory_space<vmem>>) target_semaphore(%run_scoped3A : memref<!tpu.dma_semaphore, #tpu.memory_space<semaphore_mem>>)
      %dma_wait3A_84 = arith.constant 0 : i32
      %dma_wait3A_85 = tpu.memref_slice %arg4[%add3A_45, %dma_wait3A_84] : memref<2560x128xi32, #tpu.memory_space<hbm>> -> memref<40x128xi32, #tpu.memory_space<hbm>>
      %dma_wait3A_86 = arith.constant 0 : i32
      %dma_wait3A_87 = tpu.memref_slice %arg4[%add3A_45, %dma_wait3A_86] : memref<2560x128xi32, #tpu.memory_space<hbm>> -> memref<40x128xi32, #tpu.memory_space<hbm>>
      tpu.wait_dma2 semaphore(%run_scoped3A : memref<!tpu.dma_semaphore, #tpu.memory_space<semaphore_mem>>) src(%dma_wait3A_87 : memref<40x128xi32, #tpu.memory_space<hbm>>) dst(%arg7 : memref<40x128xi32, #tpu.memory_space<vmem>>)
      tpu.yield
    }) : () -> ()
    %scan3A_46 = arith.constant 0 : i32
    %scan3A_47 = arith.constant 0 : i32
    %scan3A_48 = arith.constant 20 : i32
    %scan3A_49 = arith.addi %scan3A_47, %scan3A_48 : i32
    %scan3A_50 = arith.constant 1 : i32
    scf.for %scan3A_80 = %scan3A_47 to %scan3A_49 step %scan3A_50  : i32 {
      %mul3A_81 = arith.constant 2 : i32
      %mul3A_82 = arith.muli %scan3A_80, %mul3A_81 : i32
      %add3A_83 = arith.constant 0 : i32
      %add3A_84 = arith.addi %mul3A_82, %add3A_83 : i32
      %gt3A = arith.constant 0 : i32
      %gt3A_85 = arith.cmpi sgt, %scan3A_80, %gt3A : i32
      %convert_element_type3A = arith.extui %gt3A_85 : i1 to i32
      %cond3A = arith.constant 0 : i32
      %cond3A_86 = arith.cmpi ne, %convert_element_type3A, %cond3A : i32
      scf.if %cond3A_86 {
        %sub3A = arith.constant 2 : i32
        %sub3A_158 = arith.subi %add3A_84, %sub3A : i32
        %dma_wait3A_159 = arith.constant 0 : i32
        %dma_wait3A_160 = arith.constant 0 : i32
        %dma_wait3A_161 = tpu.memref_slice %arg8[%dma_wait3A_159, %dma_wait3A_160] : memref<256x128xf32, #tpu.memory_space<vmem>> -> memref<128x128xf32, #tpu.memory_space<vmem>>
        %dma_wait3A_162 = arith.constant 0 : i32
        %dma_wait3A_163 = tpu.memref_slice %arg7[%sub3A_158, %dma_wait3A_162] : memref<40x128xi32, #tpu.memory_space<vmem>> -> memref<1x128xi32, #tpu.memory_space<vmem>>
        %dma_wait3A_164 = tpu.memref_squeeze %dma_wait3A_163 : memref<1x128xi32, #tpu.memory_space<vmem>> -> memref<128xi32, #tpu.memory_space<vmem>>
        %dma_wait3A_165 = arith.constant 0 : i32
        %dma_wait3A_166 = arith.constant 0 : i32
        %dma_wait3A_167 = tpu.memref_slice %arg9[%dma_wait3A_165, %dma_wait3A_166] : memref<10240x128xf32, #tpu.memory_space<vmem_shared>> -> memref<10240x128xf32, #tpu.memory_space<vmem_shared>>
        tpu.wait_indirect_dma semaphore(%arg12 : memref<!tpu.dma_semaphore, #tpu.memory_space<semaphore_mem>>) src(%dma_wait3A_161 : memref<128x128xf32, #tpu.memory_space<vmem>>) dst(%dma_wait3A_167 : memref<10240x128xf32, #tpu.memory_space<vmem_shared>>)
      } else {
      }
      %dma_start3A_87 = arith.constant 0 : i32
      %dma_start3A_88 = arith.constant 0 : i32
      %dma_start3A_89 = tpu.memref_slice %arg8[%dma_start3A_87, %dma_start3A_88] : memref<256x128xf32, #tpu.memory_space<vmem>> -> memref<128x128xf32, #tpu.memory_space<vmem>>
      %dma_start3A_90 = arith.constant 0 : i32
      %dma_start3A_91 = tpu.memref_slice %arg6[%add3A_84, %dma_start3A_90] : memref<40x128xi32, #tpu.memory_space<vmem>> -> memref<1x128xi32, #tpu.memory_space<vmem>>
      %dma_start3A_92 = tpu.memref_squeeze %dma_start3A_91 : memref<1x128xi32, #tpu.memory_space<vmem>> -> memref<128xi32, #tpu.memory_space<vmem>>
      %dma_start3A_93 = arith.constant 0 : i32
      %dma_start3A_94 = arith.constant 0 : i32
      %dma_start3A_95 = tpu.memref_slice %arg2[%dma_start3A_93, %dma_start3A_94] : memref<10240x128xf32, #tpu.memory_space<hbm>> -> memref<10240x128xf32, #tpu.memory_space<hbm>>
      tpu.enqueue_indirect_dma source(%dma_start3A_95 : memref<10240x128xf32, #tpu.memory_space<hbm>>) target(%dma_start3A_89 : memref<128x128xf32, #tpu.memory_space<vmem>>) offsets(%dma_start3A_92 : memref<128xi32, #tpu.memory_space<vmem>>) semaphore(%arg10 : memref<!tpu.dma_semaphore, #tpu.memory_space<semaphore_mem>>)
      %mul3A_96 = arith.constant 2 : i32
      %mul3A_97 = arith.muli %scan3A_80, %mul3A_96 : i32
      %add3A_98 = arith.constant 1 : i32
      %add3A_99 = arith.addi %mul3A_97, %add3A_98 : i32
      %gt3A_100 = arith.constant 0 : i32
      %gt3A_101 = arith.cmpi sgt, %scan3A_80, %gt3A_100 : i32
      %convert_element_type3A_102 = arith.extui %gt3A_101 : i1 to i32
      %cond3A_103 = arith.constant 0 : i32
      %cond3A_104 = arith.cmpi ne, %convert_element_type3A_102, %cond3A_103 : i32
      scf.if %cond3A_104 {
        %sub3A = arith.constant 2 : i32
        %sub3A_158 = arith.subi %add3A_99, %sub3A : i32
        %dma_wait3A_159 = arith.constant 128 : i32
        %dma_wait3A_160 = arith.constant 0 : i32
        %dma_wait3A_161 = tpu.memref_slice %arg8[%dma_wait3A_159, %dma_wait3A_160] : memref<256x128xf32, #tpu.memory_space<vmem>> -> memref<128x128xf32, #tpu.memory_space<vmem>>
        %dma_wait3A_162 = arith.constant 0 : i32
        %dma_wait3A_163 = tpu.memref_slice %arg7[%sub3A_158, %dma_wait3A_162] : memref<40x128xi32, #tpu.memory_space<vmem>> -> memref<1x128xi32, #tpu.memory_space<vmem>>
        %dma_wait3A_164 = tpu.memref_squeeze %dma_wait3A_163 : memref<1x128xi32, #tpu.memory_space<vmem>> -> memref<128xi32, #tpu.memory_space<vmem>>
        %dma_wait3A_165 = arith.constant 0 : i32
        %dma_wait3A_166 = arith.constant 0 : i32
        %dma_wait3A_167 = tpu.memref_slice %arg9[%dma_wait3A_165, %dma_wait3A_166] : memref<10240x128xf32, #tpu.memory_space<vmem_shared>> -> memref<10240x128xf32, #tpu.memory_space<vmem_shared>>
        tpu.wait_indirect_dma semaphore(%arg13 : memref<!tpu.dma_semaphore, #tpu.memory_space<semaphore_mem>>) src(%dma_wait3A_161 : memref<128x128xf32, #tpu.memory_space<vmem>>) dst(%dma_wait3A_167 : memref<10240x128xf32, #tpu.memory_space<vmem_shared>>)
      } else {
      }
      %dma_start3A_105 = arith.constant 128 : i32
      %dma_start3A_106 = arith.constant 0 : i32
      %dma_start3A_107 = tpu.memref_slice %arg8[%dma_start3A_105, %dma_start3A_106] : memref<256x128xf32, #tpu.memory_space<vmem>> -> memref<128x128xf32, #tpu.memory_space<vmem>>
      %dma_start3A_108 = arith.constant 0 : i32
      %dma_start3A_109 = tpu.memref_slice %arg6[%add3A_99, %dma_start3A_108] : memref<40x128xi32, #tpu.memory_space<vmem>> -> memref<1x128xi32, #tpu.memory_space<vmem>>
      %dma_start3A_110 = tpu.memref_squeeze %dma_start3A_109 : memref<1x128xi32, #tpu.memory_space<vmem>> -> memref<128xi32, #tpu.memory_space<vmem>>
      %dma_start3A_111 = arith.constant 0 : i32
      %dma_start3A_112 = arith.constant 0 : i32
      %dma_start3A_113 = tpu.memref_slice %arg2[%dma_start3A_111, %dma_start3A_112] : memref<10240x128xf32, #tpu.memory_space<hbm>> -> memref<10240x128xf32, #tpu.memory_space<hbm>>
      tpu.enqueue_indirect_dma source(%dma_start3A_113 : memref<10240x128xf32, #tpu.memory_space<hbm>>) target(%dma_start3A_107 : memref<128x128xf32, #tpu.memory_space<vmem>>) offsets(%dma_start3A_110 : memref<128xi32, #tpu.memory_space<vmem>>) semaphore(%arg11 : memref<!tpu.dma_semaphore, #tpu.memory_space<semaphore_mem>>)
      %mul3A_114 = arith.constant 2 : i32
      %mul3A_115 = arith.muli %scan3A_80, %mul3A_114 : i32
      %add3A_116 = arith.constant 0 : i32
      %add3A_117 = arith.addi %mul3A_115, %add3A_116 : i32
      %dma_wait3A_118 = arith.constant 0 : i32
      %dma_wait3A_119 = arith.constant 0 : i32
      %dma_wait3A_120 = tpu.memref_slice %arg8[%dma_wait3A_118, %dma_wait3A_119] : memref<256x128xf32, #tpu.memory_space<vmem>> -> memref<128x128xf32, #tpu.memory_space<vmem>>
      %dma_wait3A_121 = arith.constant 0 : i32
      %dma_wait3A_122 = tpu.memref_slice %arg6[%add3A_117, %dma_wait3A_121] : memref<40x128xi32, #tpu.memory_space<vmem>> -> memref<1x128xi32, #tpu.memory_space<vmem>>
      %dma_wait3A_123 = tpu.memref_squeeze %dma_wait3A_122 : memref<1x128xi32, #tpu.memory_space<vmem>> -> memref<128xi32, #tpu.memory_space<vmem>>
      %dma_wait3A_124 = arith.constant 0 : i32
      %dma_wait3A_125 = arith.constant 0 : i32
      %dma_wait3A_126 = tpu.memref_slice %arg2[%dma_wait3A_124, %dma_wait3A_125] : memref<10240x128xf32, #tpu.memory_space<hbm>> -> memref<10240x128xf32, #tpu.memory_space<hbm>>
      tpu.wait_indirect_dma semaphore(%arg10 : memref<!tpu.dma_semaphore, #tpu.memory_space<semaphore_mem>>) src(%dma_wait3A_126 : memref<10240x128xf32, #tpu.memory_space<hbm>>) dst(%dma_wait3A_120 : memref<128x128xf32, #tpu.memory_space<vmem>>)
      %dma_start3A_127 = arith.constant 0 : i32
      %dma_start3A_128 = arith.constant 0 : i32
      %dma_start3A_129 = tpu.memref_slice %arg8[%dma_start3A_127, %dma_start3A_128] : memref<256x128xf32, #tpu.memory_space<vmem>> -> memref<128x128xf32, #tpu.memory_space<vmem>>
      %dma_start3A_130 = arith.constant 0 : i32
      %dma_start3A_131 = tpu.memref_slice %arg7[%add3A_117, %dma_start3A_130] : memref<40x128xi32, #tpu.memory_space<vmem>> -> memref<1x128xi32, #tpu.memory_space<vmem>>
      %dma_start3A_132 = tpu.memref_squeeze %dma_start3A_131 : memref<1x128xi32, #tpu.memory_space<vmem>> -> memref<128xi32, #tpu.memory_space<vmem>>
      %dma_start3A_133 = arith.constant 0 : i32
      %dma_start3A_134 = arith.constant 0 : i32
      %dma_start3A_135 = tpu.memref_slice %arg9[%dma_start3A_133, %dma_start3A_134] : memref<10240x128xf32, #tpu.memory_space<vmem_shared>> -> memref<10240x128xf32, #tpu.memory_space<vmem_shared>>
      tpu.enqueue_indirect_dma source(%dma_start3A_129 : memref<128x128xf32, #tpu.memory_space<vmem>>) target(%dma_start3A_135 : memref<10240x128xf32, #tpu.memory_space<vmem_shared>>) offsets(%dma_start3A_132 : memref<128xi32, #tpu.memory_space<vmem>>) semaphore(%arg12 : memref<!tpu.dma_semaphore, #tpu.memory_space<semaphore_mem>>) {add = true}
      %mul3A_136 = arith.constant 2 : i32
      %mul3A_137 = arith.muli %scan3A_80, %mul3A_136 : i32
      %add3A_138 = arith.constant 1 : i32
      %add3A_139 = arith.addi %mul3A_137, %add3A_138 : i32
      %dma_wait3A_140 = arith.constant 128 : i32
      %dma_wait3A_141 = arith.constant 0 : i32
      %dma_wait3A_142 = tpu.memref_slice %arg8[%dma_wait3A_140, %dma_wait3A_141] : memref<256x128xf32, #tpu.memory_space<vmem>> -> memref<128x128xf32, #tpu.memory_space<vmem>>
      %dma_wait3A_143 = arith.constant 0 : i32
      %dma_wait3A_144 = tpu.memref_slice %arg6[%add3A_139, %dma_wait3A_143] : memref<40x128xi32, #tpu.memory_space<vmem>> -> memref<1x128xi32, #tpu.memory_space<vmem>>
      %dma_wait3A_145 = tpu.memref_squeeze %dma_wait3A_144 : memref<1x128xi32, #tpu.memory_space<vmem>> -> memref<128xi32, #tpu.memory_space<vmem>>
      %dma_wait3A_146 = arith.constant 0 : i32
      %dma_wait3A_147 = arith.constant 0 : i32
      %dma_wait3A_148 = tpu.memref_slice %arg2[%dma_wait3A_146, %dma_wait3A_147] : memref<10240x128xf32, #tpu.memory_space<hbm>> -> memref<10240x128xf32, #tpu.memory_space<hbm>>
      tpu.wait_indirect_dma semaphore(%arg11 : memref<!tpu.dma_semaphore, #tpu.memory_space<semaphore_mem>>) src(%dma_wait3A_148 : memref<10240x128xf32, #tpu.memory_space<hbm>>) dst(%dma_wait3A_142 : memref<128x128xf32, #tpu.memory_space<vmem>>)
      %dma_start3A_149 = arith.constant 128 : i32
      %dma_start3A_150 = arith.constant 0 : i32
      %dma_start3A_151 = tpu.memref_slice %arg8[%dma_start3A_149, %dma_start3A_150] : memref<256x128xf32, #tpu.memory_space<vmem>> -> memref<128x128xf32, #tpu.memory_space<vmem>>
      %dma_start3A_152 = arith.constant 0 : i32
      %dma_start3A_153 = tpu.memref_slice %arg7[%add3A_139, %dma_start3A_152] : memref<40x128xi32, #tpu.memory_space<vmem>> -> memref<1x128xi32, #tpu.memory_space<vmem>>
      %dma_start3A_154 = tpu.memref_squeeze %dma_start3A_153 : memref<1x128xi32, #tpu.memory_space<vmem>> -> memref<128xi32, #tpu.memory_space<vmem>>
      %dma_start3A_155 = arith.constant 0 : i32
      %dma_start3A_156 = arith.constant 0 : i32
      %dma_start3A_157 = tpu.memref_slice %arg9[%dma_start3A_155, %dma_start3A_156] : memref<10240x128xf32, #tpu.memory_space<vmem_shared>> -> memref<10240x128xf32, #tpu.memory_space<vmem_shared>>
      tpu.enqueue_indirect_dma source(%dma_start3A_151 : memref<128x128xf32, #tpu.memory_space<vmem>>) target(%dma_start3A_157 : memref<10240x128xf32, #tpu.memory_space<vmem_shared>>) offsets(%dma_start3A_154 : memref<128xi32, #tpu.memory_space<vmem>>) semaphore(%arg13 : memref<!tpu.dma_semaphore, #tpu.memory_space<semaphore_mem>>) {add = true}
    }
    %scan3A_51 = arith.constant 20 : i32
    %dma_wait3A_52 = arith.constant 38 : i32
    %dma_wait3A_53 = arith.constant 0 : i32
    %dma_wait3A_54 = arith.constant 0 : i32
    %dma_wait3A_55 = tpu.memref_slice %arg8[%dma_wait3A_53, %dma_wait3A_54] : memref<256x128xf32, #tpu.memory_space<vmem>> -> memref<128x128xf32, #tpu.memory_space<vmem>>
    %dma_wait3A_56 = arith.constant 0 : i32
    %dma_wait3A_57 = tpu.memref_slice %arg7[%dma_wait3A_52, %dma_wait3A_56] : memref<40x128xi32, #tpu.memory_space<vmem>> -> memref<1x128xi32, #tpu.memory_space<vmem>>
    %dma_wait3A_58 = tpu.memref_squeeze %dma_wait3A_57 : memref<1x128xi32, #tpu.memory_space<vmem>> -> memref<128xi32, #tpu.memory_space<vmem>>
    %dma_wait3A_59 = arith.constant 0 : i32
    %dma_wait3A_60 = arith.constant 0 : i32
    %dma_wait3A_61 = tpu.memref_slice %arg9[%dma_wait3A_59, %dma_wait3A_60] : memref<10240x128xf32, #tpu.memory_space<vmem_shared>> -> memref<10240x128xf32, #tpu.memory_space<vmem_shared>>
    tpu.wait_indirect_dma semaphore(%arg12 : memref<!tpu.dma_semaphore, #tpu.memory_space<semaphore_mem>>) src(%dma_wait3A_55 : memref<128x128xf32, #tpu.memory_space<vmem>>) dst(%dma_wait3A_61 : memref<10240x128xf32, #tpu.memory_space<vmem_shared>>)
    %dma_wait3A_62 = arith.constant 39 : i32
    %dma_wait3A_63 = arith.constant 128 : i32
    %dma_wait3A_64 = arith.constant 0 : i32
    %dma_wait3A_65 = tpu.memref_slice %arg8[%dma_wait3A_63, %dma_wait3A_64] : memref<256x128xf32, #tpu.memory_space<vmem>> -> memref<128x128xf32, #tpu.memory_space<vmem>>
    %dma_wait3A_66 = arith.constant 0 : i32
    %dma_wait3A_67 = tpu.memref_slice %arg7[%dma_wait3A_62, %dma_wait3A_66] : memref<40x128xi32, #tpu.memory_space<vmem>> -> memref<1x128xi32, #tpu.memory_space<vmem>>
    %dma_wait3A_68 = tpu.memref_squeeze %dma_wait3A_67 : memref<1x128xi32, #tpu.memory_space<vmem>> -> memref<128xi32, #tpu.memory_space<vmem>>
    %dma_wait3A_69 = arith.constant 0 : i32
    %dma_wait3A_70 = arith.constant 0 : i32
    %dma_wait3A_71 = tpu.memref_slice %arg9[%dma_wait3A_69, %dma_wait3A_70] : memref<10240x128xf32, #tpu.memory_space<vmem_shared>> -> memref<10240x128xf32, #tpu.memory_space<vmem_shared>>
    tpu.wait_indirect_dma semaphore(%arg13 : memref<!tpu.dma_semaphore, #tpu.memory_space<semaphore_mem>>) src(%dma_wait3A_65 : memref<128x128xf32, #tpu.memory_space<vmem>>) dst(%dma_wait3A_71 : memref<10240x128xf32, #tpu.memory_space<vmem_shared>>)
    %barrier3A_72 = arith.constant 0 : index
    tpu.barrier barrier_id(%barrier3A_72)
    %mul3A_73 = arith.constant 640 : i32
    %mul3A_74 = arith.muli %arg1, %mul3A_73 : i32
    %mul3A_75 = arith.constant 10240 : i32
    %mul3A_76 = arith.muli %arg0, %mul3A_75 : i32
    %mul3A_77 = arith.constant 640 : i32
    %mul3A_78 = arith.muli %arg1, %mul3A_77 : i32
    %add3A_79 = arith.addi %mul3A_76, %mul3A_78 : i32
    "tpu.region"() ({
      %run_scoped3A = tpu.sem_alloc : memref<!tpu.dma_semaphore, #tpu.memory_space<semaphore_mem>>
      %dma_start3A_80 = arith.constant 0 : i32
      %dma_start3A_81 = tpu.memref_slice %arg5[%add3A_79, %dma_start3A_80] : memref<20480x128xf32, #tpu.memory_space<hbm>> -> memref<640x128xf32, #tpu.memory_space<hbm>>
      %dma_start3A_82 = arith.constant 0 : i32
      %dma_start3A_83 = tpu.memref_slice %arg9[%mul3A_74, %dma_start3A_82] : memref<10240x128xf32, #tpu.memory_space<vmem_shared>> -> memref<640x128xf32, #tpu.memory_space<vmem_shared>>
      tpu.enqueue_dma source(%dma_start3A_83 : memref<640x128xf32, #tpu.memory_space<vmem_shared>>) target(%dma_start3A_81 : memref<640x128xf32, #tpu.memory_space<hbm>>) target_semaphore(%run_scoped3A : memref<!tpu.dma_semaphore, #tpu.memory_space<semaphore_mem>>)
      %dma_wait3A_84 = arith.constant 0 : i32
      %dma_wait3A_85 = tpu.memref_slice %arg5[%add3A_79, %dma_wait3A_84] : memref<20480x128xf32, #tpu.memory_space<hbm>> -> memref<640x128xf32, #tpu.memory_space<hbm>>
      %dma_wait3A_86 = arith.constant 0 : i32
      %dma_wait3A_87 = tpu.memref_slice %arg9[%mul3A_74, %dma_wait3A_86] : memref<10240x128xf32, #tpu.memory_space<vmem_shared>> -> memref<640x128xf32, #tpu.memory_space<vmem_shared>>
      tpu.wait_dma2 semaphore(%run_scoped3A : memref<!tpu.dma_semaphore, #tpu.memory_space<semaphore_mem>>) src(%dma_wait3A_87 : memref<640x128xf32, #tpu.memory_space<vmem_shared>>) dst(%dma_wait3A_85 : memref<640x128xf32, #tpu.memory_space<hbm>>)
      tpu.yield
    }) : () -> ()
    return
  }
}

#map = affine_map<(d0, d1) -> (0, 0)>
#map1 = affine_map<(d0, d1) -> (0)>
module attributes {stable_mosaic.version = 14 : i64} {
  func.func @_sc_degree(%arg0: i32, %arg1: i32, %arg2: memref<2560x128xi32, #tpu.memory_space<hbm>>, %arg3: memref<20480xf32, #tpu.memory_space<hbm>>, %arg4: memref<80x128xi32, #tpu.memory_space<vmem>>, %arg5: memref<128xf32, #tpu.memory_space<vmem>>, %arg6: memref<640xf32, #tpu.memory_space<vmem>>, %arg7: memref<10240xf32, #tpu.memory_space<vmem_shared>>, %arg8: memref<!tpu.dma_semaphore, #tpu.memory_space<semaphore_mem>>, %arg9: memref<!tpu.dma_semaphore, #tpu.memory_space<semaphore_mem>>, %arg10: memref<!tpu.dma_semaphore, #tpu.memory_space<semaphore_mem>>, %arg11: memref<!tpu.dma_semaphore, #tpu.memory_space<semaphore_mem>>, %arg12: memref<!tpu.dma_semaphore, #tpu.memory_space<semaphore_mem>>, %arg13: memref<!tpu.dma_semaphore, #tpu.memory_space<semaphore_mem>>, %arg14: memref<!tpu.dma_semaphore, #tpu.memory_space<semaphore_mem>>, %arg15: memref<!tpu.dma_semaphore, #tpu.memory_space<semaphore_mem>>) attributes {dimension_semantics = [#tpu.dimension_semantics<core_parallel>, #tpu.dimension_semantics<subcore_parallel>], iteration_bounds = array<i64: 2, 16>, scalar_prefetch = 0 : i64, scratch_operands = 12 : i64, tpu.core_type = #tpu.core_type<sc_vector_subcore>, window_params = [{transform_indices = #map}, {transform_indices = #map1}]} {
    %broadcast_in_dim3A = arith.constant 1.000000e+00 : f32
    %broadcast_in_dim3A_0 = vector.broadcast %broadcast_in_dim3A : f32 to vector<16xf32>
    %swap3A = arith.constant 0 : index
    %swap3A_1 = tpu.vector_load %arg5[%swap3A] {strides = array<i32>} : memref<128xf32, #tpu.memory_space<vmem>>, vector<16xf32>,
    %swap3A_2 = vector.shape_cast %swap3A_1 : vector<16xf32> to vector<16xf32>
    %swap3A_3 = vector.shape_cast %broadcast_in_dim3A_0 : vector<16xf32> to vector<16xf32>
    tpu.vector_store %arg5[%swap3A], %swap3A_3 {strides = array<i32>} : memref<128xf32, #tpu.memory_space<vmem>>, vector<16xf32>,
    %broadcast_in_dim3A_4 = arith.constant 1.000000e+00 : f32
    %broadcast_in_dim3A_5 = vector.broadcast %broadcast_in_dim3A_4 : f32 to vector<16xf32>
    %swap3A_6 = arith.constant 16 : index
    %swap3A_7 = tpu.vector_load %arg5[%swap3A_6] {strides = array<i32>} : memref<128xf32, #tpu.memory_space<vmem>>, vector<16xf32>,
    %swap3A_8 = vector.shape_cast %swap3A_7 : vector<16xf32> to vector<16xf32>
    %swap3A_9 = vector.shape_cast %broadcast_in_dim3A_5 : vector<16xf32> to vector<16xf32>
    tpu.vector_store %arg5[%swap3A_6], %swap3A_9 {strides = array<i32>} : memref<128xf32, #tpu.memory_space<vmem>>, vector<16xf32>,
    %broadcast_in_dim3A_10 = arith.constant 1.000000e+00 : f32
    %broadcast_in_dim3A_11 = vector.broadcast %broadcast_in_dim3A_10 : f32 to vector<16xf32>
    %swap3A_12 = arith.constant 32 : index
    %swap3A_13 = tpu.vector_load %arg5[%swap3A_12] {strides = array<i32>} : memref<128xf32, #tpu.memory_space<vmem>>, vector<16xf32>,
    %swap3A_14 = vector.shape_cast %swap3A_13 : vector<16xf32> to vector<16xf32>
    %swap3A_15 = vector.shape_cast %broadcast_in_dim3A_11 : vector<16xf32> to vector<16xf32>
    tpu.vector_store %arg5[%swap3A_12], %swap3A_15 {strides = array<i32>} : memref<128xf32, #tpu.memory_space<vmem>>, vector<16xf32>,
    %broadcast_in_dim3A_16 = arith.constant 1.000000e+00 : f32
    %broadcast_in_dim3A_17 = vector.broadcast %broadcast_in_dim3A_16 : f32 to vector<16xf32>
    %swap3A_18 = arith.constant 48 : index
    %swap3A_19 = tpu.vector_load %arg5[%swap3A_18] {strides = array<i32>} : memref<128xf32, #tpu.memory_space<vmem>>, vector<16xf32>,
    %swap3A_20 = vector.shape_cast %swap3A_19 : vector<16xf32> to vector<16xf32>
    %swap3A_21 = vector.shape_cast %broadcast_in_dim3A_17 : vector<16xf32> to vector<16xf32>
    tpu.vector_store %arg5[%swap3A_18], %swap3A_21 {strides = array<i32>} : memref<128xf32, #tpu.memory_space<vmem>>, vector<16xf32>,
    %broadcast_in_dim3A_22 = arith.constant 1.000000e+00 : f32
    %broadcast_in_dim3A_23 = vector.broadcast %broadcast_in_dim3A_22 : f32 to vector<16xf32>
    %swap3A_24 = arith.constant 64 : index
    %swap3A_25 = tpu.vector_load %arg5[%swap3A_24] {strides = array<i32>} : memref<128xf32, #tpu.memory_space<vmem>>, vector<16xf32>,
    %swap3A_26 = vector.shape_cast %swap3A_25 : vector<16xf32> to vector<16xf32>
    %swap3A_27 = vector.shape_cast %broadcast_in_dim3A_23 : vector<16xf32> to vector<16xf32>
    tpu.vector_store %arg5[%swap3A_24], %swap3A_27 {strides = array<i32>} : memref<128xf32, #tpu.memory_space<vmem>>, vector<16xf32>,
    %broadcast_in_dim3A_28 = arith.constant 1.000000e+00 : f32
    %broadcast_in_dim3A_29 = vector.broadcast %broadcast_in_dim3A_28 : f32 to vector<16xf32>
    %swap3A_30 = arith.constant 80 : index
    %swap3A_31 = tpu.vector_load %arg5[%swap3A_30] {strides = array<i32>} : memref<128xf32, #tpu.memory_space<vmem>>, vector<16xf32>,
    %swap3A_32 = vector.shape_cast %swap3A_31 : vector<16xf32> to vector<16xf32>
    %swap3A_33 = vector.shape_cast %broadcast_in_dim3A_29 : vector<16xf32> to vector<16xf32>
    tpu.vector_store %arg5[%swap3A_30], %swap3A_33 {strides = array<i32>} : memref<128xf32, #tpu.memory_space<vmem>>, vector<16xf32>,
    %broadcast_in_dim3A_34 = arith.constant 1.000000e+00 : f32
    %broadcast_in_dim3A_35 = vector.broadcast %broadcast_in_dim3A_34 : f32 to vector<16xf32>
    %swap3A_36 = arith.constant 96 : index
    %swap3A_37 = tpu.vector_load %arg5[%swap3A_36] {strides = array<i32>} : memref<128xf32, #tpu.memory_space<vmem>>, vector<16xf32>,
    %swap3A_38 = vector.shape_cast %swap3A_37 : vector<16xf32> to vector<16xf32>
    %swap3A_39 = vector.shape_cast %broadcast_in_dim3A_35 : vector<16xf32> to vector<16xf32>
    tpu.vector_store %arg5[%swap3A_36], %swap3A_39 {strides = array<i32>} : memref<128xf32, #tpu.memory_space<vmem>>, vector<16xf32>,
    %broadcast_in_dim3A_40 = arith.constant 1.000000e+00 : f32
    %broadcast_in_dim3A_41 = vector.broadcast %broadcast_in_dim3A_40 : f32 to vector<16xf32>
    %swap3A_42 = arith.constant 112 : index
    %swap3A_43 = tpu.vector_load %arg5[%swap3A_42] {strides = array<i32>} : memref<128xf32, #tpu.memory_space<vmem>>, vector<16xf32>,
    %swap3A_44 = vector.shape_cast %swap3A_43 : vector<16xf32> to vector<16xf32>
    %swap3A_45 = vector.shape_cast %broadcast_in_dim3A_41 : vector<16xf32> to vector<16xf32>
    tpu.vector_store %arg5[%swap3A_42], %swap3A_45 {strides = array<i32>} : memref<128xf32, #tpu.memory_space<vmem>>, vector<16xf32>,
    %broadcast_in_dim3A_46 = arith.constant 0.000000e+00 : f32
    %broadcast_in_dim3A_47 = vector.broadcast %broadcast_in_dim3A_46 : f32 to vector<16xf32>
    %swap3A_48 = arith.constant 0 : index
    %swap3A_49 = tpu.vector_load %arg6[%swap3A_48] {strides = array<i32>} : memref<640xf32, #tpu.memory_space<vmem>>, vector<16xf32>,
    %swap3A_50 = vector.shape_cast %swap3A_49 : vector<16xf32> to vector<16xf32>
    %swap3A_51 = vector.shape_cast %broadcast_in_dim3A_47 : vector<16xf32> to vector<16xf32>
    tpu.vector_store %arg6[%swap3A_48], %swap3A_51 {strides = array<i32>} : memref<640xf32, #tpu.memory_space<vmem>>, vector<16xf32>,
    %broadcast_in_dim3A_52 = arith.constant 0.000000e+00 : f32
    %broadcast_in_dim3A_53 = vector.broadcast %broadcast_in_dim3A_52 : f32 to vector<16xf32>
    %swap3A_54 = arith.constant 16 : index
    %swap3A_55 = tpu.vector_load %arg6[%swap3A_54] {strides = array<i32>} : memref<640xf32, #tpu.memory_space<vmem>>, vector<16xf32>,
    %swap3A_56 = vector.shape_cast %swap3A_55 : vector<16xf32> to vector<16xf32>
    %swap3A_57 = vector.shape_cast %broadcast_in_dim3A_53 : vector<16xf32> to vector<16xf32>
    tpu.vector_store %arg6[%swap3A_54], %swap3A_57 {strides = array<i32>} : memref<640xf32, #tpu.memory_space<vmem>>, vector<16xf32>,
    %broadcast_in_dim3A_58 = arith.constant 0.000000e+00 : f32
    %broadcast_in_dim3A_59 = vector.broadcast %broadcast_in_dim3A_58 : f32 to vector<16xf32>
    %swap3A_60 = arith.constant 32 : index
    %swap3A_61 = tpu.vector_load %arg6[%swap3A_60] {strides = array<i32>} : memref<640xf32, #tpu.memory_space<vmem>>, vector<16xf32>,
    %swap3A_62 = vector.shape_cast %swap3A_61 : vector<16xf32> to vector<16xf32>
    %swap3A_63 = vector.shape_cast %broadcast_in_dim3A_59 : vector<16xf32> to vector<16xf32>
    tpu.vector_store %arg6[%swap3A_60], %swap3A_63 {strides = array<i32>} : memref<640xf32, #tpu.memory_space<vmem>>, vector<16xf32>,
    %broadcast_in_dim3A_64 = arith.constant 0.000000e+00 : f32
    %broadcast_in_dim3A_65 = vector.broadcast %broadcast_in_dim3A_64 : f32 to vector<16xf32>
    %swap3A_66 = arith.constant 48 : index
    %swap3A_67 = tpu.vector_load %arg6[%swap3A_66] {strides = array<i32>} : memref<640xf32, #tpu.memory_space<vmem>>, vector<16xf32>,
    %swap3A_68 = vector.shape_cast %swap3A_67 : vector<16xf32> to vector<16xf32>
    %swap3A_69 = vector.shape_cast %broadcast_in_dim3A_65 : vector<16xf32> to vector<16xf32>
    tpu.vector_store %arg6[%swap3A_66], %swap3A_69 {strides = array<i32>} : memref<640xf32, #tpu.memory_space<vmem>>, vector<16xf32>,
    %broadcast_in_dim3A_70 = arith.constant 0.000000e+00 : f32
    %broadcast_in_dim3A_71 = vector.broadcast %broadcast_in_dim3A_70 : f32 to vector<16xf32>
    %swap3A_72 = arith.constant 64 : index
    %swap3A_73 = tpu.vector_load %arg6[%swap3A_72] {strides = array<i32>} : memref<640xf32, #tpu.memory_space<vmem>>, vector<16xf32>,
    %swap3A_74 = vector.shape_cast %swap3A_73 : vector<16xf32> to vector<16xf32>
    %swap3A_75 = vector.shape_cast %broadcast_in_dim3A_71 : vector<16xf32> to vector<16xf32>
    tpu.vector_store %arg6[%swap3A_72], %swap3A_75 {strides = array<i32>} : memref<640xf32, #tpu.memory_space<vmem>>, vector<16xf32>,
    %broadcast_in_dim3A_76 = arith.constant 0.000000e+00 : f32
    %broadcast_in_dim3A_77 = vector.broadcast %broadcast_in_dim3A_76 : f32 to vector<16xf32>
    %swap3A_78 = arith.constant 80 : index
    %swap3A_79 = tpu.vector_load %arg6[%swap3A_78] {strides = array<i32>} : memref<640xf32, #tpu.memory_space<vmem>>, vector<16xf32>,
    %swap3A_80 = vector.shape_cast %swap3A_79 : vector<16xf32> to vector<16xf32>
    %swap3A_81 = vector.shape_cast %broadcast_in_dim3A_77 : vector<16xf32> to vector<16xf32>
    tpu.vector_store %arg6[%swap3A_78], %swap3A_81 {strides = array<i32>} : memref<640xf32, #tpu.memory_space<vmem>>, vector<16xf32>,
    %broadcast_in_dim3A_82 = arith.constant 0.000000e+00 : f32
    %broadcast_in_dim3A_83 = vector.broadcast %broadcast_in_dim3A_82 : f32 to vector<16xf32>
    %swap3A_84 = arith.constant 96 : index
    %swap3A_85 = tpu.vector_load %arg6[%swap3A_84] {strides = array<i32>} : memref<640xf32, #tpu.memory_space<vmem>>, vector<16xf32>,
    %swap3A_86 = vector.shape_cast %swap3A_85 : vector<16xf32> to vector<16xf32>
    %swap3A_87 = vector.shape_cast %broadcast_in_dim3A_83 : vector<16xf32> to vector<16xf32>
    tpu.vector_store %arg6[%swap3A_84], %swap3A_87 {strides = array<i32>} : memref<640xf32, #tpu.memory_space<vmem>>, vector<16xf32>,
    %broadcast_in_dim3A_88 = arith.constant 0.000000e+00 : f32
    %broadcast_in_dim3A_89 = vector.broadcast %broadcast_in_dim3A_88 : f32 to vector<16xf32>
    %swap3A_90 = arith.constant 112 : index
    %swap3A_91 = tpu.vector_load %arg6[%swap3A_90] {strides = array<i32>} : memref<640xf32, #tpu.memory_space<vmem>>, vector<16xf32>,
    %swap3A_92 = vector.shape_cast %swap3A_91 : vector<16xf32> to vector<16xf32>
    %swap3A_93 = vector.shape_cast %broadcast_in_dim3A_89 : vector<16xf32> to vector<16xf32>
    tpu.vector_store %arg6[%swap3A_90], %swap3A_93 {strides = array<i32>} : memref<640xf32, #tpu.memory_space<vmem>>, vector<16xf32>,
    %broadcast_in_dim3A_94 = arith.constant 0.000000e+00 : f32
    %broadcast_in_dim3A_95 = vector.broadcast %broadcast_in_dim3A_94 : f32 to vector<16xf32>
    %swap3A_96 = arith.constant 128 : index
    %swap3A_97 = tpu.vector_load %arg6[%swap3A_96] {strides = array<i32>} : memref<640xf32, #tpu.memory_space<vmem>>, vector<16xf32>,
    %swap3A_98 = vector.shape_cast %swap3A_97 : vector<16xf32> to vector<16xf32>
    %swap3A_99 = vector.shape_cast %broadcast_in_dim3A_95 : vector<16xf32> to vector<16xf32>
    tpu.vector_store %arg6[%swap3A_96], %swap3A_99 {strides = array<i32>} : memref<640xf32, #tpu.memory_space<vmem>>, vector<16xf32>,
    %broadcast_in_dim3A_100 = arith.constant 0.000000e+00 : f32
    %broadcast_in_dim3A_101 = vector.broadcast %broadcast_in_dim3A_100 : f32 to vector<16xf32>
    %swap3A_102 = arith.constant 144 : index
    %swap3A_103 = tpu.vector_load %arg6[%swap3A_102] {strides = array<i32>} : memref<640xf32, #tpu.memory_space<vmem>>, vector<16xf32>,
    %swap3A_104 = vector.shape_cast %swap3A_103 : vector<16xf32> to vector<16xf32>
    %swap3A_105 = vector.shape_cast %broadcast_in_dim3A_101 : vector<16xf32> to vector<16xf32>
    tpu.vector_store %arg6[%swap3A_102], %swap3A_105 {strides = array<i32>} : memref<640xf32, #tpu.memory_space<vmem>>, vector<16xf32>,
    %broadcast_in_dim3A_106 = arith.constant 0.000000e+00 : f32
    %broadcast_in_dim3A_107 = vector.broadcast %broadcast_in_dim3A_106 : f32 to vector<16xf32>
    %swap3A_108 = arith.constant 160 : index
    %swap3A_109 = tpu.vector_load %arg6[%swap3A_108] {strides = array<i32>} : memref<640xf32, #tpu.memory_space<vmem>>, vector<16xf32>,
    %swap3A_110 = vector.shape_cast %swap3A_109 : vector<16xf32> to vector<16xf32>
    %swap3A_111 = vector.shape_cast %broadcast_in_dim3A_107 : vector<16xf32> to vector<16xf32>
    tpu.vector_store %arg6[%swap3A_108], %swap3A_111 {strides = array<i32>} : memref<640xf32, #tpu.memory_space<vmem>>, vector<16xf32>,
    %broadcast_in_dim3A_112 = arith.constant 0.000000e+00 : f32
    %broadcast_in_dim3A_113 = vector.broadcast %broadcast_in_dim3A_112 : f32 to vector<16xf32>
    %swap3A_114 = arith.constant 176 : index
    %swap3A_115 = tpu.vector_load %arg6[%swap3A_114] {strides = array<i32>} : memref<640xf32, #tpu.memory_space<vmem>>, vector<16xf32>,
    %swap3A_116 = vector.shape_cast %swap3A_115 : vector<16xf32> to vector<16xf32>
    %swap3A_117 = vector.shape_cast %broadcast_in_dim3A_113 : vector<16xf32> to vector<16xf32>
    tpu.vector_store %arg6[%swap3A_114], %swap3A_117 {strides = array<i32>} : memref<640xf32, #tpu.memory_space<vmem>>, vector<16xf32>,
    %broadcast_in_dim3A_118 = arith.constant 0.000000e+00 : f32
    %broadcast_in_dim3A_119 = vector.broadcast %broadcast_in_dim3A_118 : f32 to vector<16xf32>
    %swap3A_120 = arith.constant 192 : index
    %swap3A_121 = tpu.vector_load %arg6[%swap3A_120] {strides = array<i32>} : memref<640xf32, #tpu.memory_space<vmem>>, vector<16xf32>,
    %swap3A_122 = vector.shape_cast %swap3A_121 : vector<16xf32> to vector<16xf32>
    %swap3A_123 = vector.shape_cast %broadcast_in_dim3A_119 : vector<16xf32> to vector<16xf32>
    tpu.vector_store %arg6[%swap3A_120], %swap3A_123 {strides = array<i32>} : memref<640xf32, #tpu.memory_space<vmem>>, vector<16xf32>,
    %broadcast_in_dim3A_124 = arith.constant 0.000000e+00 : f32
    %broadcast_in_dim3A_125 = vector.broadcast %broadcast_in_dim3A_124 : f32 to vector<16xf32>
    %swap3A_126 = arith.constant 208 : index
    %swap3A_127 = tpu.vector_load %arg6[%swap3A_126] {strides = array<i32>} : memref<640xf32, #tpu.memory_space<vmem>>, vector<16xf32>,
    %swap3A_128 = vector.shape_cast %swap3A_127 : vector<16xf32> to vector<16xf32>
    %swap3A_129 = vector.shape_cast %broadcast_in_dim3A_125 : vector<16xf32> to vector<16xf32>
    tpu.vector_store %arg6[%swap3A_126], %swap3A_129 {strides = array<i32>} : memref<640xf32, #tpu.memory_space<vmem>>, vector<16xf32>,
    %broadcast_in_dim3A_130 = arith.constant 0.000000e+00 : f32
    %broadcast_in_dim3A_131 = vector.broadcast %broadcast_in_dim3A_130 : f32 to vector<16xf32>
    %swap3A_132 = arith.constant 224 : index
    %swap3A_133 = tpu.vector_load %arg6[%swap3A_132] {strides = array<i32>} : memref<640xf32, #tpu.memory_space<vmem>>, vector<16xf32>,
    %swap3A_134 = vector.shape_cast %swap3A_133 : vector<16xf32> to vector<16xf32>
    %swap3A_135 = vector.shape_cast %broadcast_in_dim3A_131 : vector<16xf32> to vector<16xf32>
    tpu.vector_store %arg6[%swap3A_132], %swap3A_135 {strides = array<i32>} : memref<640xf32, #tpu.memory_space<vmem>>, vector<16xf32>,
    %broadcast_in_dim3A_136 = arith.constant 0.000000e+00 : f32
    %broadcast_in_dim3A_137 = vector.broadcast %broadcast_in_dim3A_136 : f32 to vector<16xf32>
    %swap3A_138 = arith.constant 240 : index
    %swap3A_139 = tpu.vector_load %arg6[%swap3A_138] {strides = array<i32>} : memref<640xf32, #tpu.memory_space<vmem>>, vector<16xf32>,
    %swap3A_140 = vector.shape_cast %swap3A_139 : vector<16xf32> to vector<16xf32>
    %swap3A_141 = vector.shape_cast %broadcast_in_dim3A_137 : vector<16xf32> to vector<16xf32>
    tpu.vector_store %arg6[%swap3A_138], %swap3A_141 {strides = array<i32>} : memref<640xf32, #tpu.memory_space<vmem>>, vector<16xf32>,
    %broadcast_in_dim3A_142 = arith.constant 0.000000e+00 : f32
    %broadcast_in_dim3A_143 = vector.broadcast %broadcast_in_dim3A_142 : f32 to vector<16xf32>
    %swap3A_144 = arith.constant 256 : index
    %swap3A_145 = tpu.vector_load %arg6[%swap3A_144] {strides = array<i32>} : memref<640xf32, #tpu.memory_space<vmem>>, vector<16xf32>,
    %swap3A_146 = vector.shape_cast %swap3A_145 : vector<16xf32> to vector<16xf32>
    %swap3A_147 = vector.shape_cast %broadcast_in_dim3A_143 : vector<16xf32> to vector<16xf32>
    tpu.vector_store %arg6[%swap3A_144], %swap3A_147 {strides = array<i32>} : memref<640xf32, #tpu.memory_space<vmem>>, vector<16xf32>,
    %broadcast_in_dim3A_148 = arith.constant 0.000000e+00 : f32
    %broadcast_in_dim3A_149 = vector.broadcast %broadcast_in_dim3A_148 : f32 to vector<16xf32>
    %swap3A_150 = arith.constant 272 : index
    %swap3A_151 = tpu.vector_load %arg6[%swap3A_150] {strides = array<i32>} : memref<640xf32, #tpu.memory_space<vmem>>, vector<16xf32>,
    %swap3A_152 = vector.shape_cast %swap3A_151 : vector<16xf32> to vector<16xf32>
    %swap3A_153 = vector.shape_cast %broadcast_in_dim3A_149 : vector<16xf32> to vector<16xf32>
    tpu.vector_store %arg6[%swap3A_150], %swap3A_153 {strides = array<i32>} : memref<640xf32, #tpu.memory_space<vmem>>, vector<16xf32>,
    %broadcast_in_dim3A_154 = arith.constant 0.000000e+00 : f32
    %broadcast_in_dim3A_155 = vector.broadcast %broadcast_in_dim3A_154 : f32 to vector<16xf32>
    %swap3A_156 = arith.constant 288 : index
    %swap3A_157 = tpu.vector_load %arg6[%swap3A_156] {strides = array<i32>} : memref<640xf32, #tpu.memory_space<vmem>>, vector<16xf32>,
    %swap3A_158 = vector.shape_cast %swap3A_157 : vector<16xf32> to vector<16xf32>
    %swap3A_159 = vector.shape_cast %broadcast_in_dim3A_155 : vector<16xf32> to vector<16xf32>
    tpu.vector_store %arg6[%swap3A_156], %swap3A_159 {strides = array<i32>} : memref<640xf32, #tpu.memory_space<vmem>>, vector<16xf32>,
    %broadcast_in_dim3A_160 = arith.constant 0.000000e+00 : f32
    %broadcast_in_dim3A_161 = vector.broadcast %broadcast_in_dim3A_160 : f32 to vector<16xf32>
    %swap3A_162 = arith.constant 304 : index
    %swap3A_163 = tpu.vector_load %arg6[%swap3A_162] {strides = array<i32>} : memref<640xf32, #tpu.memory_space<vmem>>, vector<16xf32>,
    %swap3A_164 = vector.shape_cast %swap3A_163 : vector<16xf32> to vector<16xf32>
    %swap3A_165 = vector.shape_cast %broadcast_in_dim3A_161 : vector<16xf32> to vector<16xf32>
    tpu.vector_store %arg6[%swap3A_162], %swap3A_165 {strides = array<i32>} : memref<640xf32, #tpu.memory_space<vmem>>, vector<16xf32>,
    %broadcast_in_dim3A_166 = arith.constant 0.000000e+00 : f32
    %broadcast_in_dim3A_167 = vector.broadcast %broadcast_in_dim3A_166 : f32 to vector<16xf32>
    %swap3A_168 = arith.constant 320 : index
    %swap3A_169 = tpu.vector_load %arg6[%swap3A_168] {strides = array<i32>} : memref<640xf32, #tpu.memory_space<vmem>>, vector<16xf32>,
    %swap3A_170 = vector.shape_cast %swap3A_169 : vector<16xf32> to vector<16xf32>
    %swap3A_171 = vector.shape_cast %broadcast_in_dim3A_167 : vector<16xf32> to vector<16xf32>
    tpu.vector_store %arg6[%swap3A_168], %swap3A_171 {strides = array<i32>} : memref<640xf32, #tpu.memory_space<vmem>>, vector<16xf32>,
    %broadcast_in_dim3A_172 = arith.constant 0.000000e+00 : f32
    %broadcast_in_dim3A_173 = vector.broadcast %broadcast_in_dim3A_172 : f32 to vector<16xf32>
    %swap3A_174 = arith.constant 336 : index
    %swap3A_175 = tpu.vector_load %arg6[%swap3A_174] {strides = array<i32>} : memref<640xf32, #tpu.memory_space<vmem>>, vector<16xf32>,
    %swap3A_176 = vector.shape_cast %swap3A_175 : vector<16xf32> to vector<16xf32>
    %swap3A_177 = vector.shape_cast %broadcast_in_dim3A_173 : vector<16xf32> to vector<16xf32>
    tpu.vector_store %arg6[%swap3A_174], %swap3A_177 {strides = array<i32>} : memref<640xf32, #tpu.memory_space<vmem>>, vector<16xf32>,
    %broadcast_in_dim3A_178 = arith.constant 0.000000e+00 : f32
    %broadcast_in_dim3A_179 = vector.broadcast %broadcast_in_dim3A_178 : f32 to vector<16xf32>
    %swap3A_180 = arith.constant 352 : index
    %swap3A_181 = tpu.vector_load %arg6[%swap3A_180] {strides = array<i32>} : memref<640xf32, #tpu.memory_space<vmem>>, vector<16xf32>,
    %swap3A_182 = vector.shape_cast %swap3A_181 : vector<16xf32> to vector<16xf32>
    %swap3A_183 = vector.shape_cast %broadcast_in_dim3A_179 : vector<16xf32> to vector<16xf32>
    tpu.vector_store %arg6[%swap3A_180], %swap3A_183 {strides = array<i32>} : memref<640xf32, #tpu.memory_space<vmem>>, vector<16xf32>,
    %broadcast_in_dim3A_184 = arith.constant 0.000000e+00 : f32
    %broadcast_in_dim3A_185 = vector.broadcast %broadcast_in_dim3A_184 : f32 to vector<16xf32>
    %swap3A_186 = arith.constant 368 : index
    %swap3A_187 = tpu.vector_load %arg6[%swap3A_186] {strides = array<i32>} : memref<640xf32, #tpu.memory_space<vmem>>, vector<16xf32>,
    %swap3A_188 = vector.shape_cast %swap3A_187 : vector<16xf32> to vector<16xf32>
    %swap3A_189 = vector.shape_cast %broadcast_in_dim3A_185 : vector<16xf32> to vector<16xf32>
    tpu.vector_store %arg6[%swap3A_186], %swap3A_189 {strides = array<i32>} : memref<640xf32, #tpu.memory_space<vmem>>, vector<16xf32>,
    %broadcast_in_dim3A_190 = arith.constant 0.000000e+00 : f32
    %broadcast_in_dim3A_191 = vector.broadcast %broadcast_in_dim3A_190 : f32 to vector<16xf32>
    %swap3A_192 = arith.constant 384 : index
    %swap3A_193 = tpu.vector_load %arg6[%swap3A_192] {strides = array<i32>} : memref<640xf32, #tpu.memory_space<vmem>>, vector<16xf32>,
    %swap3A_194 = vector.shape_cast %swap3A_193 : vector<16xf32> to vector<16xf32>
    %swap3A_195 = vector.shape_cast %broadcast_in_dim3A_191 : vector<16xf32> to vector<16xf32>
    tpu.vector_store %arg6[%swap3A_192], %swap3A_195 {strides = array<i32>} : memref<640xf32, #tpu.memory_space<vmem>>, vector<16xf32>,
    %broadcast_in_dim3A_196 = arith.constant 0.000000e+00 : f32
    %broadcast_in_dim3A_197 = vector.broadcast %broadcast_in_dim3A_196 : f32 to vector<16xf32>
    %swap3A_198 = arith.constant 400 : index
    %swap3A_199 = tpu.vector_load %arg6[%swap3A_198] {strides = array<i32>} : memref<640xf32, #tpu.memory_space<vmem>>, vector<16xf32>,
    %swap3A_200 = vector.shape_cast %swap3A_199 : vector<16xf32> to vector<16xf32>
    %swap3A_201 = vector.shape_cast %broadcast_in_dim3A_197 : vector<16xf32> to vector<16xf32>
    tpu.vector_store %arg6[%swap3A_198], %swap3A_201 {strides = array<i32>} : memref<640xf32, #tpu.memory_space<vmem>>, vector<16xf32>,
    %broadcast_in_dim3A_202 = arith.constant 0.000000e+00 : f32
    %broadcast_in_dim3A_203 = vector.broadcast %broadcast_in_dim3A_202 : f32 to vector<16xf32>
    %swap3A_204 = arith.constant 416 : index
    %swap3A_205 = tpu.vector_load %arg6[%swap3A_204] {strides = array<i32>} : memref<640xf32, #tpu.memory_space<vmem>>, vector<16xf32>,
    %swap3A_206 = vector.shape_cast %swap3A_205 : vector<16xf32> to vector<16xf32>
    %swap3A_207 = vector.shape_cast %broadcast_in_dim3A_203 : vector<16xf32> to vector<16xf32>
    tpu.vector_store %arg6[%swap3A_204], %swap3A_207 {strides = array<i32>} : memref<640xf32, #tpu.memory_space<vmem>>, vector<16xf32>,
    %broadcast_in_dim3A_208 = arith.constant 0.000000e+00 : f32
    %broadcast_in_dim3A_209 = vector.broadcast %broadcast_in_dim3A_208 : f32 to vector<16xf32>
    %swap3A_210 = arith.constant 432 : index
    %swap3A_211 = tpu.vector_load %arg6[%swap3A_210] {strides = array<i32>} : memref<640xf32, #tpu.memory_space<vmem>>, vector<16xf32>,
    %swap3A_212 = vector.shape_cast %swap3A_211 : vector<16xf32> to vector<16xf32>
    %swap3A_213 = vector.shape_cast %broadcast_in_dim3A_209 : vector<16xf32> to vector<16xf32>
    tpu.vector_store %arg6[%swap3A_210], %swap3A_213 {strides = array<i32>} : memref<640xf32, #tpu.memory_space<vmem>>, vector<16xf32>,
    %broadcast_in_dim3A_214 = arith.constant 0.000000e+00 : f32
    %broadcast_in_dim3A_215 = vector.broadcast %broadcast_in_dim3A_214 : f32 to vector<16xf32>
    %swap3A_216 = arith.constant 448 : index
    %swap3A_217 = tpu.vector_load %arg6[%swap3A_216] {strides = array<i32>} : memref<640xf32, #tpu.memory_space<vmem>>, vector<16xf32>,
    %swap3A_218 = vector.shape_cast %swap3A_217 : vector<16xf32> to vector<16xf32>
    %swap3A_219 = vector.shape_cast %broadcast_in_dim3A_215 : vector<16xf32> to vector<16xf32>
    tpu.vector_store %arg6[%swap3A_216], %swap3A_219 {strides = array<i32>} : memref<640xf32, #tpu.memory_space<vmem>>, vector<16xf32>,
    %broadcast_in_dim3A_220 = arith.constant 0.000000e+00 : f32
    %broadcast_in_dim3A_221 = vector.broadcast %broadcast_in_dim3A_220 : f32 to vector<16xf32>
    %swap3A_222 = arith.constant 464 : index
    %swap3A_223 = tpu.vector_load %arg6[%swap3A_222] {strides = array<i32>} : memref<640xf32, #tpu.memory_space<vmem>>, vector<16xf32>,
    %swap3A_224 = vector.shape_cast %swap3A_223 : vector<16xf32> to vector<16xf32>
    %swap3A_225 = vector.shape_cast %broadcast_in_dim3A_221 : vector<16xf32> to vector<16xf32>
    tpu.vector_store %arg6[%swap3A_222], %swap3A_225 {strides = array<i32>} : memref<640xf32, #tpu.memory_space<vmem>>, vector<16xf32>,
    %broadcast_in_dim3A_226 = arith.constant 0.000000e+00 : f32
    %broadcast_in_dim3A_227 = vector.broadcast %broadcast_in_dim3A_226 : f32 to vector<16xf32>
    %swap3A_228 = arith.constant 480 : index
    %swap3A_229 = tpu.vector_load %arg6[%swap3A_228] {strides = array<i32>} : memref<640xf32, #tpu.memory_space<vmem>>, vector<16xf32>,
    %swap3A_230 = vector.shape_cast %swap3A_229 : vector<16xf32> to vector<16xf32>
    %swap3A_231 = vector.shape_cast %broadcast_in_dim3A_227 : vector<16xf32> to vector<16xf32>
    tpu.vector_store %arg6[%swap3A_228], %swap3A_231 {strides = array<i32>} : memref<640xf32, #tpu.memory_space<vmem>>, vector<16xf32>,
    %broadcast_in_dim3A_232 = arith.constant 0.000000e+00 : f32
    %broadcast_in_dim3A_233 = vector.broadcast %broadcast_in_dim3A_232 : f32 to vector<16xf32>
    %swap3A_234 = arith.constant 496 : index
    %swap3A_235 = tpu.vector_load %arg6[%swap3A_234] {strides = array<i32>} : memref<640xf32, #tpu.memory_space<vmem>>, vector<16xf32>,
    %swap3A_236 = vector.shape_cast %swap3A_235 : vector<16xf32> to vector<16xf32>
    %swap3A_237 = vector.shape_cast %broadcast_in_dim3A_233 : vector<16xf32> to vector<16xf32>
    tpu.vector_store %arg6[%swap3A_234], %swap3A_237 {strides = array<i32>} : memref<640xf32, #tpu.memory_space<vmem>>, vector<16xf32>,
    %broadcast_in_dim3A_238 = arith.constant 0.000000e+00 : f32
    %broadcast_in_dim3A_239 = vector.broadcast %broadcast_in_dim3A_238 : f32 to vector<16xf32>
    %swap3A_240 = arith.constant 512 : index
    %swap3A_241 = tpu.vector_load %arg6[%swap3A_240] {strides = array<i32>} : memref<640xf32, #tpu.memory_space<vmem>>, vector<16xf32>,
    %swap3A_242 = vector.shape_cast %swap3A_241 : vector<16xf32> to vector<16xf32>
    %swap3A_243 = vector.shape_cast %broadcast_in_dim3A_239 : vector<16xf32> to vector<16xf32>
    tpu.vector_store %arg6[%swap3A_240], %swap3A_243 {strides = array<i32>} : memref<640xf32, #tpu.memory_space<vmem>>, vector<16xf32>,
    %broadcast_in_dim3A_244 = arith.constant 0.000000e+00 : f32
    %broadcast_in_dim3A_245 = vector.broadcast %broadcast_in_dim3A_244 : f32 to vector<16xf32>
    %swap3A_246 = arith.constant 528 : index
    %swap3A_247 = tpu.vector_load %arg6[%swap3A_246] {strides = array<i32>} : memref<640xf32, #tpu.memory_space<vmem>>, vector<16xf32>,
    %swap3A_248 = vector.shape_cast %swap3A_247 : vector<16xf32> to vector<16xf32>
    %swap3A_249 = vector.shape_cast %broadcast_in_dim3A_245 : vector<16xf32> to vector<16xf32>
    tpu.vector_store %arg6[%swap3A_246], %swap3A_249 {strides = array<i32>} : memref<640xf32, #tpu.memory_space<vmem>>, vector<16xf32>,
    %broadcast_in_dim3A_250 = arith.constant 0.000000e+00 : f32
    %broadcast_in_dim3A_251 = vector.broadcast %broadcast_in_dim3A_250 : f32 to vector<16xf32>
    %swap3A_252 = arith.constant 544 : index
    %swap3A_253 = tpu.vector_load %arg6[%swap3A_252] {strides = array<i32>} : memref<640xf32, #tpu.memory_space<vmem>>, vector<16xf32>,
    %swap3A_254 = vector.shape_cast %swap3A_253 : vector<16xf32> to vector<16xf32>
    %swap3A_255 = vector.shape_cast %broadcast_in_dim3A_251 : vector<16xf32> to vector<16xf32>
    tpu.vector_store %arg6[%swap3A_252], %swap3A_255 {strides = array<i32>} : memref<640xf32, #tpu.memory_space<vmem>>, vector<16xf32>,
    %broadcast_in_dim3A_256 = arith.constant 0.000000e+00 : f32
    %broadcast_in_dim3A_257 = vector.broadcast %broadcast_in_dim3A_256 : f32 to vector<16xf32>
    %swap3A_258 = arith.constant 560 : index
    %swap3A_259 = tpu.vector_load %arg6[%swap3A_258] {strides = array<i32>} : memref<640xf32, #tpu.memory_space<vmem>>, vector<16xf32>,
    %swap3A_260 = vector.shape_cast %swap3A_259 : vector<16xf32> to vector<16xf32>
    %swap3A_261 = vector.shape_cast %broadcast_in_dim3A_257 : vector<16xf32> to vector<16xf32>
    tpu.vector_store %arg6[%swap3A_258], %swap3A_261 {strides = array<i32>} : memref<640xf32, #tpu.memory_space<vmem>>, vector<16xf32>,
    %broadcast_in_dim3A_262 = arith.constant 0.000000e+00 : f32
    %broadcast_in_dim3A_263 = vector.broadcast %broadcast_in_dim3A_262 : f32 to vector<16xf32>
    %swap3A_264 = arith.constant 576 : index
    %swap3A_265 = tpu.vector_load %arg6[%swap3A_264] {strides = array<i32>} : memref<640xf32, #tpu.memory_space<vmem>>, vector<16xf32>,
    %swap3A_266 = vector.shape_cast %swap3A_265 : vector<16xf32> to vector<16xf32>
    %swap3A_267 = vector.shape_cast %broadcast_in_dim3A_263 : vector<16xf32> to vector<16xf32>
    tpu.vector_store %arg6[%swap3A_264], %swap3A_267 {strides = array<i32>} : memref<640xf32, #tpu.memory_space<vmem>>, vector<16xf32>,
    %broadcast_in_dim3A_268 = arith.constant 0.000000e+00 : f32
    %broadcast_in_dim3A_269 = vector.broadcast %broadcast_in_dim3A_268 : f32 to vector<16xf32>
    %swap3A_270 = arith.constant 592 : index
    %swap3A_271 = tpu.vector_load %arg6[%swap3A_270] {strides = array<i32>} : memref<640xf32, #tpu.memory_space<vmem>>, vector<16xf32>,
    %swap3A_272 = vector.shape_cast %swap3A_271 : vector<16xf32> to vector<16xf32>
    %swap3A_273 = vector.shape_cast %broadcast_in_dim3A_269 : vector<16xf32> to vector<16xf32>
    tpu.vector_store %arg6[%swap3A_270], %swap3A_273 {strides = array<i32>} : memref<640xf32, #tpu.memory_space<vmem>>, vector<16xf32>,
    %broadcast_in_dim3A_274 = arith.constant 0.000000e+00 : f32
    %broadcast_in_dim3A_275 = vector.broadcast %broadcast_in_dim3A_274 : f32 to vector<16xf32>
    %swap3A_276 = arith.constant 608 : index
    %swap3A_277 = tpu.vector_load %arg6[%swap3A_276] {strides = array<i32>} : memref<640xf32, #tpu.memory_space<vmem>>, vector<16xf32>,
    %swap3A_278 = vector.shape_cast %swap3A_277 : vector<16xf32> to vector<16xf32>
    %swap3A_279 = vector.shape_cast %broadcast_in_dim3A_275 : vector<16xf32> to vector<16xf32>
    tpu.vector_store %arg6[%swap3A_276], %swap3A_279 {strides = array<i32>} : memref<640xf32, #tpu.memory_space<vmem>>, vector<16xf32>,
    %broadcast_in_dim3A_280 = arith.constant 0.000000e+00 : f32
    %broadcast_in_dim3A_281 = vector.broadcast %broadcast_in_dim3A_280 : f32 to vector<16xf32>
    %swap3A_282 = arith.constant 624 : index
    %swap3A_283 = tpu.vector_load %arg6[%swap3A_282] {strides = array<i32>} : memref<640xf32, #tpu.memory_space<vmem>>, vector<16xf32>,
    %swap3A_284 = vector.shape_cast %swap3A_283 : vector<16xf32> to vector<16xf32>
    %swap3A_285 = vector.shape_cast %broadcast_in_dim3A_281 : vector<16xf32> to vector<16xf32>
    tpu.vector_store %arg6[%swap3A_282], %swap3A_285 {strides = array<i32>} : memref<640xf32, #tpu.memory_space<vmem>>, vector<16xf32>,
    %mul3A = arith.constant 640 : i32
    %mul3A_286 = arith.muli %arg1, %mul3A : i32
    "tpu.region"() ({
      %run_scoped3A = tpu.sem_alloc : memref<!tpu.dma_semaphore, #tpu.memory_space<semaphore_mem>>
      %dma_start3A = tpu.memref_slice %arg7[%mul3A_286] : memref<10240xf32, #tpu.memory_space<vmem_shared>> -> memref<640xf32, #tpu.memory_space<vmem_shared>>
      %dma_start3A_351 = tpu.memref_slice %arg7[%mul3A_286] : memref<10240xf32, #tpu.memory_space<vmem_shared>> -> memref<640xf32, #tpu.memory_space<vmem_shared>>
      tpu.enqueue_dma source(%arg6 : memref<640xf32, #tpu.memory_space<vmem>>) target(%dma_start3A_351 : memref<640xf32, #tpu.memory_space<vmem_shared>>) target_semaphore(%run_scoped3A : memref<!tpu.dma_semaphore, #tpu.memory_space<semaphore_mem>>)
      %dma_wait3A_352 = tpu.memref_slice %arg7[%mul3A_286] : memref<10240xf32, #tpu.memory_space<vmem_shared>> -> memref<640xf32, #tpu.memory_space<vmem_shared>>
      %dma_wait3A_353 = tpu.memref_slice %arg7[%mul3A_286] : memref<10240xf32, #tpu.memory_space<vmem_shared>> -> memref<640xf32, #tpu.memory_space<vmem_shared>>
      tpu.wait_dma2 semaphore(%run_scoped3A : memref<!tpu.dma_semaphore, #tpu.memory_space<semaphore_mem>>) src(%arg6 : memref<640xf32, #tpu.memory_space<vmem>>) dst(%dma_wait3A_353 : memref<640xf32, #tpu.memory_space<vmem_shared>>)
      tpu.yield
    }) : () -> ()
    %mul3A_287 = arith.constant 16 : i32
    %mul3A_288 = arith.muli %arg0, %mul3A_287 : i32
    %add3A = arith.addi %mul3A_288, %arg1 : i32
    %mul3A_289 = arith.constant 80 : i32
    %mul3A_290 = arith.muli %add3A, %mul3A_289 : i32
    "tpu.region"() ({
      %run_scoped3A = tpu.sem_alloc : memref<!tpu.dma_semaphore, #tpu.memory_space<semaphore_mem>>
      %dma_start3A = arith.constant 0 : i32
      %dma_start3A_351 = tpu.memref_slice %arg2[%mul3A_290, %dma_start3A] : memref<2560x128xi32, #tpu.memory_space<hbm>> -> memref<80x128xi32, #tpu.memory_space<hbm>>
      %dma_start3A_352 = arith.constant 0 : i32
      %dma_start3A_353 = tpu.memref_slice %arg2[%mul3A_290, %dma_start3A_352] : memref<2560x128xi32, #tpu.memory_space<hbm>> -> memref<80x128xi32, #tpu.memory_space<hbm>>
      tpu.enqueue_dma source(%dma_start3A_353 : memref<80x128xi32, #tpu.memory_space<hbm>>) target(%arg4 : memref<80x128xi32, #tpu.memory_space<vmem>>) target_semaphore(%run_scoped3A : memref<!tpu.dma_semaphore, #tpu.memory_space<semaphore_mem>>)
      %dma_wait3A_354 = arith.constant 0 : i32
      %dma_wait3A_355 = tpu.memref_slice %arg2[%mul3A_290, %dma_wait3A_354] : memref<2560x128xi32, #tpu.memory_space<hbm>> -> memref<80x128xi32, #tpu.memory_space<hbm>>
      %dma_wait3A_356 = arith.constant 0 : i32
      %dma_wait3A_357 = tpu.memref_slice %arg2[%mul3A_290, %dma_wait3A_356] : memref<2560x128xi32, #tpu.memory_space<hbm>> -> memref<80x128xi32, #tpu.memory_space<hbm>>
      tpu.wait_dma2 semaphore(%run_scoped3A : memref<!tpu.dma_semaphore, #tpu.memory_space<semaphore_mem>>) src(%dma_wait3A_357 : memref<80x128xi32, #tpu.memory_space<hbm>>) dst(%arg4 : memref<80x128xi32, #tpu.memory_space<vmem>>)
      tpu.yield
    }) : () -> ()
    %barrier3A = arith.constant 0 : index
    tpu.barrier barrier_id(%barrier3A)
    %scan3A = arith.constant 0 : i32
    %scan3A_291 = arith.constant 0 : i32
    %scan3A_292 = arith.constant 10 : i32
    %scan3A_293 = arith.addi %scan3A_291, %scan3A_292 : i32
    %scan3A_294 = arith.constant 1 : i32
    scf.for %scan3A_351 = %scan3A_291 to %scan3A_293 step %scan3A_294  : i32 {
      %mul3A_352 = arith.constant 8 : i32
      %mul3A_353 = arith.muli %scan3A_351, %mul3A_352 : i32
      %add3A_354 = arith.constant 0 : i32
      %add3A_355 = arith.addi %mul3A_353, %add3A_354 : i32
      %gt3A = arith.constant 0 : i32
      %gt3A_356 = arith.cmpi sgt, %scan3A_351, %gt3A : i32
      %convert_element_type3A = arith.extui %gt3A_356 : i1 to i32
      %cond3A = arith.constant 0 : i32
      %cond3A_357 = arith.cmpi ne, %convert_element_type3A, %cond3A : i32
      scf.if %cond3A_357 {
        %sub3A = arith.constant 8 : i32
        %sub3A_460 = arith.subi %add3A_355, %sub3A : i32
        %dma_wait3A_461 = arith.constant 0 : i32
        %dma_wait3A_462 = tpu.memref_slice %arg4[%sub3A_460, %dma_wait3A_461] : memref<80x128xi32, #tpu.memory_space<vmem>> -> memref<1x128xi32, #tpu.memory_space<vmem>>
        %dma_wait3A_463 = tpu.memref_squeeze %dma_wait3A_462 : memref<1x128xi32, #tpu.memory_space<vmem>> -> memref<128xi32, #tpu.memory_space<vmem>>
        %dma_wait3A_464 = arith.constant 0 : i32
        %dma_wait3A_465 = tpu.memref_slice %arg7[%dma_wait3A_464] : memref<10240xf32, #tpu.memory_space<vmem_shared>> -> memref<10240xf32, #tpu.memory_space<vmem_shared>>
        tpu.wait_indirect_dma semaphore(%arg8 : memref<!tpu.dma_semaphore, #tpu.memory_space<semaphore_mem>>) src(%arg5 : memref<128xf32, #tpu.memory_space<vmem>>) dst(%dma_wait3A_465 : memref<10240xf32, #tpu.memory_space<vmem_shared>>)
      } else {
      }
      %dma_start3A = arith.constant 0 : i32
      %dma_start3A_358 = tpu.memref_slice %arg4[%add3A_355, %dma_start3A] : memref<80x128xi32, #tpu.memory_space<vmem>> -> memref<1x128xi32, #tpu.memory_space<vmem>>
      %dma_start3A_359 = tpu.memref_squeeze %dma_start3A_358 : memref<1x128xi32, #tpu.memory_space<vmem>> -> memref<128xi32, #tpu.memory_space<vmem>>
      %dma_start3A_360 = arith.constant 0 : i32
      %dma_start3A_361 = tpu.memref_slice %arg7[%dma_start3A_360] : memref<10240xf32, #tpu.memory_space<vmem_shared>> -> memref<10240xf32, #tpu.memory_space<vmem_shared>>
      tpu.enqueue_indirect_dma source(%arg5 : memref<128xf32, #tpu.memory_space<vmem>>) target(%dma_start3A_361 : memref<10240xf32, #tpu.memory_space<vmem_shared>>) offsets(%dma_start3A_359 : memref<128xi32, #tpu.memory_space<vmem>>) semaphore(%arg8 : memref<!tpu.dma_semaphore, #tpu.memory_space<semaphore_mem>>) {add = true}
      %mul3A_362 = arith.constant 8 : i32
      %mul3A_363 = arith.muli %scan3A_351, %mul3A_362 : i32
      %add3A_364 = arith.constant 1 : i32
      %add3A_365 = arith.addi %mul3A_363, %add3A_364 : i32
      %gt3A_366 = arith.constant 0 : i32
      %gt3A_367 = arith.cmpi sgt, %scan3A_351, %gt3A_366 : i32
      %convert_element_type3A_368 = arith.extui %gt3A_367 : i1 to i32
      %cond3A_369 = arith.constant 0 : i32
      %cond3A_370 = arith.cmpi ne, %convert_element_type3A_368, %cond3A_369 : i32
      scf.if %cond3A_370 {
        %sub3A = arith.constant 8 : i32
        %sub3A_460 = arith.subi %add3A_365, %sub3A : i32
        %dma_wait3A_461 = arith.constant 0 : i32
        %dma_wait3A_462 = tpu.memref_slice %arg4[%sub3A_460, %dma_wait3A_461] : memref<80x128xi32, #tpu.memory_space<vmem>> -> memref<1x128xi32, #tpu.memory_space<vmem>>
        %dma_wait3A_463 = tpu.memref_squeeze %dma_wait3A_462 : memref<1x128xi32, #tpu.memory_space<vmem>> -> memref<128xi32, #tpu.memory_space<vmem>>
        %dma_wait3A_464 = arith.constant 0 : i32
        %dma_wait3A_465 = tpu.memref_slice %arg7[%dma_wait3A_464] : memref<10240xf32, #tpu.memory_space<vmem_shared>> -> memref<10240xf32, #tpu.memory_space<vmem_shared>>
        tpu.wait_indirect_dma semaphore(%arg9 : memref<!tpu.dma_semaphore, #tpu.memory_space<semaphore_mem>>) src(%arg5 : memref<128xf32, #tpu.memory_space<vmem>>) dst(%dma_wait3A_465 : memref<10240xf32, #tpu.memory_space<vmem_shared>>)
      } else {
      }
      %dma_start3A_371 = arith.constant 0 : i32
      %dma_start3A_372 = tpu.memref_slice %arg4[%add3A_365, %dma_start3A_371] : memref<80x128xi32, #tpu.memory_space<vmem>> -> memref<1x128xi32, #tpu.memory_space<vmem>>
      %dma_start3A_373 = tpu.memref_squeeze %dma_start3A_372 : memref<1x128xi32, #tpu.memory_space<vmem>> -> memref<128xi32, #tpu.memory_space<vmem>>
      %dma_start3A_374 = arith.constant 0 : i32
      %dma_start3A_375 = tpu.memref_slice %arg7[%dma_start3A_374] : memref<10240xf32, #tpu.memory_space<vmem_shared>> -> memref<10240xf32, #tpu.memory_space<vmem_shared>>
      tpu.enqueue_indirect_dma source(%arg5 : memref<128xf32, #tpu.memory_space<vmem>>) target(%dma_start3A_375 : memref<10240xf32, #tpu.memory_space<vmem_shared>>) offsets(%dma_start3A_373 : memref<128xi32, #tpu.memory_space<vmem>>) semaphore(%arg9 : memref<!tpu.dma_semaphore, #tpu.memory_space<semaphore_mem>>) {add = true}
      %mul3A_376 = arith.constant 8 : i32
      %mul3A_377 = arith.muli %scan3A_351, %mul3A_376 : i32
      %add3A_378 = arith.constant 2 : i32
      %add3A_379 = arith.addi %mul3A_377, %add3A_378 : i32
      %gt3A_380 = arith.constant 0 : i32
      %gt3A_381 = arith.cmpi sgt, %scan3A_351, %gt3A_380 : i32
      %convert_element_type3A_382 = arith.extui %gt3A_381 : i1 to i32
      %cond3A_383 = arith.constant 0 : i32
      %cond3A_384 = arith.cmpi ne, %convert_element_type3A_382, %cond3A_383 : i32
      scf.if %cond3A_384 {
        %sub3A = arith.constant 8 : i32
        %sub3A_460 = arith.subi %add3A_379, %sub3A : i32
        %dma_wait3A_461 = arith.constant 0 : i32
        %dma_wait3A_462 = tpu.memref_slice %arg4[%sub3A_460, %dma_wait3A_461] : memref<80x128xi32, #tpu.memory_space<vmem>> -> memref<1x128xi32, #tpu.memory_space<vmem>>
        %dma_wait3A_463 = tpu.memref_squeeze %dma_wait3A_462 : memref<1x128xi32, #tpu.memory_space<vmem>> -> memref<128xi32, #tpu.memory_space<vmem>>
        %dma_wait3A_464 = arith.constant 0 : i32
        %dma_wait3A_465 = tpu.memref_slice %arg7[%dma_wait3A_464] : memref<10240xf32, #tpu.memory_space<vmem_shared>> -> memref<10240xf32, #tpu.memory_space<vmem_shared>>
        tpu.wait_indirect_dma semaphore(%arg10 : memref<!tpu.dma_semaphore, #tpu.memory_space<semaphore_mem>>) src(%arg5 : memref<128xf32, #tpu.memory_space<vmem>>) dst(%dma_wait3A_465 : memref<10240xf32, #tpu.memory_space<vmem_shared>>)
      } else {
      }
      %dma_start3A_385 = arith.constant 0 : i32
      %dma_start3A_386 = tpu.memref_slice %arg4[%add3A_379, %dma_start3A_385] : memref<80x128xi32, #tpu.memory_space<vmem>> -> memref<1x128xi32, #tpu.memory_space<vmem>>
      %dma_start3A_387 = tpu.memref_squeeze %dma_start3A_386 : memref<1x128xi32, #tpu.memory_space<vmem>> -> memref<128xi32, #tpu.memory_space<vmem>>
      %dma_start3A_388 = arith.constant 0 : i32
      %dma_start3A_389 = tpu.memref_slice %arg7[%dma_start3A_388] : memref<10240xf32, #tpu.memory_space<vmem_shared>> -> memref<10240xf32, #tpu.memory_space<vmem_shared>>
      tpu.enqueue_indirect_dma source(%arg5 : memref<128xf32, #tpu.memory_space<vmem>>) target(%dma_start3A_389 : memref<10240xf32, #tpu.memory_space<vmem_shared>>) offsets(%dma_start3A_387 : memref<128xi32, #tpu.memory_space<vmem>>) semaphore(%arg10 : memref<!tpu.dma_semaphore, #tpu.memory_space<semaphore_mem>>) {add = true}
      %mul3A_390 = arith.constant 8 : i32
      %mul3A_391 = arith.muli %scan3A_351, %mul3A_390 : i32
      %add3A_392 = arith.constant 3 : i32
      %add3A_393 = arith.addi %mul3A_391, %add3A_392 : i32
      %gt3A_394 = arith.constant 0 : i32
      %gt3A_395 = arith.cmpi sgt, %scan3A_351, %gt3A_394 : i32
      %convert_element_type3A_396 = arith.extui %gt3A_395 : i1 to i32
      %cond3A_397 = arith.constant 0 : i32
      %cond3A_398 = arith.cmpi ne, %convert_element_type3A_396, %cond3A_397 : i32
      scf.if %cond3A_398 {
        %sub3A = arith.constant 8 : i32
        %sub3A_460 = arith.subi %add3A_393, %sub3A : i32
        %dma_wait3A_461 = arith.constant 0 : i32
        %dma_wait3A_462 = tpu.memref_slice %arg4[%sub3A_460, %dma_wait3A_461] : memref<80x128xi32, #tpu.memory_space<vmem>> -> memref<1x128xi32, #tpu.memory_space<vmem>>
        %dma_wait3A_463 = tpu.memref_squeeze %dma_wait3A_462 : memref<1x128xi32, #tpu.memory_space<vmem>> -> memref<128xi32, #tpu.memory_space<vmem>>
        %dma_wait3A_464 = arith.constant 0 : i32
        %dma_wait3A_465 = tpu.memref_slice %arg7[%dma_wait3A_464] : memref<10240xf32, #tpu.memory_space<vmem_shared>> -> memref<10240xf32, #tpu.memory_space<vmem_shared>>
        tpu.wait_indirect_dma semaphore(%arg11 : memref<!tpu.dma_semaphore, #tpu.memory_space<semaphore_mem>>) src(%arg5 : memref<128xf32, #tpu.memory_space<vmem>>) dst(%dma_wait3A_465 : memref<10240xf32, #tpu.memory_space<vmem_shared>>)
      } else {
      }
      %dma_start3A_399 = arith.constant 0 : i32
      %dma_start3A_400 = tpu.memref_slice %arg4[%add3A_393, %dma_start3A_399] : memref<80x128xi32, #tpu.memory_space<vmem>> -> memref<1x128xi32, #tpu.memory_space<vmem>>
      %dma_start3A_401 = tpu.memref_squeeze %dma_start3A_400 : memref<1x128xi32, #tpu.memory_space<vmem>> -> memref<128xi32, #tpu.memory_space<vmem>>
      %dma_start3A_402 = arith.constant 0 : i32
      %dma_start3A_403 = tpu.memref_slice %arg7[%dma_start3A_402] : memref<10240xf32, #tpu.memory_space<vmem_shared>> -> memref<10240xf32, #tpu.memory_space<vmem_shared>>
      tpu.enqueue_indirect_dma source(%arg5 : memref<128xf32, #tpu.memory_space<vmem>>) target(%dma_start3A_403 : memref<10240xf32, #tpu.memory_space<vmem_shared>>) offsets(%dma_start3A_401 : memref<128xi32, #tpu.memory_space<vmem>>) semaphore(%arg11 : memref<!tpu.dma_semaphore, #tpu.memory_space<semaphore_mem>>) {add = true}
      %mul3A_404 = arith.constant 8 : i32
      %mul3A_405 = arith.muli %scan3A_351, %mul3A_404 : i32
      %add3A_406 = arith.constant 4 : i32
      %add3A_407 = arith.addi %mul3A_405, %add3A_406 : i32
      %gt3A_408 = arith.constant 0 : i32
      %gt3A_409 = arith.cmpi sgt, %scan3A_351, %gt3A_408 : i32
      %convert_element_type3A_410 = arith.extui %gt3A_409 : i1 to i32
      %cond3A_411 = arith.constant 0 : i32
      %cond3A_412 = arith.cmpi ne, %convert_element_type3A_410, %cond3A_411 : i32
      scf.if %cond3A_412 {
        %sub3A = arith.constant 8 : i32
        %sub3A_460 = arith.subi %add3A_407, %sub3A : i32
        %dma_wait3A_461 = arith.constant 0 : i32
        %dma_wait3A_462 = tpu.memref_slice %arg4[%sub3A_460, %dma_wait3A_461] : memref<80x128xi32, #tpu.memory_space<vmem>> -> memref<1x128xi32, #tpu.memory_space<vmem>>
        %dma_wait3A_463 = tpu.memref_squeeze %dma_wait3A_462 : memref<1x128xi32, #tpu.memory_space<vmem>> -> memref<128xi32, #tpu.memory_space<vmem>>
        %dma_wait3A_464 = arith.constant 0 : i32
        %dma_wait3A_465 = tpu.memref_slice %arg7[%dma_wait3A_464] : memref<10240xf32, #tpu.memory_space<vmem_shared>> -> memref<10240xf32, #tpu.memory_space<vmem_shared>>
        tpu.wait_indirect_dma semaphore(%arg12 : memref<!tpu.dma_semaphore, #tpu.memory_space<semaphore_mem>>) src(%arg5 : memref<128xf32, #tpu.memory_space<vmem>>) dst(%dma_wait3A_465 : memref<10240xf32, #tpu.memory_space<vmem_shared>>)
      } else {
      }
      %dma_start3A_413 = arith.constant 0 : i32
      %dma_start3A_414 = tpu.memref_slice %arg4[%add3A_407, %dma_start3A_413] : memref<80x128xi32, #tpu.memory_space<vmem>> -> memref<1x128xi32, #tpu.memory_space<vmem>>
      %dma_start3A_415 = tpu.memref_squeeze %dma_start3A_414 : memref<1x128xi32, #tpu.memory_space<vmem>> -> memref<128xi32, #tpu.memory_space<vmem>>
      %dma_start3A_416 = arith.constant 0 : i32
      %dma_start3A_417 = tpu.memref_slice %arg7[%dma_start3A_416] : memref<10240xf32, #tpu.memory_space<vmem_shared>> -> memref<10240xf32, #tpu.memory_space<vmem_shared>>
      tpu.enqueue_indirect_dma source(%arg5 : memref<128xf32, #tpu.memory_space<vmem>>) target(%dma_start3A_417 : memref<10240xf32, #tpu.memory_space<vmem_shared>>) offsets(%dma_start3A_415 : memref<128xi32, #tpu.memory_space<vmem>>) semaphore(%arg12 : memref<!tpu.dma_semaphore, #tpu.memory_space<semaphore_mem>>) {add = true}
      %mul3A_418 = arith.constant 8 : i32
      %mul3A_419 = arith.muli %scan3A_351, %mul3A_418 : i32
      %add3A_420 = arith.constant 5 : i32
      %add3A_421 = arith.addi %mul3A_419, %add3A_420 : i32
      %gt3A_422 = arith.constant 0 : i32
      %gt3A_423 = arith.cmpi sgt, %scan3A_351, %gt3A_422 : i32
      %convert_element_type3A_424 = arith.extui %gt3A_423 : i1 to i32
      %cond3A_425 = arith.constant 0 : i32
      %cond3A_426 = arith.cmpi ne, %convert_element_type3A_424, %cond3A_425 : i32
      scf.if %cond3A_426 {
        %sub3A = arith.constant 8 : i32
        %sub3A_460 = arith.subi %add3A_421, %sub3A : i32
        %dma_wait3A_461 = arith.constant 0 : i32
        %dma_wait3A_462 = tpu.memref_slice %arg4[%sub3A_460, %dma_wait3A_461] : memref<80x128xi32, #tpu.memory_space<vmem>> -> memref<1x128xi32, #tpu.memory_space<vmem>>
        %dma_wait3A_463 = tpu.memref_squeeze %dma_wait3A_462 : memref<1x128xi32, #tpu.memory_space<vmem>> -> memref<128xi32, #tpu.memory_space<vmem>>
        %dma_wait3A_464 = arith.constant 0 : i32
        %dma_wait3A_465 = tpu.memref_slice %arg7[%dma_wait3A_464] : memref<10240xf32, #tpu.memory_space<vmem_shared>> -> memref<10240xf32, #tpu.memory_space<vmem_shared>>
        tpu.wait_indirect_dma semaphore(%arg13 : memref<!tpu.dma_semaphore, #tpu.memory_space<semaphore_mem>>) src(%arg5 : memref<128xf32, #tpu.memory_space<vmem>>) dst(%dma_wait3A_465 : memref<10240xf32, #tpu.memory_space<vmem_shared>>)
      } else {
      }
      %dma_start3A_427 = arith.constant 0 : i32
      %dma_start3A_428 = tpu.memref_slice %arg4[%add3A_421, %dma_start3A_427] : memref<80x128xi32, #tpu.memory_space<vmem>> -> memref<1x128xi32, #tpu.memory_space<vmem>>
      %dma_start3A_429 = tpu.memref_squeeze %dma_start3A_428 : memref<1x128xi32, #tpu.memory_space<vmem>> -> memref<128xi32, #tpu.memory_space<vmem>>
      %dma_start3A_430 = arith.constant 0 : i32
      %dma_start3A_431 = tpu.memref_slice %arg7[%dma_start3A_430] : memref<10240xf32, #tpu.memory_space<vmem_shared>> -> memref<10240xf32, #tpu.memory_space<vmem_shared>>
      tpu.enqueue_indirect_dma source(%arg5 : memref<128xf32, #tpu.memory_space<vmem>>) target(%dma_start3A_431 : memref<10240xf32, #tpu.memory_space<vmem_shared>>) offsets(%dma_start3A_429 : memref<128xi32, #tpu.memory_space<vmem>>) semaphore(%arg13 : memref<!tpu.dma_semaphore, #tpu.memory_space<semaphore_mem>>) {add = true}
      %mul3A_432 = arith.constant 8 : i32
      %mul3A_433 = arith.muli %scan3A_351, %mul3A_432 : i32
      %add3A_434 = arith.constant 6 : i32
      %add3A_435 = arith.addi %mul3A_433, %add3A_434 : i32
      %gt3A_436 = arith.constant 0 : i32
      %gt3A_437 = arith.cmpi sgt, %scan3A_351, %gt3A_436 : i32
      %convert_element_type3A_438 = arith.extui %gt3A_437 : i1 to i32
      %cond3A_439 = arith.constant 0 : i32
      %cond3A_440 = arith.cmpi ne, %convert_element_type3A_438, %cond3A_439 : i32
      scf.if %cond3A_440 {
        %sub3A = arith.constant 8 : i32
        %sub3A_460 = arith.subi %add3A_435, %sub3A : i32
        %dma_wait3A_461 = arith.constant 0 : i32
        %dma_wait3A_462 = tpu.memref_slice %arg4[%sub3A_460, %dma_wait3A_461] : memref<80x128xi32, #tpu.memory_space<vmem>> -> memref<1x128xi32, #tpu.memory_space<vmem>>
        %dma_wait3A_463 = tpu.memref_squeeze %dma_wait3A_462 : memref<1x128xi32, #tpu.memory_space<vmem>> -> memref<128xi32, #tpu.memory_space<vmem>>
        %dma_wait3A_464 = arith.constant 0 : i32
        %dma_wait3A_465 = tpu.memref_slice %arg7[%dma_wait3A_464] : memref<10240xf32, #tpu.memory_space<vmem_shared>> -> memref<10240xf32, #tpu.memory_space<vmem_shared>>
        tpu.wait_indirect_dma semaphore(%arg14 : memref<!tpu.dma_semaphore, #tpu.memory_space<semaphore_mem>>) src(%arg5 : memref<128xf32, #tpu.memory_space<vmem>>) dst(%dma_wait3A_465 : memref<10240xf32, #tpu.memory_space<vmem_shared>>)
      } else {
      }
      %dma_start3A_441 = arith.constant 0 : i32
      %dma_start3A_442 = tpu.memref_slice %arg4[%add3A_435, %dma_start3A_441] : memref<80x128xi32, #tpu.memory_space<vmem>> -> memref<1x128xi32, #tpu.memory_space<vmem>>
      %dma_start3A_443 = tpu.memref_squeeze %dma_start3A_442 : memref<1x128xi32, #tpu.memory_space<vmem>> -> memref<128xi32, #tpu.memory_space<vmem>>
      %dma_start3A_444 = arith.constant 0 : i32
      %dma_start3A_445 = tpu.memref_slice %arg7[%dma_start3A_444] : memref<10240xf32, #tpu.memory_space<vmem_shared>> -> memref<10240xf32, #tpu.memory_space<vmem_shared>>
      tpu.enqueue_indirect_dma source(%arg5 : memref<128xf32, #tpu.memory_space<vmem>>) target(%dma_start3A_445 : memref<10240xf32, #tpu.memory_space<vmem_shared>>) offsets(%dma_start3A_443 : memref<128xi32, #tpu.memory_space<vmem>>) semaphore(%arg14 : memref<!tpu.dma_semaphore, #tpu.memory_space<semaphore_mem>>) {add = true}
      %mul3A_446 = arith.constant 8 : i32
      %mul3A_447 = arith.muli %scan3A_351, %mul3A_446 : i32
      %add3A_448 = arith.constant 7 : i32
      %add3A_449 = arith.addi %mul3A_447, %add3A_448 : i32
      %gt3A_450 = arith.constant 0 : i32
      %gt3A_451 = arith.cmpi sgt, %scan3A_351, %gt3A_450 : i32
      %convert_element_type3A_452 = arith.extui %gt3A_451 : i1 to i32
      %cond3A_453 = arith.constant 0 : i32
      %cond3A_454 = arith.cmpi ne, %convert_element_type3A_452, %cond3A_453 : i32
      scf.if %cond3A_454 {
        %sub3A = arith.constant 8 : i32
        %sub3A_460 = arith.subi %add3A_449, %sub3A : i32
        %dma_wait3A_461 = arith.constant 0 : i32
        %dma_wait3A_462 = tpu.memref_slice %arg4[%sub3A_460, %dma_wait3A_461] : memref<80x128xi32, #tpu.memory_space<vmem>> -> memref<1x128xi32, #tpu.memory_space<vmem>>
        %dma_wait3A_463 = tpu.memref_squeeze %dma_wait3A_462 : memref<1x128xi32, #tpu.memory_space<vmem>> -> memref<128xi32, #tpu.memory_space<vmem>>
        %dma_wait3A_464 = arith.constant 0 : i32
        %dma_wait3A_465 = tpu.memref_slice %arg7[%dma_wait3A_464] : memref<10240xf32, #tpu.memory_space<vmem_shared>> -> memref<10240xf32, #tpu.memory_space<vmem_shared>>
        tpu.wait_indirect_dma semaphore(%arg15 : memref<!tpu.dma_semaphore, #tpu.memory_space<semaphore_mem>>) src(%arg5 : memref<128xf32, #tpu.memory_space<vmem>>) dst(%dma_wait3A_465 : memref<10240xf32, #tpu.memory_space<vmem_shared>>)
      } else {
      }
      %dma_start3A_455 = arith.constant 0 : i32
      %dma_start3A_456 = tpu.memref_slice %arg4[%add3A_449, %dma_start3A_455] : memref<80x128xi32, #tpu.memory_space<vmem>> -> memref<1x128xi32, #tpu.memory_space<vmem>>
      %dma_start3A_457 = tpu.memref_squeeze %dma_start3A_456 : memref<1x128xi32, #tpu.memory_space<vmem>> -> memref<128xi32, #tpu.memory_space<vmem>>
      %dma_start3A_458 = arith.constant 0 : i32
      %dma_start3A_459 = tpu.memref_slice %arg7[%dma_start3A_458] : memref<10240xf32, #tpu.memory_space<vmem_shared>> -> memref<10240xf32, #tpu.memory_space<vmem_shared>>
      tpu.enqueue_indirect_dma source(%arg5 : memref<128xf32, #tpu.memory_space<vmem>>) target(%dma_start3A_459 : memref<10240xf32, #tpu.memory_space<vmem_shared>>) offsets(%dma_start3A_457 : memref<128xi32, #tpu.memory_space<vmem>>) semaphore(%arg15 : memref<!tpu.dma_semaphore, #tpu.memory_space<semaphore_mem>>) {add = true}
    }
    %scan3A_295 = arith.constant 10 : i32
    %dma_wait3A = arith.constant 72 : i32
    %dma_wait3A_296 = arith.constant 0 : i32
    %dma_wait3A_297 = tpu.memref_slice %arg4[%dma_wait3A, %dma_wait3A_296] : memref<80x128xi32, #tpu.memory_space<vmem>> -> memref<1x128xi32, #tpu.memory_space<vmem>>
    %dma_wait3A_298 = tpu.memref_squeeze %dma_wait3A_297 : memref<1x128xi32, #tpu.memory_space<vmem>> -> memref<128xi32, #tpu.memory_space<vmem>>
    %dma_wait3A_299 = arith.constant 0 : i32
    %dma_wait3A_300 = tpu.memref_slice %arg7[%dma_wait3A_299] : memref<10240xf32, #tpu.memory_space<vmem_shared>> -> memref<10240xf32, #tpu.memory_space<vmem_shared>>
    tpu.wait_indirect_dma semaphore(%arg8 : memref<!tpu.dma_semaphore, #tpu.memory_space<semaphore_mem>>) src(%arg5 : memref<128xf32, #tpu.memory_space<vmem>>) dst(%dma_wait3A_300 : memref<10240xf32, #tpu.memory_space<vmem_shared>>)
    %dma_wait3A_301 = arith.constant 73 : i32
    %dma_wait3A_302 = arith.constant 0 : i32
    %dma_wait3A_303 = tpu.memref_slice %arg4[%dma_wait3A_301, %dma_wait3A_302] : memref<80x128xi32, #tpu.memory_space<vmem>> -> memref<1x128xi32, #tpu.memory_space<vmem>>
    %dma_wait3A_304 = tpu.memref_squeeze %dma_wait3A_303 : memref<1x128xi32, #tpu.memory_space<vmem>> -> memref<128xi32, #tpu.memory_space<vmem>>
    %dma_wait3A_305 = arith.constant 0 : i32
    %dma_wait3A_306 = tpu.memref_slice %arg7[%dma_wait3A_305] : memref<10240xf32, #tpu.memory_space<vmem_shared>> -> memref<10240xf32, #tpu.memory_space<vmem_shared>>
    tpu.wait_indirect_dma semaphore(%arg9 : memref<!tpu.dma_semaphore, #tpu.memory_space<semaphore_mem>>) src(%arg5 : memref<128xf32, #tpu.memory_space<vmem>>) dst(%dma_wait3A_306 : memref<10240xf32, #tpu.memory_space<vmem_shared>>)
    %dma_wait3A_307 = arith.constant 74 : i32
    %dma_wait3A_308 = arith.constant 0 : i32
    %dma_wait3A_309 = tpu.memref_slice %arg4[%dma_wait3A_307, %dma_wait3A_308] : memref<80x128xi32, #tpu.memory_space<vmem>> -> memref<1x128xi32, #tpu.memory_space<vmem>>
    %dma_wait3A_310 = tpu.memref_squeeze %dma_wait3A_309 : memref<1x128xi32, #tpu.memory_space<vmem>> -> memref<128xi32, #tpu.memory_space<vmem>>
    %dma_wait3A_311 = arith.constant 0 : i32
    %dma_wait3A_312 = tpu.memref_slice %arg7[%dma_wait3A_311] : memref<10240xf32, #tpu.memory_space<vmem_shared>> -> memref<10240xf32, #tpu.memory_space<vmem_shared>>
    tpu.wait_indirect_dma semaphore(%arg10 : memref<!tpu.dma_semaphore, #tpu.memory_space<semaphore_mem>>) src(%arg5 : memref<128xf32, #tpu.memory_space<vmem>>) dst(%dma_wait3A_312 : memref<10240xf32, #tpu.memory_space<vmem_shared>>)
    %dma_wait3A_313 = arith.constant 75 : i32
    %dma_wait3A_314 = arith.constant 0 : i32
    %dma_wait3A_315 = tpu.memref_slice %arg4[%dma_wait3A_313, %dma_wait3A_314] : memref<80x128xi32, #tpu.memory_space<vmem>> -> memref<1x128xi32, #tpu.memory_space<vmem>>
    %dma_wait3A_316 = tpu.memref_squeeze %dma_wait3A_315 : memref<1x128xi32, #tpu.memory_space<vmem>> -> memref<128xi32, #tpu.memory_space<vmem>>
    %dma_wait3A_317 = arith.constant 0 : i32
    %dma_wait3A_318 = tpu.memref_slice %arg7[%dma_wait3A_317] : memref<10240xf32, #tpu.memory_space<vmem_shared>> -> memref<10240xf32, #tpu.memory_space<vmem_shared>>
    tpu.wait_indirect_dma semaphore(%arg11 : memref<!tpu.dma_semaphore, #tpu.memory_space<semaphore_mem>>) src(%arg5 : memref<128xf32, #tpu.memory_space<vmem>>) dst(%dma_wait3A_318 : memref<10240xf32, #tpu.memory_space<vmem_shared>>)
    %dma_wait3A_319 = arith.constant 76 : i32
    %dma_wait3A_320 = arith.constant 0 : i32
    %dma_wait3A_321 = tpu.memref_slice %arg4[%dma_wait3A_319, %dma_wait3A_320] : memref<80x128xi32, #tpu.memory_space<vmem>> -> memref<1x128xi32, #tpu.memory_space<vmem>>
    %dma_wait3A_322 = tpu.memref_squeeze %dma_wait3A_321 : memref<1x128xi32, #tpu.memory_space<vmem>> -> memref<128xi32, #tpu.memory_space<vmem>>
    %dma_wait3A_323 = arith.constant 0 : i32
    %dma_wait3A_324 = tpu.memref_slice %arg7[%dma_wait3A_323] : memref<10240xf32, #tpu.memory_space<vmem_shared>> -> memref<10240xf32, #tpu.memory_space<vmem_shared>>
    tpu.wait_indirect_dma semaphore(%arg12 : memref<!tpu.dma_semaphore, #tpu.memory_space<semaphore_mem>>) src(%arg5 : memref<128xf32, #tpu.memory_space<vmem>>) dst(%dma_wait3A_324 : memref<10240xf32, #tpu.memory_space<vmem_shared>>)
    %dma_wait3A_325 = arith.constant 77 : i32
    %dma_wait3A_326 = arith.constant 0 : i32
    %dma_wait3A_327 = tpu.memref_slice %arg4[%dma_wait3A_325, %dma_wait3A_326] : memref<80x128xi32, #tpu.memory_space<vmem>> -> memref<1x128xi32, #tpu.memory_space<vmem>>
    %dma_wait3A_328 = tpu.memref_squeeze %dma_wait3A_327 : memref<1x128xi32, #tpu.memory_space<vmem>> -> memref<128xi32, #tpu.memory_space<vmem>>
    %dma_wait3A_329 = arith.constant 0 : i32
    %dma_wait3A_330 = tpu.memref_slice %arg7[%dma_wait3A_329] : memref<10240xf32, #tpu.memory_space<vmem_shared>> -> memref<10240xf32, #tpu.memory_space<vmem_shared>>
    tpu.wait_indirect_dma semaphore(%arg13 : memref<!tpu.dma_semaphore, #tpu.memory_space<semaphore_mem>>) src(%arg5 : memref<128xf32, #tpu.memory_space<vmem>>) dst(%dma_wait3A_330 : memref<10240xf32, #tpu.memory_space<vmem_shared>>)
    %dma_wait3A_331 = arith.constant 78 : i32
    %dma_wait3A_332 = arith.constant 0 : i32
    %dma_wait3A_333 = tpu.memref_slice %arg4[%dma_wait3A_331, %dma_wait3A_332] : memref<80x128xi32, #tpu.memory_space<vmem>> -> memref<1x128xi32, #tpu.memory_space<vmem>>
    %dma_wait3A_334 = tpu.memref_squeeze %dma_wait3A_333 : memref<1x128xi32, #tpu.memory_space<vmem>> -> memref<128xi32, #tpu.memory_space<vmem>>
    %dma_wait3A_335 = arith.constant 0 : i32
    %dma_wait3A_336 = tpu.memref_slice %arg7[%dma_wait3A_335] : memref<10240xf32, #tpu.memory_space<vmem_shared>> -> memref<10240xf32, #tpu.memory_space<vmem_shared>>
    tpu.wait_indirect_dma semaphore(%arg14 : memref<!tpu.dma_semaphore, #tpu.memory_space<semaphore_mem>>) src(%arg5 : memref<128xf32, #tpu.memory_space<vmem>>) dst(%dma_wait3A_336 : memref<10240xf32, #tpu.memory_space<vmem_shared>>)
    %dma_wait3A_337 = arith.constant 79 : i32
    %dma_wait3A_338 = arith.constant 0 : i32
    %dma_wait3A_339 = tpu.memref_slice %arg4[%dma_wait3A_337, %dma_wait3A_338] : memref<80x128xi32, #tpu.memory_space<vmem>> -> memref<1x128xi32, #tpu.memory_space<vmem>>
    %dma_wait3A_340 = tpu.memref_squeeze %dma_wait3A_339 : memref<1x128xi32, #tpu.memory_space<vmem>> -> memref<128xi32, #tpu.memory_space<vmem>>
    %dma_wait3A_341 = arith.constant 0 : i32
    %dma_wait3A_342 = tpu.memref_slice %arg7[%dma_wait3A_341] : memref<10240xf32, #tpu.memory_space<vmem_shared>> -> memref<10240xf32, #tpu.memory_space<vmem_shared>>
    tpu.wait_indirect_dma semaphore(%arg15 : memref<!tpu.dma_semaphore, #tpu.memory_space<semaphore_mem>>) src(%arg5 : memref<128xf32, #tpu.memory_space<vmem>>) dst(%dma_wait3A_342 : memref<10240xf32, #tpu.memory_space<vmem_shared>>)
    %barrier3A_343 = arith.constant 0 : index
    tpu.barrier barrier_id(%barrier3A_343)
    %mul3A_344 = arith.constant 640 : i32
    %mul3A_345 = arith.muli %arg1, %mul3A_344 : i32
    %mul3A_346 = arith.constant 10240 : i32
    %mul3A_347 = arith.muli %arg0, %mul3A_346 : i32
    %mul3A_348 = arith.constant 640 : i32
    %mul3A_349 = arith.muli %arg1, %mul3A_348 : i32
    %add3A_350 = arith.addi %mul3A_347, %mul3A_349 : i32
    "tpu.region"() ({
      %run_scoped3A = tpu.sem_alloc : memref<!tpu.dma_semaphore, #tpu.memory_space<semaphore_mem>>
      %dma_start3A = tpu.memref_slice %arg3[%add3A_350] : memref<20480xf32, #tpu.memory_space<hbm>> -> memref<640xf32, #tpu.memory_space<hbm>>
      %dma_start3A_351 = tpu.memref_slice %arg7[%mul3A_345] : memref<10240xf32, #tpu.memory_space<vmem_shared>> -> memref<640xf32, #tpu.memory_space<vmem_shared>>
      tpu.enqueue_dma source(%dma_start3A_351 : memref<640xf32, #tpu.memory_space<vmem_shared>>) target(%dma_start3A : memref<640xf32, #tpu.memory_space<hbm>>) target_semaphore(%run_scoped3A : memref<!tpu.dma_semaphore, #tpu.memory_space<semaphore_mem>>)
      %dma_wait3A_352 = tpu.memref_slice %arg3[%add3A_350] : memref<20480xf32, #tpu.memory_space<hbm>> -> memref<640xf32, #tpu.memory_space<hbm>>
      %dma_wait3A_353 = tpu.memref_slice %arg7[%mul3A_345] : memref<10240xf32, #tpu.memory_space<vmem_shared>> -> memref<640xf32, #tpu.memory_space<vmem_shared>>
      tpu.wait_dma2 semaphore(%run_scoped3A : memref<!tpu.dma_semaphore, #tpu.memory_space<semaphore_mem>>) src(%dma_wait3A_353 : memref<640xf32, #tpu.memory_space<vmem_shared>>) dst(%dma_wait3A_352 : memref<640xf32, #tpu.memory_space<hbm>>)
      tpu.yield
    }) : () -> ()
    return
  }
}

#map = affine_map<(d0, d1) -> (0, 0)>
module attributes {stable_mosaic.version = 14 : i64} {
  func.func @_sc_propagate(%arg0: i32, %arg1: i32, %arg2: memref<10240x128xf32, #tpu.memory_space<hbm>>, %arg3: memref<2560x128xi32, #tpu.memory_space<hbm>>, %arg4: memref<2560x128xi32, #tpu.memory_space<hbm>>, %arg5: memref<20480x128xf32, #tpu.memory_space<hbm>>, %arg6: memref<40x128xi32, #tpu.memory_space<vmem>>, %arg7: memref<40x128xi32, #tpu.memory_space<vmem>>, %arg8: memref<256x128xf32, #tpu.memory_space<vmem>>, %arg9: memref<10240x128xf32, #tpu.memory_space<vmem_shared>>, %arg10: memref<!tpu.dma_semaphore, #tpu.memory_space<semaphore_mem>>, %arg11: memref<!tpu.dma_semaphore, #tpu.memory_space<semaphore_mem>>, %arg12: memref<!tpu.dma_semaphore, #tpu.memory_space<semaphore_mem>>, %arg13: memref<!tpu.dma_semaphore, #tpu.memory_space<semaphore_mem>>) attributes {dimension_semantics = [#tpu.dimension_semantics<core_parallel>, #tpu.dimension_semantics<subcore_parallel>], iteration_bounds = array<i64: 2, 16>, scalar_prefetch = 0 : i64, scratch_operands = 8 : i64, tpu.core_type = #tpu.core_type<sc_vector_subcore>, window_params = [{transform_indices = #map}, {transform_indices = #map}, {transform_indices = #map}, {transform_indices = #map}]} {
    %mul3A = arith.constant 640 : i32
    %mul3A_0 = arith.muli %arg1, %mul3A : i32
    %mul3A_1 = arith.constant 640 : i32
    %mul3A_2 = arith.muli %arg1, %mul3A_1 : i32
    %dma_start3A = arith.constant 0 : i32
    %dma_start3A_3 = tpu.memref_slice %arg9[%mul3A_2, %dma_start3A] : memref<10240x128xf32, #tpu.memory_space<vmem_shared>> -> memref<640x128xf32, #tpu.memory_space<vmem_shared>>
    %dma_start3A_4 = arith.constant 0 : i32
    %dma_start3A_5 = tpu.memref_slice %arg2[%mul3A_0, %dma_start3A_4] : memref<10240x128xf32, #tpu.memory_space<hbm>> -> memref<640x128xf32, #tpu.memory_space<hbm>>
    tpu.enqueue_dma source(%dma_start3A_5 : memref<640x128xf32, #tpu.memory_space<hbm>>) target(%dma_start3A_3 : memref<640x128xf32, #tpu.memory_space<vmem_shared>>) target_semaphore(%arg10 : memref<!tpu.dma_semaphore, #tpu.memory_space<semaphore_mem>>)
    %mul3A_6 = arith.constant 16 : i32
    %mul3A_7 = arith.muli %arg0, %mul3A_6 : i32
    %add3A = arith.addi %mul3A_7, %arg1 : i32
    %mul3A_8 = arith.constant 80 : i32
    %mul3A_9 = arith.muli %add3A, %mul3A_8 : i32
    %add3A_10 = arith.constant 0 : i32
    %add3A_11 = arith.addi %mul3A_9, %add3A_10 : i32
    "tpu.region"() ({
      %run_scoped3A = tpu.sem_alloc : memref<!tpu.dma_semaphore, #tpu.memory_space<semaphore_mem>>
      %dma_start3A_80 = arith.constant 0 : i32
      %dma_start3A_81 = tpu.memref_slice %arg3[%add3A_11, %dma_start3A_80] : memref<2560x128xi32, #tpu.memory_space<hbm>> -> memref<40x128xi32, #tpu.memory_space<hbm>>
      %dma_start3A_82 = arith.constant 0 : i32
      %dma_start3A_83 = tpu.memref_slice %arg3[%add3A_11, %dma_start3A_82] : memref<2560x128xi32, #tpu.memory_space<hbm>> -> memref<40x128xi32, #tpu.memory_space<hbm>>
      tpu.enqueue_dma source(%dma_start3A_83 : memref<40x128xi32, #tpu.memory_space<hbm>>) target(%arg6 : memref<40x128xi32, #tpu.memory_space<vmem>>) target_semaphore(%run_scoped3A : memref<!tpu.dma_semaphore, #tpu.memory_space<semaphore_mem>>)
      %dma_wait3A_84 = arith.constant 0 : i32
      %dma_wait3A_85 = tpu.memref_slice %arg3[%add3A_11, %dma_wait3A_84] : memref<2560x128xi32, #tpu.memory_space<hbm>> -> memref<40x128xi32, #tpu.memory_space<hbm>>
      %dma_wait3A_86 = arith.constant 0 : i32
      %dma_wait3A_87 = tpu.memref_slice %arg3[%add3A_11, %dma_wait3A_86] : memref<2560x128xi32, #tpu.memory_space<hbm>> -> memref<40x128xi32, #tpu.memory_space<hbm>>
      tpu.wait_dma2 semaphore(%run_scoped3A : memref<!tpu.dma_semaphore, #tpu.memory_space<semaphore_mem>>) src(%dma_wait3A_87 : memref<40x128xi32, #tpu.memory_space<hbm>>) dst(%arg6 : memref<40x128xi32, #tpu.memory_space<vmem>>)
      tpu.yield
    }) : () -> ()
    %add3A_12 = arith.constant 0 : i32
    %add3A_13 = arith.addi %mul3A_9, %add3A_12 : i32
    "tpu.region"() ({
      %run_scoped3A = tpu.sem_alloc : memref<!tpu.dma_semaphore, #tpu.memory_space<semaphore_mem>>
      %dma_start3A_80 = arith.constant 0 : i32
      %dma_start3A_81 = tpu.memref_slice %arg4[%add3A_13, %dma_start3A_80] : memref<2560x128xi32, #tpu.memory_space<hbm>> -> memref<40x128xi32, #tpu.memory_space<hbm>>
      %dma_start3A_82 = arith.constant 0 : i32
      %dma_start3A_83 = tpu.memref_slice %arg4[%add3A_13, %dma_start3A_82] : memref<2560x128xi32, #tpu.memory_space<hbm>> -> memref<40x128xi32, #tpu.memory_space<hbm>>
      tpu.enqueue_dma source(%dma_start3A_83 : memref<40x128xi32, #tpu.memory_space<hbm>>) target(%arg7 : memref<40x128xi32, #tpu.memory_space<vmem>>) target_semaphore(%run_scoped3A : memref<!tpu.dma_semaphore, #tpu.memory_space<semaphore_mem>>)
      %dma_wait3A_84 = arith.constant 0 : i32
      %dma_wait3A_85 = tpu.memref_slice %arg4[%add3A_13, %dma_wait3A_84] : memref<2560x128xi32, #tpu.memory_space<hbm>> -> memref<40x128xi32, #tpu.memory_space<hbm>>
      %dma_wait3A_86 = arith.constant 0 : i32
      %dma_wait3A_87 = tpu.memref_slice %arg4[%add3A_13, %dma_wait3A_86] : memref<2560x128xi32, #tpu.memory_space<hbm>> -> memref<40x128xi32, #tpu.memory_space<hbm>>
      tpu.wait_dma2 semaphore(%run_scoped3A : memref<!tpu.dma_semaphore, #tpu.memory_space<semaphore_mem>>) src(%dma_wait3A_87 : memref<40x128xi32, #tpu.memory_space<hbm>>) dst(%arg7 : memref<40x128xi32, #tpu.memory_space<vmem>>)
      tpu.yield
    }) : () -> ()
    %dma_wait3A = arith.constant 0 : i32
    %dma_wait3A_14 = tpu.memref_slice %arg9[%mul3A_2, %dma_wait3A] : memref<10240x128xf32, #tpu.memory_space<vmem_shared>> -> memref<640x128xf32, #tpu.memory_space<vmem_shared>>
    %dma_wait3A_15 = arith.constant 0 : i32
    %dma_wait3A_16 = tpu.memref_slice %arg2[%mul3A_0, %dma_wait3A_15] : memref<10240x128xf32, #tpu.memory_space<hbm>> -> memref<640x128xf32, #tpu.memory_space<hbm>>
    tpu.wait_dma2 semaphore(%arg10 : memref<!tpu.dma_semaphore, #tpu.memory_space<semaphore_mem>>) src(%dma_wait3A_16 : memref<640x128xf32, #tpu.memory_space<hbm>>) dst(%dma_wait3A_14 : memref<640x128xf32, #tpu.memory_space<vmem_shared>>)
    %barrier3A = arith.constant 0 : index
    tpu.barrier barrier_id(%barrier3A)
    %scan3A = arith.constant 0 : i32
    %scan3A_17 = arith.constant 0 : i32
    %scan3A_18 = arith.constant 20 : i32
    %scan3A_19 = arith.addi %scan3A_17, %scan3A_18 : i32
    %scan3A_20 = arith.constant 1 : i32
    scf.for %scan3A_80 = %scan3A_17 to %scan3A_19 step %scan3A_20  : i32 {
      %mul3A_81 = arith.constant 2 : i32
      %mul3A_82 = arith.muli %scan3A_80, %mul3A_81 : i32
      %add3A_83 = arith.constant 0 : i32
      %add3A_84 = arith.addi %mul3A_82, %add3A_83 : i32
      %gt3A = arith.constant 0 : i32
      %gt3A_85 = arith.cmpi sgt, %scan3A_80, %gt3A : i32
      %convert_element_type3A = arith.extui %gt3A_85 : i1 to i32
      %cond3A = arith.constant 0 : i32
      %cond3A_86 = arith.cmpi ne, %convert_element_type3A, %cond3A : i32
      scf.if %cond3A_86 {
        %sub3A = arith.constant 2 : i32
        %sub3A_158 = arith.subi %add3A_84, %sub3A : i32
        %dma_wait3A_159 = arith.constant 0 : i32
        %dma_wait3A_160 = arith.constant 0 : i32
        %dma_wait3A_161 = tpu.memref_slice %arg8[%dma_wait3A_159, %dma_wait3A_160] : memref<256x128xf32, #tpu.memory_space<vmem>> -> memref<128x128xf32, #tpu.memory_space<vmem>>
        %dma_wait3A_162 = arith.constant 0 : i32
        %dma_wait3A_163 = tpu.memref_slice %arg7[%sub3A_158, %dma_wait3A_162] : memref<40x128xi32, #tpu.memory_space<vmem>> -> memref<1x128xi32, #tpu.memory_space<vmem>>
        %dma_wait3A_164 = tpu.memref_squeeze %dma_wait3A_163 : memref<1x128xi32, #tpu.memory_space<vmem>> -> memref<128xi32, #tpu.memory_space<vmem>>
        %dma_wait3A_165 = arith.constant 0 : i32
        %dma_wait3A_166 = arith.constant 0 : i32
        %dma_wait3A_167 = tpu.memref_slice %arg9[%dma_wait3A_165, %dma_wait3A_166] : memref<10240x128xf32, #tpu.memory_space<vmem_shared>> -> memref<10240x128xf32, #tpu.memory_space<vmem_shared>>
        tpu.wait_indirect_dma semaphore(%arg12 : memref<!tpu.dma_semaphore, #tpu.memory_space<semaphore_mem>>) src(%dma_wait3A_161 : memref<128x128xf32, #tpu.memory_space<vmem>>) dst(%dma_wait3A_167 : memref<10240x128xf32, #tpu.memory_space<vmem_shared>>)
      } else {
      }
      %dma_start3A_87 = arith.constant 0 : i32
      %dma_start3A_88 = arith.constant 0 : i32
      %dma_start3A_89 = tpu.memref_slice %arg8[%dma_start3A_87, %dma_start3A_88] : memref<256x128xf32, #tpu.memory_space<vmem>> -> memref<128x128xf32, #tpu.memory_space<vmem>>
      %dma_start3A_90 = arith.constant 0 : i32
      %dma_start3A_91 = tpu.memref_slice %arg6[%add3A_84, %dma_start3A_90] : memref<40x128xi32, #tpu.memory_space<vmem>> -> memref<1x128xi32, #tpu.memory_space<vmem>>
      %dma_start3A_92 = tpu.memref_squeeze %dma_start3A_91 : memref<1x128xi32, #tpu.memory_space<vmem>> -> memref<128xi32, #tpu.memory_space<vmem>>
      %dma_start3A_93 = arith.constant 0 : i32
      %dma_start3A_94 = arith.constant 0 : i32
      %dma_start3A_95 = tpu.memref_slice %arg2[%dma_start3A_93, %dma_start3A_94] : memref<10240x128xf32, #tpu.memory_space<hbm>> -> memref<10240x128xf32, #tpu.memory_space<hbm>>
      tpu.enqueue_indirect_dma source(%dma_start3A_95 : memref<10240x128xf32, #tpu.memory_space<hbm>>) target(%dma_start3A_89 : memref<128x128xf32, #tpu.memory_space<vmem>>) offsets(%dma_start3A_92 : memref<128xi32, #tpu.memory_space<vmem>>) semaphore(%arg10 : memref<!tpu.dma_semaphore, #tpu.memory_space<semaphore_mem>>)
      %mul3A_96 = arith.constant 2 : i32
      %mul3A_97 = arith.muli %scan3A_80, %mul3A_96 : i32
      %add3A_98 = arith.constant 1 : i32
      %add3A_99 = arith.addi %mul3A_97, %add3A_98 : i32
      %gt3A_100 = arith.constant 0 : i32
      %gt3A_101 = arith.cmpi sgt, %scan3A_80, %gt3A_100 : i32
      %convert_element_type3A_102 = arith.extui %gt3A_101 : i1 to i32
      %cond3A_103 = arith.constant 0 : i32
      %cond3A_104 = arith.cmpi ne, %convert_element_type3A_102, %cond3A_103 : i32
      scf.if %cond3A_104 {
        %sub3A = arith.constant 2 : i32
        %sub3A_158 = arith.subi %add3A_99, %sub3A : i32
        %dma_wait3A_159 = arith.constant 128 : i32
        %dma_wait3A_160 = arith.constant 0 : i32
        %dma_wait3A_161 = tpu.memref_slice %arg8[%dma_wait3A_159, %dma_wait3A_160] : memref<256x128xf32, #tpu.memory_space<vmem>> -> memref<128x128xf32, #tpu.memory_space<vmem>>
        %dma_wait3A_162 = arith.constant 0 : i32
        %dma_wait3A_163 = tpu.memref_slice %arg7[%sub3A_158, %dma_wait3A_162] : memref<40x128xi32, #tpu.memory_space<vmem>> -> memref<1x128xi32, #tpu.memory_space<vmem>>
        %dma_wait3A_164 = tpu.memref_squeeze %dma_wait3A_163 : memref<1x128xi32, #tpu.memory_space<vmem>> -> memref<128xi32, #tpu.memory_space<vmem>>
        %dma_wait3A_165 = arith.constant 0 : i32
        %dma_wait3A_166 = arith.constant 0 : i32
        %dma_wait3A_167 = tpu.memref_slice %arg9[%dma_wait3A_165, %dma_wait3A_166] : memref<10240x128xf32, #tpu.memory_space<vmem_shared>> -> memref<10240x128xf32, #tpu.memory_space<vmem_shared>>
        tpu.wait_indirect_dma semaphore(%arg13 : memref<!tpu.dma_semaphore, #tpu.memory_space<semaphore_mem>>) src(%dma_wait3A_161 : memref<128x128xf32, #tpu.memory_space<vmem>>) dst(%dma_wait3A_167 : memref<10240x128xf32, #tpu.memory_space<vmem_shared>>)
      } else {
      }
      %dma_start3A_105 = arith.constant 128 : i32
      %dma_start3A_106 = arith.constant 0 : i32
      %dma_start3A_107 = tpu.memref_slice %arg8[%dma_start3A_105, %dma_start3A_106] : memref<256x128xf32, #tpu.memory_space<vmem>> -> memref<128x128xf32, #tpu.memory_space<vmem>>
      %dma_start3A_108 = arith.constant 0 : i32
      %dma_start3A_109 = tpu.memref_slice %arg6[%add3A_99, %dma_start3A_108] : memref<40x128xi32, #tpu.memory_space<vmem>> -> memref<1x128xi32, #tpu.memory_space<vmem>>
      %dma_start3A_110 = tpu.memref_squeeze %dma_start3A_109 : memref<1x128xi32, #tpu.memory_space<vmem>> -> memref<128xi32, #tpu.memory_space<vmem>>
      %dma_start3A_111 = arith.constant 0 : i32
      %dma_start3A_112 = arith.constant 0 : i32
      %dma_start3A_113 = tpu.memref_slice %arg2[%dma_start3A_111, %dma_start3A_112] : memref<10240x128xf32, #tpu.memory_space<hbm>> -> memref<10240x128xf32, #tpu.memory_space<hbm>>
      tpu.enqueue_indirect_dma source(%dma_start3A_113 : memref<10240x128xf32, #tpu.memory_space<hbm>>) target(%dma_start3A_107 : memref<128x128xf32, #tpu.memory_space<vmem>>) offsets(%dma_start3A_110 : memref<128xi32, #tpu.memory_space<vmem>>) semaphore(%arg11 : memref<!tpu.dma_semaphore, #tpu.memory_space<semaphore_mem>>)
      %mul3A_114 = arith.constant 2 : i32
      %mul3A_115 = arith.muli %scan3A_80, %mul3A_114 : i32
      %add3A_116 = arith.constant 0 : i32
      %add3A_117 = arith.addi %mul3A_115, %add3A_116 : i32
      %dma_wait3A_118 = arith.constant 0 : i32
      %dma_wait3A_119 = arith.constant 0 : i32
      %dma_wait3A_120 = tpu.memref_slice %arg8[%dma_wait3A_118, %dma_wait3A_119] : memref<256x128xf32, #tpu.memory_space<vmem>> -> memref<128x128xf32, #tpu.memory_space<vmem>>
      %dma_wait3A_121 = arith.constant 0 : i32
      %dma_wait3A_122 = tpu.memref_slice %arg6[%add3A_117, %dma_wait3A_121] : memref<40x128xi32, #tpu.memory_space<vmem>> -> memref<1x128xi32, #tpu.memory_space<vmem>>
      %dma_wait3A_123 = tpu.memref_squeeze %dma_wait3A_122 : memref<1x128xi32, #tpu.memory_space<vmem>> -> memref<128xi32, #tpu.memory_space<vmem>>
      %dma_wait3A_124 = arith.constant 0 : i32
      %dma_wait3A_125 = arith.constant 0 : i32
      %dma_wait3A_126 = tpu.memref_slice %arg2[%dma_wait3A_124, %dma_wait3A_125] : memref<10240x128xf32, #tpu.memory_space<hbm>> -> memref<10240x128xf32, #tpu.memory_space<hbm>>
      tpu.wait_indirect_dma semaphore(%arg10 : memref<!tpu.dma_semaphore, #tpu.memory_space<semaphore_mem>>) src(%dma_wait3A_126 : memref<10240x128xf32, #tpu.memory_space<hbm>>) dst(%dma_wait3A_120 : memref<128x128xf32, #tpu.memory_space<vmem>>)
      %dma_start3A_127 = arith.constant 0 : i32
      %dma_start3A_128 = arith.constant 0 : i32
      %dma_start3A_129 = tpu.memref_slice %arg8[%dma_start3A_127, %dma_start3A_128] : memref<256x128xf32, #tpu.memory_space<vmem>> -> memref<128x128xf32, #tpu.memory_space<vmem>>
      %dma_start3A_130 = arith.constant 0 : i32
      %dma_start3A_131 = tpu.memref_slice %arg7[%add3A_117, %dma_start3A_130] : memref<40x128xi32, #tpu.memory_space<vmem>> -> memref<1x128xi32, #tpu.memory_space<vmem>>
      %dma_start3A_132 = tpu.memref_squeeze %dma_start3A_131 : memref<1x128xi32, #tpu.memory_space<vmem>> -> memref<128xi32, #tpu.memory_space<vmem>>
      %dma_start3A_133 = arith.constant 0 : i32
      %dma_start3A_134 = arith.constant 0 : i32
      %dma_start3A_135 = tpu.memref_slice %arg9[%dma_start3A_133, %dma_start3A_134] : memref<10240x128xf32, #tpu.memory_space<vmem_shared>> -> memref<10240x128xf32, #tpu.memory_space<vmem_shared>>
      tpu.enqueue_indirect_dma source(%dma_start3A_129 : memref<128x128xf32, #tpu.memory_space<vmem>>) target(%dma_start3A_135 : memref<10240x128xf32, #tpu.memory_space<vmem_shared>>) offsets(%dma_start3A_132 : memref<128xi32, #tpu.memory_space<vmem>>) semaphore(%arg12 : memref<!tpu.dma_semaphore, #tpu.memory_space<semaphore_mem>>) {add = true}
      %mul3A_136 = arith.constant 2 : i32
      %mul3A_137 = arith.muli %scan3A_80, %mul3A_136 : i32
      %add3A_138 = arith.constant 1 : i32
      %add3A_139 = arith.addi %mul3A_137, %add3A_138 : i32
      %dma_wait3A_140 = arith.constant 128 : i32
      %dma_wait3A_141 = arith.constant 0 : i32
      %dma_wait3A_142 = tpu.memref_slice %arg8[%dma_wait3A_140, %dma_wait3A_141] : memref<256x128xf32, #tpu.memory_space<vmem>> -> memref<128x128xf32, #tpu.memory_space<vmem>>
      %dma_wait3A_143 = arith.constant 0 : i32
      %dma_wait3A_144 = tpu.memref_slice %arg6[%add3A_139, %dma_wait3A_143] : memref<40x128xi32, #tpu.memory_space<vmem>> -> memref<1x128xi32, #tpu.memory_space<vmem>>
      %dma_wait3A_145 = tpu.memref_squeeze %dma_wait3A_144 : memref<1x128xi32, #tpu.memory_space<vmem>> -> memref<128xi32, #tpu.memory_space<vmem>>
      %dma_wait3A_146 = arith.constant 0 : i32
      %dma_wait3A_147 = arith.constant 0 : i32
      %dma_wait3A_148 = tpu.memref_slice %arg2[%dma_wait3A_146, %dma_wait3A_147] : memref<10240x128xf32, #tpu.memory_space<hbm>> -> memref<10240x128xf32, #tpu.memory_space<hbm>>
      tpu.wait_indirect_dma semaphore(%arg11 : memref<!tpu.dma_semaphore, #tpu.memory_space<semaphore_mem>>) src(%dma_wait3A_148 : memref<10240x128xf32, #tpu.memory_space<hbm>>) dst(%dma_wait3A_142 : memref<128x128xf32, #tpu.memory_space<vmem>>)
      %dma_start3A_149 = arith.constant 128 : i32
      %dma_start3A_150 = arith.constant 0 : i32
      %dma_start3A_151 = tpu.memref_slice %arg8[%dma_start3A_149, %dma_start3A_150] : memref<256x128xf32, #tpu.memory_space<vmem>> -> memref<128x128xf32, #tpu.memory_space<vmem>>
      %dma_start3A_152 = arith.constant 0 : i32
      %dma_start3A_153 = tpu.memref_slice %arg7[%add3A_139, %dma_start3A_152] : memref<40x128xi32, #tpu.memory_space<vmem>> -> memref<1x128xi32, #tpu.memory_space<vmem>>
      %dma_start3A_154 = tpu.memref_squeeze %dma_start3A_153 : memref<1x128xi32, #tpu.memory_space<vmem>> -> memref<128xi32, #tpu.memory_space<vmem>>
      %dma_start3A_155 = arith.constant 0 : i32
      %dma_start3A_156 = arith.constant 0 : i32
      %dma_start3A_157 = tpu.memref_slice %arg9[%dma_start3A_155, %dma_start3A_156] : memref<10240x128xf32, #tpu.memory_space<vmem_shared>> -> memref<10240x128xf32, #tpu.memory_space<vmem_shared>>
      tpu.enqueue_indirect_dma source(%dma_start3A_151 : memref<128x128xf32, #tpu.memory_space<vmem>>) target(%dma_start3A_157 : memref<10240x128xf32, #tpu.memory_space<vmem_shared>>) offsets(%dma_start3A_154 : memref<128xi32, #tpu.memory_space<vmem>>) semaphore(%arg13 : memref<!tpu.dma_semaphore, #tpu.memory_space<semaphore_mem>>) {add = true}
    }
    %scan3A_21 = arith.constant 20 : i32
    %dma_wait3A_22 = arith.constant 38 : i32
    %dma_wait3A_23 = arith.constant 0 : i32
    %dma_wait3A_24 = arith.constant 0 : i32
    %dma_wait3A_25 = tpu.memref_slice %arg8[%dma_wait3A_23, %dma_wait3A_24] : memref<256x128xf32, #tpu.memory_space<vmem>> -> memref<128x128xf32, #tpu.memory_space<vmem>>
    %dma_wait3A_26 = arith.constant 0 : i32
    %dma_wait3A_27 = tpu.memref_slice %arg7[%dma_wait3A_22, %dma_wait3A_26] : memref<40x128xi32, #tpu.memory_space<vmem>> -> memref<1x128xi32, #tpu.memory_space<vmem>>
    %dma_wait3A_28 = tpu.memref_squeeze %dma_wait3A_27 : memref<1x128xi32, #tpu.memory_space<vmem>> -> memref<128xi32, #tpu.memory_space<vmem>>
    %dma_wait3A_29 = arith.constant 0 : i32
    %dma_wait3A_30 = arith.constant 0 : i32
    %dma_wait3A_31 = tpu.memref_slice %arg9[%dma_wait3A_29, %dma_wait3A_30] : memref<10240x128xf32, #tpu.memory_space<vmem_shared>> -> memref<10240x128xf32, #tpu.memory_space<vmem_shared>>
    tpu.wait_indirect_dma semaphore(%arg12 : memref<!tpu.dma_semaphore, #tpu.memory_space<semaphore_mem>>) src(%dma_wait3A_25 : memref<128x128xf32, #tpu.memory_space<vmem>>) dst(%dma_wait3A_31 : memref<10240x128xf32, #tpu.memory_space<vmem_shared>>)
    %dma_wait3A_32 = arith.constant 39 : i32
    %dma_wait3A_33 = arith.constant 128 : i32
    %dma_wait3A_34 = arith.constant 0 : i32
    %dma_wait3A_35 = tpu.memref_slice %arg8[%dma_wait3A_33, %dma_wait3A_34] : memref<256x128xf32, #tpu.memory_space<vmem>> -> memref<128x128xf32, #tpu.memory_space<vmem>>
    %dma_wait3A_36 = arith.constant 0 : i32
    %dma_wait3A_37 = tpu.memref_slice %arg7[%dma_wait3A_32, %dma_wait3A_36] : memref<40x128xi32, #tpu.memory_space<vmem>> -> memref<1x128xi32, #tpu.memory_space<vmem>>
    %dma_wait3A_38 = tpu.memref_squeeze %dma_wait3A_37 : memref<1x128xi32, #tpu.memory_space<vmem>> -> memref<128xi32, #tpu.memory_space<vmem>>
    %dma_wait3A_39 = arith.constant 0 : i32
    %dma_wait3A_40 = arith.constant 0 : i32
    %dma_wait3A_41 = tpu.memref_slice %arg9[%dma_wait3A_39, %dma_wait3A_40] : memref<10240x128xf32, #tpu.memory_space<vmem_shared>> -> memref<10240x128xf32, #tpu.memory_space<vmem_shared>>
    tpu.wait_indirect_dma semaphore(%arg13 : memref<!tpu.dma_semaphore, #tpu.memory_space<semaphore_mem>>) src(%dma_wait3A_35 : memref<128x128xf32, #tpu.memory_space<vmem>>) dst(%dma_wait3A_41 : memref<10240x128xf32, #tpu.memory_space<vmem_shared>>)
    %add3A_42 = arith.constant 40 : i32
    %add3A_43 = arith.addi %mul3A_9, %add3A_42 : i32
    "tpu.region"() ({
      %run_scoped3A = tpu.sem_alloc : memref<!tpu.dma_semaphore, #tpu.memory_space<semaphore_mem>>
      %dma_start3A_80 = arith.constant 0 : i32
      %dma_start3A_81 = tpu.memref_slice %arg3[%add3A_43, %dma_start3A_80] : memref<2560x128xi32, #tpu.memory_space<hbm>> -> memref<40x128xi32, #tpu.memory_space<hbm>>
      %dma_start3A_82 = arith.constant 0 : i32
      %dma_start3A_83 = tpu.memref_slice %arg3[%add3A_43, %dma_start3A_82] : memref<2560x128xi32, #tpu.memory_space<hbm>> -> memref<40x128xi32, #tpu.memory_space<hbm>>
      tpu.enqueue_dma source(%dma_start3A_83 : memref<40x128xi32, #tpu.memory_space<hbm>>) target(%arg6 : memref<40x128xi32, #tpu.memory_space<vmem>>) target_semaphore(%run_scoped3A : memref<!tpu.dma_semaphore, #tpu.memory_space<semaphore_mem>>)
      %dma_wait3A_84 = arith.constant 0 : i32
      %dma_wait3A_85 = tpu.memref_slice %arg3[%add3A_43, %dma_wait3A_84] : memref<2560x128xi32, #tpu.memory_space<hbm>> -> memref<40x128xi32, #tpu.memory_space<hbm>>
      %dma_wait3A_86 = arith.constant 0 : i32
      %dma_wait3A_87 = tpu.memref_slice %arg3[%add3A_43, %dma_wait3A_86] : memref<2560x128xi32, #tpu.memory_space<hbm>> -> memref<40x128xi32, #tpu.memory_space<hbm>>
      tpu.wait_dma2 semaphore(%run_scoped3A : memref<!tpu.dma_semaphore, #tpu.memory_space<semaphore_mem>>) src(%dma_wait3A_87 : memref<40x128xi32, #tpu.memory_space<hbm>>) dst(%arg6 : memref<40x128xi32, #tpu.memory_space<vmem>>)
      tpu.yield
    }) : () -> ()
    %add3A_44 = arith.constant 40 : i32
    %add3A_45 = arith.addi %mul3A_9, %add3A_44 : i32
    "tpu.region"() ({
      %run_scoped3A = tpu.sem_alloc : memref<!tpu.dma_semaphore, #tpu.memory_space<semaphore_mem>>
      %dma_start3A_80 = arith.constant 0 : i32
      %dma_start3A_81 = tpu.memref_slice %arg4[%add3A_45, %dma_start3A_80] : memref<2560x128xi32, #tpu.memory_space<hbm>> -> memref<40x128xi32, #tpu.memory_space<hbm>>
      %dma_start3A_82 = arith.constant 0 : i32
      %dma_start3A_83 = tpu.memref_slice %arg4[%add3A_45, %dma_start3A_82] : memref<2560x128xi32, #tpu.memory_space<hbm>> -> memref<40x128xi32, #tpu.memory_space<hbm>>
      tpu.enqueue_dma source(%dma_start3A_83 : memref<40x128xi32, #tpu.memory_space<hbm>>) target(%arg7 : memref<40x128xi32, #tpu.memory_space<vmem>>) target_semaphore(%run_scoped3A : memref<!tpu.dma_semaphore, #tpu.memory_space<semaphore_mem>>)
      %dma_wait3A_84 = arith.constant 0 : i32
      %dma_wait3A_85 = tpu.memref_slice %arg4[%add3A_45, %dma_wait3A_84] : memref<2560x128xi32, #tpu.memory_space<hbm>> -> memref<40x128xi32, #tpu.memory_space<hbm>>
      %dma_wait3A_86 = arith.constant 0 : i32
      %dma_wait3A_87 = tpu.memref_slice %arg4[%add3A_45, %dma_wait3A_86] : memref<2560x128xi32, #tpu.memory_space<hbm>> -> memref<40x128xi32, #tpu.memory_space<hbm>>
      tpu.wait_dma2 semaphore(%run_scoped3A : memref<!tpu.dma_semaphore, #tpu.memory_space<semaphore_mem>>) src(%dma_wait3A_87 : memref<40x128xi32, #tpu.memory_space<hbm>>) dst(%arg7 : memref<40x128xi32, #tpu.memory_space<vmem>>)
      tpu.yield
    }) : () -> ()
    %scan3A_46 = arith.constant 0 : i32
    %scan3A_47 = arith.constant 0 : i32
    %scan3A_48 = arith.constant 20 : i32
    %scan3A_49 = arith.addi %scan3A_47, %scan3A_48 : i32
    %scan3A_50 = arith.constant 1 : i32
    scf.for %scan3A_80 = %scan3A_47 to %scan3A_49 step %scan3A_50  : i32 {
      %mul3A_81 = arith.constant 2 : i32
      %mul3A_82 = arith.muli %scan3A_80, %mul3A_81 : i32
      %add3A_83 = arith.constant 0 : i32
      %add3A_84 = arith.addi %mul3A_82, %add3A_83 : i32
      %gt3A = arith.constant 0 : i32
      %gt3A_85 = arith.cmpi sgt, %scan3A_80, %gt3A : i32
      %convert_element_type3A = arith.extui %gt3A_85 : i1 to i32
      %cond3A = arith.constant 0 : i32
      %cond3A_86 = arith.cmpi ne, %convert_element_type3A, %cond3A : i32
      scf.if %cond3A_86 {
        %sub3A = arith.constant 2 : i32
        %sub3A_158 = arith.subi %add3A_84, %sub3A : i32
        %dma_wait3A_159 = arith.constant 0 : i32
        %dma_wait3A_160 = arith.constant 0 : i32
        %dma_wait3A_161 = tpu.memref_slice %arg8[%dma_wait3A_159, %dma_wait3A_160] : memref<256x128xf32, #tpu.memory_space<vmem>> -> memref<128x128xf32, #tpu.memory_space<vmem>>
        %dma_wait3A_162 = arith.constant 0 : i32
        %dma_wait3A_163 = tpu.memref_slice %arg7[%sub3A_158, %dma_wait3A_162] : memref<40x128xi32, #tpu.memory_space<vmem>> -> memref<1x128xi32, #tpu.memory_space<vmem>>
        %dma_wait3A_164 = tpu.memref_squeeze %dma_wait3A_163 : memref<1x128xi32, #tpu.memory_space<vmem>> -> memref<128xi32, #tpu.memory_space<vmem>>
        %dma_wait3A_165 = arith.constant 0 : i32
        %dma_wait3A_166 = arith.constant 0 : i32
        %dma_wait3A_167 = tpu.memref_slice %arg9[%dma_wait3A_165, %dma_wait3A_166] : memref<10240x128xf32, #tpu.memory_space<vmem_shared>> -> memref<10240x128xf32, #tpu.memory_space<vmem_shared>>
        tpu.wait_indirect_dma semaphore(%arg12 : memref<!tpu.dma_semaphore, #tpu.memory_space<semaphore_mem>>) src(%dma_wait3A_161 : memref<128x128xf32, #tpu.memory_space<vmem>>) dst(%dma_wait3A_167 : memref<10240x128xf32, #tpu.memory_space<vmem_shared>>)
      } else {
      }
      %dma_start3A_87 = arith.constant 0 : i32
      %dma_start3A_88 = arith.constant 0 : i32
      %dma_start3A_89 = tpu.memref_slice %arg8[%dma_start3A_87, %dma_start3A_88] : memref<256x128xf32, #tpu.memory_space<vmem>> -> memref<128x128xf32, #tpu.memory_space<vmem>>
      %dma_start3A_90 = arith.constant 0 : i32
      %dma_start3A_91 = tpu.memref_slice %arg6[%add3A_84, %dma_start3A_90] : memref<40x128xi32, #tpu.memory_space<vmem>> -> memref<1x128xi32, #tpu.memory_space<vmem>>
      %dma_start3A_92 = tpu.memref_squeeze %dma_start3A_91 : memref<1x128xi32, #tpu.memory_space<vmem>> -> memref<128xi32, #tpu.memory_space<vmem>>
      %dma_start3A_93 = arith.constant 0 : i32
      %dma_start3A_94 = arith.constant 0 : i32
      %dma_start3A_95 = tpu.memref_slice %arg2[%dma_start3A_93, %dma_start3A_94] : memref<10240x128xf32, #tpu.memory_space<hbm>> -> memref<10240x128xf32, #tpu.memory_space<hbm>>
      tpu.enqueue_indirect_dma source(%dma_start3A_95 : memref<10240x128xf32, #tpu.memory_space<hbm>>) target(%dma_start3A_89 : memref<128x128xf32, #tpu.memory_space<vmem>>) offsets(%dma_start3A_92 : memref<128xi32, #tpu.memory_space<vmem>>) semaphore(%arg10 : memref<!tpu.dma_semaphore, #tpu.memory_space<semaphore_mem>>)
      %mul3A_96 = arith.constant 2 : i32
      %mul3A_97 = arith.muli %scan3A_80, %mul3A_96 : i32
      %add3A_98 = arith.constant 1 : i32
      %add3A_99 = arith.addi %mul3A_97, %add3A_98 : i32
      %gt3A_100 = arith.constant 0 : i32
      %gt3A_101 = arith.cmpi sgt, %scan3A_80, %gt3A_100 : i32
      %convert_element_type3A_102 = arith.extui %gt3A_101 : i1 to i32
      %cond3A_103 = arith.constant 0 : i32
      %cond3A_104 = arith.cmpi ne, %convert_element_type3A_102, %cond3A_103 : i32
      scf.if %cond3A_104 {
        %sub3A = arith.constant 2 : i32
        %sub3A_158 = arith.subi %add3A_99, %sub3A : i32
        %dma_wait3A_159 = arith.constant 128 : i32
        %dma_wait3A_160 = arith.constant 0 : i32
        %dma_wait3A_161 = tpu.memref_slice %arg8[%dma_wait3A_159, %dma_wait3A_160] : memref<256x128xf32, #tpu.memory_space<vmem>> -> memref<128x128xf32, #tpu.memory_space<vmem>>
        %dma_wait3A_162 = arith.constant 0 : i32
        %dma_wait3A_163 = tpu.memref_slice %arg7[%sub3A_158, %dma_wait3A_162] : memref<40x128xi32, #tpu.memory_space<vmem>> -> memref<1x128xi32, #tpu.memory_space<vmem>>
        %dma_wait3A_164 = tpu.memref_squeeze %dma_wait3A_163 : memref<1x128xi32, #tpu.memory_space<vmem>> -> memref<128xi32, #tpu.memory_space<vmem>>
        %dma_wait3A_165 = arith.constant 0 : i32
        %dma_wait3A_166 = arith.constant 0 : i32
        %dma_wait3A_167 = tpu.memref_slice %arg9[%dma_wait3A_165, %dma_wait3A_166] : memref<10240x128xf32, #tpu.memory_space<vmem_shared>> -> memref<10240x128xf32, #tpu.memory_space<vmem_shared>>
        tpu.wait_indirect_dma semaphore(%arg13 : memref<!tpu.dma_semaphore, #tpu.memory_space<semaphore_mem>>) src(%dma_wait3A_161 : memref<128x128xf32, #tpu.memory_space<vmem>>) dst(%dma_wait3A_167 : memref<10240x128xf32, #tpu.memory_space<vmem_shared>>)
      } else {
      }
      %dma_start3A_105 = arith.constant 128 : i32
      %dma_start3A_106 = arith.constant 0 : i32
      %dma_start3A_107 = tpu.memref_slice %arg8[%dma_start3A_105, %dma_start3A_106] : memref<256x128xf32, #tpu.memory_space<vmem>> -> memref<128x128xf32, #tpu.memory_space<vmem>>
      %dma_start3A_108 = arith.constant 0 : i32
      %dma_start3A_109 = tpu.memref_slice %arg6[%add3A_99, %dma_start3A_108] : memref<40x128xi32, #tpu.memory_space<vmem>> -> memref<1x128xi32, #tpu.memory_space<vmem>>
      %dma_start3A_110 = tpu.memref_squeeze %dma_start3A_109 : memref<1x128xi32, #tpu.memory_space<vmem>> -> memref<128xi32, #tpu.memory_space<vmem>>
      %dma_start3A_111 = arith.constant 0 : i32
      %dma_start3A_112 = arith.constant 0 : i32
      %dma_start3A_113 = tpu.memref_slice %arg2[%dma_start3A_111, %dma_start3A_112] : memref<10240x128xf32, #tpu.memory_space<hbm>> -> memref<10240x128xf32, #tpu.memory_space<hbm>>
      tpu.enqueue_indirect_dma source(%dma_start3A_113 : memref<10240x128xf32, #tpu.memory_space<hbm>>) target(%dma_start3A_107 : memref<128x128xf32, #tpu.memory_space<vmem>>) offsets(%dma_start3A_110 : memref<128xi32, #tpu.memory_space<vmem>>) semaphore(%arg11 : memref<!tpu.dma_semaphore, #tpu.memory_space<semaphore_mem>>)
      %mul3A_114 = arith.constant 2 : i32
      %mul3A_115 = arith.muli %scan3A_80, %mul3A_114 : i32
      %add3A_116 = arith.constant 0 : i32
      %add3A_117 = arith.addi %mul3A_115, %add3A_116 : i32
      %dma_wait3A_118 = arith.constant 0 : i32
      %dma_wait3A_119 = arith.constant 0 : i32
      %dma_wait3A_120 = tpu.memref_slice %arg8[%dma_wait3A_118, %dma_wait3A_119] : memref<256x128xf32, #tpu.memory_space<vmem>> -> memref<128x128xf32, #tpu.memory_space<vmem>>
      %dma_wait3A_121 = arith.constant 0 : i32
      %dma_wait3A_122 = tpu.memref_slice %arg6[%add3A_117, %dma_wait3A_121] : memref<40x128xi32, #tpu.memory_space<vmem>> -> memref<1x128xi32, #tpu.memory_space<vmem>>
      %dma_wait3A_123 = tpu.memref_squeeze %dma_wait3A_122 : memref<1x128xi32, #tpu.memory_space<vmem>> -> memref<128xi32, #tpu.memory_space<vmem>>
      %dma_wait3A_124 = arith.constant 0 : i32
      %dma_wait3A_125 = arith.constant 0 : i32
      %dma_wait3A_126 = tpu.memref_slice %arg2[%dma_wait3A_124, %dma_wait3A_125] : memref<10240x128xf32, #tpu.memory_space<hbm>> -> memref<10240x128xf32, #tpu.memory_space<hbm>>
      tpu.wait_indirect_dma semaphore(%arg10 : memref<!tpu.dma_semaphore, #tpu.memory_space<semaphore_mem>>) src(%dma_wait3A_126 : memref<10240x128xf32, #tpu.memory_space<hbm>>) dst(%dma_wait3A_120 : memref<128x128xf32, #tpu.memory_space<vmem>>)
      %dma_start3A_127 = arith.constant 0 : i32
      %dma_start3A_128 = arith.constant 0 : i32
      %dma_start3A_129 = tpu.memref_slice %arg8[%dma_start3A_127, %dma_start3A_128] : memref<256x128xf32, #tpu.memory_space<vmem>> -> memref<128x128xf32, #tpu.memory_space<vmem>>
      %dma_start3A_130 = arith.constant 0 : i32
      %dma_start3A_131 = tpu.memref_slice %arg7[%add3A_117, %dma_start3A_130] : memref<40x128xi32, #tpu.memory_space<vmem>> -> memref<1x128xi32, #tpu.memory_space<vmem>>
      %dma_start3A_132 = tpu.memref_squeeze %dma_start3A_131 : memref<1x128xi32, #tpu.memory_space<vmem>> -> memref<128xi32, #tpu.memory_space<vmem>>
      %dma_start3A_133 = arith.constant 0 : i32
      %dma_start3A_134 = arith.constant 0 : i32
      %dma_start3A_135 = tpu.memref_slice %arg9[%dma_start3A_133, %dma_start3A_134] : memref<10240x128xf32, #tpu.memory_space<vmem_shared>> -> memref<10240x128xf32, #tpu.memory_space<vmem_shared>>
      tpu.enqueue_indirect_dma source(%dma_start3A_129 : memref<128x128xf32, #tpu.memory_space<vmem>>) target(%dma_start3A_135 : memref<10240x128xf32, #tpu.memory_space<vmem_shared>>) offsets(%dma_start3A_132 : memref<128xi32, #tpu.memory_space<vmem>>) semaphore(%arg12 : memref<!tpu.dma_semaphore, #tpu.memory_space<semaphore_mem>>) {add = true}
      %mul3A_136 = arith.constant 2 : i32
      %mul3A_137 = arith.muli %scan3A_80, %mul3A_136 : i32
      %add3A_138 = arith.constant 1 : i32
      %add3A_139 = arith.addi %mul3A_137, %add3A_138 : i32
      %dma_wait3A_140 = arith.constant 128 : i32
      %dma_wait3A_141 = arith.constant 0 : i32
      %dma_wait3A_142 = tpu.memref_slice %arg8[%dma_wait3A_140, %dma_wait3A_141] : memref<256x128xf32, #tpu.memory_space<vmem>> -> memref<128x128xf32, #tpu.memory_space<vmem>>
      %dma_wait3A_143 = arith.constant 0 : i32
      %dma_wait3A_144 = tpu.memref_slice %arg6[%add3A_139, %dma_wait3A_143] : memref<40x128xi32, #tpu.memory_space<vmem>> -> memref<1x128xi32, #tpu.memory_space<vmem>>
      %dma_wait3A_145 = tpu.memref_squeeze %dma_wait3A_144 : memref<1x128xi32, #tpu.memory_space<vmem>> -> memref<128xi32, #tpu.memory_space<vmem>>
      %dma_wait3A_146 = arith.constant 0 : i32
      %dma_wait3A_147 = arith.constant 0 : i32
      %dma_wait3A_148 = tpu.memref_slice %arg2[%dma_wait3A_146, %dma_wait3A_147] : memref<10240x128xf32, #tpu.memory_space<hbm>> -> memref<10240x128xf32, #tpu.memory_space<hbm>>
      tpu.wait_indirect_dma semaphore(%arg11 : memref<!tpu.dma_semaphore, #tpu.memory_space<semaphore_mem>>) src(%dma_wait3A_148 : memref<10240x128xf32, #tpu.memory_space<hbm>>) dst(%dma_wait3A_142 : memref<128x128xf32, #tpu.memory_space<vmem>>)
      %dma_start3A_149 = arith.constant 128 : i32
      %dma_start3A_150 = arith.constant 0 : i32
      %dma_start3A_151 = tpu.memref_slice %arg8[%dma_start3A_149, %dma_start3A_150] : memref<256x128xf32, #tpu.memory_space<vmem>> -> memref<128x128xf32, #tpu.memory_space<vmem>>
      %dma_start3A_152 = arith.constant 0 : i32
      %dma_start3A_153 = tpu.memref_slice %arg7[%add3A_139, %dma_start3A_152] : memref<40x128xi32, #tpu.memory_space<vmem>> -> memref<1x128xi32, #tpu.memory_space<vmem>>
      %dma_start3A_154 = tpu.memref_squeeze %dma_start3A_153 : memref<1x128xi32, #tpu.memory_space<vmem>> -> memref<128xi32, #tpu.memory_space<vmem>>
      %dma_start3A_155 = arith.constant 0 : i32
      %dma_start3A_156 = arith.constant 0 : i32
      %dma_start3A_157 = tpu.memref_slice %arg9[%dma_start3A_155, %dma_start3A_156] : memref<10240x128xf32, #tpu.memory_space<vmem_shared>> -> memref<10240x128xf32, #tpu.memory_space<vmem_shared>>
      tpu.enqueue_indirect_dma source(%dma_start3A_151 : memref<128x128xf32, #tpu.memory_space<vmem>>) target(%dma_start3A_157 : memref<10240x128xf32, #tpu.memory_space<vmem_shared>>) offsets(%dma_start3A_154 : memref<128xi32, #tpu.memory_space<vmem>>) semaphore(%arg13 : memref<!tpu.dma_semaphore, #tpu.memory_space<semaphore_mem>>) {add = true}
    }
    %scan3A_51 = arith.constant 20 : i32
    %dma_wait3A_52 = arith.constant 38 : i32
    %dma_wait3A_53 = arith.constant 0 : i32
    %dma_wait3A_54 = arith.constant 0 : i32
    %dma_wait3A_55 = tpu.memref_slice %arg8[%dma_wait3A_53, %dma_wait3A_54] : memref<256x128xf32, #tpu.memory_space<vmem>> -> memref<128x128xf32, #tpu.memory_space<vmem>>
    %dma_wait3A_56 = arith.constant 0 : i32
    %dma_wait3A_57 = tpu.memref_slice %arg7[%dma_wait3A_52, %dma_wait3A_56] : memref<40x128xi32, #tpu.memory_space<vmem>> -> memref<1x128xi32, #tpu.memory_space<vmem>>
    %dma_wait3A_58 = tpu.memref_squeeze %dma_wait3A_57 : memref<1x128xi32, #tpu.memory_space<vmem>> -> memref<128xi32, #tpu.memory_space<vmem>>
    %dma_wait3A_59 = arith.constant 0 : i32
    %dma_wait3A_60 = arith.constant 0 : i32
    %dma_wait3A_61 = tpu.memref_slice %arg9[%dma_wait3A_59, %dma_wait3A_60] : memref<10240x128xf32, #tpu.memory_space<vmem_shared>> -> memref<10240x128xf32, #tpu.memory_space<vmem_shared>>
    tpu.wait_indirect_dma semaphore(%arg12 : memref<!tpu.dma_semaphore, #tpu.memory_space<semaphore_mem>>) src(%dma_wait3A_55 : memref<128x128xf32, #tpu.memory_space<vmem>>) dst(%dma_wait3A_61 : memref<10240x128xf32, #tpu.memory_space<vmem_shared>>)
    %dma_wait3A_62 = arith.constant 39 : i32
    %dma_wait3A_63 = arith.constant 128 : i32
    %dma_wait3A_64 = arith.constant 0 : i32
    %dma_wait3A_65 = tpu.memref_slice %arg8[%dma_wait3A_63, %dma_wait3A_64] : memref<256x128xf32, #tpu.memory_space<vmem>> -> memref<128x128xf32, #tpu.memory_space<vmem>>
    %dma_wait3A_66 = arith.constant 0 : i32
    %dma_wait3A_67 = tpu.memref_slice %arg7[%dma_wait3A_62, %dma_wait3A_66] : memref<40x128xi32, #tpu.memory_space<vmem>> -> memref<1x128xi32, #tpu.memory_space<vmem>>
    %dma_wait3A_68 = tpu.memref_squeeze %dma_wait3A_67 : memref<1x128xi32, #tpu.memory_space<vmem>> -> memref<128xi32, #tpu.memory_space<vmem>>
    %dma_wait3A_69 = arith.constant 0 : i32
    %dma_wait3A_70 = arith.constant 0 : i32
    %dma_wait3A_71 = tpu.memref_slice %arg9[%dma_wait3A_69, %dma_wait3A_70] : memref<10240x128xf32, #tpu.memory_space<vmem_shared>> -> memref<10240x128xf32, #tpu.memory_space<vmem_shared>>
    tpu.wait_indirect_dma semaphore(%arg13 : memref<!tpu.dma_semaphore, #tpu.memory_space<semaphore_mem>>) src(%dma_wait3A_65 : memref<128x128xf32, #tpu.memory_space<vmem>>) dst(%dma_wait3A_71 : memref<10240x128xf32, #tpu.memory_space<vmem_shared>>)
    %barrier3A_72 = arith.constant 0 : index
    tpu.barrier barrier_id(%barrier3A_72)
    %mul3A_73 = arith.constant 640 : i32
    %mul3A_74 = arith.muli %arg1, %mul3A_73 : i32
    %mul3A_75 = arith.constant 10240 : i32
    %mul3A_76 = arith.muli %arg0, %mul3A_75 : i32
    %mul3A_77 = arith.constant 640 : i32
    %mul3A_78 = arith.muli %arg1, %mul3A_77 : i32
    %add3A_79 = arith.addi %mul3A_76, %mul3A_78 : i32
    "tpu.region"() ({
      %run_scoped3A = tpu.sem_alloc : memref<!tpu.dma_semaphore, #tpu.memory_space<semaphore_mem>>
      %dma_start3A_80 = arith.constant 0 : i32
      %dma_start3A_81 = tpu.memref_slice %arg5[%add3A_79, %dma_start3A_80] : memref<20480x128xf32, #tpu.memory_space<hbm>> -> memref<640x128xf32, #tpu.memory_space<hbm>>
      %dma_start3A_82 = arith.constant 0 : i32
      %dma_start3A_83 = tpu.memref_slice %arg9[%mul3A_74, %dma_start3A_82] : memref<10240x128xf32, #tpu.memory_space<vmem_shared>> -> memref<640x128xf32, #tpu.memory_space<vmem_shared>>
      tpu.enqueue_dma source(%dma_start3A_83 : memref<640x128xf32, #tpu.memory_space<vmem_shared>>) target(%dma_start3A_81 : memref<640x128xf32, #tpu.memory_space<hbm>>) target_semaphore(%run_scoped3A : memref<!tpu.dma_semaphore, #tpu.memory_space<semaphore_mem>>)
      %dma_wait3A_84 = arith.constant 0 : i32
      %dma_wait3A_85 = tpu.memref_slice %arg5[%add3A_79, %dma_wait3A_84] : memref<20480x128xf32, #tpu.memory_space<hbm>> -> memref<640x128xf32, #tpu.memory_space<hbm>>
      %dma_wait3A_86 = arith.constant 0 : i32
      %dma_wait3A_87 = tpu.memref_slice %arg9[%mul3A_74, %dma_wait3A_86] : memref<10240x128xf32, #tpu.memory_space<vmem_shared>> -> memref<640x128xf32, #tpu.memory_space<vmem_shared>>
      tpu.wait_dma2 semaphore(%run_scoped3A : memref<!tpu.dma_semaphore, #tpu.memory_space<semaphore_mem>>) src(%dma_wait3A_87 : memref<640x128xf32, #tpu.memory_space<vmem_shared>>) dst(%dma_wait3A_85 : memref<640x128xf32, #tpu.memory_space<hbm>>)
      tpu.yield
    }) : () -> ()
    return
  }
}

#map = affine_map<(d0, d1) -> (0, 0)>
module attributes {stable_mosaic.version = 14 : i64} {
  func.func @_sc_propagate(%arg0: i32, %arg1: i32, %arg2: memref<10240x128xf32, #tpu.memory_space<hbm>>, %arg3: memref<2560x128xi32, #tpu.memory_space<hbm>>, %arg4: memref<2560x128xi32, #tpu.memory_space<hbm>>, %arg5: memref<20480x128xf32, #tpu.memory_space<hbm>>, %arg6: memref<40x128xi32, #tpu.memory_space<vmem>>, %arg7: memref<40x128xi32, #tpu.memory_space<vmem>>, %arg8: memref<256x128xf32, #tpu.memory_space<vmem>>, %arg9: memref<10240x128xf32, #tpu.memory_space<vmem_shared>>, %arg10: memref<!tpu.dma_semaphore, #tpu.memory_space<semaphore_mem>>, %arg11: memref<!tpu.dma_semaphore, #tpu.memory_space<semaphore_mem>>, %arg12: memref<!tpu.dma_semaphore, #tpu.memory_space<semaphore_mem>>, %arg13: memref<!tpu.dma_semaphore, #tpu.memory_space<semaphore_mem>>) attributes {dimension_semantics = [#tpu.dimension_semantics<core_parallel>, #tpu.dimension_semantics<subcore_parallel>], iteration_bounds = array<i64: 2, 16>, scalar_prefetch = 0 : i64, scratch_operands = 8 : i64, tpu.core_type = #tpu.core_type<sc_vector_subcore>, window_params = [{transform_indices = #map}, {transform_indices = #map}, {transform_indices = #map}, {transform_indices = #map}]} {
    %mul3A = arith.constant 640 : i32
    %mul3A_0 = arith.muli %arg1, %mul3A : i32
    %mul3A_1 = arith.constant 640 : i32
    %mul3A_2 = arith.muli %arg1, %mul3A_1 : i32
    %dma_start3A = arith.constant 0 : i32
    %dma_start3A_3 = tpu.memref_slice %arg9[%mul3A_2, %dma_start3A] : memref<10240x128xf32, #tpu.memory_space<vmem_shared>> -> memref<640x128xf32, #tpu.memory_space<vmem_shared>>
    %dma_start3A_4 = arith.constant 0 : i32
    %dma_start3A_5 = tpu.memref_slice %arg2[%mul3A_0, %dma_start3A_4] : memref<10240x128xf32, #tpu.memory_space<hbm>> -> memref<640x128xf32, #tpu.memory_space<hbm>>
    tpu.enqueue_dma source(%dma_start3A_5 : memref<640x128xf32, #tpu.memory_space<hbm>>) target(%dma_start3A_3 : memref<640x128xf32, #tpu.memory_space<vmem_shared>>) target_semaphore(%arg10 : memref<!tpu.dma_semaphore, #tpu.memory_space<semaphore_mem>>)
    %mul3A_6 = arith.constant 16 : i32
    %mul3A_7 = arith.muli %arg0, %mul3A_6 : i32
    %add3A = arith.addi %mul3A_7, %arg1 : i32
    %mul3A_8 = arith.constant 80 : i32
    %mul3A_9 = arith.muli %add3A, %mul3A_8 : i32
    %add3A_10 = arith.constant 0 : i32
    %add3A_11 = arith.addi %mul3A_9, %add3A_10 : i32
    "tpu.region"() ({
      %run_scoped3A = tpu.sem_alloc : memref<!tpu.dma_semaphore, #tpu.memory_space<semaphore_mem>>
      %dma_start3A_80 = arith.constant 0 : i32
      %dma_start3A_81 = tpu.memref_slice %arg3[%add3A_11, %dma_start3A_80] : memref<2560x128xi32, #tpu.memory_space<hbm>> -> memref<40x128xi32, #tpu.memory_space<hbm>>
      %dma_start3A_82 = arith.constant 0 : i32
      %dma_start3A_83 = tpu.memref_slice %arg3[%add3A_11, %dma_start3A_82] : memref<2560x128xi32, #tpu.memory_space<hbm>> -> memref<40x128xi32, #tpu.memory_space<hbm>>
      tpu.enqueue_dma source(%dma_start3A_83 : memref<40x128xi32, #tpu.memory_space<hbm>>) target(%arg6 : memref<40x128xi32, #tpu.memory_space<vmem>>) target_semaphore(%run_scoped3A : memref<!tpu.dma_semaphore, #tpu.memory_space<semaphore_mem>>)
      %dma_wait3A_84 = arith.constant 0 : i32
      %dma_wait3A_85 = tpu.memref_slice %arg3[%add3A_11, %dma_wait3A_84] : memref<2560x128xi32, #tpu.memory_space<hbm>> -> memref<40x128xi32, #tpu.memory_space<hbm>>
      %dma_wait3A_86 = arith.constant 0 : i32
      %dma_wait3A_87 = tpu.memref_slice %arg3[%add3A_11, %dma_wait3A_86] : memref<2560x128xi32, #tpu.memory_space<hbm>> -> memref<40x128xi32, #tpu.memory_space<hbm>>
      tpu.wait_dma2 semaphore(%run_scoped3A : memref<!tpu.dma_semaphore, #tpu.memory_space<semaphore_mem>>) src(%dma_wait3A_87 : memref<40x128xi32, #tpu.memory_space<hbm>>) dst(%arg6 : memref<40x128xi32, #tpu.memory_space<vmem>>)
      tpu.yield
    }) : () -> ()
    %add3A_12 = arith.constant 0 : i32
    %add3A_13 = arith.addi %mul3A_9, %add3A_12 : i32
    "tpu.region"() ({
      %run_scoped3A = tpu.sem_alloc : memref<!tpu.dma_semaphore, #tpu.memory_space<semaphore_mem>>
      %dma_start3A_80 = arith.constant 0 : i32
      %dma_start3A_81 = tpu.memref_slice %arg4[%add3A_13, %dma_start3A_80] : memref<2560x128xi32, #tpu.memory_space<hbm>> -> memref<40x128xi32, #tpu.memory_space<hbm>>
      %dma_start3A_82 = arith.constant 0 : i32
      %dma_start3A_83 = tpu.memref_slice %arg4[%add3A_13, %dma_start3A_82] : memref<2560x128xi32, #tpu.memory_space<hbm>> -> memref<40x128xi32, #tpu.memory_space<hbm>>
      tpu.enqueue_dma source(%dma_start3A_83 : memref<40x128xi32, #tpu.memory_space<hbm>>) target(%arg7 : memref<40x128xi32, #tpu.memory_space<vmem>>) target_semaphore(%run_scoped3A : memref<!tpu.dma_semaphore, #tpu.memory_space<semaphore_mem>>)
      %dma_wait3A_84 = arith.constant 0 : i32
      %dma_wait3A_85 = tpu.memref_slice %arg4[%add3A_13, %dma_wait3A_84] : memref<2560x128xi32, #tpu.memory_space<hbm>> -> memref<40x128xi32, #tpu.memory_space<hbm>>
      %dma_wait3A_86 = arith.constant 0 : i32
      %dma_wait3A_87 = tpu.memref_slice %arg4[%add3A_13, %dma_wait3A_86] : memref<2560x128xi32, #tpu.memory_space<hbm>> -> memref<40x128xi32, #tpu.memory_space<hbm>>
      tpu.wait_dma2 semaphore(%run_scoped3A : memref<!tpu.dma_semaphore, #tpu.memory_space<semaphore_mem>>) src(%dma_wait3A_87 : memref<40x128xi32, #tpu.memory_space<hbm>>) dst(%arg7 : memref<40x128xi32, #tpu.memory_space<vmem>>)
      tpu.yield
    }) : () -> ()
    %dma_wait3A = arith.constant 0 : i32
    %dma_wait3A_14 = tpu.memref_slice %arg9[%mul3A_2, %dma_wait3A] : memref<10240x128xf32, #tpu.memory_space<vmem_shared>> -> memref<640x128xf32, #tpu.memory_space<vmem_shared>>
    %dma_wait3A_15 = arith.constant 0 : i32
    %dma_wait3A_16 = tpu.memref_slice %arg2[%mul3A_0, %dma_wait3A_15] : memref<10240x128xf32, #tpu.memory_space<hbm>> -> memref<640x128xf32, #tpu.memory_space<hbm>>
    tpu.wait_dma2 semaphore(%arg10 : memref<!tpu.dma_semaphore, #tpu.memory_space<semaphore_mem>>) src(%dma_wait3A_16 : memref<640x128xf32, #tpu.memory_space<hbm>>) dst(%dma_wait3A_14 : memref<640x128xf32, #tpu.memory_space<vmem_shared>>)
    %barrier3A = arith.constant 0 : index
    tpu.barrier barrier_id(%barrier3A)
    %scan3A = arith.constant 0 : i32
    %scan3A_17 = arith.constant 0 : i32
    %scan3A_18 = arith.constant 20 : i32
    %scan3A_19 = arith.addi %scan3A_17, %scan3A_18 : i32
    %scan3A_20 = arith.constant 1 : i32
    scf.for %scan3A_80 = %scan3A_17 to %scan3A_19 step %scan3A_20  : i32 {
      %mul3A_81 = arith.constant 2 : i32
      %mul3A_82 = arith.muli %scan3A_80, %mul3A_81 : i32
      %add3A_83 = arith.constant 0 : i32
      %add3A_84 = arith.addi %mul3A_82, %add3A_83 : i32
      %gt3A = arith.constant 0 : i32
      %gt3A_85 = arith.cmpi sgt, %scan3A_80, %gt3A : i32
      %convert_element_type3A = arith.extui %gt3A_85 : i1 to i32
      %cond3A = arith.constant 0 : i32
      %cond3A_86 = arith.cmpi ne, %convert_element_type3A, %cond3A : i32
      scf.if %cond3A_86 {
        %sub3A = arith.constant 2 : i32
        %sub3A_158 = arith.subi %add3A_84, %sub3A : i32
        %dma_wait3A_159 = arith.constant 0 : i32
        %dma_wait3A_160 = arith.constant 0 : i32
        %dma_wait3A_161 = tpu.memref_slice %arg8[%dma_wait3A_159, %dma_wait3A_160] : memref<256x128xf32, #tpu.memory_space<vmem>> -> memref<128x128xf32, #tpu.memory_space<vmem>>
        %dma_wait3A_162 = arith.constant 0 : i32
        %dma_wait3A_163 = tpu.memref_slice %arg7[%sub3A_158, %dma_wait3A_162] : memref<40x128xi32, #tpu.memory_space<vmem>> -> memref<1x128xi32, #tpu.memory_space<vmem>>
        %dma_wait3A_164 = tpu.memref_squeeze %dma_wait3A_163 : memref<1x128xi32, #tpu.memory_space<vmem>> -> memref<128xi32, #tpu.memory_space<vmem>>
        %dma_wait3A_165 = arith.constant 0 : i32
        %dma_wait3A_166 = arith.constant 0 : i32
        %dma_wait3A_167 = tpu.memref_slice %arg9[%dma_wait3A_165, %dma_wait3A_166] : memref<10240x128xf32, #tpu.memory_space<vmem_shared>> -> memref<10240x128xf32, #tpu.memory_space<vmem_shared>>
        tpu.wait_indirect_dma semaphore(%arg12 : memref<!tpu.dma_semaphore, #tpu.memory_space<semaphore_mem>>) src(%dma_wait3A_161 : memref<128x128xf32, #tpu.memory_space<vmem>>) dst(%dma_wait3A_167 : memref<10240x128xf32, #tpu.memory_space<vmem_shared>>)
      } else {
      }
      %dma_start3A_87 = arith.constant 0 : i32
      %dma_start3A_88 = arith.constant 0 : i32
      %dma_start3A_89 = tpu.memref_slice %arg8[%dma_start3A_87, %dma_start3A_88] : memref<256x128xf32, #tpu.memory_space<vmem>> -> memref<128x128xf32, #tpu.memory_space<vmem>>
      %dma_start3A_90 = arith.constant 0 : i32
      %dma_start3A_91 = tpu.memref_slice %arg6[%add3A_84, %dma_start3A_90] : memref<40x128xi32, #tpu.memory_space<vmem>> -> memref<1x128xi32, #tpu.memory_space<vmem>>
      %dma_start3A_92 = tpu.memref_squeeze %dma_start3A_91 : memref<1x128xi32, #tpu.memory_space<vmem>> -> memref<128xi32, #tpu.memory_space<vmem>>
      %dma_start3A_93 = arith.constant 0 : i32
      %dma_start3A_94 = arith.constant 0 : i32
      %dma_start3A_95 = tpu.memref_slice %arg2[%dma_start3A_93, %dma_start3A_94] : memref<10240x128xf32, #tpu.memory_space<hbm>> -> memref<10240x128xf32, #tpu.memory_space<hbm>>
      tpu.enqueue_indirect_dma source(%dma_start3A_95 : memref<10240x128xf32, #tpu.memory_space<hbm>>) target(%dma_start3A_89 : memref<128x128xf32, #tpu.memory_space<vmem>>) offsets(%dma_start3A_92 : memref<128xi32, #tpu.memory_space<vmem>>) semaphore(%arg10 : memref<!tpu.dma_semaphore, #tpu.memory_space<semaphore_mem>>)
      %mul3A_96 = arith.constant 2 : i32
      %mul3A_97 = arith.muli %scan3A_80, %mul3A_96 : i32
      %add3A_98 = arith.constant 1 : i32
      %add3A_99 = arith.addi %mul3A_97, %add3A_98 : i32
      %gt3A_100 = arith.constant 0 : i32
      %gt3A_101 = arith.cmpi sgt, %scan3A_80, %gt3A_100 : i32
      %convert_element_type3A_102 = arith.extui %gt3A_101 : i1 to i32
      %cond3A_103 = arith.constant 0 : i32
      %cond3A_104 = arith.cmpi ne, %convert_element_type3A_102, %cond3A_103 : i32
      scf.if %cond3A_104 {
        %sub3A = arith.constant 2 : i32
        %sub3A_158 = arith.subi %add3A_99, %sub3A : i32
        %dma_wait3A_159 = arith.constant 128 : i32
        %dma_wait3A_160 = arith.constant 0 : i32
        %dma_wait3A_161 = tpu.memref_slice %arg8[%dma_wait3A_159, %dma_wait3A_160] : memref<256x128xf32, #tpu.memory_space<vmem>> -> memref<128x128xf32, #tpu.memory_space<vmem>>
        %dma_wait3A_162 = arith.constant 0 : i32
        %dma_wait3A_163 = tpu.memref_slice %arg7[%sub3A_158, %dma_wait3A_162] : memref<40x128xi32, #tpu.memory_space<vmem>> -> memref<1x128xi32, #tpu.memory_space<vmem>>
        %dma_wait3A_164 = tpu.memref_squeeze %dma_wait3A_163 : memref<1x128xi32, #tpu.memory_space<vmem>> -> memref<128xi32, #tpu.memory_space<vmem>>
        %dma_wait3A_165 = arith.constant 0 : i32
        %dma_wait3A_166 = arith.constant 0 : i32
        %dma_wait3A_167 = tpu.memref_slice %arg9[%dma_wait3A_165, %dma_wait3A_166] : memref<10240x128xf32, #tpu.memory_space<vmem_shared>> -> memref<10240x128xf32, #tpu.memory_space<vmem_shared>>
        tpu.wait_indirect_dma semaphore(%arg13 : memref<!tpu.dma_semaphore, #tpu.memory_space<semaphore_mem>>) src(%dma_wait3A_161 : memref<128x128xf32, #tpu.memory_space<vmem>>) dst(%dma_wait3A_167 : memref<10240x128xf32, #tpu.memory_space<vmem_shared>>)
      } else {
      }
      %dma_start3A_105 = arith.constant 128 : i32
      %dma_start3A_106 = arith.constant 0 : i32
      %dma_start3A_107 = tpu.memref_slice %arg8[%dma_start3A_105, %dma_start3A_106] : memref<256x128xf32, #tpu.memory_space<vmem>> -> memref<128x128xf32, #tpu.memory_space<vmem>>
      %dma_start3A_108 = arith.constant 0 : i32
      %dma_start3A_109 = tpu.memref_slice %arg6[%add3A_99, %dma_start3A_108] : memref<40x128xi32, #tpu.memory_space<vmem>> -> memref<1x128xi32, #tpu.memory_space<vmem>>
      %dma_start3A_110 = tpu.memref_squeeze %dma_start3A_109 : memref<1x128xi32, #tpu.memory_space<vmem>> -> memref<128xi32, #tpu.memory_space<vmem>>
      %dma_start3A_111 = arith.constant 0 : i32
      %dma_start3A_112 = arith.constant 0 : i32
      %dma_start3A_113 = tpu.memref_slice %arg2[%dma_start3A_111, %dma_start3A_112] : memref<10240x128xf32, #tpu.memory_space<hbm>> -> memref<10240x128xf32, #tpu.memory_space<hbm>>
      tpu.enqueue_indirect_dma source(%dma_start3A_113 : memref<10240x128xf32, #tpu.memory_space<hbm>>) target(%dma_start3A_107 : memref<128x128xf32, #tpu.memory_space<vmem>>) offsets(%dma_start3A_110 : memref<128xi32, #tpu.memory_space<vmem>>) semaphore(%arg11 : memref<!tpu.dma_semaphore, #tpu.memory_space<semaphore_mem>>)
      %mul3A_114 = arith.constant 2 : i32
      %mul3A_115 = arith.muli %scan3A_80, %mul3A_114 : i32
      %add3A_116 = arith.constant 0 : i32
      %add3A_117 = arith.addi %mul3A_115, %add3A_116 : i32
      %dma_wait3A_118 = arith.constant 0 : i32
      %dma_wait3A_119 = arith.constant 0 : i32
      %dma_wait3A_120 = tpu.memref_slice %arg8[%dma_wait3A_118, %dma_wait3A_119] : memref<256x128xf32, #tpu.memory_space<vmem>> -> memref<128x128xf32, #tpu.memory_space<vmem>>
      %dma_wait3A_121 = arith.constant 0 : i32
      %dma_wait3A_122 = tpu.memref_slice %arg6[%add3A_117, %dma_wait3A_121] : memref<40x128xi32, #tpu.memory_space<vmem>> -> memref<1x128xi32, #tpu.memory_space<vmem>>
      %dma_wait3A_123 = tpu.memref_squeeze %dma_wait3A_122 : memref<1x128xi32, #tpu.memory_space<vmem>> -> memref<128xi32, #tpu.memory_space<vmem>>
      %dma_wait3A_124 = arith.constant 0 : i32
      %dma_wait3A_125 = arith.constant 0 : i32
      %dma_wait3A_126 = tpu.memref_slice %arg2[%dma_wait3A_124, %dma_wait3A_125] : memref<10240x128xf32, #tpu.memory_space<hbm>> -> memref<10240x128xf32, #tpu.memory_space<hbm>>
      tpu.wait_indirect_dma semaphore(%arg10 : memref<!tpu.dma_semaphore, #tpu.memory_space<semaphore_mem>>) src(%dma_wait3A_126 : memref<10240x128xf32, #tpu.memory_space<hbm>>) dst(%dma_wait3A_120 : memref<128x128xf32, #tpu.memory_space<vmem>>)
      %dma_start3A_127 = arith.constant 0 : i32
      %dma_start3A_128 = arith.constant 0 : i32
      %dma_start3A_129 = tpu.memref_slice %arg8[%dma_start3A_127, %dma_start3A_128] : memref<256x128xf32, #tpu.memory_space<vmem>> -> memref<128x128xf32, #tpu.memory_space<vmem>>
      %dma_start3A_130 = arith.constant 0 : i32
      %dma_start3A_131 = tpu.memref_slice %arg7[%add3A_117, %dma_start3A_130] : memref<40x128xi32, #tpu.memory_space<vmem>> -> memref<1x128xi32, #tpu.memory_space<vmem>>
      %dma_start3A_132 = tpu.memref_squeeze %dma_start3A_131 : memref<1x128xi32, #tpu.memory_space<vmem>> -> memref<128xi32, #tpu.memory_space<vmem>>
      %dma_start3A_133 = arith.constant 0 : i32
      %dma_start3A_134 = arith.constant 0 : i32
      %dma_start3A_135 = tpu.memref_slice %arg9[%dma_start3A_133, %dma_start3A_134] : memref<10240x128xf32, #tpu.memory_space<vmem_shared>> -> memref<10240x128xf32, #tpu.memory_space<vmem_shared>>
      tpu.enqueue_indirect_dma source(%dma_start3A_129 : memref<128x128xf32, #tpu.memory_space<vmem>>) target(%dma_start3A_135 : memref<10240x128xf32, #tpu.memory_space<vmem_shared>>) offsets(%dma_start3A_132 : memref<128xi32, #tpu.memory_space<vmem>>) semaphore(%arg12 : memref<!tpu.dma_semaphore, #tpu.memory_space<semaphore_mem>>) {add = true}
      %mul3A_136 = arith.constant 2 : i32
      %mul3A_137 = arith.muli %scan3A_80, %mul3A_136 : i32
      %add3A_138 = arith.constant 1 : i32
      %add3A_139 = arith.addi %mul3A_137, %add3A_138 : i32
      %dma_wait3A_140 = arith.constant 128 : i32
      %dma_wait3A_141 = arith.constant 0 : i32
      %dma_wait3A_142 = tpu.memref_slice %arg8[%dma_wait3A_140, %dma_wait3A_141] : memref<256x128xf32, #tpu.memory_space<vmem>> -> memref<128x128xf32, #tpu.memory_space<vmem>>
      %dma_wait3A_143 = arith.constant 0 : i32
      %dma_wait3A_144 = tpu.memref_slice %arg6[%add3A_139, %dma_wait3A_143] : memref<40x128xi32, #tpu.memory_space<vmem>> -> memref<1x128xi32, #tpu.memory_space<vmem>>
      %dma_wait3A_145 = tpu.memref_squeeze %dma_wait3A_144 : memref<1x128xi32, #tpu.memory_space<vmem>> -> memref<128xi32, #tpu.memory_space<vmem>>
      %dma_wait3A_146 = arith.constant 0 : i32
      %dma_wait3A_147 = arith.constant 0 : i32
      %dma_wait3A_148 = tpu.memref_slice %arg2[%dma_wait3A_146, %dma_wait3A_147] : memref<10240x128xf32, #tpu.memory_space<hbm>> -> memref<10240x128xf32, #tpu.memory_space<hbm>>
      tpu.wait_indirect_dma semaphore(%arg11 : memref<!tpu.dma_semaphore, #tpu.memory_space<semaphore_mem>>) src(%dma_wait3A_148 : memref<10240x128xf32, #tpu.memory_space<hbm>>) dst(%dma_wait3A_142 : memref<128x128xf32, #tpu.memory_space<vmem>>)
      %dma_start3A_149 = arith.constant 128 : i32
      %dma_start3A_150 = arith.constant 0 : i32
      %dma_start3A_151 = tpu.memref_slice %arg8[%dma_start3A_149, %dma_start3A_150] : memref<256x128xf32, #tpu.memory_space<vmem>> -> memref<128x128xf32, #tpu.memory_space<vmem>>
      %dma_start3A_152 = arith.constant 0 : i32
      %dma_start3A_153 = tpu.memref_slice %arg7[%add3A_139, %dma_start3A_152] : memref<40x128xi32, #tpu.memory_space<vmem>> -> memref<1x128xi32, #tpu.memory_space<vmem>>
      %dma_start3A_154 = tpu.memref_squeeze %dma_start3A_153 : memref<1x128xi32, #tpu.memory_space<vmem>> -> memref<128xi32, #tpu.memory_space<vmem>>
      %dma_start3A_155 = arith.constant 0 : i32
      %dma_start3A_156 = arith.constant 0 : i32
      %dma_start3A_157 = tpu.memref_slice %arg9[%dma_start3A_155, %dma_start3A_156] : memref<10240x128xf32, #tpu.memory_space<vmem_shared>> -> memref<10240x128xf32, #tpu.memory_space<vmem_shared>>
      tpu.enqueue_indirect_dma source(%dma_start3A_151 : memref<128x128xf32, #tpu.memory_space<vmem>>) target(%dma_start3A_157 : memref<10240x128xf32, #tpu.memory_space<vmem_shared>>) offsets(%dma_start3A_154 : memref<128xi32, #tpu.memory_space<vmem>>) semaphore(%arg13 : memref<!tpu.dma_semaphore, #tpu.memory_space<semaphore_mem>>) {add = true}
    }
    %scan3A_21 = arith.constant 20 : i32
    %dma_wait3A_22 = arith.constant 38 : i32
    %dma_wait3A_23 = arith.constant 0 : i32
    %dma_wait3A_24 = arith.constant 0 : i32
    %dma_wait3A_25 = tpu.memref_slice %arg8[%dma_wait3A_23, %dma_wait3A_24] : memref<256x128xf32, #tpu.memory_space<vmem>> -> memref<128x128xf32, #tpu.memory_space<vmem>>
    %dma_wait3A_26 = arith.constant 0 : i32
    %dma_wait3A_27 = tpu.memref_slice %arg7[%dma_wait3A_22, %dma_wait3A_26] : memref<40x128xi32, #tpu.memory_space<vmem>> -> memref<1x128xi32, #tpu.memory_space<vmem>>
    %dma_wait3A_28 = tpu.memref_squeeze %dma_wait3A_27 : memref<1x128xi32, #tpu.memory_space<vmem>> -> memref<128xi32, #tpu.memory_space<vmem>>
    %dma_wait3A_29 = arith.constant 0 : i32
    %dma_wait3A_30 = arith.constant 0 : i32
    %dma_wait3A_31 = tpu.memref_slice %arg9[%dma_wait3A_29, %dma_wait3A_30] : memref<10240x128xf32, #tpu.memory_space<vmem_shared>> -> memref<10240x128xf32, #tpu.memory_space<vmem_shared>>
    tpu.wait_indirect_dma semaphore(%arg12 : memref<!tpu.dma_semaphore, #tpu.memory_space<semaphore_mem>>) src(%dma_wait3A_25 : memref<128x128xf32, #tpu.memory_space<vmem>>) dst(%dma_wait3A_31 : memref<10240x128xf32, #tpu.memory_space<vmem_shared>>)
    %dma_wait3A_32 = arith.constant 39 : i32
    %dma_wait3A_33 = arith.constant 128 : i32
    %dma_wait3A_34 = arith.constant 0 : i32
    %dma_wait3A_35 = tpu.memref_slice %arg8[%dma_wait3A_33, %dma_wait3A_34] : memref<256x128xf32, #tpu.memory_space<vmem>> -> memref<128x128xf32, #tpu.memory_space<vmem>>
    %dma_wait3A_36 = arith.constant 0 : i32
    %dma_wait3A_37 = tpu.memref_slice %arg7[%dma_wait3A_32, %dma_wait3A_36] : memref<40x128xi32, #tpu.memory_space<vmem>> -> memref<1x128xi32, #tpu.memory_space<vmem>>
    %dma_wait3A_38 = tpu.memref_squeeze %dma_wait3A_37 : memref<1x128xi32, #tpu.memory_space<vmem>> -> memref<128xi32, #tpu.memory_space<vmem>>
    %dma_wait3A_39 = arith.constant 0 : i32
    %dma_wait3A_40 = arith.constant 0 : i32
    %dma_wait3A_41 = tpu.memref_slice %arg9[%dma_wait3A_39, %dma_wait3A_40] : memref<10240x128xf32, #tpu.memory_space<vmem_shared>> -> memref<10240x128xf32, #tpu.memory_space<vmem_shared>>
    tpu.wait_indirect_dma semaphore(%arg13 : memref<!tpu.dma_semaphore, #tpu.memory_space<semaphore_mem>>) src(%dma_wait3A_35 : memref<128x128xf32, #tpu.memory_space<vmem>>) dst(%dma_wait3A_41 : memref<10240x128xf32, #tpu.memory_space<vmem_shared>>)
    %add3A_42 = arith.constant 40 : i32
    %add3A_43 = arith.addi %mul3A_9, %add3A_42 : i32
    "tpu.region"() ({
      %run_scoped3A = tpu.sem_alloc : memref<!tpu.dma_semaphore, #tpu.memory_space<semaphore_mem>>
      %dma_start3A_80 = arith.constant 0 : i32
      %dma_start3A_81 = tpu.memref_slice %arg3[%add3A_43, %dma_start3A_80] : memref<2560x128xi32, #tpu.memory_space<hbm>> -> memref<40x128xi32, #tpu.memory_space<hbm>>
      %dma_start3A_82 = arith.constant 0 : i32
      %dma_start3A_83 = tpu.memref_slice %arg3[%add3A_43, %dma_start3A_82] : memref<2560x128xi32, #tpu.memory_space<hbm>> -> memref<40x128xi32, #tpu.memory_space<hbm>>
      tpu.enqueue_dma source(%dma_start3A_83 : memref<40x128xi32, #tpu.memory_space<hbm>>) target(%arg6 : memref<40x128xi32, #tpu.memory_space<vmem>>) target_semaphore(%run_scoped3A : memref<!tpu.dma_semaphore, #tpu.memory_space<semaphore_mem>>)
      %dma_wait3A_84 = arith.constant 0 : i32
      %dma_wait3A_85 = tpu.memref_slice %arg3[%add3A_43, %dma_wait3A_84] : memref<2560x128xi32, #tpu.memory_space<hbm>> -> memref<40x128xi32, #tpu.memory_space<hbm>>
      %dma_wait3A_86 = arith.constant 0 : i32
      %dma_wait3A_87 = tpu.memref_slice %arg3[%add3A_43, %dma_wait3A_86] : memref<2560x128xi32, #tpu.memory_space<hbm>> -> memref<40x128xi32, #tpu.memory_space<hbm>>
      tpu.wait_dma2 semaphore(%run_scoped3A : memref<!tpu.dma_semaphore, #tpu.memory_space<semaphore_mem>>) src(%dma_wait3A_87 : memref<40x128xi32, #tpu.memory_space<hbm>>) dst(%arg6 : memref<40x128xi32, #tpu.memory_space<vmem>>)
      tpu.yield
    }) : () -> ()
    %add3A_44 = arith.constant 40 : i32
    %add3A_45 = arith.addi %mul3A_9, %add3A_44 : i32
    "tpu.region"() ({
      %run_scoped3A = tpu.sem_alloc : memref<!tpu.dma_semaphore, #tpu.memory_space<semaphore_mem>>
      %dma_start3A_80 = arith.constant 0 : i32
      %dma_start3A_81 = tpu.memref_slice %arg4[%add3A_45, %dma_start3A_80] : memref<2560x128xi32, #tpu.memory_space<hbm>> -> memref<40x128xi32, #tpu.memory_space<hbm>>
      %dma_start3A_82 = arith.constant 0 : i32
      %dma_start3A_83 = tpu.memref_slice %arg4[%add3A_45, %dma_start3A_82] : memref<2560x128xi32, #tpu.memory_space<hbm>> -> memref<40x128xi32, #tpu.memory_space<hbm>>
      tpu.enqueue_dma source(%dma_start3A_83 : memref<40x128xi32, #tpu.memory_space<hbm>>) target(%arg7 : memref<40x128xi32, #tpu.memory_space<vmem>>) target_semaphore(%run_scoped3A : memref<!tpu.dma_semaphore, #tpu.memory_space<semaphore_mem>>)
      %dma_wait3A_84 = arith.constant 0 : i32
      %dma_wait3A_85 = tpu.memref_slice %arg4[%add3A_45, %dma_wait3A_84] : memref<2560x128xi32, #tpu.memory_space<hbm>> -> memref<40x128xi32, #tpu.memory_space<hbm>>
      %dma_wait3A_86 = arith.constant 0 : i32
      %dma_wait3A_87 = tpu.memref_slice %arg4[%add3A_45, %dma_wait3A_86] : memref<2560x128xi32, #tpu.memory_space<hbm>> -> memref<40x128xi32, #tpu.memory_space<hbm>>
      tpu.wait_dma2 semaphore(%run_scoped3A : memref<!tpu.dma_semaphore, #tpu.memory_space<semaphore_mem>>) src(%dma_wait3A_87 : memref<40x128xi32, #tpu.memory_space<hbm>>) dst(%arg7 : memref<40x128xi32, #tpu.memory_space<vmem>>)
      tpu.yield
    }) : () -> ()
    %scan3A_46 = arith.constant 0 : i32
    %scan3A_47 = arith.constant 0 : i32
    %scan3A_48 = arith.constant 20 : i32
    %scan3A_49 = arith.addi %scan3A_47, %scan3A_48 : i32
    %scan3A_50 = arith.constant 1 : i32
    scf.for %scan3A_80 = %scan3A_47 to %scan3A_49 step %scan3A_50  : i32 {
      %mul3A_81 = arith.constant 2 : i32
      %mul3A_82 = arith.muli %scan3A_80, %mul3A_81 : i32
      %add3A_83 = arith.constant 0 : i32
      %add3A_84 = arith.addi %mul3A_82, %add3A_83 : i32
      %gt3A = arith.constant 0 : i32
      %gt3A_85 = arith.cmpi sgt, %scan3A_80, %gt3A : i32
      %convert_element_type3A = arith.extui %gt3A_85 : i1 to i32
      %cond3A = arith.constant 0 : i32
      %cond3A_86 = arith.cmpi ne, %convert_element_type3A, %cond3A : i32
      scf.if %cond3A_86 {
        %sub3A = arith.constant 2 : i32
        %sub3A_158 = arith.subi %add3A_84, %sub3A : i32
        %dma_wait3A_159 = arith.constant 0 : i32
        %dma_wait3A_160 = arith.constant 0 : i32
        %dma_wait3A_161 = tpu.memref_slice %arg8[%dma_wait3A_159, %dma_wait3A_160] : memref<256x128xf32, #tpu.memory_space<vmem>> -> memref<128x128xf32, #tpu.memory_space<vmem>>
        %dma_wait3A_162 = arith.constant 0 : i32
        %dma_wait3A_163 = tpu.memref_slice %arg7[%sub3A_158, %dma_wait3A_162] : memref<40x128xi32, #tpu.memory_space<vmem>> -> memref<1x128xi32, #tpu.memory_space<vmem>>
        %dma_wait3A_164 = tpu.memref_squeeze %dma_wait3A_163 : memref<1x128xi32, #tpu.memory_space<vmem>> -> memref<128xi32, #tpu.memory_space<vmem>>
        %dma_wait3A_165 = arith.constant 0 : i32
        %dma_wait3A_166 = arith.constant 0 : i32
        %dma_wait3A_167 = tpu.memref_slice %arg9[%dma_wait3A_165, %dma_wait3A_166] : memref<10240x128xf32, #tpu.memory_space<vmem_shared>> -> memref<10240x128xf32, #tpu.memory_space<vmem_shared>>
        tpu.wait_indirect_dma semaphore(%arg12 : memref<!tpu.dma_semaphore, #tpu.memory_space<semaphore_mem>>) src(%dma_wait3A_161 : memref<128x128xf32, #tpu.memory_space<vmem>>) dst(%dma_wait3A_167 : memref<10240x128xf32, #tpu.memory_space<vmem_shared>>)
      } else {
      }
      %dma_start3A_87 = arith.constant 0 : i32
      %dma_start3A_88 = arith.constant 0 : i32
      %dma_start3A_89 = tpu.memref_slice %arg8[%dma_start3A_87, %dma_start3A_88] : memref<256x128xf32, #tpu.memory_space<vmem>> -> memref<128x128xf32, #tpu.memory_space<vmem>>
      %dma_start3A_90 = arith.constant 0 : i32
      %dma_start3A_91 = tpu.memref_slice %arg6[%add3A_84, %dma_start3A_90] : memref<40x128xi32, #tpu.memory_space<vmem>> -> memref<1x128xi32, #tpu.memory_space<vmem>>
      %dma_start3A_92 = tpu.memref_squeeze %dma_start3A_91 : memref<1x128xi32, #tpu.memory_space<vmem>> -> memref<128xi32, #tpu.memory_space<vmem>>
      %dma_start3A_93 = arith.constant 0 : i32
      %dma_start3A_94 = arith.constant 0 : i32
      %dma_start3A_95 = tpu.memref_slice %arg2[%dma_start3A_93, %dma_start3A_94] : memref<10240x128xf32, #tpu.memory_space<hbm>> -> memref<10240x128xf32, #tpu.memory_space<hbm>>
      tpu.enqueue_indirect_dma source(%dma_start3A_95 : memref<10240x128xf32, #tpu.memory_space<hbm>>) target(%dma_start3A_89 : memref<128x128xf32, #tpu.memory_space<vmem>>) offsets(%dma_start3A_92 : memref<128xi32, #tpu.memory_space<vmem>>) semaphore(%arg10 : memref<!tpu.dma_semaphore, #tpu.memory_space<semaphore_mem>>)
      %mul3A_96 = arith.constant 2 : i32
      %mul3A_97 = arith.muli %scan3A_80, %mul3A_96 : i32
      %add3A_98 = arith.constant 1 : i32
      %add3A_99 = arith.addi %mul3A_97, %add3A_98 : i32
      %gt3A_100 = arith.constant 0 : i32
      %gt3A_101 = arith.cmpi sgt, %scan3A_80, %gt3A_100 : i32
      %convert_element_type3A_102 = arith.extui %gt3A_101 : i1 to i32
      %cond3A_103 = arith.constant 0 : i32
      %cond3A_104 = arith.cmpi ne, %convert_element_type3A_102, %cond3A_103 : i32
      scf.if %cond3A_104 {
        %sub3A = arith.constant 2 : i32
        %sub3A_158 = arith.subi %add3A_99, %sub3A : i32
        %dma_wait3A_159 = arith.constant 128 : i32
        %dma_wait3A_160 = arith.constant 0 : i32
        %dma_wait3A_161 = tpu.memref_slice %arg8[%dma_wait3A_159, %dma_wait3A_160] : memref<256x128xf32, #tpu.memory_space<vmem>> -> memref<128x128xf32, #tpu.memory_space<vmem>>
        %dma_wait3A_162 = arith.constant 0 : i32
        %dma_wait3A_163 = tpu.memref_slice %arg7[%sub3A_158, %dma_wait3A_162] : memref<40x128xi32, #tpu.memory_space<vmem>> -> memref<1x128xi32, #tpu.memory_space<vmem>>
        %dma_wait3A_164 = tpu.memref_squeeze %dma_wait3A_163 : memref<1x128xi32, #tpu.memory_space<vmem>> -> memref<128xi32, #tpu.memory_space<vmem>>
        %dma_wait3A_165 = arith.constant 0 : i32
        %dma_wait3A_166 = arith.constant 0 : i32
        %dma_wait3A_167 = tpu.memref_slice %arg9[%dma_wait3A_165, %dma_wait3A_166] : memref<10240x128xf32, #tpu.memory_space<vmem_shared>> -> memref<10240x128xf32, #tpu.memory_space<vmem_shared>>
        tpu.wait_indirect_dma semaphore(%arg13 : memref<!tpu.dma_semaphore, #tpu.memory_space<semaphore_mem>>) src(%dma_wait3A_161 : memref<128x128xf32, #tpu.memory_space<vmem>>) dst(%dma_wait3A_167 : memref<10240x128xf32, #tpu.memory_space<vmem_shared>>)
      } else {
      }
      %dma_start3A_105 = arith.constant 128 : i32
      %dma_start3A_106 = arith.constant 0 : i32
      %dma_start3A_107 = tpu.memref_slice %arg8[%dma_start3A_105, %dma_start3A_106] : memref<256x128xf32, #tpu.memory_space<vmem>> -> memref<128x128xf32, #tpu.memory_space<vmem>>
      %dma_start3A_108 = arith.constant 0 : i32
      %dma_start3A_109 = tpu.memref_slice %arg6[%add3A_99, %dma_start3A_108] : memref<40x128xi32, #tpu.memory_space<vmem>> -> memref<1x128xi32, #tpu.memory_space<vmem>>
      %dma_start3A_110 = tpu.memref_squeeze %dma_start3A_109 : memref<1x128xi32, #tpu.memory_space<vmem>> -> memref<128xi32, #tpu.memory_space<vmem>>
      %dma_start3A_111 = arith.constant 0 : i32
      %dma_start3A_112 = arith.constant 0 : i32
      %dma_start3A_113 = tpu.memref_slice %arg2[%dma_start3A_111, %dma_start3A_112] : memref<10240x128xf32, #tpu.memory_space<hbm>> -> memref<10240x128xf32, #tpu.memory_space<hbm>>
      tpu.enqueue_indirect_dma source(%dma_start3A_113 : memref<10240x128xf32, #tpu.memory_space<hbm>>) target(%dma_start3A_107 : memref<128x128xf32, #tpu.memory_space<vmem>>) offsets(%dma_start3A_110 : memref<128xi32, #tpu.memory_space<vmem>>) semaphore(%arg11 : memref<!tpu.dma_semaphore, #tpu.memory_space<semaphore_mem>>)
      %mul3A_114 = arith.constant 2 : i32
      %mul3A_115 = arith.muli %scan3A_80, %mul3A_114 : i32
      %add3A_116 = arith.constant 0 : i32
      %add3A_117 = arith.addi %mul3A_115, %add3A_116 : i32
      %dma_wait3A_118 = arith.constant 0 : i32
      %dma_wait3A_119 = arith.constant 0 : i32
      %dma_wait3A_120 = tpu.memref_slice %arg8[%dma_wait3A_118, %dma_wait3A_119] : memref<256x128xf32, #tpu.memory_space<vmem>> -> memref<128x128xf32, #tpu.memory_space<vmem>>
      %dma_wait3A_121 = arith.constant 0 : i32
      %dma_wait3A_122 = tpu.memref_slice %arg6[%add3A_117, %dma_wait3A_121] : memref<40x128xi32, #tpu.memory_space<vmem>> -> memref<1x128xi32, #tpu.memory_space<vmem>>
      %dma_wait3A_123 = tpu.memref_squeeze %dma_wait3A_122 : memref<1x128xi32, #tpu.memory_space<vmem>> -> memref<128xi32, #tpu.memory_space<vmem>>
      %dma_wait3A_124 = arith.constant 0 : i32
      %dma_wait3A_125 = arith.constant 0 : i32
      %dma_wait3A_126 = tpu.memref_slice %arg2[%dma_wait3A_124, %dma_wait3A_125] : memref<10240x128xf32, #tpu.memory_space<hbm>> -> memref<10240x128xf32, #tpu.memory_space<hbm>>
      tpu.wait_indirect_dma semaphore(%arg10 : memref<!tpu.dma_semaphore, #tpu.memory_space<semaphore_mem>>) src(%dma_wait3A_126 : memref<10240x128xf32, #tpu.memory_space<hbm>>) dst(%dma_wait3A_120 : memref<128x128xf32, #tpu.memory_space<vmem>>)
      %dma_start3A_127 = arith.constant 0 : i32
      %dma_start3A_128 = arith.constant 0 : i32
      %dma_start3A_129 = tpu.memref_slice %arg8[%dma_start3A_127, %dma_start3A_128] : memref<256x128xf32, #tpu.memory_space<vmem>> -> memref<128x128xf32, #tpu.memory_space<vmem>>
      %dma_start3A_130 = arith.constant 0 : i32
      %dma_start3A_131 = tpu.memref_slice %arg7[%add3A_117, %dma_start3A_130] : memref<40x128xi32, #tpu.memory_space<vmem>> -> memref<1x128xi32, #tpu.memory_space<vmem>>
      %dma_start3A_132 = tpu.memref_squeeze %dma_start3A_131 : memref<1x128xi32, #tpu.memory_space<vmem>> -> memref<128xi32, #tpu.memory_space<vmem>>
      %dma_start3A_133 = arith.constant 0 : i32
      %dma_start3A_134 = arith.constant 0 : i32
      %dma_start3A_135 = tpu.memref_slice %arg9[%dma_start3A_133, %dma_start3A_134] : memref<10240x128xf32, #tpu.memory_space<vmem_shared>> -> memref<10240x128xf32, #tpu.memory_space<vmem_shared>>
      tpu.enqueue_indirect_dma source(%dma_start3A_129 : memref<128x128xf32, #tpu.memory_space<vmem>>) target(%dma_start3A_135 : memref<10240x128xf32, #tpu.memory_space<vmem_shared>>) offsets(%dma_start3A_132 : memref<128xi32, #tpu.memory_space<vmem>>) semaphore(%arg12 : memref<!tpu.dma_semaphore, #tpu.memory_space<semaphore_mem>>) {add = true}
      %mul3A_136 = arith.constant 2 : i32
      %mul3A_137 = arith.muli %scan3A_80, %mul3A_136 : i32
      %add3A_138 = arith.constant 1 : i32
      %add3A_139 = arith.addi %mul3A_137, %add3A_138 : i32
      %dma_wait3A_140 = arith.constant 128 : i32
      %dma_wait3A_141 = arith.constant 0 : i32
      %dma_wait3A_142 = tpu.memref_slice %arg8[%dma_wait3A_140, %dma_wait3A_141] : memref<256x128xf32, #tpu.memory_space<vmem>> -> memref<128x128xf32, #tpu.memory_space<vmem>>
      %dma_wait3A_143 = arith.constant 0 : i32
      %dma_wait3A_144 = tpu.memref_slice %arg6[%add3A_139, %dma_wait3A_143] : memref<40x128xi32, #tpu.memory_space<vmem>> -> memref<1x128xi32, #tpu.memory_space<vmem>>
      %dma_wait3A_145 = tpu.memref_squeeze %dma_wait3A_144 : memref<1x128xi32, #tpu.memory_space<vmem>> -> memref<128xi32, #tpu.memory_space<vmem>>
      %dma_wait3A_146 = arith.constant 0 : i32
      %dma_wait3A_147 = arith.constant 0 : i32
      %dma_wait3A_148 = tpu.memref_slice %arg2[%dma_wait3A_146, %dma_wait3A_147] : memref<10240x128xf32, #tpu.memory_space<hbm>> -> memref<10240x128xf32, #tpu.memory_space<hbm>>
      tpu.wait_indirect_dma semaphore(%arg11 : memref<!tpu.dma_semaphore, #tpu.memory_space<semaphore_mem>>) src(%dma_wait3A_148 : memref<10240x128xf32, #tpu.memory_space<hbm>>) dst(%dma_wait3A_142 : memref<128x128xf32, #tpu.memory_space<vmem>>)
      %dma_start3A_149 = arith.constant 128 : i32
      %dma_start3A_150 = arith.constant 0 : i32
      %dma_start3A_151 = tpu.memref_slice %arg8[%dma_start3A_149, %dma_start3A_150] : memref<256x128xf32, #tpu.memory_space<vmem>> -> memref<128x128xf32, #tpu.memory_space<vmem>>
      %dma_start3A_152 = arith.constant 0 : i32
      %dma_start3A_153 = tpu.memref_slice %arg7[%add3A_139, %dma_start3A_152] : memref<40x128xi32, #tpu.memory_space<vmem>> -> memref<1x128xi32, #tpu.memory_space<vmem>>
      %dma_start3A_154 = tpu.memref_squeeze %dma_start3A_153 : memref<1x128xi32, #tpu.memory_space<vmem>> -> memref<128xi32, #tpu.memory_space<vmem>>
      %dma_start3A_155 = arith.constant 0 : i32
      %dma_start3A_156 = arith.constant 0 : i32
      %dma_start3A_157 = tpu.memref_slice %arg9[%dma_start3A_155, %dma_start3A_156] : memref<10240x128xf32, #tpu.memory_space<vmem_shared>> -> memref<10240x128xf32, #tpu.memory_space<vmem_shared>>
      tpu.enqueue_indirect_dma source(%dma_start3A_151 : memref<128x128xf32, #tpu.memory_space<vmem>>) target(%dma_start3A_157 : memref<10240x128xf32, #tpu.memory_space<vmem_shared>>) offsets(%dma_start3A_154 : memref<128xi32, #tpu.memory_space<vmem>>) semaphore(%arg13 : memref<!tpu.dma_semaphore, #tpu.memory_space<semaphore_mem>>) {add = true}
    }
    %scan3A_51 = arith.constant 20 : i32
    %dma_wait3A_52 = arith.constant 38 : i32
    %dma_wait3A_53 = arith.constant 0 : i32
    %dma_wait3A_54 = arith.constant 0 : i32
    %dma_wait3A_55 = tpu.memref_slice %arg8[%dma_wait3A_53, %dma_wait3A_54] : memref<256x128xf32, #tpu.memory_space<vmem>> -> memref<128x128xf32, #tpu.memory_space<vmem>>
    %dma_wait3A_56 = arith.constant 0 : i32
    %dma_wait3A_57 = tpu.memref_slice %arg7[%dma_wait3A_52, %dma_wait3A_56] : memref<40x128xi32, #tpu.memory_space<vmem>> -> memref<1x128xi32, #tpu.memory_space<vmem>>
    %dma_wait3A_58 = tpu.memref_squeeze %dma_wait3A_57 : memref<1x128xi32, #tpu.memory_space<vmem>> -> memref<128xi32, #tpu.memory_space<vmem>>
    %dma_wait3A_59 = arith.constant 0 : i32
    %dma_wait3A_60 = arith.constant 0 : i32
    %dma_wait3A_61 = tpu.memref_slice %arg9[%dma_wait3A_59, %dma_wait3A_60] : memref<10240x128xf32, #tpu.memory_space<vmem_shared>> -> memref<10240x128xf32, #tpu.memory_space<vmem_shared>>
    tpu.wait_indirect_dma semaphore(%arg12 : memref<!tpu.dma_semaphore, #tpu.memory_space<semaphore_mem>>) src(%dma_wait3A_55 : memref<128x128xf32, #tpu.memory_space<vmem>>) dst(%dma_wait3A_61 : memref<10240x128xf32, #tpu.memory_space<vmem_shared>>)
    %dma_wait3A_62 = arith.constant 39 : i32
    %dma_wait3A_63 = arith.constant 128 : i32
    %dma_wait3A_64 = arith.constant 0 : i32
    %dma_wait3A_65 = tpu.memref_slice %arg8[%dma_wait3A_63, %dma_wait3A_64] : memref<256x128xf32, #tpu.memory_space<vmem>> -> memref<128x128xf32, #tpu.memory_space<vmem>>
    %dma_wait3A_66 = arith.constant 0 : i32
    %dma_wait3A_67 = tpu.memref_slice %arg7[%dma_wait3A_62, %dma_wait3A_66] : memref<40x128xi32, #tpu.memory_space<vmem>> -> memref<1x128xi32, #tpu.memory_space<vmem>>
    %dma_wait3A_68 = tpu.memref_squeeze %dma_wait3A_67 : memref<1x128xi32, #tpu.memory_space<vmem>> -> memref<128xi32, #tpu.memory_space<vmem>>
    %dma_wait3A_69 = arith.constant 0 : i32
    %dma_wait3A_70 = arith.constant 0 : i32
    %dma_wait3A_71 = tpu.memref_slice %arg9[%dma_wait3A_69, %dma_wait3A_70] : memref<10240x128xf32, #tpu.memory_space<vmem_shared>> -> memref<10240x128xf32, #tpu.memory_space<vmem_shared>>
    tpu.wait_indirect_dma semaphore(%arg13 : memref<!tpu.dma_semaphore, #tpu.memory_space<semaphore_mem>>) src(%dma_wait3A_65 : memref<128x128xf32, #tpu.memory_space<vmem>>) dst(%dma_wait3A_71 : memref<10240x128xf32, #tpu.memory_space<vmem_shared>>)
    %barrier3A_72 = arith.constant 0 : index
    tpu.barrier barrier_id(%barrier3A_72)
    %mul3A_73 = arith.constant 640 : i32
    %mul3A_74 = arith.muli %arg1, %mul3A_73 : i32
    %mul3A_75 = arith.constant 10240 : i32
    %mul3A_76 = arith.muli %arg0, %mul3A_75 : i32
    %mul3A_77 = arith.constant 640 : i32
    %mul3A_78 = arith.muli %arg1, %mul3A_77 : i32
    %add3A_79 = arith.addi %mul3A_76, %mul3A_78 : i32
    "tpu.region"() ({
      %run_scoped3A = tpu.sem_alloc : memref<!tpu.dma_semaphore, #tpu.memory_space<semaphore_mem>>
      %dma_start3A_80 = arith.constant 0 : i32
      %dma_start3A_81 = tpu.memref_slice %arg5[%add3A_79, %dma_start3A_80] : memref<20480x128xf32, #tpu.memory_space<hbm>> -> memref<640x128xf32, #tpu.memory_space<hbm>>
      %dma_start3A_82 = arith.constant 0 : i32
      %dma_start3A_83 = tpu.memref_slice %arg9[%mul3A_74, %dma_start3A_82] : memref<10240x128xf32, #tpu.memory_space<vmem_shared>> -> memref<640x128xf32, #tpu.memory_space<vmem_shared>>
      tpu.enqueue_dma source(%dma_start3A_83 : memref<640x128xf32, #tpu.memory_space<vmem_shared>>) target(%dma_start3A_81 : memref<640x128xf32, #tpu.memory_space<hbm>>) target_semaphore(%run_scoped3A : memref<!tpu.dma_semaphore, #tpu.memory_space<semaphore_mem>>)
      %dma_wait3A_84 = arith.constant 0 : i32
      %dma_wait3A_85 = tpu.memref_slice %arg5[%add3A_79, %dma_wait3A_84] : memref<20480x128xf32, #tpu.memory_space<hbm>> -> memref<640x128xf32, #tpu.memory_space<hbm>>
      %dma_wait3A_86 = arith.constant 0 : i32
      %dma_wait3A_87 = tpu.memref_slice %arg9[%mul3A_74, %dma_wait3A_86] : memref<10240x128xf32, #tpu.memory_space<vmem_shared>> -> memref<640x128xf32, #tpu.memory_space<vmem_shared>>
      tpu.wait_dma2 semaphore(%run_scoped3A : memref<!tpu.dma_semaphore, #tpu.memory_space<semaphore_mem>>) src(%dma_wait3A_87 : memref<640x128xf32, #tpu.memory_space<vmem_shared>>) dst(%dma_wait3A_85 : memref<640x128xf32, #tpu.memory_space<hbm>>)
      tpu.yield
    }) : () -> ()
    return
  }
}

#map = affine_map<(d0, d1) -> (0, 0)>
module attributes {stable_mosaic.version = 14 : i64} {
  func.func @_sc_propagate(%arg0: i32, %arg1: i32, %arg2: memref<10240x128xf32, #tpu.memory_space<hbm>>, %arg3: memref<2560x128xi32, #tpu.memory_space<hbm>>, %arg4: memref<2560x128xi32, #tpu.memory_space<hbm>>, %arg5: memref<20480x128xf32, #tpu.memory_space<hbm>>, %arg6: memref<40x128xi32, #tpu.memory_space<vmem>>, %arg7: memref<40x128xi32, #tpu.memory_space<vmem>>, %arg8: memref<256x128xf32, #tpu.memory_space<vmem>>, %arg9: memref<10240x128xf32, #tpu.memory_space<vmem_shared>>, %arg10: memref<!tpu.dma_semaphore, #tpu.memory_space<semaphore_mem>>, %arg11: memref<!tpu.dma_semaphore, #tpu.memory_space<semaphore_mem>>, %arg12: memref<!tpu.dma_semaphore, #tpu.memory_space<semaphore_mem>>, %arg13: memref<!tpu.dma_semaphore, #tpu.memory_space<semaphore_mem>>) attributes {dimension_semantics = [#tpu.dimension_semantics<core_parallel>, #tpu.dimension_semantics<subcore_parallel>], iteration_bounds = array<i64: 2, 16>, scalar_prefetch = 0 : i64, scratch_operands = 8 : i64, tpu.core_type = #tpu.core_type<sc_vector_subcore>, window_params = [{transform_indices = #map}, {transform_indices = #map}, {transform_indices = #map}, {transform_indices = #map}]} {
    %mul3A = arith.constant 640 : i32
    %mul3A_0 = arith.muli %arg1, %mul3A : i32
    %mul3A_1 = arith.constant 640 : i32
    %mul3A_2 = arith.muli %arg1, %mul3A_1 : i32
    %dma_start3A = arith.constant 0 : i32
    %dma_start3A_3 = tpu.memref_slice %arg9[%mul3A_2, %dma_start3A] : memref<10240x128xf32, #tpu.memory_space<vmem_shared>> -> memref<640x128xf32, #tpu.memory_space<vmem_shared>>
    %dma_start3A_4 = arith.constant 0 : i32
    %dma_start3A_5 = tpu.memref_slice %arg2[%mul3A_0, %dma_start3A_4] : memref<10240x128xf32, #tpu.memory_space<hbm>> -> memref<640x128xf32, #tpu.memory_space<hbm>>
    tpu.enqueue_dma source(%dma_start3A_5 : memref<640x128xf32, #tpu.memory_space<hbm>>) target(%dma_start3A_3 : memref<640x128xf32, #tpu.memory_space<vmem_shared>>) target_semaphore(%arg10 : memref<!tpu.dma_semaphore, #tpu.memory_space<semaphore_mem>>)
    %mul3A_6 = arith.constant 16 : i32
    %mul3A_7 = arith.muli %arg0, %mul3A_6 : i32
    %add3A = arith.addi %mul3A_7, %arg1 : i32
    %mul3A_8 = arith.constant 80 : i32
    %mul3A_9 = arith.muli %add3A, %mul3A_8 : i32
    %add3A_10 = arith.constant 0 : i32
    %add3A_11 = arith.addi %mul3A_9, %add3A_10 : i32
    "tpu.region"() ({
      %run_scoped3A = tpu.sem_alloc : memref<!tpu.dma_semaphore, #tpu.memory_space<semaphore_mem>>
      %dma_start3A_80 = arith.constant 0 : i32
      %dma_start3A_81 = tpu.memref_slice %arg3[%add3A_11, %dma_start3A_80] : memref<2560x128xi32, #tpu.memory_space<hbm>> -> memref<40x128xi32, #tpu.memory_space<hbm>>
      %dma_start3A_82 = arith.constant 0 : i32
      %dma_start3A_83 = tpu.memref_slice %arg3[%add3A_11, %dma_start3A_82] : memref<2560x128xi32, #tpu.memory_space<hbm>> -> memref<40x128xi32, #tpu.memory_space<hbm>>
      tpu.enqueue_dma source(%dma_start3A_83 : memref<40x128xi32, #tpu.memory_space<hbm>>) target(%arg6 : memref<40x128xi32, #tpu.memory_space<vmem>>) target_semaphore(%run_scoped3A : memref<!tpu.dma_semaphore, #tpu.memory_space<semaphore_mem>>)
      %dma_wait3A_84 = arith.constant 0 : i32
      %dma_wait3A_85 = tpu.memref_slice %arg3[%add3A_11, %dma_wait3A_84] : memref<2560x128xi32, #tpu.memory_space<hbm>> -> memref<40x128xi32, #tpu.memory_space<hbm>>
      %dma_wait3A_86 = arith.constant 0 : i32
      %dma_wait3A_87 = tpu.memref_slice %arg3[%add3A_11, %dma_wait3A_86] : memref<2560x128xi32, #tpu.memory_space<hbm>> -> memref<40x128xi32, #tpu.memory_space<hbm>>
      tpu.wait_dma2 semaphore(%run_scoped3A : memref<!tpu.dma_semaphore, #tpu.memory_space<semaphore_mem>>) src(%dma_wait3A_87 : memref<40x128xi32, #tpu.memory_space<hbm>>) dst(%arg6 : memref<40x128xi32, #tpu.memory_space<vmem>>)
      tpu.yield
    }) : () -> ()
    %add3A_12 = arith.constant 0 : i32
    %add3A_13 = arith.addi %mul3A_9, %add3A_12 : i32
    "tpu.region"() ({
      %run_scoped3A = tpu.sem_alloc : memref<!tpu.dma_semaphore, #tpu.memory_space<semaphore_mem>>
      %dma_start3A_80 = arith.constant 0 : i32
      %dma_start3A_81 = tpu.memref_slice %arg4[%add3A_13, %dma_start3A_80] : memref<2560x128xi32, #tpu.memory_space<hbm>> -> memref<40x128xi32, #tpu.memory_space<hbm>>
      %dma_start3A_82 = arith.constant 0 : i32
      %dma_start3A_83 = tpu.memref_slice %arg4[%add3A_13, %dma_start3A_82] : memref<2560x128xi32, #tpu.memory_space<hbm>> -> memref<40x128xi32, #tpu.memory_space<hbm>>
      tpu.enqueue_dma source(%dma_start3A_83 : memref<40x128xi32, #tpu.memory_space<hbm>>) target(%arg7 : memref<40x128xi32, #tpu.memory_space<vmem>>) target_semaphore(%run_scoped3A : memref<!tpu.dma_semaphore, #tpu.memory_space<semaphore_mem>>)
      %dma_wait3A_84 = arith.constant 0 : i32
      %dma_wait3A_85 = tpu.memref_slice %arg4[%add3A_13, %dma_wait3A_84] : memref<2560x128xi32, #tpu.memory_space<hbm>> -> memref<40x128xi32, #tpu.memory_space<hbm>>
      %dma_wait3A_86 = arith.constant 0 : i32
      %dma_wait3A_87 = tpu.memref_slice %arg4[%add3A_13, %dma_wait3A_86] : memref<2560x128xi32, #tpu.memory_space<hbm>> -> memref<40x128xi32, #tpu.memory_space<hbm>>
      tpu.wait_dma2 semaphore(%run_scoped3A : memref<!tpu.dma_semaphore, #tpu.memory_space<semaphore_mem>>) src(%dma_wait3A_87 : memref<40x128xi32, #tpu.memory_space<hbm>>) dst(%arg7 : memref<40x128xi32, #tpu.memory_space<vmem>>)
      tpu.yield
    }) : () -> ()
    %dma_wait3A = arith.constant 0 : i32
    %dma_wait3A_14 = tpu.memref_slice %arg9[%mul3A_2, %dma_wait3A] : memref<10240x128xf32, #tpu.memory_space<vmem_shared>> -> memref<640x128xf32, #tpu.memory_space<vmem_shared>>
    %dma_wait3A_15 = arith.constant 0 : i32
    %dma_wait3A_16 = tpu.memref_slice %arg2[%mul3A_0, %dma_wait3A_15] : memref<10240x128xf32, #tpu.memory_space<hbm>> -> memref<640x128xf32, #tpu.memory_space<hbm>>
    tpu.wait_dma2 semaphore(%arg10 : memref<!tpu.dma_semaphore, #tpu.memory_space<semaphore_mem>>) src(%dma_wait3A_16 : memref<640x128xf32, #tpu.memory_space<hbm>>) dst(%dma_wait3A_14 : memref<640x128xf32, #tpu.memory_space<vmem_shared>>)
    %barrier3A = arith.constant 0 : index
    tpu.barrier barrier_id(%barrier3A)
    %scan3A = arith.constant 0 : i32
    %scan3A_17 = arith.constant 0 : i32
    %scan3A_18 = arith.constant 20 : i32
    %scan3A_19 = arith.addi %scan3A_17, %scan3A_18 : i32
    %scan3A_20 = arith.constant 1 : i32
    scf.for %scan3A_80 = %scan3A_17 to %scan3A_19 step %scan3A_20  : i32 {
      %mul3A_81 = arith.constant 2 : i32
      %mul3A_82 = arith.muli %scan3A_80, %mul3A_81 : i32
      %add3A_83 = arith.constant 0 : i32
      %add3A_84 = arith.addi %mul3A_82, %add3A_83 : i32
      %gt3A = arith.constant 0 : i32
      %gt3A_85 = arith.cmpi sgt, %scan3A_80, %gt3A : i32
      %convert_element_type3A = arith.extui %gt3A_85 : i1 to i32
      %cond3A = arith.constant 0 : i32
      %cond3A_86 = arith.cmpi ne, %convert_element_type3A, %cond3A : i32
      scf.if %cond3A_86 {
        %sub3A = arith.constant 2 : i32
        %sub3A_158 = arith.subi %add3A_84, %sub3A : i32
        %dma_wait3A_159 = arith.constant 0 : i32
        %dma_wait3A_160 = arith.constant 0 : i32
        %dma_wait3A_161 = tpu.memref_slice %arg8[%dma_wait3A_159, %dma_wait3A_160] : memref<256x128xf32, #tpu.memory_space<vmem>> -> memref<128x128xf32, #tpu.memory_space<vmem>>
        %dma_wait3A_162 = arith.constant 0 : i32
        %dma_wait3A_163 = tpu.memref_slice %arg7[%sub3A_158, %dma_wait3A_162] : memref<40x128xi32, #tpu.memory_space<vmem>> -> memref<1x128xi32, #tpu.memory_space<vmem>>
        %dma_wait3A_164 = tpu.memref_squeeze %dma_wait3A_163 : memref<1x128xi32, #tpu.memory_space<vmem>> -> memref<128xi32, #tpu.memory_space<vmem>>
        %dma_wait3A_165 = arith.constant 0 : i32
        %dma_wait3A_166 = arith.constant 0 : i32
        %dma_wait3A_167 = tpu.memref_slice %arg9[%dma_wait3A_165, %dma_wait3A_166] : memref<10240x128xf32, #tpu.memory_space<vmem_shared>> -> memref<10240x128xf32, #tpu.memory_space<vmem_shared>>
        tpu.wait_indirect_dma semaphore(%arg12 : memref<!tpu.dma_semaphore, #tpu.memory_space<semaphore_mem>>) src(%dma_wait3A_161 : memref<128x128xf32, #tpu.memory_space<vmem>>) dst(%dma_wait3A_167 : memref<10240x128xf32, #tpu.memory_space<vmem_shared>>)
      } else {
      }
      %dma_start3A_87 = arith.constant 0 : i32
      %dma_start3A_88 = arith.constant 0 : i32
      %dma_start3A_89 = tpu.memref_slice %arg8[%dma_start3A_87, %dma_start3A_88] : memref<256x128xf32, #tpu.memory_space<vmem>> -> memref<128x128xf32, #tpu.memory_space<vmem>>
      %dma_start3A_90 = arith.constant 0 : i32
      %dma_start3A_91 = tpu.memref_slice %arg6[%add3A_84, %dma_start3A_90] : memref<40x128xi32, #tpu.memory_space<vmem>> -> memref<1x128xi32, #tpu.memory_space<vmem>>
      %dma_start3A_92 = tpu.memref_squeeze %dma_start3A_91 : memref<1x128xi32, #tpu.memory_space<vmem>> -> memref<128xi32, #tpu.memory_space<vmem>>
      %dma_start3A_93 = arith.constant 0 : i32
      %dma_start3A_94 = arith.constant 0 : i32
      %dma_start3A_95 = tpu.memref_slice %arg2[%dma_start3A_93, %dma_start3A_94] : memref<10240x128xf32, #tpu.memory_space<hbm>> -> memref<10240x128xf32, #tpu.memory_space<hbm>>
      tpu.enqueue_indirect_dma source(%dma_start3A_95 : memref<10240x128xf32, #tpu.memory_space<hbm>>) target(%dma_start3A_89 : memref<128x128xf32, #tpu.memory_space<vmem>>) offsets(%dma_start3A_92 : memref<128xi32, #tpu.memory_space<vmem>>) semaphore(%arg10 : memref<!tpu.dma_semaphore, #tpu.memory_space<semaphore_mem>>)
      %mul3A_96 = arith.constant 2 : i32
      %mul3A_97 = arith.muli %scan3A_80, %mul3A_96 : i32
      %add3A_98 = arith.constant 1 : i32
      %add3A_99 = arith.addi %mul3A_97, %add3A_98 : i32
      %gt3A_100 = arith.constant 0 : i32
      %gt3A_101 = arith.cmpi sgt, %scan3A_80, %gt3A_100 : i32
      %convert_element_type3A_102 = arith.extui %gt3A_101 : i1 to i32
      %cond3A_103 = arith.constant 0 : i32
      %cond3A_104 = arith.cmpi ne, %convert_element_type3A_102, %cond3A_103 : i32
      scf.if %cond3A_104 {
        %sub3A = arith.constant 2 : i32
        %sub3A_158 = arith.subi %add3A_99, %sub3A : i32
        %dma_wait3A_159 = arith.constant 128 : i32
        %dma_wait3A_160 = arith.constant 0 : i32
        %dma_wait3A_161 = tpu.memref_slice %arg8[%dma_wait3A_159, %dma_wait3A_160] : memref<256x128xf32, #tpu.memory_space<vmem>> -> memref<128x128xf32, #tpu.memory_space<vmem>>
        %dma_wait3A_162 = arith.constant 0 : i32
        %dma_wait3A_163 = tpu.memref_slice %arg7[%sub3A_158, %dma_wait3A_162] : memref<40x128xi32, #tpu.memory_space<vmem>> -> memref<1x128xi32, #tpu.memory_space<vmem>>
        %dma_wait3A_164 = tpu.memref_squeeze %dma_wait3A_163 : memref<1x128xi32, #tpu.memory_space<vmem>> -> memref<128xi32, #tpu.memory_space<vmem>>
        %dma_wait3A_165 = arith.constant 0 : i32
        %dma_wait3A_166 = arith.constant 0 : i32
        %dma_wait3A_167 = tpu.memref_slice %arg9[%dma_wait3A_165, %dma_wait3A_166] : memref<10240x128xf32, #tpu.memory_space<vmem_shared>> -> memref<10240x128xf32, #tpu.memory_space<vmem_shared>>
        tpu.wait_indirect_dma semaphore(%arg13 : memref<!tpu.dma_semaphore, #tpu.memory_space<semaphore_mem>>) src(%dma_wait3A_161 : memref<128x128xf32, #tpu.memory_space<vmem>>) dst(%dma_wait3A_167 : memref<10240x128xf32, #tpu.memory_space<vmem_shared>>)
      } else {
      }
      %dma_start3A_105 = arith.constant 128 : i32
      %dma_start3A_106 = arith.constant 0 : i32
      %dma_start3A_107 = tpu.memref_slice %arg8[%dma_start3A_105, %dma_start3A_106] : memref<256x128xf32, #tpu.memory_space<vmem>> -> memref<128x128xf32, #tpu.memory_space<vmem>>
      %dma_start3A_108 = arith.constant 0 : i32
      %dma_start3A_109 = tpu.memref_slice %arg6[%add3A_99, %dma_start3A_108] : memref<40x128xi32, #tpu.memory_space<vmem>> -> memref<1x128xi32, #tpu.memory_space<vmem>>
      %dma_start3A_110 = tpu.memref_squeeze %dma_start3A_109 : memref<1x128xi32, #tpu.memory_space<vmem>> -> memref<128xi32, #tpu.memory_space<vmem>>
      %dma_start3A_111 = arith.constant 0 : i32
      %dma_start3A_112 = arith.constant 0 : i32
      %dma_start3A_113 = tpu.memref_slice %arg2[%dma_start3A_111, %dma_start3A_112] : memref<10240x128xf32, #tpu.memory_space<hbm>> -> memref<10240x128xf32, #tpu.memory_space<hbm>>
      tpu.enqueue_indirect_dma source(%dma_start3A_113 : memref<10240x128xf32, #tpu.memory_space<hbm>>) target(%dma_start3A_107 : memref<128x128xf32, #tpu.memory_space<vmem>>) offsets(%dma_start3A_110 : memref<128xi32, #tpu.memory_space<vmem>>) semaphore(%arg11 : memref<!tpu.dma_semaphore, #tpu.memory_space<semaphore_mem>>)
      %mul3A_114 = arith.constant 2 : i32
      %mul3A_115 = arith.muli %scan3A_80, %mul3A_114 : i32
      %add3A_116 = arith.constant 0 : i32
      %add3A_117 = arith.addi %mul3A_115, %add3A_116 : i32
      %dma_wait3A_118 = arith.constant 0 : i32
      %dma_wait3A_119 = arith.constant 0 : i32
      %dma_wait3A_120 = tpu.memref_slice %arg8[%dma_wait3A_118, %dma_wait3A_119] : memref<256x128xf32, #tpu.memory_space<vmem>> -> memref<128x128xf32, #tpu.memory_space<vmem>>
      %dma_wait3A_121 = arith.constant 0 : i32
      %dma_wait3A_122 = tpu.memref_slice %arg6[%add3A_117, %dma_wait3A_121] : memref<40x128xi32, #tpu.memory_space<vmem>> -> memref<1x128xi32, #tpu.memory_space<vmem>>
      %dma_wait3A_123 = tpu.memref_squeeze %dma_wait3A_122 : memref<1x128xi32, #tpu.memory_space<vmem>> -> memref<128xi32, #tpu.memory_space<vmem>>
      %dma_wait3A_124 = arith.constant 0 : i32
      %dma_wait3A_125 = arith.constant 0 : i32
      %dma_wait3A_126 = tpu.memref_slice %arg2[%dma_wait3A_124, %dma_wait3A_125] : memref<10240x128xf32, #tpu.memory_space<hbm>> -> memref<10240x128xf32, #tpu.memory_space<hbm>>
      tpu.wait_indirect_dma semaphore(%arg10 : memref<!tpu.dma_semaphore, #tpu.memory_space<semaphore_mem>>) src(%dma_wait3A_126 : memref<10240x128xf32, #tpu.memory_space<hbm>>) dst(%dma_wait3A_120 : memref<128x128xf32, #tpu.memory_space<vmem>>)
      %dma_start3A_127 = arith.constant 0 : i32
      %dma_start3A_128 = arith.constant 0 : i32
      %dma_start3A_129 = tpu.memref_slice %arg8[%dma_start3A_127, %dma_start3A_128] : memref<256x128xf32, #tpu.memory_space<vmem>> -> memref<128x128xf32, #tpu.memory_space<vmem>>
      %dma_start3A_130 = arith.constant 0 : i32
      %dma_start3A_131 = tpu.memref_slice %arg7[%add3A_117, %dma_start3A_130] : memref<40x128xi32, #tpu.memory_space<vmem>> -> memref<1x128xi32, #tpu.memory_space<vmem>>
      %dma_start3A_132 = tpu.memref_squeeze %dma_start3A_131 : memref<1x128xi32, #tpu.memory_space<vmem>> -> memref<128xi32, #tpu.memory_space<vmem>>
      %dma_start3A_133 = arith.constant 0 : i32
      %dma_start3A_134 = arith.constant 0 : i32
      %dma_start3A_135 = tpu.memref_slice %arg9[%dma_start3A_133, %dma_start3A_134] : memref<10240x128xf32, #tpu.memory_space<vmem_shared>> -> memref<10240x128xf32, #tpu.memory_space<vmem_shared>>
      tpu.enqueue_indirect_dma source(%dma_start3A_129 : memref<128x128xf32, #tpu.memory_space<vmem>>) target(%dma_start3A_135 : memref<10240x128xf32, #tpu.memory_space<vmem_shared>>) offsets(%dma_start3A_132 : memref<128xi32, #tpu.memory_space<vmem>>) semaphore(%arg12 : memref<!tpu.dma_semaphore, #tpu.memory_space<semaphore_mem>>) {add = true}
      %mul3A_136 = arith.constant 2 : i32
      %mul3A_137 = arith.muli %scan3A_80, %mul3A_136 : i32
      %add3A_138 = arith.constant 1 : i32
      %add3A_139 = arith.addi %mul3A_137, %add3A_138 : i32
      %dma_wait3A_140 = arith.constant 128 : i32
      %dma_wait3A_141 = arith.constant 0 : i32
      %dma_wait3A_142 = tpu.memref_slice %arg8[%dma_wait3A_140, %dma_wait3A_141] : memref<256x128xf32, #tpu.memory_space<vmem>> -> memref<128x128xf32, #tpu.memory_space<vmem>>
      %dma_wait3A_143 = arith.constant 0 : i32
      %dma_wait3A_144 = tpu.memref_slice %arg6[%add3A_139, %dma_wait3A_143] : memref<40x128xi32, #tpu.memory_space<vmem>> -> memref<1x128xi32, #tpu.memory_space<vmem>>
      %dma_wait3A_145 = tpu.memref_squeeze %dma_wait3A_144 : memref<1x128xi32, #tpu.memory_space<vmem>> -> memref<128xi32, #tpu.memory_space<vmem>>
      %dma_wait3A_146 = arith.constant 0 : i32
      %dma_wait3A_147 = arith.constant 0 : i32
      %dma_wait3A_148 = tpu.memref_slice %arg2[%dma_wait3A_146, %dma_wait3A_147] : memref<10240x128xf32, #tpu.memory_space<hbm>> -> memref<10240x128xf32, #tpu.memory_space<hbm>>
      tpu.wait_indirect_dma semaphore(%arg11 : memref<!tpu.dma_semaphore, #tpu.memory_space<semaphore_mem>>) src(%dma_wait3A_148 : memref<10240x128xf32, #tpu.memory_space<hbm>>) dst(%dma_wait3A_142 : memref<128x128xf32, #tpu.memory_space<vmem>>)
      %dma_start3A_149 = arith.constant 128 : i32
      %dma_start3A_150 = arith.constant 0 : i32
      %dma_start3A_151 = tpu.memref_slice %arg8[%dma_start3A_149, %dma_start3A_150] : memref<256x128xf32, #tpu.memory_space<vmem>> -> memref<128x128xf32, #tpu.memory_space<vmem>>
      %dma_start3A_152 = arith.constant 0 : i32
      %dma_start3A_153 = tpu.memref_slice %arg7[%add3A_139, %dma_start3A_152] : memref<40x128xi32, #tpu.memory_space<vmem>> -> memref<1x128xi32, #tpu.memory_space<vmem>>
      %dma_start3A_154 = tpu.memref_squeeze %dma_start3A_153 : memref<1x128xi32, #tpu.memory_space<vmem>> -> memref<128xi32, #tpu.memory_space<vmem>>
      %dma_start3A_155 = arith.constant 0 : i32
      %dma_start3A_156 = arith.constant 0 : i32
      %dma_start3A_157 = tpu.memref_slice %arg9[%dma_start3A_155, %dma_start3A_156] : memref<10240x128xf32, #tpu.memory_space<vmem_shared>> -> memref<10240x128xf32, #tpu.memory_space<vmem_shared>>
      tpu.enqueue_indirect_dma source(%dma_start3A_151 : memref<128x128xf32, #tpu.memory_space<vmem>>) target(%dma_start3A_157 : memref<10240x128xf32, #tpu.memory_space<vmem_shared>>) offsets(%dma_start3A_154 : memref<128xi32, #tpu.memory_space<vmem>>) semaphore(%arg13 : memref<!tpu.dma_semaphore, #tpu.memory_space<semaphore_mem>>) {add = true}
    }
    %scan3A_21 = arith.constant 20 : i32
    %dma_wait3A_22 = arith.constant 38 : i32
    %dma_wait3A_23 = arith.constant 0 : i32
    %dma_wait3A_24 = arith.constant 0 : i32
    %dma_wait3A_25 = tpu.memref_slice %arg8[%dma_wait3A_23, %dma_wait3A_24] : memref<256x128xf32, #tpu.memory_space<vmem>> -> memref<128x128xf32, #tpu.memory_space<vmem>>
    %dma_wait3A_26 = arith.constant 0 : i32
    %dma_wait3A_27 = tpu.memref_slice %arg7[%dma_wait3A_22, %dma_wait3A_26] : memref<40x128xi32, #tpu.memory_space<vmem>> -> memref<1x128xi32, #tpu.memory_space<vmem>>
    %dma_wait3A_28 = tpu.memref_squeeze %dma_wait3A_27 : memref<1x128xi32, #tpu.memory_space<vmem>> -> memref<128xi32, #tpu.memory_space<vmem>>
    %dma_wait3A_29 = arith.constant 0 : i32
    %dma_wait3A_30 = arith.constant 0 : i32
    %dma_wait3A_31 = tpu.memref_slice %arg9[%dma_wait3A_29, %dma_wait3A_30] : memref<10240x128xf32, #tpu.memory_space<vmem_shared>> -> memref<10240x128xf32, #tpu.memory_space<vmem_shared>>
    tpu.wait_indirect_dma semaphore(%arg12 : memref<!tpu.dma_semaphore, #tpu.memory_space<semaphore_mem>>) src(%dma_wait3A_25 : memref<128x128xf32, #tpu.memory_space<vmem>>) dst(%dma_wait3A_31 : memref<10240x128xf32, #tpu.memory_space<vmem_shared>>)
    %dma_wait3A_32 = arith.constant 39 : i32
    %dma_wait3A_33 = arith.constant 128 : i32
    %dma_wait3A_34 = arith.constant 0 : i32
    %dma_wait3A_35 = tpu.memref_slice %arg8[%dma_wait3A_33, %dma_wait3A_34] : memref<256x128xf32, #tpu.memory_space<vmem>> -> memref<128x128xf32, #tpu.memory_space<vmem>>
    %dma_wait3A_36 = arith.constant 0 : i32
    %dma_wait3A_37 = tpu.memref_slice %arg7[%dma_wait3A_32, %dma_wait3A_36] : memref<40x128xi32, #tpu.memory_space<vmem>> -> memref<1x128xi32, #tpu.memory_space<vmem>>
    %dma_wait3A_38 = tpu.memref_squeeze %dma_wait3A_37 : memref<1x128xi32, #tpu.memory_space<vmem>> -> memref<128xi32, #tpu.memory_space<vmem>>
    %dma_wait3A_39 = arith.constant 0 : i32
    %dma_wait3A_40 = arith.constant 0 : i32
    %dma_wait3A_41 = tpu.memref_slice %arg9[%dma_wait3A_39, %dma_wait3A_40] : memref<10240x128xf32, #tpu.memory_space<vmem_shared>> -> memref<10240x128xf32, #tpu.memory_space<vmem_shared>>
    tpu.wait_indirect_dma semaphore(%arg13 : memref<!tpu.dma_semaphore, #tpu.memory_space<semaphore_mem>>) src(%dma_wait3A_35 : memref<128x128xf32, #tpu.memory_space<vmem>>) dst(%dma_wait3A_41 : memref<10240x128xf32, #tpu.memory_space<vmem_shared>>)
    %add3A_42 = arith.constant 40 : i32
    %add3A_43 = arith.addi %mul3A_9, %add3A_42 : i32
    "tpu.region"() ({
      %run_scoped3A = tpu.sem_alloc : memref<!tpu.dma_semaphore, #tpu.memory_space<semaphore_mem>>
      %dma_start3A_80 = arith.constant 0 : i32
      %dma_start3A_81 = tpu.memref_slice %arg3[%add3A_43, %dma_start3A_80] : memref<2560x128xi32, #tpu.memory_space<hbm>> -> memref<40x128xi32, #tpu.memory_space<hbm>>
      %dma_start3A_82 = arith.constant 0 : i32
      %dma_start3A_83 = tpu.memref_slice %arg3[%add3A_43, %dma_start3A_82] : memref<2560x128xi32, #tpu.memory_space<hbm>> -> memref<40x128xi32, #tpu.memory_space<hbm>>
      tpu.enqueue_dma source(%dma_start3A_83 : memref<40x128xi32, #tpu.memory_space<hbm>>) target(%arg6 : memref<40x128xi32, #tpu.memory_space<vmem>>) target_semaphore(%run_scoped3A : memref<!tpu.dma_semaphore, #tpu.memory_space<semaphore_mem>>)
      %dma_wait3A_84 = arith.constant 0 : i32
      %dma_wait3A_85 = tpu.memref_slice %arg3[%add3A_43, %dma_wait3A_84] : memref<2560x128xi32, #tpu.memory_space<hbm>> -> memref<40x128xi32, #tpu.memory_space<hbm>>
      %dma_wait3A_86 = arith.constant 0 : i32
      %dma_wait3A_87 = tpu.memref_slice %arg3[%add3A_43, %dma_wait3A_86] : memref<2560x128xi32, #tpu.memory_space<hbm>> -> memref<40x128xi32, #tpu.memory_space<hbm>>
      tpu.wait_dma2 semaphore(%run_scoped3A : memref<!tpu.dma_semaphore, #tpu.memory_space<semaphore_mem>>) src(%dma_wait3A_87 : memref<40x128xi32, #tpu.memory_space<hbm>>) dst(%arg6 : memref<40x128xi32, #tpu.memory_space<vmem>>)
      tpu.yield
    }) : () -> ()
    %add3A_44 = arith.constant 40 : i32
    %add3A_45 = arith.addi %mul3A_9, %add3A_44 : i32
    "tpu.region"() ({
      %run_scoped3A = tpu.sem_alloc : memref<!tpu.dma_semaphore, #tpu.memory_space<semaphore_mem>>
      %dma_start3A_80 = arith.constant 0 : i32
      %dma_start3A_81 = tpu.memref_slice %arg4[%add3A_45, %dma_start3A_80] : memref<2560x128xi32, #tpu.memory_space<hbm>> -> memref<40x128xi32, #tpu.memory_space<hbm>>
      %dma_start3A_82 = arith.constant 0 : i32
      %dma_start3A_83 = tpu.memref_slice %arg4[%add3A_45, %dma_start3A_82] : memref<2560x128xi32, #tpu.memory_space<hbm>> -> memref<40x128xi32, #tpu.memory_space<hbm>>
      tpu.enqueue_dma source(%dma_start3A_83 : memref<40x128xi32, #tpu.memory_space<hbm>>) target(%arg7 : memref<40x128xi32, #tpu.memory_space<vmem>>) target_semaphore(%run_scoped3A : memref<!tpu.dma_semaphore, #tpu.memory_space<semaphore_mem>>)
      %dma_wait3A_84 = arith.constant 0 : i32
      %dma_wait3A_85 = tpu.memref_slice %arg4[%add3A_45, %dma_wait3A_84] : memref<2560x128xi32, #tpu.memory_space<hbm>> -> memref<40x128xi32, #tpu.memory_space<hbm>>
      %dma_wait3A_86 = arith.constant 0 : i32
      %dma_wait3A_87 = tpu.memref_slice %arg4[%add3A_45, %dma_wait3A_86] : memref<2560x128xi32, #tpu.memory_space<hbm>> -> memref<40x128xi32, #tpu.memory_space<hbm>>
      tpu.wait_dma2 semaphore(%run_scoped3A : memref<!tpu.dma_semaphore, #tpu.memory_space<semaphore_mem>>) src(%dma_wait3A_87 : memref<40x128xi32, #tpu.memory_space<hbm>>) dst(%arg7 : memref<40x128xi32, #tpu.memory_space<vmem>>)
      tpu.yield
    }) : () -> ()
    %scan3A_46 = arith.constant 0 : i32
    %scan3A_47 = arith.constant 0 : i32
    %scan3A_48 = arith.constant 20 : i32
    %scan3A_49 = arith.addi %scan3A_47, %scan3A_48 : i32
    %scan3A_50 = arith.constant 1 : i32
    scf.for %scan3A_80 = %scan3A_47 to %scan3A_49 step %scan3A_50  : i32 {
      %mul3A_81 = arith.constant 2 : i32
      %mul3A_82 = arith.muli %scan3A_80, %mul3A_81 : i32
      %add3A_83 = arith.constant 0 : i32
      %add3A_84 = arith.addi %mul3A_82, %add3A_83 : i32
      %gt3A = arith.constant 0 : i32
      %gt3A_85 = arith.cmpi sgt, %scan3A_80, %gt3A : i32
      %convert_element_type3A = arith.extui %gt3A_85 : i1 to i32
      %cond3A = arith.constant 0 : i32
      %cond3A_86 = arith.cmpi ne, %convert_element_type3A, %cond3A : i32
      scf.if %cond3A_86 {
        %sub3A = arith.constant 2 : i32
        %sub3A_158 = arith.subi %add3A_84, %sub3A : i32
        %dma_wait3A_159 = arith.constant 0 : i32
        %dma_wait3A_160 = arith.constant 0 : i32
        %dma_wait3A_161 = tpu.memref_slice %arg8[%dma_wait3A_159, %dma_wait3A_160] : memref<256x128xf32, #tpu.memory_space<vmem>> -> memref<128x128xf32, #tpu.memory_space<vmem>>
        %dma_wait3A_162 = arith.constant 0 : i32
        %dma_wait3A_163 = tpu.memref_slice %arg7[%sub3A_158, %dma_wait3A_162] : memref<40x128xi32, #tpu.memory_space<vmem>> -> memref<1x128xi32, #tpu.memory_space<vmem>>
        %dma_wait3A_164 = tpu.memref_squeeze %dma_wait3A_163 : memref<1x128xi32, #tpu.memory_space<vmem>> -> memref<128xi32, #tpu.memory_space<vmem>>
        %dma_wait3A_165 = arith.constant 0 : i32
        %dma_wait3A_166 = arith.constant 0 : i32
        %dma_wait3A_167 = tpu.memref_slice %arg9[%dma_wait3A_165, %dma_wait3A_166] : memref<10240x128xf32, #tpu.memory_space<vmem_shared>> -> memref<10240x128xf32, #tpu.memory_space<vmem_shared>>
        tpu.wait_indirect_dma semaphore(%arg12 : memref<!tpu.dma_semaphore, #tpu.memory_space<semaphore_mem>>) src(%dma_wait3A_161 : memref<128x128xf32, #tpu.memory_space<vmem>>) dst(%dma_wait3A_167 : memref<10240x128xf32, #tpu.memory_space<vmem_shared>>)
      } else {
      }
      %dma_start3A_87 = arith.constant 0 : i32
      %dma_start3A_88 = arith.constant 0 : i32
      %dma_start3A_89 = tpu.memref_slice %arg8[%dma_start3A_87, %dma_start3A_88] : memref<256x128xf32, #tpu.memory_space<vmem>> -> memref<128x128xf32, #tpu.memory_space<vmem>>
      %dma_start3A_90 = arith.constant 0 : i32
      %dma_start3A_91 = tpu.memref_slice %arg6[%add3A_84, %dma_start3A_90] : memref<40x128xi32, #tpu.memory_space<vmem>> -> memref<1x128xi32, #tpu.memory_space<vmem>>
      %dma_start3A_92 = tpu.memref_squeeze %dma_start3A_91 : memref<1x128xi32, #tpu.memory_space<vmem>> -> memref<128xi32, #tpu.memory_space<vmem>>
      %dma_start3A_93 = arith.constant 0 : i32
      %dma_start3A_94 = arith.constant 0 : i32
      %dma_start3A_95 = tpu.memref_slice %arg2[%dma_start3A_93, %dma_start3A_94] : memref<10240x128xf32, #tpu.memory_space<hbm>> -> memref<10240x128xf32, #tpu.memory_space<hbm>>
      tpu.enqueue_indirect_dma source(%dma_start3A_95 : memref<10240x128xf32, #tpu.memory_space<hbm>>) target(%dma_start3A_89 : memref<128x128xf32, #tpu.memory_space<vmem>>) offsets(%dma_start3A_92 : memref<128xi32, #tpu.memory_space<vmem>>) semaphore(%arg10 : memref<!tpu.dma_semaphore, #tpu.memory_space<semaphore_mem>>)
      %mul3A_96 = arith.constant 2 : i32
      %mul3A_97 = arith.muli %scan3A_80, %mul3A_96 : i32
      %add3A_98 = arith.constant 1 : i32
      %add3A_99 = arith.addi %mul3A_97, %add3A_98 : i32
      %gt3A_100 = arith.constant 0 : i32
      %gt3A_101 = arith.cmpi sgt, %scan3A_80, %gt3A_100 : i32
      %convert_element_type3A_102 = arith.extui %gt3A_101 : i1 to i32
      %cond3A_103 = arith.constant 0 : i32
      %cond3A_104 = arith.cmpi ne, %convert_element_type3A_102, %cond3A_103 : i32
      scf.if %cond3A_104 {
        %sub3A = arith.constant 2 : i32
        %sub3A_158 = arith.subi %add3A_99, %sub3A : i32
        %dma_wait3A_159 = arith.constant 128 : i32
        %dma_wait3A_160 = arith.constant 0 : i32
        %dma_wait3A_161 = tpu.memref_slice %arg8[%dma_wait3A_159, %dma_wait3A_160] : memref<256x128xf32, #tpu.memory_space<vmem>> -> memref<128x128xf32, #tpu.memory_space<vmem>>
        %dma_wait3A_162 = arith.constant 0 : i32
        %dma_wait3A_163 = tpu.memref_slice %arg7[%sub3A_158, %dma_wait3A_162] : memref<40x128xi32, #tpu.memory_space<vmem>> -> memref<1x128xi32, #tpu.memory_space<vmem>>
        %dma_wait3A_164 = tpu.memref_squeeze %dma_wait3A_163 : memref<1x128xi32, #tpu.memory_space<vmem>> -> memref<128xi32, #tpu.memory_space<vmem>>
        %dma_wait3A_165 = arith.constant 0 : i32
        %dma_wait3A_166 = arith.constant 0 : i32
        %dma_wait3A_167 = tpu.memref_slice %arg9[%dma_wait3A_165, %dma_wait3A_166] : memref<10240x128xf32, #tpu.memory_space<vmem_shared>> -> memref<10240x128xf32, #tpu.memory_space<vmem_shared>>
        tpu.wait_indirect_dma semaphore(%arg13 : memref<!tpu.dma_semaphore, #tpu.memory_space<semaphore_mem>>) src(%dma_wait3A_161 : memref<128x128xf32, #tpu.memory_space<vmem>>) dst(%dma_wait3A_167 : memref<10240x128xf32, #tpu.memory_space<vmem_shared>>)
      } else {
      }
      %dma_start3A_105 = arith.constant 128 : i32
      %dma_start3A_106 = arith.constant 0 : i32
      %dma_start3A_107 = tpu.memref_slice %arg8[%dma_start3A_105, %dma_start3A_106] : memref<256x128xf32, #tpu.memory_space<vmem>> -> memref<128x128xf32, #tpu.memory_space<vmem>>
      %dma_start3A_108 = arith.constant 0 : i32
      %dma_start3A_109 = tpu.memref_slice %arg6[%add3A_99, %dma_start3A_108] : memref<40x128xi32, #tpu.memory_space<vmem>> -> memref<1x128xi32, #tpu.memory_space<vmem>>
      %dma_start3A_110 = tpu.memref_squeeze %dma_start3A_109 : memref<1x128xi32, #tpu.memory_space<vmem>> -> memref<128xi32, #tpu.memory_space<vmem>>
      %dma_start3A_111 = arith.constant 0 : i32
      %dma_start3A_112 = arith.constant 0 : i32
      %dma_start3A_113 = tpu.memref_slice %arg2[%dma_start3A_111, %dma_start3A_112] : memref<10240x128xf32, #tpu.memory_space<hbm>> -> memref<10240x128xf32, #tpu.memory_space<hbm>>
      tpu.enqueue_indirect_dma source(%dma_start3A_113 : memref<10240x128xf32, #tpu.memory_space<hbm>>) target(%dma_start3A_107 : memref<128x128xf32, #tpu.memory_space<vmem>>) offsets(%dma_start3A_110 : memref<128xi32, #tpu.memory_space<vmem>>) semaphore(%arg11 : memref<!tpu.dma_semaphore, #tpu.memory_space<semaphore_mem>>)
      %mul3A_114 = arith.constant 2 : i32
      %mul3A_115 = arith.muli %scan3A_80, %mul3A_114 : i32
      %add3A_116 = arith.constant 0 : i32
      %add3A_117 = arith.addi %mul3A_115, %add3A_116 : i32
      %dma_wait3A_118 = arith.constant 0 : i32
      %dma_wait3A_119 = arith.constant 0 : i32
      %dma_wait3A_120 = tpu.memref_slice %arg8[%dma_wait3A_118, %dma_wait3A_119] : memref<256x128xf32, #tpu.memory_space<vmem>> -> memref<128x128xf32, #tpu.memory_space<vmem>>
      %dma_wait3A_121 = arith.constant 0 : i32
      %dma_wait3A_122 = tpu.memref_slice %arg6[%add3A_117, %dma_wait3A_121] : memref<40x128xi32, #tpu.memory_space<vmem>> -> memref<1x128xi32, #tpu.memory_space<vmem>>
      %dma_wait3A_123 = tpu.memref_squeeze %dma_wait3A_122 : memref<1x128xi32, #tpu.memory_space<vmem>> -> memref<128xi32, #tpu.memory_space<vmem>>
      %dma_wait3A_124 = arith.constant 0 : i32
      %dma_wait3A_125 = arith.constant 0 : i32
      %dma_wait3A_126 = tpu.memref_slice %arg2[%dma_wait3A_124, %dma_wait3A_125] : memref<10240x128xf32, #tpu.memory_space<hbm>> -> memref<10240x128xf32, #tpu.memory_space<hbm>>
      tpu.wait_indirect_dma semaphore(%arg10 : memref<!tpu.dma_semaphore, #tpu.memory_space<semaphore_mem>>) src(%dma_wait3A_126 : memref<10240x128xf32, #tpu.memory_space<hbm>>) dst(%dma_wait3A_120 : memref<128x128xf32, #tpu.memory_space<vmem>>)
      %dma_start3A_127 = arith.constant 0 : i32
      %dma_start3A_128 = arith.constant 0 : i32
      %dma_start3A_129 = tpu.memref_slice %arg8[%dma_start3A_127, %dma_start3A_128] : memref<256x128xf32, #tpu.memory_space<vmem>> -> memref<128x128xf32, #tpu.memory_space<vmem>>
      %dma_start3A_130 = arith.constant 0 : i32
      %dma_start3A_131 = tpu.memref_slice %arg7[%add3A_117, %dma_start3A_130] : memref<40x128xi32, #tpu.memory_space<vmem>> -> memref<1x128xi32, #tpu.memory_space<vmem>>
      %dma_start3A_132 = tpu.memref_squeeze %dma_start3A_131 : memref<1x128xi32, #tpu.memory_space<vmem>> -> memref<128xi32, #tpu.memory_space<vmem>>
      %dma_start3A_133 = arith.constant 0 : i32
      %dma_start3A_134 = arith.constant 0 : i32
      %dma_start3A_135 = tpu.memref_slice %arg9[%dma_start3A_133, %dma_start3A_134] : memref<10240x128xf32, #tpu.memory_space<vmem_shared>> -> memref<10240x128xf32, #tpu.memory_space<vmem_shared>>
      tpu.enqueue_indirect_dma source(%dma_start3A_129 : memref<128x128xf32, #tpu.memory_space<vmem>>) target(%dma_start3A_135 : memref<10240x128xf32, #tpu.memory_space<vmem_shared>>) offsets(%dma_start3A_132 : memref<128xi32, #tpu.memory_space<vmem>>) semaphore(%arg12 : memref<!tpu.dma_semaphore, #tpu.memory_space<semaphore_mem>>) {add = true}
      %mul3A_136 = arith.constant 2 : i32
      %mul3A_137 = arith.muli %scan3A_80, %mul3A_136 : i32
      %add3A_138 = arith.constant 1 : i32
      %add3A_139 = arith.addi %mul3A_137, %add3A_138 : i32
      %dma_wait3A_140 = arith.constant 128 : i32
      %dma_wait3A_141 = arith.constant 0 : i32
      %dma_wait3A_142 = tpu.memref_slice %arg8[%dma_wait3A_140, %dma_wait3A_141] : memref<256x128xf32, #tpu.memory_space<vmem>> -> memref<128x128xf32, #tpu.memory_space<vmem>>
      %dma_wait3A_143 = arith.constant 0 : i32
      %dma_wait3A_144 = tpu.memref_slice %arg6[%add3A_139, %dma_wait3A_143] : memref<40x128xi32, #tpu.memory_space<vmem>> -> memref<1x128xi32, #tpu.memory_space<vmem>>
      %dma_wait3A_145 = tpu.memref_squeeze %dma_wait3A_144 : memref<1x128xi32, #tpu.memory_space<vmem>> -> memref<128xi32, #tpu.memory_space<vmem>>
      %dma_wait3A_146 = arith.constant 0 : i32
      %dma_wait3A_147 = arith.constant 0 : i32
      %dma_wait3A_148 = tpu.memref_slice %arg2[%dma_wait3A_146, %dma_wait3A_147] : memref<10240x128xf32, #tpu.memory_space<hbm>> -> memref<10240x128xf32, #tpu.memory_space<hbm>>
      tpu.wait_indirect_dma semaphore(%arg11 : memref<!tpu.dma_semaphore, #tpu.memory_space<semaphore_mem>>) src(%dma_wait3A_148 : memref<10240x128xf32, #tpu.memory_space<hbm>>) dst(%dma_wait3A_142 : memref<128x128xf32, #tpu.memory_space<vmem>>)
      %dma_start3A_149 = arith.constant 128 : i32
      %dma_start3A_150 = arith.constant 0 : i32
      %dma_start3A_151 = tpu.memref_slice %arg8[%dma_start3A_149, %dma_start3A_150] : memref<256x128xf32, #tpu.memory_space<vmem>> -> memref<128x128xf32, #tpu.memory_space<vmem>>
      %dma_start3A_152 = arith.constant 0 : i32
      %dma_start3A_153 = tpu.memref_slice %arg7[%add3A_139, %dma_start3A_152] : memref<40x128xi32, #tpu.memory_space<vmem>> -> memref<1x128xi32, #tpu.memory_space<vmem>>
      %dma_start3A_154 = tpu.memref_squeeze %dma_start3A_153 : memref<1x128xi32, #tpu.memory_space<vmem>> -> memref<128xi32, #tpu.memory_space<vmem>>
      %dma_start3A_155 = arith.constant 0 : i32
      %dma_start3A_156 = arith.constant 0 : i32
      %dma_start3A_157 = tpu.memref_slice %arg9[%dma_start3A_155, %dma_start3A_156] : memref<10240x128xf32, #tpu.memory_space<vmem_shared>> -> memref<10240x128xf32, #tpu.memory_space<vmem_shared>>
      tpu.enqueue_indirect_dma source(%dma_start3A_151 : memref<128x128xf32, #tpu.memory_space<vmem>>) target(%dma_start3A_157 : memref<10240x128xf32, #tpu.memory_space<vmem_shared>>) offsets(%dma_start3A_154 : memref<128xi32, #tpu.memory_space<vmem>>) semaphore(%arg13 : memref<!tpu.dma_semaphore, #tpu.memory_space<semaphore_mem>>) {add = true}
    }
    %scan3A_51 = arith.constant 20 : i32
    %dma_wait3A_52 = arith.constant 38 : i32
    %dma_wait3A_53 = arith.constant 0 : i32
    %dma_wait3A_54 = arith.constant 0 : i32
    %dma_wait3A_55 = tpu.memref_slice %arg8[%dma_wait3A_53, %dma_wait3A_54] : memref<256x128xf32, #tpu.memory_space<vmem>> -> memref<128x128xf32, #tpu.memory_space<vmem>>
    %dma_wait3A_56 = arith.constant 0 : i32
    %dma_wait3A_57 = tpu.memref_slice %arg7[%dma_wait3A_52, %dma_wait3A_56] : memref<40x128xi32, #tpu.memory_space<vmem>> -> memref<1x128xi32, #tpu.memory_space<vmem>>
    %dma_wait3A_58 = tpu.memref_squeeze %dma_wait3A_57 : memref<1x128xi32, #tpu.memory_space<vmem>> -> memref<128xi32, #tpu.memory_space<vmem>>
    %dma_wait3A_59 = arith.constant 0 : i32
    %dma_wait3A_60 = arith.constant 0 : i32
    %dma_wait3A_61 = tpu.memref_slice %arg9[%dma_wait3A_59, %dma_wait3A_60] : memref<10240x128xf32, #tpu.memory_space<vmem_shared>> -> memref<10240x128xf32, #tpu.memory_space<vmem_shared>>
    tpu.wait_indirect_dma semaphore(%arg12 : memref<!tpu.dma_semaphore, #tpu.memory_space<semaphore_mem>>) src(%dma_wait3A_55 : memref<128x128xf32, #tpu.memory_space<vmem>>) dst(%dma_wait3A_61 : memref<10240x128xf32, #tpu.memory_space<vmem_shared>>)
    %dma_wait3A_62 = arith.constant 39 : i32
    %dma_wait3A_63 = arith.constant 128 : i32
    %dma_wait3A_64 = arith.constant 0 : i32
    %dma_wait3A_65 = tpu.memref_slice %arg8[%dma_wait3A_63, %dma_wait3A_64] : memref<256x128xf32, #tpu.memory_space<vmem>> -> memref<128x128xf32, #tpu.memory_space<vmem>>
    %dma_wait3A_66 = arith.constant 0 : i32
    %dma_wait3A_67 = tpu.memref_slice %arg7[%dma_wait3A_62, %dma_wait3A_66] : memref<40x128xi32, #tpu.memory_space<vmem>> -> memref<1x128xi32, #tpu.memory_space<vmem>>
    %dma_wait3A_68 = tpu.memref_squeeze %dma_wait3A_67 : memref<1x128xi32, #tpu.memory_space<vmem>> -> memref<128xi32, #tpu.memory_space<vmem>>
    %dma_wait3A_69 = arith.constant 0 : i32
    %dma_wait3A_70 = arith.constant 0 : i32
    %dma_wait3A_71 = tpu.memref_slice %arg9[%dma_wait3A_69, %dma_wait3A_70] : memref<10240x128xf32, #tpu.memory_space<vmem_shared>> -> memref<10240x128xf32, #tpu.memory_space<vmem_shared>>
    tpu.wait_indirect_dma semaphore(%arg13 : memref<!tpu.dma_semaphore, #tpu.memory_space<semaphore_mem>>) src(%dma_wait3A_65 : memref<128x128xf32, #tpu.memory_space<vmem>>) dst(%dma_wait3A_71 : memref<10240x128xf32, #tpu.memory_space<vmem_shared>>)
    %barrier3A_72 = arith.constant 0 : index
    tpu.barrier barrier_id(%barrier3A_72)
    %mul3A_73 = arith.constant 640 : i32
    %mul3A_74 = arith.muli %arg1, %mul3A_73 : i32
    %mul3A_75 = arith.constant 10240 : i32
    %mul3A_76 = arith.muli %arg0, %mul3A_75 : i32
    %mul3A_77 = arith.constant 640 : i32
    %mul3A_78 = arith.muli %arg1, %mul3A_77 : i32
    %add3A_79 = arith.addi %mul3A_76, %mul3A_78 : i32
    "tpu.region"() ({
      %run_scoped3A = tpu.sem_alloc : memref<!tpu.dma_semaphore, #tpu.memory_space<semaphore_mem>>
      %dma_start3A_80 = arith.constant 0 : i32
      %dma_start3A_81 = tpu.memref_slice %arg5[%add3A_79, %dma_start3A_80] : memref<20480x128xf32, #tpu.memory_space<hbm>> -> memref<640x128xf32, #tpu.memory_space<hbm>>
      %dma_start3A_82 = arith.constant 0 : i32
      %dma_start3A_83 = tpu.memref_slice %arg9[%mul3A_74, %dma_start3A_82] : memref<10240x128xf32, #tpu.memory_space<vmem_shared>> -> memref<640x128xf32, #tpu.memory_space<vmem_shared>>
      tpu.enqueue_dma source(%dma_start3A_83 : memref<640x128xf32, #tpu.memory_space<vmem_shared>>) target(%dma_start3A_81 : memref<640x128xf32, #tpu.memory_space<hbm>>) target_semaphore(%run_scoped3A : memref<!tpu.dma_semaphore, #tpu.memory_space<semaphore_mem>>)
      %dma_wait3A_84 = arith.constant 0 : i32
      %dma_wait3A_85 = tpu.memref_slice %arg5[%add3A_79, %dma_wait3A_84] : memref<20480x128xf32, #tpu.memory_space<hbm>> -> memref<640x128xf32, #tpu.memory_space<hbm>>
      %dma_wait3A_86 = arith.constant 0 : i32
      %dma_wait3A_87 = tpu.memref_slice %arg9[%mul3A_74, %dma_wait3A_86] : memref<10240x128xf32, #tpu.memory_space<vmem_shared>> -> memref<640x128xf32, #tpu.memory_space<vmem_shared>>
      tpu.wait_dma2 semaphore(%run_scoped3A : memref<!tpu.dma_semaphore, #tpu.memory_space<semaphore_mem>>) src(%dma_wait3A_87 : memref<640x128xf32, #tpu.memory_space<vmem_shared>>) dst(%dma_wait3A_85 : memref<640x128xf32, #tpu.memory_space<hbm>>)
      tpu.yield
    }) : () -> ()
    return
  }
}

module attributes {stable_mosaic.version = 14 : i64} {
  func.func @_prescale_body(%arg0: i32, %arg1: memref<640x1xf32, #tpu.memory_space<vmem>>, %arg2: memref<640x1xf32, #tpu.memory_space<vmem>>, %arg3: memref<640x128xf32, #tpu.memory_space<vmem>>, %arg4: memref<640x128xf32, #tpu.memory_space<vmem>>, %arg5: memref<640x1xf32, #tpu.memory_space<vmem>>) attributes {dimension_semantics = [#tpu.dimension_semantics<arbitrary>], iteration_bounds = array<i64: 16>, scalar_prefetch = 0 : i64, scratch_operands = 0 : i64, tpu.core_type = #tpu.core_type<tc>, window_params = [{transform_indices = @transform_0, window_bounds = array<i64: 640, 1>}, {transform_indices = @transform_1, window_bounds = array<i64: 640, 1>}, {transform_indices = @transform_2, window_bounds = array<i64: 640, 128>}, {transform_indices = @transform_3, window_bounds = array<i64: 640, 128>}, {transform_indices = @transform_4, window_bounds = array<i64: 640, 1>}]} {
    %get3A = arith.constant 0 : index
    %get3A_0 = arith.constant 0 : index
    %get3A_1 = vector.load %arg1[%get3A, %get3A_0] : memref<640x1xf32, #tpu.memory_space<vmem>>, vector<640x1xf32>
    %get3A_2 = arith.constant 0 : index
    %get3A_3 = arith.constant 0 : index
    %get3A_4 = vector.load %arg2[%get3A_2, %get3A_3] : memref<640x1xf32, #tpu.memory_space<vmem>>, vector<640x1xf32>
    %add3A = arith.addf %get3A_1, %get3A_4 : vector<640x1xf32>
    %add3A_5 = arith.constant 1.000000e+00 : f32
    %add3A_6 = vector.broadcast %add3A_5 : f32 to vector<640x1xf32>
    %add3A_7 = arith.addf %add3A, %add3A_6 : vector<640x1xf32>
    %rsqrt3A = math.rsqrt %add3A_7 : vector<640x1xf32>
    %swap3A = arith.constant 0 : index
    %swap3A_8 = arith.constant 0 : index
    %swap3A_9 = vector.load %arg5[%swap3A, %swap3A_8] : memref<640x1xf32, #tpu.memory_space<vmem>>, vector<640x1xf32>
    tpu.vector_store %arg5[%swap3A, %swap3A_8], %rsqrt3A {strides = array<i32>} : memref<640x1xf32, #tpu.memory_space<vmem>>, vector<640x1xf32>,
    %get3A_10 = arith.constant 0 : index
    %get3A_11 = arith.constant 0 : index
    %get3A_12 = vector.load %arg3[%get3A_10, %get3A_11] : memref<640x128xf32, #tpu.memory_space<vmem>>, vector<640x128xf32>
    %mul3A = vector.broadcast %rsqrt3A : vector<640x1xf32> to vector<640x128xf32>
    %mul3A_13 = arith.mulf %get3A_12, %mul3A : vector<640x128xf32>
    %swap3A_14 = arith.constant 0 : index
    %swap3A_15 = arith.constant 0 : index
    %swap3A_16 = vector.load %arg4[%swap3A_14, %swap3A_15] : memref<640x128xf32, #tpu.memory_space<vmem>>, vector<640x128xf32>
    tpu.vector_store %arg4[%swap3A_14, %swap3A_15], %mul3A_13 {strides = array<i32>} : memref<640x128xf32, #tpu.memory_space<vmem>>, vector<640x128xf32>,
    return
  }
  func.func @transform_0(%arg0: i32) -> (i32, i32) {
    %c0_i32 = arith.constant 0 : i32
    %c0_i32_0 = arith.constant 0 : i32
    return %arg0, %c0_i32 : i32, i32
  }
  func.func @transform_1(%arg0: i32) -> (i32, i32) {
    %c0_i32 = arith.constant 0 : i32
    %c0_i32_0 = arith.constant 0 : i32
    return %arg0, %c0_i32 : i32, i32
  }
  func.func @transform_2(%arg0: i32) -> (i32, i32) {
    %c0_i32 = arith.constant 0 : i32
    %c0_i32_0 = arith.constant 0 : i32
    return %arg0, %c0_i32 : i32, i32
  }
  func.func @transform_3(%arg0: i32) -> (i32, i32) {
    %c0_i32 = arith.constant 0 : i32
    %c0_i32_0 = arith.constant 0 : i32
    return %arg0, %c0_i32 : i32, i32
  }
  func.func @transform_4(%arg0: i32) -> (i32, i32) {
    %c0_i32 = arith.constant 0 : i32
    %c0_i32_0 = arith.constant 0 : i32
    return %arg0, %c0_i32 : i32, i32
  }
}

module attributes {stable_mosaic.version = 14 : i64} {
  func.func @_layer_body(%arg0: i32, %arg1: memref<2x640x128xf32, #tpu.memory_space<vmem>>, %arg2: memref<640x128xf32, #tpu.memory_space<vmem>>, %arg3: memref<640x1xf32, #tpu.memory_space<vmem>>, %arg4: memref<128x128xf32, #tpu.memory_space<vmem>>, %arg5: memref<1x128xf32, #tpu.memory_space<vmem>>, %arg6: memref<640x128xf32, #tpu.memory_space<vmem>>) attributes {dimension_semantics = [#tpu.dimension_semantics<arbitrary>], iteration_bounds = array<i64: 16>, scalar_prefetch = 0 : i64, scratch_operands = 0 : i64, tpu.core_type = #tpu.core_type<tc>, window_params = [{transform_indices = @transform_0, window_bounds = array<i64: 2, 640, 128>}, {transform_indices = @transform_1, window_bounds = array<i64: 640, 128>}, {transform_indices = @transform_2, window_bounds = array<i64: 640, 1>}, {pipeline_mode = #tpu.pipeline_mode<synchronous>, transform_indices = @transform_3, window_bounds = array<i64: 128, 128>}, {pipeline_mode = #tpu.pipeline_mode<synchronous>, transform_indices = @transform_4, window_bounds = array<i64: 1, 128>}, {transform_indices = @transform_5, window_bounds = array<i64: 640, 128>}]} {
    %get3A = arith.constant 0 : index
    %get3A_0 = arith.constant 0 : index
    %get3A_1 = vector.load %arg3[%get3A, %get3A_0] : memref<640x1xf32, #tpu.memory_space<vmem>>, vector<640x1xf32>
    %get3A_2 = arith.constant 0 : index
    %get3A_3 = arith.constant 0 : index
    %get3A_4 = arith.constant 0 : index
    %get3A_5 = vector.load %arg1[%get3A_2, %get3A_3, %get3A_4] : memref<2x640x128xf32, #tpu.memory_space<vmem>>, vector<1x640x128xf32>
    %get3A_6 = vector.shape_cast %get3A_5 : vector<1x640x128xf32> to vector<640x128xf32>
    %get3A_7 = arith.constant 1 : index
    %get3A_8 = arith.constant 0 : index
    %get3A_9 = arith.constant 0 : index
    %get3A_10 = vector.load %arg1[%get3A_7, %get3A_8, %get3A_9] : memref<2x640x128xf32, #tpu.memory_space<vmem>>, vector<1x640x128xf32>
    %get3A_11 = vector.shape_cast %get3A_10 : vector<1x640x128xf32> to vector<640x128xf32>
    %add3A = arith.addf %get3A_6, %get3A_11 : vector<640x128xf32>
    %get3A_12 = arith.constant 0 : index
    %get3A_13 = arith.constant 0 : index
    %get3A_14 = vector.load %arg2[%get3A_12, %get3A_13] : memref<640x128xf32, #tpu.memory_space<vmem>>, vector<640x128xf32>
    %sub3A = arith.subf %add3A, %get3A_14 : vector<640x128xf32>
    %mul3A = vector.broadcast %get3A_1 : vector<640x1xf32> to vector<640x128xf32>
    %mul3A_15 = arith.mulf %sub3A, %mul3A : vector<640x128xf32>
    %get3A_16 = arith.constant 0 : index
    %get3A_17 = arith.constant 0 : index
    %get3A_18 = vector.load %arg4[%get3A_16, %get3A_17] : memref<128x128xf32, #tpu.memory_space<vmem>>, vector<128x128xf32>
    %dot_general3A = arith.constant dense<0.000000e+00> : vector<640x128xf32>
    %dot_general3A_19 = tpu.matmul %mul3A_15, %get3A_18, %dot_general3A {dimension_numbers = #tpu.dot_dimension_numbers<[1], [0], [0], [1], [0, 0, 1, 1], [], []>, transpose_lhs_hint = false} : vector<640x128xf32>, vector<128x128xf32>, vector<640x128xf32> -> vector<640x128xf32>
    %get3A_20 = arith.constant 0 : index
    %get3A_21 = arith.constant 0 : index
    %get3A_22 = vector.load %arg5[%get3A_20, %get3A_21] : memref<1x128xf32, #tpu.memory_space<vmem>>, vector<1x128xf32>
    %add3A_23 = vector.broadcast %get3A_22 : vector<1x128xf32> to vector<640x128xf32>
    %add3A_24 = arith.addf %dot_general3A_19, %add3A_23 : vector<640x128xf32>
    %max3A = arith.constant 0.000000e+00 : f32
    %max3A_25 = vector.broadcast %max3A : f32 to vector<640x128xf32>
    %max3A_26 = arith.maximumf %add3A_24, %max3A_25 : vector<640x128xf32>
    %mul3A_27 = vector.broadcast %get3A_1 : vector<640x1xf32> to vector<640x128xf32>
    %mul3A_28 = arith.mulf %max3A_26, %mul3A_27 : vector<640x128xf32>
    %swap3A = arith.constant 0 : index
    %swap3A_29 = arith.constant 0 : index
    %swap3A_30 = vector.load %arg6[%swap3A, %swap3A_29] : memref<640x128xf32, #tpu.memory_space<vmem>>, vector<640x128xf32>
    tpu.vector_store %arg6[%swap3A, %swap3A_29], %mul3A_28 {strides = array<i32>} : memref<640x128xf32, #tpu.memory_space<vmem>>, vector<640x128xf32>,
    return
  }
  func.func @transform_0(%arg0: i32) -> (i32, i32, i32) {
    %c0_i32 = arith.constant 0 : i32
    %c0_i32_0 = arith.constant 0 : i32
    %c0_i32_1 = arith.constant 0 : i32
    return %c0_i32, %arg0, %c0_i32_0 : i32, i32, i32
  }
  func.func @transform_1(%arg0: i32) -> (i32, i32) {
    %c0_i32 = arith.constant 0 : i32
    %c0_i32_0 = arith.constant 0 : i32
    return %arg0, %c0_i32 : i32, i32
  }
  func.func @transform_2(%arg0: i32) -> (i32, i32) {
    %c0_i32 = arith.constant 0 : i32
    %c0_i32_0 = arith.constant 0 : i32
    return %arg0, %c0_i32 : i32, i32
  }
  func.func @transform_3(%arg0: i32) -> (i32, i32) {
    %c0_i32 = arith.constant 0 : i32
    %c0_i32_0 = arith.constant 0 : i32
    %c0_i32_1 = arith.constant 0 : i32
    return %c0_i32, %c0_i32_0 : i32, i32
  }
  func.func @transform_4(%arg0: i32) -> (i32, i32) {
    %c0_i32 = arith.constant 0 : i32
    %c0_i32_0 = arith.constant 0 : i32
    %c0_i32_1 = arith.constant 0 : i32
    return %c0_i32, %c0_i32_0 : i32, i32
  }
  func.func @transform_5(%arg0: i32) -> (i32, i32) {
    %c0_i32 = arith.constant 0 : i32
    %c0_i32_0 = arith.constant 0 : i32
    return %arg0, %c0_i32 : i32, i32
  }
}

module attributes {stable_mosaic.version = 14 : i64} {
  func.func @_layer_body(%arg0: i32, %arg1: memref<2x640x128xf32, #tpu.memory_space<vmem>>, %arg2: memref<640x128xf32, #tpu.memory_space<vmem>>, %arg3: memref<640x1xf32, #tpu.memory_space<vmem>>, %arg4: memref<128x128xf32, #tpu.memory_space<vmem>>, %arg5: memref<1x128xf32, #tpu.memory_space<vmem>>, %arg6: memref<640x128xf32, #tpu.memory_space<vmem>>) attributes {dimension_semantics = [#tpu.dimension_semantics<arbitrary>], iteration_bounds = array<i64: 16>, scalar_prefetch = 0 : i64, scratch_operands = 0 : i64, tpu.core_type = #tpu.core_type<tc>, window_params = [{transform_indices = @transform_0, window_bounds = array<i64: 2, 640, 128>}, {transform_indices = @transform_1, window_bounds = array<i64: 640, 128>}, {transform_indices = @transform_2, window_bounds = array<i64: 640, 1>}, {pipeline_mode = #tpu.pipeline_mode<synchronous>, transform_indices = @transform_3, window_bounds = array<i64: 128, 128>}, {pipeline_mode = #tpu.pipeline_mode<synchronous>, transform_indices = @transform_4, window_bounds = array<i64: 1, 128>}, {transform_indices = @transform_5, window_bounds = array<i64: 640, 128>}]} {
    %get3A = arith.constant 0 : index
    %get3A_0 = arith.constant 0 : index
    %get3A_1 = vector.load %arg3[%get3A, %get3A_0] : memref<640x1xf32, #tpu.memory_space<vmem>>, vector<640x1xf32>
    %get3A_2 = arith.constant 0 : index
    %get3A_3 = arith.constant 0 : index
    %get3A_4 = arith.constant 0 : index
    %get3A_5 = vector.load %arg1[%get3A_2, %get3A_3, %get3A_4] : memref<2x640x128xf32, #tpu.memory_space<vmem>>, vector<1x640x128xf32>
    %get3A_6 = vector.shape_cast %get3A_5 : vector<1x640x128xf32> to vector<640x128xf32>
    %get3A_7 = arith.constant 1 : index
    %get3A_8 = arith.constant 0 : index
    %get3A_9 = arith.constant 0 : index
    %get3A_10 = vector.load %arg1[%get3A_7, %get3A_8, %get3A_9] : memref<2x640x128xf32, #tpu.memory_space<vmem>>, vector<1x640x128xf32>
    %get3A_11 = vector.shape_cast %get3A_10 : vector<1x640x128xf32> to vector<640x128xf32>
    %add3A = arith.addf %get3A_6, %get3A_11 : vector<640x128xf32>
    %get3A_12 = arith.constant 0 : index
    %get3A_13 = arith.constant 0 : index
    %get3A_14 = vector.load %arg2[%get3A_12, %get3A_13] : memref<640x128xf32, #tpu.memory_space<vmem>>, vector<640x128xf32>
    %sub3A = arith.subf %add3A, %get3A_14 : vector<640x128xf32>
    %mul3A = vector.broadcast %get3A_1 : vector<640x1xf32> to vector<640x128xf32>
    %mul3A_15 = arith.mulf %sub3A, %mul3A : vector<640x128xf32>
    %get3A_16 = arith.constant 0 : index
    %get3A_17 = arith.constant 0 : index
    %get3A_18 = vector.load %arg4[%get3A_16, %get3A_17] : memref<128x128xf32, #tpu.memory_space<vmem>>, vector<128x128xf32>
    %dot_general3A = arith.constant dense<0.000000e+00> : vector<640x128xf32>
    %dot_general3A_19 = tpu.matmul %mul3A_15, %get3A_18, %dot_general3A {dimension_numbers = #tpu.dot_dimension_numbers<[1], [0], [0], [1], [0, 0, 1, 1], [], []>, transpose_lhs_hint = false} : vector<640x128xf32>, vector<128x128xf32>, vector<640x128xf32> -> vector<640x128xf32>
    %get3A_20 = arith.constant 0 : index
    %get3A_21 = arith.constant 0 : index
    %get3A_22 = vector.load %arg5[%get3A_20, %get3A_21] : memref<1x128xf32, #tpu.memory_space<vmem>>, vector<1x128xf32>
    %add3A_23 = vector.broadcast %get3A_22 : vector<1x128xf32> to vector<640x128xf32>
    %add3A_24 = arith.addf %dot_general3A_19, %add3A_23 : vector<640x128xf32>
    %mul3A_25 = vector.broadcast %get3A_1 : vector<640x1xf32> to vector<640x128xf32>
    %mul3A_26 = arith.mulf %add3A_24, %mul3A_25 : vector<640x128xf32>
    %swap3A = arith.constant 0 : index
    %swap3A_27 = arith.constant 0 : index
    %swap3A_28 = vector.load %arg6[%swap3A, %swap3A_27] : memref<640x128xf32, #tpu.memory_space<vmem>>, vector<640x128xf32>
    tpu.vector_store %arg6[%swap3A, %swap3A_27], %mul3A_26 {strides = array<i32>} : memref<640x128xf32, #tpu.memory_space<vmem>>, vector<640x128xf32>,
    return
  }
  func.func @transform_0(%arg0: i32) -> (i32, i32, i32) {
    %c0_i32 = arith.constant 0 : i32
    %c0_i32_0 = arith.constant 0 : i32
    %c0_i32_1 = arith.constant 0 : i32
    return %c0_i32, %arg0, %c0_i32_0 : i32, i32, i32
  }
  func.func @transform_1(%arg0: i32) -> (i32, i32) {
    %c0_i32 = arith.constant 0 : i32
    %c0_i32_0 = arith.constant 0 : i32
    return %arg0, %c0_i32 : i32, i32
  }
  func.func @transform_2(%arg0: i32) -> (i32, i32) {
    %c0_i32 = arith.constant 0 : i32
    %c0_i32_0 = arith.constant 0 : i32
    return %arg0, %c0_i32 : i32, i32
  }
  func.func @transform_3(%arg0: i32) -> (i32, i32) {
    %c0_i32 = arith.constant 0 : i32
    %c0_i32_0 = arith.constant 0 : i32
    %c0_i32_1 = arith.constant 0 : i32
    return %c0_i32, %c0_i32_0 : i32, i32
  }
  func.func @transform_4(%arg0: i32) -> (i32, i32) {
    %c0_i32 = arith.constant 0 : i32
    %c0_i32_0 = arith.constant 0 : i32
    %c0_i32_1 = arith.constant 0 : i32
    return %c0_i32, %c0_i32_0 : i32, i32
  }
  func.func @transform_5(%arg0: i32) -> (i32, i32) {
    %c0_i32 = arith.constant 0 : i32
    %c0_i32_0 = arith.constant 0 : i32
    return %arg0, %c0_i32 : i32, i32
  }
}

module attributes {stable_mosaic.version = 14 : i64} {
  func.func @_layer_body(%arg0: i32, %arg1: memref<2x640x128xf32, #tpu.memory_space<vmem>>, %arg2: memref<640x128xf32, #tpu.memory_space<vmem>>, %arg3: memref<640x1xf32, #tpu.memory_space<vmem>>, %arg4: memref<128x128xf32, #tpu.memory_space<vmem>>, %arg5: memref<1x128xf32, #tpu.memory_space<vmem>>, %arg6: memref<640x128xf32, #tpu.memory_space<vmem>>) attributes {dimension_semantics = [#tpu.dimension_semantics<arbitrary>], iteration_bounds = array<i64: 16>, scalar_prefetch = 0 : i64, scratch_operands = 0 : i64, tpu.core_type = #tpu.core_type<tc>, window_params = [{transform_indices = @transform_0, window_bounds = array<i64: 2, 640, 128>}, {transform_indices = @transform_1, window_bounds = array<i64: 640, 128>}, {transform_indices = @transform_2, window_bounds = array<i64: 640, 1>}, {pipeline_mode = #tpu.pipeline_mode<synchronous>, transform_indices = @transform_3, window_bounds = array<i64: 128, 128>}, {pipeline_mode = #tpu.pipeline_mode<synchronous>, transform_indices = @transform_4, window_bounds = array<i64: 1, 128>}, {transform_indices = @transform_5, window_bounds = array<i64: 640, 128>}]} {
    %get3A = arith.constant 0 : index
    %get3A_0 = arith.constant 0 : index
    %get3A_1 = vector.load %arg3[%get3A, %get3A_0] : memref<640x1xf32, #tpu.memory_space<vmem>>, vector<640x1xf32>
    %get3A_2 = arith.constant 0 : index
    %get3A_3 = arith.constant 0 : index
    %get3A_4 = arith.constant 0 : index
    %get3A_5 = vector.load %arg1[%get3A_2, %get3A_3, %get3A_4] : memref<2x640x128xf32, #tpu.memory_space<vmem>>, vector<1x640x128xf32>
    %get3A_6 = vector.shape_cast %get3A_5 : vector<1x640x128xf32> to vector<640x128xf32>
    %get3A_7 = arith.constant 1 : index
    %get3A_8 = arith.constant 0 : index
    %get3A_9 = arith.constant 0 : index
    %get3A_10 = vector.load %arg1[%get3A_7, %get3A_8, %get3A_9] : memref<2x640x128xf32, #tpu.memory_space<vmem>>, vector<1x640x128xf32>
    %get3A_11 = vector.shape_cast %get3A_10 : vector<1x640x128xf32> to vector<640x128xf32>
    %add3A = arith.addf %get3A_6, %get3A_11 : vector<640x128xf32>
    %get3A_12 = arith.constant 0 : index
    %get3A_13 = arith.constant 0 : index
    %get3A_14 = vector.load %arg2[%get3A_12, %get3A_13] : memref<640x128xf32, #tpu.memory_space<vmem>>, vector<640x128xf32>
    %sub3A = arith.subf %add3A, %get3A_14 : vector<640x128xf32>
    %mul3A = vector.broadcast %get3A_1 : vector<640x1xf32> to vector<640x128xf32>
    %mul3A_15 = arith.mulf %sub3A, %mul3A : vector<640x128xf32>
    %get3A_16 = arith.constant 0 : index
    %get3A_17 = arith.constant 0 : index
    %get3A_18 = vector.load %arg4[%get3A_16, %get3A_17] : memref<128x128xf32, #tpu.memory_space<vmem>>, vector<128x128xf32>
    %dot_general3A = arith.constant dense<0.000000e+00> : vector<640x128xf32>
    %dot_general3A_19 = tpu.matmul %mul3A_15, %get3A_18, %dot_general3A {dimension_numbers = #tpu.dot_dimension_numbers<[1], [0], [0], [1], [0, 0, 1, 1], [], []>, transpose_lhs_hint = false} : vector<640x128xf32>, vector<128x128xf32>, vector<640x128xf32> -> vector<640x128xf32>
    %get3A_20 = arith.constant 0 : index
    %get3A_21 = arith.constant 0 : index
    %get3A_22 = vector.load %arg5[%get3A_20, %get3A_21] : memref<1x128xf32, #tpu.memory_space<vmem>>, vector<1x128xf32>
    %add3A_23 = vector.broadcast %get3A_22 : vector<1x128xf32> to vector<640x128xf32>
    %add3A_24 = arith.addf %dot_general3A_19, %add3A_23 : vector<640x128xf32>
    %max3A = arith.constant 0.000000e+00 : f32
    %max3A_25 = vector.broadcast %max3A : f32 to vector<640x128xf32>
    %max3A_26 = arith.maximumf %add3A_24, %max3A_25 : vector<640x128xf32>
    %swap3A = arith.constant 0 : index
    %swap3A_27 = arith.constant 0 : index
    %swap3A_28 = vector.load %arg6[%swap3A, %swap3A_27] : memref<640x128xf32, #tpu.memory_space<vmem>>, vector<640x128xf32>
    tpu.vector_store %arg6[%swap3A, %swap3A_27], %max3A_26 {strides = array<i32>} : memref<640x128xf32, #tpu.memory_space<vmem>>, vector<640x128xf32>,
    return
  }
  func.func @transform_0(%arg0: i32) -> (i32, i32, i32) {
    %c0_i32 = arith.constant 0 : i32
    %c0_i32_0 = arith.constant 0 : i32
    %c0_i32_1 = arith.constant 0 : i32
    return %c0_i32, %arg0, %c0_i32_0 : i32, i32, i32
  }
  func.func @transform_1(%arg0: i32) -> (i32, i32) {
    %c0_i32 = arith.constant 0 : i32
    %c0_i32_0 = arith.constant 0 : i32
    return %arg0, %c0_i32 : i32, i32
  }
  func.func @transform_2(%arg0: i32) -> (i32, i32) {
    %c0_i32 = arith.constant 0 : i32
    %c0_i32_0 = arith.constant 0 : i32
    return %arg0, %c0_i32 : i32, i32
  }
  func.func @transform_3(%arg0: i32) -> (i32, i32) {
    %c0_i32 = arith.constant 0 : i32
    %c0_i32_0 = arith.constant 0 : i32
    %c0_i32_1 = arith.constant 0 : i32
    return %c0_i32, %c0_i32_0 : i32, i32
  }
  func.func @transform_4(%arg0: i32) -> (i32, i32) {
    %c0_i32 = arith.constant 0 : i32
    %c0_i32_0 = arith.constant 0 : i32
    %c0_i32_1 = arith.constant 0 : i32
    return %c0_i32, %c0_i32_0 : i32, i32
  }
  func.func @transform_5(%arg0: i32) -> (i32, i32) {
    %c0_i32 = arith.constant 0 : i32
    %c0_i32_0 = arith.constant 0 : i32
    return %arg0, %c0_i32 : i32, i32
  }
}

</mosaic_0001>

<sc_bundles>
// kernel: kernel.14.cloned.1.call-start
scs
__scs_entry_jumppad:
0x0: {  	(pc) =	sbr.rel $0x88, $3  }
0x1: {  	(tag) =	ssettag $0x0;
	lr =	simm.s32 $0x1  }
0x2: {  	[smem:$0x3F95] =	sst lr;
	_ =	strace $0xD0000000  }
0x3: {  	_ = 	snop  }
0x4: {  	_ = 	snop  }
0x5: {  	_ = 	snop  }
0x6: {  	_ = 	snop  }
0x7: {  	_ = 	snop  }
__scs_overlays_trampoline_lowered:
0x8: {  	[smem:$0x3FA4] =	sst s0  }
0x9: {  	[smem:$0x3FA5] =	sst s1  }
0xa: {  	[smem:$0x3FA6] =	sst s2  }
0xb: {  	[smem:$0x3FA7] =	sst s3  }
0xc: {  	[smem:$0x3FA8] =	sst s4  }
0xd: {  	[smem:$0x3FA9] =	sst s5  }
0xe: {  	[smem:$0x3FAA] =	sst s6  }
0xf: {  	[smem:$0x3FAB] =	sst s7  }
0x10: {  	[smem:$0x3FAC] =	sst s8  }
0x11: {  	[smem:$0x3FAD] =	sst s9;
	s0 =	simm.s32 @!p0 $0x0  }
0x12: {  	s1 =	sld [smem:$0x3F93];
	s0 =	simm.s32 @p0 $0x1  }
0x13: {  	[smem:$0x3FAE] =	sst s0;
	s0 =	simm.s32 @!p1 $0x0  }
0x14: {  	s2 =	sld [smem:$0x3F92];
	s0 =	simm.s32 @p1 $0x1  }
0x15: {  	[smem:$0x3FAF] =	sst s0;
	s0 =	simm.s32 @!p2 $0x0  }
0x16: {  	s3 =	sld [smem:$0x3FDB];
	s0 =	simm.s32 @p2 $0x1  }
0x17: {  	s4 =	simm.s32 $0x1BF5;
	[smem:$0x3FB1] =	sst s0  }
0x18: {  	s0 =	sld [smem:$0x3F94];
	_ =	swait.ge [sflag:s4], $0x0  }
0x19: {  	s7 =	sld [smem:$0x3F95]  }
0x1a: {  	s8 =	sadd.s32 $0xFFFFE003, lr  }
0x1b: {  	s9 =	sadd.s32 $0xFFFFFEF7, lr;
	s5 =	simm.s32 $0xFFFFFFFF;
	p2 =	slt.u32 s8, $0xFFFFF086  }
0x1c: {  	p1 =	slt.u32 s9, $0xF7A;
	s5 =	simm.s32 @!p2 $0x0  }
0x1d: {  	s5 =	simm.s32 @p1 $0x1;
	p0 =	seq.s32 s7, s2  }
0x1e: {  	s7 =	smul.u32 @!p0 $0xF7A, s2;
	p2 =	seq.s32 @!p0 s5, $0x0  }
0x1f: {  	s9 =	smul.u32 $0xF7A, s1;
	s8 =	simm.s32 @!p0 $0x1BF5;
	p2 =	por !p2, p0  }
0x20: {  	[sflag:s8] =	ssyncset.s32 @!p0 $0xFFFFF086;
	s6 =	sadd.s32 @!p0 s3, s7;
	s7 =	simm.s32 @!p0 $0x108  }
0x21: {  	s3 =	sadd.s32 s3, s9;
	s6 =	sadd.s32 @!p0 $0x88, s6;
	s7 =	simm.s32 @p2 $0x1082  }
0x22: {  	[simem:s7], [sflag:s8] =	dma.local @!p0 [hbm:s6], $0xF7A  }
0x23: {  	s9 =	sor.u32 $0xD0000000, s2;
	s6 =	simm.s32 $0x108;
	_ =	swait.ge @!p0 [sflag:s8], $0x0  }
0x24: {  	s3 =	sadd.s32 $0x88, s3;
	s6 =	simm.s32 @!p1 $0x1082;
	[sflag:s4] =	ssyncset.s32 $0xFFFFF086  }
0x25: {  	[simem:s6], [sflag:s4] =	dma.local [hbm:s3], $0xF7A  }
0x26: {  	[smem:$0x3F95] =	sst s1;
	(tag) =	ssettag s2;
	_ =	strace s9  }
0x27: {  	s1 =	sld [smem:$0x3FA5]  }
0x28: {  	s2 =	sld [smem:$0x3FA6]  }
0x29: {  	s4 =	sld [smem:$0x3FA8]  }
0x2a: {  	p0 =	seq.s32 s5, $0x0;
	s5 =	sld [smem:$0x3FA9]  }
0x2b: {  	s6 =	sld [smem:$0x3FAA]  }
0x2c: {  	s7 =	sld [smem:$0x3FAB]  }
0x2d: {  	s3 =	simm.s32 $0x108;
	s8 =	sld [smem:$0x3FAC]  }
0x2e: {  	s3 =	simm.s32 @!p0 $0x1082;
	s9 =	sld [smem:$0x3FAD]  }
0x2f: {  	lr =	sadd.s32 s0, s3;
	s0 =	sld [smem:$0x3FA4]  }
0x30: {  	s3 =	sld [smem:$0x3FA7]  }
0x31: {  	[smem:$0x3FB0] =	sst s10  }
0x32: {  	s10 =	sld [smem:$0x3FAE];
	_ =	sdelay $0x3  }
0x33: {  	p0 =	seq.s32 s10, $0x1;
	s10 =	sld [smem:$0x3FB0];
	_ =	sdelay $0x3  }
0x34: {  	[smem:$0x3FB0] =	sst s10  }
0x35: {  	s10 =	sld [smem:$0x3FAF];
	_ =	sdelay $0x3  }
0x36: {  	p1 =	seq.s32 s10, $0x1;
	s10 =	sld [smem:$0x3FB0];
	_ =	sdelay $0x3  }
0x37: {  	[smem:$0x3FB0] =	sst s10  }
0x38: {  	s10 =	sld [smem:$0x3FB1]  }
0x39: {  	_ = 	snop;
	(pc) =	sbr.ind lr, $3  }
0x3a: {  	_ = 	snop  }
0x3b: {  	_ = 	snop  }
0x3c: {  	p2 =	seq.s32 s10, $0x1;
	s10 =	sld [smem:$0x3FB0]  }
0x3d: {  	_ =	shalt  }
0x3e: {  	_ =	shalt  }
0x3f: {  	_ =	shalt  }
0x40: {  	_ =	shalt  }
0x41: {  	_ =	shalt  }
0x42: {  	_ =	shalt  }
0x43: {  	_ =	shalt  }
0x44: {  	_ =	shalt  }
0x45: {  	_ =	shalt  }
0x46: {  	_ =	shalt  }
0x47: {  	_ =	shalt  }
0x48: {  	_ =	shalt  }
0x49: {  	_ =	shalt  }
0x4a: {  	_ =	shalt  }
0x4b: {  	_ =	shalt  }
0x4c: {  	_ =	shalt  }
0x4d: {  	_ =	shalt  }
0x4e: {  	_ =	shalt  }
0x4f: {  	_ =	shalt  }
0x50: {  	_ =	shalt  }
0x51: {  	_ =	shalt  }
0x52: {  	_ =	shalt  }
0x53: {  	_ =	shalt  }
0x54: {  	_ =	shalt  }
0x55: {  	_ =	shalt  }
0x56: {  	_ =	shalt  }
0x57: {  	_ =	shalt  }
0x58: {  	_ =	shalt  }
0x59: {  	_ =	shalt  }
0x5a: {  	_ =	shalt  }
0x5b: {  	_ =	shalt  }
0x5c: {  	_ =	shalt  }
0x5d: {  	_ =	shalt  }
0x5e: {  	_ =	shalt  }
0x5f: {  	_ =	shalt  }
0x60: {  	_ =	shalt  }
0x61: {  	_ =	shalt  }
0x62: {  	_ =	shalt  }
0x63: {  	_ =	shalt  }
0x64: {  	_ =	shalt  }
0x65: {  	_ =	shalt  }
0x66: {  	_ =	shalt  }
0x67: {  	_ =	shalt  }
0x68: {  	_ =	shalt  }
0x69: {  	_ =	shalt  }
0x6a: {  	_ =	shalt  }
0x6b: {  	_ =	shalt  }
0x6c: {  	_ =	shalt  }
0x6d: {  	_ =	shalt  }
0x6e: {  	_ =	shalt  }
0x6f: {  	_ =	shalt  }
0x70: {  	_ =	shalt  }
0x71: {  	_ =	shalt  }
0x72: {  	_ =	shalt  }
0x73: {  	_ =	shalt  }
0x74: {  	_ =	shalt  }
0x75: {  	_ =	shalt  }
0x76: {  	_ =	shalt  }
0x77: {  	_ =	shalt  }
0x78: {  	_ =	shalt  }
0x79: {  	_ =	shalt  }
0x7a: {  	_ =	shalt  }
0x7b: {  	_ =	shalt  }
0x7c: {  	_ =	shalt  }
0x7d: {  	_ =	shalt  }
0x7e: {  	_ =	shalt  }
0x7f: {  	_ =	shalt  }
0x80: {  	_ =	shalt  }
0x81: {  	_ =	shalt  }
0x82: {  	_ =	shalt  }
0x83: {  	_ =	shalt  }
0x84: {  	_ =	shalt  }
0x85: {  	_ =	shalt  }
0x86: {  	_ =	shalt  }
0x87: {  	_ =	shalt  }
.Lfunc_end0:
.L_simem_size_0:
called_computation_lowered:
.L_overlay_start_0:
0x88: {  	s2 =	sld [smem:$0x3FD9]  }
0x89: {  	s3 =	sld [smem:$0x3FFE];
	_ =	sdelay $0x1  }
0x8a: {  	s1 =	srdreg.scid  }
0x8b: {  	s0 =	sand.u32 $0x1, s1  }
0x8c: {  	s17 =	sshll.u32 s0, $0xA;
	s2 =	sadd.s32 s3, s2  }
0x8d: {  	s2 =	sadd.s32 s2, s17  }
0x8e: {  	[smem:$0x3FBC] =	sst s2  }
0x8f: {  	_ = 	snop  }
0x90: {  	s2 =	sld [smem:$0x3FD0];
	(tm) =	ssettm $0x1  }
0x91: {  	s18 =	sld [smem:$0x3FFB];
	_ =	sdelay $0x3  }
0x92: {  	_ =	strace s18  }
0x93: {  	s3 =	sld [smem:$0x3FFC];
	_ =	sdelay $0x3  }
0x94: {  	_ =	strace s3  }
0x95: {  	s3 =	sld [smem:$0x3FFD];
	_ =	sdelay $0x3  }
0x96: {  	_ =	strace s3  }
0x97: {  	_ =	strace $0x8FFFFFFF  }
0x98: {  	s19 =	sld [smem:$0x3FDB];
	_ =	sdelay $0x1  }
0x99: {  	s4 =	simm.s32 $_scs_section_size  }
0x9a: {  	s5 =	simm.s32 $_size__tile_overlayer_lowered;
	s6 =	simm.s32 $_tile_overlayer_lowered  }
0x9b: {  	s22 =	simm.s32 $0x1BFF;
	s21 =	sshll.u32 s6, $0x1;
	s3 =	sadd.s32 s4, s19  }
0x9c: {  	s7 =	simm.s32 $0x0;
	s20 =	sshll.u32 s5, $0x1;
	s5 =	sadd.s32 s21, s3  }
0x9d: {  	[timem:s7], [sflag:s22] =	dma.local [hbm:s5], s20  }
0x9e: {  	_ =	swait.ge [sflag:s22], s20  }
0x9f: {  	s4 =	ssub.s32 $0x0, s20;
	[sflag:s22] =	ssyncset.done $0x0  }
0xa0: {  	[sflag:s22] =	ssyncadd.s32 s4;
	_ =	sdelay $0x1  }
0xa1: {  	s23 =	simm.s32 $0x1B8B  }
0xa2: {  	_ =	swait.ge [sflag:s23], $0x1  }
0xa3: {  	[sflag:s23] =	ssyncset.done $0x0  }
0xa4: {  	s25 =	simm.s32 $0x1B8E;
	s24 =	sld [smem:$0x3FFE];
	[sflag:s23] =	ssyncadd.s32 $0xFFFFFFFF  }
0xa5: {  	s26 =	simm.s32 $execute0_lowered;
	[smem:$0x3FD2] =	sst s25  }
0xa6: {  	s5 =	sshll.u32 s26, $0x1;
	_ =	strace $0x80000046;
	[dreg:$0x1] =	wrdreg $0xFFFFFFFF  }
0xa7: {  	s28 =	simm.s32 $_size_execute0_lowered;
	s3 =	sadd.s32 s3, s5;
	[dreg:$0x0] =	wrdreg $0x0  }
0xa8: {  	s5 =	sshll.u32 s28, $0x1;
	[dreg:$0x2] =	wrdreg s3  }
0xa9: {  	[dreg:$0x3] =	wrdreg s5  }
0xaa: {  	[dreg:$0x4] =	wrdreg $0xC0  }
0xab: {  	_ =	task [dreg:s7], $0x5FFFF  }
0xac: {  	[dreg:$0x1] =	wrdreg $0xFFFFFFFF  }
0xad: {  	[dreg:$0x0] =	wrdreg $0x60  }
0xae: {  	[dreg:$0x2] =	wrdreg s2  }
0xaf: {  	[dreg:$0x3] =	wrdreg s24  }
0xb0: {  	[dreg:$0x4] =	wrdreg $0x2B000  }
0xb1: {  	[dreg:$0x5] =	wrdreg $0x9  }
0xb2: {  	_ =	task.clear_ibuf [dreg:s7], $0x6FFFF;
	_ =	strace $0x90000046  }
0xb3: {  	s29 =	simm.s32 $0x9;
	_ =	strace $0x80000048  }
0xb4: {  	_ =	swait.ge [sflag:s29], $0x1  }
0xb5: {  	[sflag:s29] =	ssyncadd.s32 $0xFFFFFFFF  }
0xb6: {  	_ =	strace $0x90000048  }
0xb7: {  	_ =	sfence  }
0xb8: {  	s30 =	sld [smem:$0x0];
	_ =	sdelay $0x2  }
0xb9: {  	s31 =	sshll.u32 s1, $0xD;
	s1 =	sshrl.u32 s1, $0x2  }
0xba: {  	s3 =	sand.u32 $0x4000, s31;
	s1 =	sadd.s32 s1, s30  }
0xbb: {  	s0 =	sor.u32 s3, s0;
	s1 =	sshll.u32 s1, $0x11  }
0xbc: {  	s0 =	sor.u32 s1, s0  }
0xbd: {  	s0 =	sadd.s32 $0x8F2B, s0  }
0xbe: {  	[sflag:s0] =	ssyncadd.remote.s32 $0x1  }
0xbf: {  	_ =	sfence.sel $0xFFFF  }
0xc0: {  	[dreg:$0x0] =	wrdreg $0xFFFFFFFF;
	(pc) =	sbr.abs _section_cstart, $3  }
0xc1: {  	[dreg:$0x1] =	wrdreg $0xFFFFFFFF  }
0xc2: {  	_ =	task.clear_ibuf [dreg:s7], $0x2FFFF;
	_ =	strace $0x9FFFFFFF  }
0xc3: {  	(tm) =	ssettm $0x7FFFFFFF  }
tec
execute0_lowered:
.L_overlay_start_1:
0x0: {  	(tag) =	ssettag $0x1  }
0x1: {  	s5 =	rddreg [dreg:$0x0];
	s1 =	srdreg.scid  }
0x2: {  	s0 =	stileid.u32;
	s4 =	rddreg [dreg:$0x1]  }
0x3: {  	s2 =	rddreg [dreg:$0x2];
	s3 =	simm.s32 $0x0;
	s11 =	simm.s32 $0x2800  }
0x4: {  	s12 =	simm.s32 $0x100;
	s13 =	simm.s32 $0x180;
	s14 =	simm.s32 $0x200  }
0x5: {  	s15 =	simm.s32 $0x280;
	s16 =	simm.s32 $0x300;
	s17 =	simm.s32 $0x380  }
0x6: {  	s18 =	simm.s32 $0x1;
	s19 =	simm.s32 $0x2;
	s20 =	simm.s32 $0x3  }
0x7: {  	s21 =	simm.s32 $0x4;
	s22 =	simm.s32 $0x5;
	s23 =	simm.s32 $0x6  }
0x8: {  	s24 =	simm.s32 $0x7;
	s26 =	simm.s32 $0x8;
	s29 =	simm.s32 $0x0  }
0x9: {  	s6 =	sand.u32 $0x1, s1;
	s7 =	smul.u32 $0x280, s0;
	[smem:$0x7FF] =	sst s3  }
0xa: {  	s25 =	sshll.u32 s0, $0x6;
	s8 =	smul.u32 $0x2800, s6;
	s9 =	sshll.u32 s6, $0x4  }
0xb: {  	s6 =	ssub.s32 $0x2, s6;
	_ =	strace $0x80000047;
	s9 =	sor.u32 s0, s9  }
0xc: {  	s31 =	sshrl.u32 s6, $0x1;
	s8 =	sadd.s32 s7, s8;
	s9 =	smul.u32 $0x500, s9  }
0xd: {  	s25 =	sor.u32 $0x1C09, s25;
	s10 =	ssub.s32 s6, s31;
	s8 =	sshrl.u32 s8, $0x3  }
0xe: {  	s8 =	sadd.s32 s8, s4;
	s4 =	sadd.s32 s7, s2;
	s5 =	sadd.s32 s5, s9  }
0xf: {  	s7 =	smax.u32 s10, $0x1;
	s9 =	simm.s32 $0x9;
	s10 =	simm.s32 $0x80  }
0x10: {  	v0 =	vimm.f32 $1.000000000e+00;
	v1 =	vimm.f32 $0.0e+00;
	s6 =	sadd.s32 $0xEA00, s8;
	s8 =	simm.s32 $0x2880;
	s28 =	sshrl.u32 s4, $0x3  }
.LBB2_1:
0x11: {  	[tilespmem:$0x2800] =	vst v0  }
0x12: {  	[tilespmem:$0x2810] =	vst v0  }
0x13: {  	[tilespmem:$0x2820] =	vst v0  }
0x14: {  	[tilespmem:$0x2830] =	vst v0  }
0x15: {  	[tilespmem:$0x2840] =	vst v0  }
0x16: {  	[tilespmem:$0x2850] =	vst v0  }
0x17: {  	[tilespmem:$0x2860] =	vst v0  }
0x18: {  	[tilespmem:$0x2870] =	vst v0  }
0x19: {  	[tilespmem:$0x2880] =	vst v1  }
0x1a: {  	[tilespmem:$0x2890] =	vst v1  }
0x1b: {  	[tilespmem:$0x28A0] =	vst v1  }
0x1c: {  	[tilespmem:$0x28B0] =	vst v1  }
0x1d: {  	[tilespmem:$0x28C0] =	vst v1  }
0x1e: {  	[tilespmem:$0x28D0] =	vst v1  }
0x1f: {  	[tilespmem:$0x28E0] =	vst v1  }
0x20: {  	[tilespmem:$0x28F0] =	vst v1  }
0x21: {  	[tilespmem:$0x2900] =	vst v1  }
0x22: {  	[tilespmem:$0x2910] =	vst v1  }
0x23: {  	[tilespmem:$0x2920] =	vst v1  }
0x24: {  	[tilespmem:$0x2930] =	vst v1  }
0x25: {  	[tilespmem:$0x2940] =	vst v1  }
0x26: {  	[tilespmem:$0x2950] =	vst v1  }
0x27: {  	[tilespmem:$0x2960] =	vst v1  }
0x28: {  	[tilespmem:$0x2970] =	vst v1  }
0x29: {  	[tilespmem:$0x2980] =	vst v1  }
0x2a: {  	[tilespmem:$0x2990] =	vst v1  }
0x2b: {  	[tilespmem:$0x29A0] =	vst v1  }
0x2c: {  	[tilespmem:$0x29B0] =	vst v1  }
0x2d: {  	[tilespmem:$0x29C0] =	vst v1  }
0x2e: {  	[tilespmem:$0x29D0] =	vst v1  }
0x2f: {  	[tilespmem:$0x29E0] =	vst v1  }
0x30: {  	[tilespmem:$0x29F0] =	vst v1  }
0x31: {  	[tilespmem:$0x2A00] =	vst v1  }
0x32: {  	[tilespmem:$0x2A10] =	vst v1  }
0x33: {  	[tilespmem:$0x2A20] =	vst v1  }
0x34: {  	[tilespmem:$0x2A30] =	vst v1  }
0x35: {  	[tilespmem:$0x2A40] =	vst v1  }
0x36: {  	[tilespmem:$0x2A50] =	vst v1  }
0x37: {  	[tilespmem:$0x2A60] =	vst v1  }
0x38: {  	[tilespmem:$0x2A70] =	vst v1  }
0x39: {  	[tilespmem:$0x2A80] =	vst v1  }
0x3a: {  	[tilespmem:$0x2A90] =	vst v1  }
0x3b: {  	[tilespmem:$0x2AA0] =	vst v1  }
0x3c: {  	[tilespmem:$0x2AB0] =	vst v1  }
0x3d: {  	[tilespmem:$0x2AC0] =	vst v1  }
0x3e: {  	[tilespmem:$0x2AD0] =	vst v1  }
0x3f: {  	[tilespmem:$0x2AE0] =	vst v1  }
0x40: {  	[tilespmem:$0x2AF0] =	vst v1  }
0x41: {  	[spmem:s4] =	stream.linear.scatter [tilespmem:s8], [sflag:$0x9], $0x280, $0x38;
	[tilespmem:$0x2D80] =	vst v63  }
0x42: {  	_ =	swait.ge [sflag:s9], $0x280  }
0x43: {  	[sflag:s9] =	ssyncset.done $0x0  }
0x44: {  	[sflag:s9] =	ssyncadd.s32 $0xFFFFFD80  }
0x45: {  	[tilespmem:s3], [sflag:$0x9] =	stream.linear.gather [hbm4b:s5+s3], $0x2800, $0x38;
	[tilespmem:$0x2D80] =	vst v63  }
0x46: {  	_ =	swait.ge [sflag:s9], $0x2800  }
0x47: {  	[sflag:s9] =	ssyncset.done $0x0  }
0x48: {  	[sflag:s9] =	ssyncadd.s32 $0xFFFFD800  }
0x49: {  	[bflag:$0x0] =	sbarrier.arrive $0xFFFF  }
0x4a: {  	[spmem:s2] =	stream.indirect.scatter.add.f32 [tilespmem:s11], [sflag:$0x1], $0x1, s3, s10, $0xb8;
	[tilespmem:$0x2D80] =	vst v63  }
0x4b: {  	_ = 	snop  }
0x4c: {  	[spmem:s2] =	stream.indirect.scatter.add.f32 [tilespmem:s11], [sflag:$0x2], $0x1, s10, s10, $0xb8;
	[tilespmem:$0x2D80] =	vst v63  }
0x4d: {  	_ = 	snop  }
0x4e: {  	[spmem:s2] =	stream.indirect.scatter.add.f32 [tilespmem:s11], [sflag:$0x3], $0x1, s12, s10, $0xb8;
	[tilespmem:$0x2D80] =	vst v63  }
0x4f: {  	_ = 	snop  }
0x50: {  	[spmem:s2] =	stream.indirect.scatter.add.f32 [tilespmem:s11], [sflag:$0x4], $0x1, s13, s10, $0xb8;
	[tilespmem:$0x2D80] =	vst v63  }
0x51: {  	_ = 	snop  }
0x52: {  	[spmem:s2] =	stream.indirect.scatter.add.f32 [tilespmem:s11], [sflag:$0x5], $0x1, s14, s10, $0xb8;
	[tilespmem:$0x2D80] =	vst v63  }
0x53: {  	_ = 	snop  }
0x54: {  	[spmem:s2] =	stream.indirect.scatter.add.f32 [tilespmem:s11], [sflag:$0x6], $0x1, s15, s10, $0xb8;
	[tilespmem:$0x2D80] =	vst v63  }
0x55: {  	_ = 	snop  }
0x56: {  	[spmem:s2] =	stream.indirect.scatter.add.f32 [tilespmem:s11], [sflag:$0x7], $0x1, s16, s10, $0xb8;
	[tilespmem:$0x2D80] =	vst v63  }
0x57: {  	_ = 	snop  }
0x58: {  	[spmem:s2] =	stream.indirect.scatter.add.f32 [tilespmem:s11], [sflag:$0x8], $0x1, s17, s10, $0xb8;
	[tilespmem:$0x2D80] =	vst v63  }
0x59: {  	_ =	swait.ge [sflag:s18], $0x80  }
0x5a: {  	[sflag:s18] =	ssyncset.done $0x0  }
0x5b: {  	s30 =	simm.s32 $0x400;
	[sflag:s18] =	ssyncadd.s32 $0xFFFFFF80  }
0x5c: {  	[spmem:s2] =	stream.indirect.scatter.add.f32 [tilespmem:s11], [sflag:$0x1], $0x1, s30, s10, $0xb8;
	[tilespmem:$0x2D80] =	vst v63  }
0x5d: {  	_ =	swait.ge [sflag:s19], $0x80  }
0x5e: {  	[sflag:s19] =	ssyncset.done $0x0  }
0x5f: {  	s30 =	simm.s32 $0x480;
	[sflag:s19] =	ssyncadd.s32 $0xFFFFFF80  }
0x60: {  	[spmem:s2] =	stream.indirect.scatter.add.f32 [tilespmem:s11], [sflag:$0x2], $0x1, s30, s10, $0xb8;
	[tilespmem:$0x2D80] =	vst v63  }
0x61: {  	_ =	swait.ge [sflag:s20], $0x80  }
0x62: {  	[sflag:s20] =	ssyncset.done $0x0  }
0x63: {  	s30 =	simm.s32 $0x500;
	[sflag:s20] =	ssyncadd.s32 $0xFFFFFF80  }
0x64: {  	[spmem:s2] =	stream.indirect.scatter.add.f32 [tilespmem:s11], [sflag:$0x3], $0x1, s30, s10, $0xb8;
	[tilespmem:$0x2D80] =	vst v63  }
0x65: {  	_ =	swait.ge [sflag:s21], $0x80  }
0x66: {  	[sflag:s21] =	ssyncset.done $0x0  }
0x67: {  	s30 =	simm.s32 $0x580;
	[sflag:s21] =	ssyncadd.s32 $0xFFFFFF80  }
0x68: {  	[spmem:s2] =	stream.indirect.scatter.add.f32 [tilespmem:s11], [sflag:$0x4], $0x1, s30, s10, $0xb8;
	[tilespmem:$0x2D80] =	vst v63  }
0x69: {  	_ =	swait.ge [sflag:s22], $0x80  }
0x6a: {  	[sflag:s22] =	ssyncset.done $0x0  }
0x6b: {  	s30 =	simm.s32 $0x600;
	[sflag:s22] =	ssyncadd.s32 $0xFFFFFF80  }
0x6c: {  	[spmem:s2] =	stream.indirect.scatter.add.f32 [tilespmem:s11], [sflag:$0x5], $0x1, s30, s10, $0xb8;
	[tilespmem:$0x2D80] =	vst v63  }
0x6d: {  	_ =	swait.ge [sflag:s23], $0x80  }
0x6e: {  	[sflag:s23] =	ssyncset.done $0x0  }
0x6f: {  	s30 =	simm.s32 $0x680;
	[sflag:s23] =	ssyncadd.s32 $0xFFFFFF80  }
0x70: {  	[spmem:s2] =	stream.indirect.scatter.add.f32 [tilespmem:s11], [sflag:$0x6], $0x1, s30, s10, $0xb8;
	[tilespmem:$0x2D80] =	vst v63  }
0x71: {  	_ =	swait.ge [sflag:s24], $0x80  }
0x72: {  	[sflag:s24] =	ssyncset.done $0x0  }
0x73: {  	s30 =	simm.s32 $0x700;
	[sflag:s24] =	ssyncadd.s32 $0xFFFFFF80  }
0x74: {  	[spmem:s2] =	stream.indirect.scatter.add.f32 [tilespmem:s11], [sflag:$0x7], $0x1, s30, s10, $0xb8;
	[tilespmem:$0x2D80] =	vst v63  }
0x75: {  	_ =	swait.ge [sflag:s26], $0x80  }
0x76: {  	[sflag:s26] =	ssyncset.done $0x0  }
0x77: {  	s31 =	simm.s32 $0x780;
	s30 =	simm.s32 $0x1000;
	[sflag:s26] =	ssyncadd.s32 $0xFFFFFF80  }
.LBB2_2:
0x78: {  	[spmem:s2] =	stream.indirect.scatter.add.f32 [tilespmem:s11], [sflag:$0x8], $0x1, s31, s10, $0xb8;
	[tilespmem:$0x2D80] =	vst v63  }
0x79: {  	s31 =	smov.u32 s30  }
0x7a: {  	p0 =	sne.s32 s30, $0x8000;
	s30 =	sadd.s32 $0x1000, s30;
	_ =	swait.ge [sflag:s18], $0x80  }
0x7b: {  	s31 =	sshra.s32 s31, $0x2;
	[sflag:s18] =	ssyncset.done $0x0  }
0x7c: {  	s1 =	sadd.s32 $0x400, s31;
	[sflag:s18] =	ssyncadd.s32 $0xFFFFFF80  }
0x7d: {  	[spmem:s2] =	stream.indirect.scatter.add.f32 [tilespmem:s11], [sflag:$0x1], $0x1, s1, s10, $0xb8;
	[tilespmem:$0x2D80] =	vst v63  }
0x7e: {  	_ =	swait.ge [sflag:s19], $0x80  }
0x7f: {  	[sflag:s19] =	ssyncset.done $0x0  }
0x80: {  	s1 =	sadd.s32 $0x480, s31;
	[sflag:s19] =	ssyncadd.s32 $0xFFFFFF80  }
0x81: {  	[spmem:s2] =	stream.indirect.scatter.add.f32 [tilespmem:s11], [sflag:$0x2], $0x1, s1, s10, $0xb8;
	[tilespmem:$0x2D80] =	vst v63  }
0x82: {  	_ =	swait.ge [sflag:s20], $0x80  }
0x83: {  	[sflag:s20] =	ssyncset.done $0x0  }
0x84: {  	s1 =	sadd.s32 $0x500, s31;
	[sflag:s20] =	ssyncadd.s32 $0xFFFFFF80  }
0x85: {  	[spmem:s2] =	stream.indirect.scatter.add.f32 [tilespmem:s11], [sflag:$0x3], $0x1, s1, s10, $0xb8;
	[tilespmem:$0x2D80] =	vst v63  }
0x86: {  	_ =	swait.ge [sflag:s21], $0x80  }
0x87: {  	[sflag:s21] =	ssyncset.done $0x0  }
0x88: {  	s1 =	sadd.s32 $0x580, s31;
	[sflag:s21] =	ssyncadd.s32 $0xFFFFFF80  }
0x89: {  	[spmem:s2] =	stream.indirect.scatter.add.f32 [tilespmem:s11], [sflag:$0x4], $0x1, s1, s10, $0xb8;
	[tilespmem:$0x2D80] =	vst v63  }
0x8a: {  	_ =	swait.ge [sflag:s22], $0x80  }
0x8b: {  	[sflag:s22] =	ssyncset.done $0x0  }
0x8c: {  	s1 =	sadd.s32 $0x600, s31;
	[sflag:s22] =	ssyncadd.s32 $0xFFFFFF80  }
0x8d: {  	[spmem:s2] =	stream.indirect.scatter.add.f32 [tilespmem:s11], [sflag:$0x5], $0x1, s1, s10, $0xb8;
	[tilespmem:$0x2D80] =	vst v63  }
0x8e: {  	_ =	swait.ge [sflag:s23], $0x80  }
0x8f: {  	[sflag:s23] =	ssyncset.done $0x0  }
0x90: {  	s1 =	sadd.s32 $0x680, s31;
	[sflag:s23] =	ssyncadd.s32 $0xFFFFFF80  }
0x91: {  	[spmem:s2] =	stream.indirect.scatter.add.f32 [tilespmem:s11], [sflag:$0x6], $0x1, s1, s10, $0xb8;
	[tilespmem:$0x2D80] =	vst v63  }
0x92: {  	_ =	swait.ge [sflag:s24], $0x80  }
0x93: {  	[sflag:s24] =	ssyncset.done $0x0  }
.Ltmp0:
0x94: {  	s1 =	sadd.s32 $0x700, s31;
	[sflag:s24] =	ssyncadd.s32 $0xFFFFFF80;
	(pc) =	sbr.rel @p0 .LBB2_2-.Ltmp0, $4  }
0x95: {  	[spmem:s2] =	stream.indirect.scatter.add.f32 [tilespmem:s11], [sflag:$0x7], $0x1, s1, s10, $0xb8;
	[tilespmem:$0x2D80] =	vst v63  }
0x96: {  	_ =	swait.ge [sflag:s26], $0x80  }
0x97: {  	[sflag:s26] =	ssyncset.done $0x0  }
0x98: {  	s31 =	sadd.s32 $0x780, s31;
	[sflag:s26] =	ssyncadd.s32 $0xFFFFFF80  }
0x99: {  	[spmem:s2] =	stream.indirect.scatter.add.f32 [tilespmem:s11], [sflag:$0x8], $0x1, s31, s10, $0xb8;
	[tilespmem:$0x2D80] =	vst v63  }
0x9a: {  	_ =	swait.ge [sflag:s18], $0x80  }
0x9b: {  	[sflag:s18] =	ssyncset.done $0x0  }
0x9c: {  	[sflag:s18] =	ssyncadd.s32 $0xFFFFFF80  }
0x9d: {  	_ =	swait.ge [sflag:s19], $0x80  }
0x9e: {  	[sflag:s19] =	ssyncset.done $0x0  }
0x9f: {  	[sflag:s19] =	ssyncadd.s32 $0xFFFFFF80  }
0xa0: {  	_ =	swait.ge [sflag:s20], $0x80  }
0xa1: {  	[sflag:s20] =	ssyncset.done $0x0  }
0xa2: {  	[sflag:s20] =	ssyncadd.s32 $0xFFFFFF80  }
0xa3: {  	_ =	swait.ge [sflag:s21], $0x80  }
0xa4: {  	[sflag:s21] =	ssyncset.done $0x0  }
0xa5: {  	[sflag:s21] =	ssyncadd.s32 $0xFFFFFF80  }
0xa6: {  	_ =	swait.ge [sflag:s22], $0x80  }
0xa7: {  	[sflag:s22] =	ssyncset.done $0x0  }
0xa8: {  	[sflag:s22] =	ssyncadd.s32 $0xFFFFFF80  }
0xa9: {  	_ =	swait.ge [sflag:s23], $0x80  }
0xaa: {  	[sflag:s23] =	ssyncset.done $0x0  }
0xab: {  	[sflag:s23] =	ssyncadd.s32 $0xFFFFFF80  }
0xac: {  	_ =	swait.ge [sflag:s24], $0x80  }
0xad: {  	[sflag:s24] =	ssyncset.done $0x0  }
0xae: {  	[sflag:s24] =	ssyncadd.s32 $0xFFFFFF80  }
0xaf: {  	_ =	swait.ge [sflag:s26], $0x80  }
0xb0: {  	s29 =	sadd.s32 $0x1, s29;
	[sflag:s26] =	ssyncset.done $0x0  }
0xb1: {  	p0 =	sne.s32 s29, s7;
	[sflag:s26] =	ssyncadd.s32 $0xFFFFFF80  }
.Ltmp1:
0xb2: {  	[bflag:$0x0] =	sbarrier.arrive $0xFFFF;
	(pc) =	sbr.rel @p0 .LBB2_1-.Ltmp1, $4  }
0xb3: {  	[hbm:s6], [sflag:s25] =	dma.local [spmem:s28], $0x50  }
0xb4: {  	_ =	swait.ge [sflag:s9], $0x50  }
0xb5: {  	[sflag:s9] =	ssyncset.done $0x0  }
0xb6: {  	[sflag:s9] =	ssyncadd.s32 $0xFFFFFFB0  }
0xb7: {  	_ =	sfence.sel $0x180000  }
0xb8: {  	[bflag:$0x0] =	sbarrier.arrive $0xFFFF  }
0xb9: {  	_ =	strace $0x90000047  }
0xba: {  	[bflag:$0x2] =	sbarrier.arrive $0xFFFF  }
0xbb: {  	p0 =	sne.s32 s0, $0x0;
	s0 =	rddreg [dreg:$0x3]  }
0xbc: {  	s0 =	sadd.s32 @!p0 $0x100000, s0  }
0xbd: {  	[sflag:s0] =	ssyncadd.tile.s32 @!p0 $0x1;
	_ =	shalt  }
.Lfunc_end2:
_tile_overlayer_lowered:
.L_overlay_start_2:
0xbe: {  	(tag) =	ssettag $0x2  }
0xbf: {  	s0 =	rddreg [dreg:$0x0];
	s2 =	stileid.u32  }
0xc0: {  	s1 =	rddreg [dreg:$0x1];
	p0 =	sne.s32 s2, $0x0  }
0xc1: {  	s3 =	rddreg [dreg:$0x2];
	[bflag:$0x3] =	sbarrier.arrive $0xFFFF;
	s2 =	simm.s32 @!p0 $0x1C09  }
0xc2: {  	[timem:s3], [sflag:s2] =	dma.local @!p0 [hbm:s0], s1  }
0xc3: {  	s0 =	simm.s32 @!p0 $0x9  }
0xc4: {  	_ =	swait.ge @!p0 [sflag:s0], s1  }
0xc5: {  	s1 =	ssub.s32 @!p0 $0x0, s1;
	[sflag:s0] =	ssyncset.done @!p0 $0x0  }
0xc6: {  	[sflag:s0] =	ssyncadd.s32 @!p0 s1  }
0xc7: {  	[bflag:$0x3] =	sbarrier.arrive $0xFFFF  }
0xc8: {  	_ =	shalt  }

// kernel: kernel.17.cloned.1.call-start
scs
__scs_entry_jumppad:
0x0: {  	(pc) =	sbr.rel $0x88, $3  }
0x1: {  	(tag) =	ssettag $0x0;
	lr =	simm.s32 $0x1  }
0x2: {  	[smem:$0x3F95] =	sst lr;
	_ =	strace $0xD0000000  }
0x3: {  	_ = 	snop  }
0x4: {  	_ = 	snop  }
0x5: {  	_ = 	snop  }
0x6: {  	_ = 	snop  }
0x7: {  	_ = 	snop  }
__scs_overlays_trampoline_lowered:
0x8: {  	[smem:$0x3FA4] =	sst s0  }
0x9: {  	[smem:$0x3FA5] =	sst s1  }
0xa: {  	[smem:$0x3FA6] =	sst s2  }
0xb: {  	[smem:$0x3FA7] =	sst s3  }
0xc: {  	[smem:$0x3FA8] =	sst s4  }
0xd: {  	[smem:$0x3FA9] =	sst s5  }
0xe: {  	[smem:$0x3FAA] =	sst s6  }
0xf: {  	[smem:$0x3FAB] =	sst s7  }
0x10: {  	[smem:$0x3FAC] =	sst s8  }
0x11: {  	[smem:$0x3FAD] =	sst s9;
	s0 =	simm.s32 @!p0 $0x0  }
0x12: {  	s1 =	sld [smem:$0x3F93];
	s0 =	simm.s32 @p0 $0x1  }
0x13: {  	[smem:$0x3FAE] =	sst s0;
	s0 =	simm.s32 @!p1 $0x0  }
0x14: {  	s2 =	sld [smem:$0x3F92];
	s0 =	simm.s32 @p1 $0x1  }
0x15: {  	[smem:$0x3FAF] =	sst s0;
	s0 =	simm.s32 @!p2 $0x0  }
0x16: {  	s3 =	sld [smem:$0x3FDB];
	s0 =	simm.s32 @p2 $0x1  }
0x17: {  	s4 =	simm.s32 $0x1BF5;
	[smem:$0x3FB1] =	sst s0  }
0x18: {  	s0 =	sld [smem:$0x3F94];
	_ =	swait.ge [sflag:s4], $0x0  }
0x19: {  	s7 =	sld [smem:$0x3F95]  }
0x1a: {  	s8 =	sadd.s32 $0xFFFFE003, lr  }
0x1b: {  	s9 =	sadd.s32 $0xFFFFFEF7, lr;
	s5 =	simm.s32 $0xFFFFFFFF;
	p2 =	slt.u32 s8, $0xFFFFF086  }
0x1c: {  	p1 =	slt.u32 s9, $0xF7A;
	s5 =	simm.s32 @!p2 $0x0  }
0x1d: {  	s5 =	simm.s32 @p1 $0x1;
	p0 =	seq.s32 s7, s2  }
0x1e: {  	s7 =	smul.u32 @!p0 $0xF7A, s2;
	p2 =	seq.s32 @!p0 s5, $0x0  }
0x1f: {  	s9 =	smul.u32 $0xF7A, s1;
	s8 =	simm.s32 @!p0 $0x1BF5;
	p2 =	por !p2, p0  }
0x20: {  	[sflag:s8] =	ssyncset.s32 @!p0 $0xFFFFF086;
	s6 =	sadd.s32 @!p0 s3, s7;
	s7 =	simm.s32 @!p0 $0x108  }
0x21: {  	s3 =	sadd.s32 s3, s9;
	s6 =	sadd.s32 @!p0 $0x88, s6;
	s7 =	simm.s32 @p2 $0x1082  }
0x22: {  	[simem:s7], [sflag:s8] =	dma.local @!p0 [hbm:s6], $0xF7A  }
0x23: {  	s9 =	sor.u32 $0xD0000000, s2;
	s6 =	simm.s32 $0x108;
	_ =	swait.ge @!p0 [sflag:s8], $0x0  }
0x24: {  	s3 =	sadd.s32 $0x88, s3;
	s6 =	simm.s32 @!p1 $0x1082;
	[sflag:s4] =	ssyncset.s32 $0xFFFFF086  }
0x25: {  	[simem:s6], [sflag:s4] =	dma.local [hbm:s3], $0xF7A  }
0x26: {  	[smem:$0x3F95] =	sst s1;
	(tag) =	ssettag s2;
	_ =	strace s9  }
0x27: {  	s1 =	sld [smem:$0x3FA5]  }
0x28: {  	s2 =	sld [smem:$0x3FA6]  }
0x29: {  	s4 =	sld [smem:$0x3FA8]  }
0x2a: {  	p0 =	seq.s32 s5, $0x0;
	s5 =	sld [smem:$0x3FA9]  }
0x2b: {  	s6 =	sld [smem:$0x3FAA]  }
0x2c: {  	s7 =	sld [smem:$0x3FAB]  }
0x2d: {  	s3 =	simm.s32 $0x108;
	s8 =	sld [smem:$0x3FAC]  }
0x2e: {  	s3 =	simm.s32 @!p0 $0x1082;
	s9 =	sld [smem:$0x3FAD]  }
0x2f: {  	lr =	sadd.s32 s0, s3;
	s0 =	sld [smem:$0x3FA4]  }
0x30: {  	s3 =	sld [smem:$0x3FA7]  }
0x31: {  	[smem:$0x3FB0] =	sst s10  }
0x32: {  	s10 =	sld [smem:$0x3FAE];
	_ =	sdelay $0x3  }
0x33: {  	p0 =	seq.s32 s10, $0x1;
	s10 =	sld [smem:$0x3FB0];
	_ =	sdelay $0x3  }
0x34: {  	[smem:$0x3FB0] =	sst s10  }
0x35: {  	s10 =	sld [smem:$0x3FAF];
	_ =	sdelay $0x3  }
0x36: {  	p1 =	seq.s32 s10, $0x1;
	s10 =	sld [smem:$0x3FB0];
	_ =	sdelay $0x3  }
0x37: {  	[smem:$0x3FB0] =	sst s10  }
0x38: {  	s10 =	sld [smem:$0x3FB1]  }
0x39: {  	_ = 	snop;
	(pc) =	sbr.ind lr, $3  }
0x3a: {  	_ = 	snop  }
0x3b: {  	_ = 	snop  }
0x3c: {  	p2 =	seq.s32 s10, $0x1;
	s10 =	sld [smem:$0x3FB0]  }
0x3d: {  	_ =	shalt  }
0x3e: {  	_ =	shalt  }
0x3f: {  	_ =	shalt  }
0x40: {  	_ =	shalt  }
0x41: {  	_ =	shalt  }
0x42: {  	_ =	shalt  }
0x43: {  	_ =	shalt  }
0x44: {  	_ =	shalt  }
0x45: {  	_ =	shalt  }
0x46: {  	_ =	shalt  }
0x47: {  	_ =	shalt  }
0x48: {  	_ =	shalt  }
0x49: {  	_ =	shalt  }
0x4a: {  	_ =	shalt  }
0x4b: {  	_ =	shalt  }
0x4c: {  	_ =	shalt  }
0x4d: {  	_ =	shalt  }
0x4e: {  	_ =	shalt  }
0x4f: {  	_ =	shalt  }
0x50: {  	_ =	shalt  }
0x51: {  	_ =	shalt  }
0x52: {  	_ =	shalt  }
0x53: {  	_ =	shalt  }
0x54: {  	_ =	shalt  }
0x55: {  	_ =	shalt  }
0x56: {  	_ =	shalt  }
0x57: {  	_ =	shalt  }
0x58: {  	_ =	shalt  }
0x59: {  	_ =	shalt  }
0x5a: {  	_ =	shalt  }
0x5b: {  	_ =	shalt  }
0x5c: {  	_ =	shalt  }
0x5d: {  	_ =	shalt  }
0x5e: {  	_ =	shalt  }
0x5f: {  	_ =	shalt  }
0x60: {  	_ =	shalt  }
0x61: {  	_ =	shalt  }
0x62: {  	_ =	shalt  }
0x63: {  	_ =	shalt  }
0x64: {  	_ =	shalt  }
0x65: {  	_ =	shalt  }
0x66: {  	_ =	shalt  }
0x67: {  	_ =	shalt  }
0x68: {  	_ =	shalt  }
0x69: {  	_ =	shalt  }
0x6a: {  	_ =	shalt  }
0x6b: {  	_ =	shalt  }
0x6c: {  	_ =	shalt  }
0x6d: {  	_ =	shalt  }
0x6e: {  	_ =	shalt  }
0x6f: {  	_ =	shalt  }
0x70: {  	_ =	shalt  }
0x71: {  	_ =	shalt  }
0x72: {  	_ =	shalt  }
0x73: {  	_ =	shalt  }
0x74: {  	_ =	shalt  }
0x75: {  	_ =	shalt  }
0x76: {  	_ =	shalt  }
0x77: {  	_ =	shalt  }
0x78: {  	_ =	shalt  }
0x79: {  	_ =	shalt  }
0x7a: {  	_ =	shalt  }
0x7b: {  	_ =	shalt  }
0x7c: {  	_ =	shalt  }
0x7d: {  	_ =	shalt  }
0x7e: {  	_ =	shalt  }
0x7f: {  	_ =	shalt  }
0x80: {  	_ =	shalt  }
0x81: {  	_ =	shalt  }
0x82: {  	_ =	shalt  }
0x83: {  	_ =	shalt  }
0x84: {  	_ =	shalt  }
0x85: {  	_ =	shalt  }
0x86: {  	_ =	shalt  }
0x87: {  	_ =	shalt  }
.Lfunc_end0:
.L_simem_size_0:
called_computation.1_lowered:
.L_overlay_start_0:
0x88: {  	s2 =	sld [smem:$0x3FD9]  }
0x89: {  	s3 =	sld [smem:$0x3FFE];
	_ =	sdelay $0x1  }
0x8a: {  	s1 =	srdreg.scid  }
0x8b: {  	s0 =	sand.u32 $0x1, s1  }
0x8c: {  	s17 =	sshll.u32 s0, $0xA;
	s2 =	sadd.s32 s3, s2  }
0x8d: {  	s2 =	sadd.s32 s2, s17  }
0x8e: {  	[smem:$0x3FBC] =	sst s2  }
0x8f: {  	_ = 	snop  }
0x90: {  	s2 =	sld [smem:$0x3FD0];
	(tm) =	ssettm $0x1  }
0x91: {  	s18 =	sld [smem:$0x3FFB];
	_ =	sdelay $0x3  }
0x92: {  	_ =	strace s18  }
0x93: {  	s3 =	sld [smem:$0x3FFC];
	_ =	sdelay $0x3  }
0x94: {  	_ =	strace s3  }
0x95: {  	s3 =	sld [smem:$0x3FFD];
	_ =	sdelay $0x3  }
0x96: {  	_ =	strace s3  }
0x97: {  	_ =	strace $0x8FFFFFFF  }
0x98: {  	s19 =	sld [smem:$0x3FDB];
	_ =	sdelay $0x1  }
0x99: {  	s4 =	simm.s32 $_scs_section_size  }
0x9a: {  	s5 =	simm.s32 $_size__tile_overlayer_lowered;
	s6 =	simm.s32 $_tile_overlayer_lowered  }
0x9b: {  	s22 =	simm.s32 $0x1BFF;
	s21 =	sshll.u32 s6, $0x1;
	s3 =	sadd.s32 s4, s19  }
0x9c: {  	s7 =	simm.s32 $0x0;
	s20 =	sshll.u32 s5, $0x1;
	s5 =	sadd.s32 s21, s3  }
0x9d: {  	[timem:s7], [sflag:s22] =	dma.local [hbm:s5], s20  }
0x9e: {  	_ =	swait.ge [sflag:s22], s20  }
0x9f: {  	s4 =	ssub.s32 $0x0, s20;
	[sflag:s22] =	ssyncset.done $0x0  }
0xa0: {  	[sflag:s22] =	ssyncadd.s32 s4;
	_ =	sdelay $0x1  }
0xa1: {  	s23 =	simm.s32 $0x1B8B  }
0xa2: {  	_ =	swait.ge [sflag:s23], $0x1  }
0xa3: {  	[sflag:s23] =	ssyncset.done $0x0  }
0xa4: {  	s25 =	simm.s32 $0x1B8E;
	s24 =	sld [smem:$0x3FFE];
	[sflag:s23] =	ssyncadd.s32 $0xFFFFFFFF  }
0xa5: {  	s26 =	simm.s32 $execute0_lowered;
	[smem:$0x3FD2] =	sst s25  }
0xa6: {  	s5 =	sshll.u32 s26, $0x1;
	_ =	strace $0x80000049;
	[dreg:$0x1] =	wrdreg $0xFFFFFFFF  }
0xa7: {  	s28 =	simm.s32 $_size_execute0_lowered;
	s3 =	sadd.s32 s3, s5;
	[dreg:$0x0] =	wrdreg $0x0  }
0xa8: {  	s5 =	sshll.u32 s28, $0x1;
	[dreg:$0x2] =	wrdreg s3  }
0xa9: {  	[dreg:$0x3] =	wrdreg s5  }
0xaa: {  	[dreg:$0x4] =	wrdreg $0xC0  }
0xab: {  	_ =	task [dreg:s7], $0x5FFFF  }
0xac: {  	[dreg:$0x1] =	wrdreg $0xFFFFFFFF  }
0xad: {  	[dreg:$0x0] =	wrdreg $0x60  }
0xae: {  	[dreg:$0x2] =	wrdreg s24  }
0xaf: {  	[dreg:$0x3] =	wrdreg s2  }
0xb0: {  	[dreg:$0x4] =	wrdreg $0xA8000  }
0xb1: {  	[dreg:$0x5] =	wrdreg $0x9  }
0xb2: {  	_ =	task.clear_ibuf [dreg:s7], $0x6FFFF;
	_ =	strace $0x90000049  }
0xb3: {  	s29 =	simm.s32 $0x9;
	_ =	strace $0x8000004B  }
0xb4: {  	_ =	swait.ge [sflag:s29], $0x1  }
0xb5: {  	[sflag:s29] =	ssyncadd.s32 $0xFFFFFFFF  }
0xb6: {  	_ =	strace $0x9000004B  }
0xb7: {  	_ =	sfence  }
0xb8: {  	s30 =	sld [smem:$0x0];
	_ =	sdelay $0x2  }
0xb9: {  	s31 =	sshll.u32 s1, $0xD;
	s1 =	sshrl.u32 s1, $0x2  }
0xba: {  	s3 =	sand.u32 $0x4000, s31;
	s1 =	sadd.s32 s1, s30  }
0xbb: {  	s0 =	sor.u32 s3, s0;
	s1 =	sshll.u32 s1, $0x11  }
0xbc: {  	s0 =	sor.u32 s1, s0  }
0xbd: {  	s0 =	sadd.s32 $0x8F2B, s0  }
0xbe: {  	[sflag:s0] =	ssyncadd.remote.s32 $0x1  }
0xbf: {  	_ =	sfence.sel $0xFFFF  }
0xc0: {  	[dreg:$0x0] =	wrdreg $0xFFFFFFFF;
	(pc) =	sbr.abs _section_cstart, $3  }
0xc1: {  	[dreg:$0x1] =	wrdreg $0xFFFFFFFF  }
0xc2: {  	_ =	task.clear_ibuf [dreg:s7], $0x2FFFF;
	_ =	strace $0x9FFFFFFF  }
0xc3: {  	(tm) =	ssettm $0x7FFFFFFF  }
tec
execute0_lowered:
.L_overlay_start_1:
0x0: {  	(tag) =	ssettag $0x1  }
0x1: {  	s5 =	rddreg [dreg:$0x0]  }
0x2: {  	s11 =	rddreg [dreg:$0x1]  }
0x3: {  	s2 =	rddreg [dreg:$0x2]  }
0x4: {  	s0 =	rddreg [dreg:$0x3]  }
0x5: {  	s3 =	simm.s32 $0x0;
	s4 =	srdreg.scid;
	s1 =	stileid.u32  }
0x6: {  	s17 =	simm.s32 $0x1;
	s18 =	simm.s32 $0x80;
	s19 =	simm.s32 $0x2800  }
0x7: {  	s20 =	simm.s32 $0x6800;
	s21 =	simm.s32 $0x2;
	s22 =	simm.s32 $0x1480  }
0x8: {  	s23 =	simm.s32 $0x3;
	s24 =	simm.s32 $0x4;
	s25 =	simm.s32 $0x0  }
0x9: {  	[smem:$0x7FF] =	sst s3;
	s6 =	sand.u32 $0x1, s4;
	s7 =	smul.u32 $0x2800, s1  }
0xa: {  	s4 =	sadd.s32 $0xEA00, s5;
	s10 =	sadd.s32 $0x4A00, s5;
	s9 =	smul.u32 $0x50000, s1  }
0xb: {  	s8 =	smul.u32 $0x28000, s6;
	s12 =	sshll.u32 s6, $0x4;
	s6 =	ssub.s32 $0x2, s6  }
0xc: {  	_ =	strace $0x8000004A;
	s12 =	sor.u32 s1, s12;
	s13 =	sshrl.u32 s6, $0x1  }
0xd: {  	s9 =	sshrl.u32 s9, $0x2;
	s8 =	sadd.s32 s7, s8;
	s14 =	smul.u32 $0x2800, s12  }
0xe: {  	s13 =	ssub.s32 s6, s13;
	s16 =	sadd.s32 s9, s2;
	s29 =	smul.u32 $0x500, s12  }
0xf: {  	s6 =	sadd.s32 s4, s7;
	s15 =	sadd.s32 s8, s5;
	s5 =	sshll.u32 s1, $0x6  }
0x10: {  	s13 =	smax.u32 s13, $0x1;
	s30 =	sshrl.u32 s14, $0x3;
	s7 =	sor.u32 $0x1C01, s5  }
0x11: {  	s8 =	sadd.s32 s10, s29;
	s9 =	sadd.s32 s11, s29;
	s12 =	sadd.s32 $0x36A00, s15  }
0x12: {  	s14 =	sshrl.u32 s16, $0x3;
	s15 =	simm.s32 $0x5;
	s31 =	sadd.s32 $0x280, s30  }
0x13: {  	s16 =	simm.s32 $0x1400;
	s10 =	sadd.s32 s10, s31;
	s11 =	sadd.s32 s11, s31  }
.LBB2_1:
0x14: {  	[spmem:s14], [sflag:s7] =	dma.local [hbm:s6], $0x2800  }
0x15: {  	[tilespmem:s3], [sflag:$0x5] =	stream.linear.gather [hbm4b:s8+s3], $0x1400, $0x38;
	[tilespmem:$0x1E800] =	vst v63  }
0x16: {  	_ =	swait.ge [sflag:s15], $0x1400  }
0x17: {  	[sflag:s15] =	ssyncset.done $0x0  }
0x18: {  	[sflag:s15] =	ssyncadd.s32 $0xFFFFEC00  }
0x19: {  	[tilespmem:s16], [sflag:$0x5] =	stream.linear.gather [hbm4b:s9+s3], $0x1400, $0x38;
	[tilespmem:$0x1E800] =	vst v63  }
0x1a: {  	_ =	swait.ge [sflag:s15], $0x1400  }
0x1b: {  	[sflag:s15] =	ssyncset.done $0x0  }
0x1c: {  	[sflag:s15] =	ssyncadd.s32 $0xFFFFEC00  }
0x1d: {  	_ =	swait.ge [sflag:s17], $0x2800  }
0x1e: {  	[sflag:s17] =	ssyncset.done $0x0  }
0x1f: {  	[sflag:s17] =	ssyncadd.s32 $0xFFFFD800  }
0x20: {  	[bflag:$0x0] =	sbarrier.arrive $0xFFFF  }
0x21: {  	[tilespmem:s19], [sflag:$0x1] =	stream.indirect.gather [hbm4b:s4+s18], $0x80, s3, s18, $0xb8;
	[tilespmem:$0x1E800] =	vst v63  }
0x22: {  	_ = 	snop  }
0x23: {  	[tilespmem:s20], [sflag:$0x2] =	stream.indirect.gather [hbm4b:s4+s18], $0x80, s18, s18, $0xb8;
	[tilespmem:$0x1E800] =	vst v63  }
0x24: {  	_ =	swait.ge [sflag:s17], $0x4000  }
0x25: {  	[sflag:s17] =	ssyncset.done $0x0  }
0x26: {  	[sflag:s17] =	ssyncadd.s32 $0xFFFFC000  }
0x27: {  	[spmem:s2] =	stream.indirect.scatter.add.f32 [tilespmem:s19], [sflag:$0x3], $0x80, s16, s18, $0xb8;
	[tilespmem:$0x1E800] =	vst v63  }
0x28: {  	_ =	swait.ge [sflag:s21], $0x4000  }
0x29: {  	[sflag:s21] =	ssyncset.done $0x0  }
0x2a: {  	[sflag:s21] =	ssyncadd.s32 $0xFFFFC000  }
0x2b: {  	[spmem:s2] =	stream.indirect.scatter.add.f32 [tilespmem:s20], [sflag:$0x4], $0x80, s22, s18, $0xb8;
	[tilespmem:$0x1E800] =	vst v63  }
0x2c: {  	_ =	swait.ge [sflag:s23], $0x4000  }
0x2d: {  	[sflag:s23] =	ssyncset.done $0x0  }
0x2e: {  	s26 =	simm.s32 $0x100;
	[sflag:s23] =	ssyncadd.s32 $0xFFFFC000  }
0x2f: {  	[tilespmem:s19], [sflag:$0x1] =	stream.indirect.gather [hbm4b:s4+s18], $0x80, s26, s18, $0xb8;
	[tilespmem:$0x1E800] =	vst v63  }
0x30: {  	_ =	swait.ge [sflag:s24], $0x4000  }
0x31: {  	[sflag:s24] =	ssyncset.done $0x0  }
0x32: {  	s30 =	simm.s32 $0x180;
	[sflag:s24] =	ssyncadd.s32 $0xFFFFC000  }
0x33: {  	[tilespmem:s20], [sflag:$0x2] =	stream.indirect.gather [hbm4b:s4+s18], $0x80, s30, s18, $0xb8;
	[tilespmem:$0x1E800] =	vst v63  }
0x34: {  	_ =	swait.ge [sflag:s17], $0x4000  }
0x35: {  	[sflag:s17] =	ssyncset.done $0x0  }
0x36: {  	s31 =	simm.s32 $0x1500;
	[sflag:s17] =	ssyncadd.s32 $0xFFFFC000  }
0x37: {  	[spmem:s2] =	stream.indirect.scatter.add.f32 [tilespmem:s19], [sflag:$0x3], $0x80, s31, s18, $0xb8;
	[tilespmem:$0x1E800] =	vst v63  }
0x38: {  	_ =	swait.ge [sflag:s21], $0x4000  }
0x39: {  	[sflag:s21] =	ssyncset.done $0x0  }
0x3a: {  	s28 =	simm.s32 $0x1580;
	s26 =	simm.s32 $0xFFFFB800;
	[sflag:s21] =	ssyncadd.s32 $0xFFFFC000  }
.LBB2_2:
0x3b: {  	[spmem:s2] =	stream.indirect.scatter.add.f32 [tilespmem:s20], [sflag:$0x4], $0x80, s28, s18, $0xb8;
	[tilespmem:$0x1E800] =	vst v63  }
0x3c: {  	s28 =	smov.u32 s26  }
0x3d: {  	p0 =	sne.s32 s26, $0xFFFFFC00;
	s26 =	sadd.s32 $0x400, s26;
	_ =	swait.ge [sflag:s23], $0x4000  }
0x3e: {  	s28 =	sshra.s32 s28, $0x2;
	[sflag:s23] =	ssyncset.done $0x0  }
0x3f: {  	s29 =	sadd.s32 $0x1400, s28;
	[sflag:s23] =	ssyncadd.s32 $0xFFFFC000  }
0x40: {  	[tilespmem:s19], [sflag:$0x1] =	stream.indirect.gather [hbm4b:s4+s18], $0x80, s29, s18, $0xb8;
	[tilespmem:$0x1E800] =	vst v63  }
0x41: {  	_ =	swait.ge [sflag:s24], $0x4000  }
0x42: {  	[sflag:s24] =	ssyncset.done $0x0  }
0x43: {  	s29 =	sadd.s32 $0x1480, s28;
	[sflag:s24] =	ssyncadd.s32 $0xFFFFC000  }
0x44: {  	[tilespmem:s20], [sflag:$0x2] =	stream.indirect.gather [hbm4b:s4+s18], $0x80, s29, s18, $0xb8;
	[tilespmem:$0x1E800] =	vst v63  }
0x45: {  	_ =	swait.ge [sflag:s17], $0x4000  }
0x46: {  	[sflag:s17] =	ssyncset.done $0x0  }
.Ltmp0:
0x47: {  	s29 =	sadd.s32 $0x2800, s28;
	[sflag:s17] =	ssyncadd.s32 $0xFFFFC000;
	(pc) =	sbr.rel @p0 .LBB2_2-.Ltmp0, $4  }
0x48: {  	[spmem:s2] =	stream.indirect.scatter.add.f32 [tilespmem:s19], [sflag:$0x3], $0x80, s29, s18, $0xb8;
	[tilespmem:$0x1E800] =	vst v63  }
0x49: {  	_ =	swait.ge [sflag:s21], $0x4000  }
0x4a: {  	[sflag:s21] =	ssyncset.done $0x0  }
0x4b: {  	s28 =	sadd.s32 $0x2880, s28;
	[sflag:s21] =	ssyncadd.s32 $0xFFFFC000  }
0x4c: {  	[spmem:s2] =	stream.indirect.scatter.add.f32 [tilespmem:s20], [sflag:$0x4], $0x80, s28, s18, $0xb8;
	[tilespmem:$0x1E800] =	vst v63  }
0x4d: {  	_ =	swait.ge [sflag:s23], $0x4000  }
0x4e: {  	[sflag:s23] =	ssyncset.done $0x0  }
0x4f: {  	[sflag:s23] =	ssyncadd.s32 $0xFFFFC000  }
0x50: {  	_ =	swait.ge [sflag:s24], $0x4000  }
0x51: {  	[sflag:s24] =	ssyncset.done $0x0  }
0x52: {  	[sflag:s24] =	ssyncadd.s32 $0xFFFFC000  }
0x53: {  	[tilespmem:s3], [sflag:$0x5] =	stream.linear.gather [hbm4b:s10+s3], $0x1400, $0x38;
	[tilespmem:$0x1E800] =	vst v63  }
0x54: {  	_ =	swait.ge [sflag:s15], $0x1400  }
0x55: {  	[sflag:s15] =	ssyncset.done $0x0  }
0x56: {  	[sflag:s15] =	ssyncadd.s32 $0xFFFFEC00  }
0x57: {  	[tilespmem:s16], [sflag:$0x5] =	stream.linear.gather [hbm4b:s11+s3], $0x1400, $0x38;
	[tilespmem:$0x1E800] =	vst v63  }
0x58: {  	_ =	swait.ge [sflag:s15], $0x1400  }
0x59: {  	[sflag:s15] =	ssyncset.done $0x0  }
0x5a: {  	[sflag:s15] =	ssyncadd.s32 $0xFFFFEC00  }
0x5b: {  	[tilespmem:s19], [sflag:$0x1] =	stream.indirect.gather [hbm4b:s4+s18], $0x80, s3, s18, $0xb8;
	[tilespmem:$0x1E800] =	vst v63  }
0x5c: {  	_ = 	snop  }
0x5d: {  	[tilespmem:s20], [sflag:$0x2] =	stream.indirect.gather [hbm4b:s4+s18], $0x80, s18, s18, $0xb8;
	[tilespmem:$0x1E800] =	vst v63  }
0x5e: {  	_ =	swait.ge [sflag:s17], $0x4000  }
0x5f: {  	[sflag:s17] =	ssyncset.done $0x0  }
0x60: {  	[sflag:s17] =	ssyncadd.s32 $0xFFFFC000  }
0x61: {  	[spmem:s2] =	stream.indirect.scatter.add.f32 [tilespmem:s19], [sflag:$0x3], $0x80, s16, s18, $0xb8;
	[tilespmem:$0x1E800] =	vst v63  }
0x62: {  	_ =	swait.ge [sflag:s21], $0x4000  }
0x63: {  	[sflag:s21] =	ssyncset.done $0x0  }
0x64: {  	[sflag:s21] =	ssyncadd.s32 $0xFFFFC000  }
0x65: {  	[spmem:s2] =	stream.indirect.scatter.add.f32 [tilespmem:s20], [sflag:$0x4], $0x80, s22, s18, $0xb8;
	[tilespmem:$0x1E800] =	vst v63  }
0x66: {  	_ =	swait.ge [sflag:s23], $0x4000  }
0x67: {  	[sflag:s23] =	ssyncset.done $0x0  }
0x68: {  	s26 =	simm.s32 $0x100;
	[sflag:s23] =	ssyncadd.s32 $0xFFFFC000  }
0x69: {  	[tilespmem:s19], [sflag:$0x1] =	stream.indirect.gather [hbm4b:s4+s18], $0x80, s26, s18, $0xb8;
	[tilespmem:$0x1E800] =	vst v63  }
0x6a: {  	_ =	swait.ge [sflag:s24], $0x4000  }
0x6b: {  	[sflag:s24] =	ssyncset.done $0x0  }
0x6c: {  	s30 =	simm.s32 $0x180;
	[sflag:s24] =	ssyncadd.s32 $0xFFFFC000  }
0x6d: {  	[tilespmem:s20], [sflag:$0x2] =	stream.indirect.gather [hbm4b:s4+s18], $0x80, s30, s18, $0xb8;
	[tilespmem:$0x1E800] =	vst v63  }
0x6e: {  	_ =	swait.ge [sflag:s17], $0x4000  }
0x6f: {  	[sflag:s17] =	ssyncset.done $0x0  }
0x70: {  	s31 =	simm.s32 $0x1500;
	[sflag:s17] =	ssyncadd.s32 $0xFFFFC000  }
0x71: {  	[spmem:s2] =	stream.indirect.scatter.add.f32 [tilespmem:s19], [sflag:$0x3], $0x80, s31, s18, $0xb8;
	[tilespmem:$0x1E800] =	vst v63  }
0x72: {  	_ =	swait.ge [sflag:s21], $0x4000  }
0x73: {  	[sflag:s21] =	ssyncset.done $0x0  }
0x74: {  	s28 =	simm.s32 $0x1580;
	s26 =	simm.s32 $0xFFFFB800;
	[sflag:s21] =	ssyncadd.s32 $0xFFFFC000  }
.LBB2_4:
0x75: {  	[spmem:s2] =	stream.indirect.scatter.add.f32 [tilespmem:s20], [sflag:$0x4], $0x80, s28, s18, $0xb8;
	[tilespmem:$0x1E800] =	vst v63  }
0x76: {  	s28 =	smov.u32 s26  }
0x77: {  	p0 =	sne.s32 s26, $0xFFFFFC00;
	s26 =	sadd.s32 $0x400, s26;
	_ =	swait.ge [sflag:s23], $0x4000  }
0x78: {  	s28 =	sshra.s32 s28, $0x2;
	[sflag:s23] =	ssyncset.done $0x0  }
0x79: {  	s29 =	sadd.s32 $0x1400, s28;
	[sflag:s23] =	ssyncadd.s32 $0xFFFFC000  }
0x7a: {  	[tilespmem:s19], [sflag:$0x1] =	stream.indirect.gather [hbm4b:s4+s18], $0x80, s29, s18, $0xb8;
	[tilespmem:$0x1E800] =	vst v63  }
0x7b: {  	_ =	swait.ge [sflag:s24], $0x4000  }
0x7c: {  	[sflag:s24] =	ssyncset.done $0x0  }
0x7d: {  	s29 =	sadd.s32 $0x1480, s28;
	[sflag:s24] =	ssyncadd.s32 $0xFFFFC000  }
0x7e: {  	[tilespmem:s20], [sflag:$0x2] =	stream.indirect.gather [hbm4b:s4+s18], $0x80, s29, s18, $0xb8;
	[tilespmem:$0x1E800] =	vst v63  }
0x7f: {  	_ =	swait.ge [sflag:s17], $0x4000  }
0x80: {  	[sflag:s17] =	ssyncset.done $0x0  }
.Ltmp1:
0x81: {  	s29 =	sadd.s32 $0x2800, s28;
	[sflag:s17] =	ssyncadd.s32 $0xFFFFC000;
	(pc) =	sbr.rel @p0 .LBB2_4-.Ltmp1, $4  }
0x82: {  	[spmem:s2] =	stream.indirect.scatter.add.f32 [tilespmem:s19], [sflag:$0x3], $0x80, s29, s18, $0xb8;
	[tilespmem:$0x1E800] =	vst v63  }
0x83: {  	_ =	swait.ge [sflag:s21], $0x4000  }
0x84: {  	[sflag:s21] =	ssyncset.done $0x0  }
0x85: {  	s28 =	sadd.s32 $0x2880, s28;
	[sflag:s21] =	ssyncadd.s32 $0xFFFFC000  }
0x86: {  	[spmem:s2] =	stream.indirect.scatter.add.f32 [tilespmem:s20], [sflag:$0x4], $0x80, s28, s18, $0xb8;
	[tilespmem:$0x1E800] =	vst v63  }
0x87: {  	_ =	swait.ge [sflag:s23], $0x4000  }
0x88: {  	[sflag:s23] =	ssyncset.done $0x0  }
0x89: {  	[sflag:s23] =	ssyncadd.s32 $0xFFFFC000  }
0x8a: {  	_ =	swait.ge [sflag:s24], $0x4000  }
0x8b: {  	s25 =	sadd.s32 $0x1, s25;
	[sflag:s24] =	ssyncset.done $0x0  }
0x8c: {  	p0 =	sne.s32 s25, s13;
	[sflag:s24] =	ssyncadd.s32 $0xFFFFC000  }
.Ltmp2:
0x8d: {  	s26 =	sor.u32 $0x1C05, s5;
	[bflag:$0x0] =	sbarrier.arrive $0xFFFF;
	(pc) =	sbr.rel @p0 .LBB2_1-.Ltmp2, $4  }
0x8e: {  	[hbm:s12], [sflag:s26] =	dma.local [spmem:s14], $0x2800  }
0x8f: {  	_ =	swait.ge [sflag:s15], $0x2800  }
0x90: {  	[sflag:s15] =	ssyncset.done $0x0  }
0x91: {  	[sflag:s15] =	ssyncadd.s32 $0xFFFFD800  }
0x92: {  	_ =	sfence.sel $0x180000  }
0x93: {  	[bflag:$0x0] =	sbarrier.arrive $0xFFFF  }
0x94: {  	p0 =	sne.s32 s1, $0x0;
	_ =	strace $0x9000004A  }
0x95: {  	s0 =	sadd.s32 @!p0 $0x100000, s0;
	[bflag:$0x2] =	sbarrier.arrive $0xFFFF  }
0x96: {  	[sflag:s0] =	ssyncadd.tile.s32 @!p0 $0x1;
	_ =	shalt  }
.Lfunc_end2:
_tile_overlayer_lowered:
.L_overlay_start_2:
0x97: {  	(tag) =	ssettag $0x2  }
0x98: {  	s0 =	rddreg [dreg:$0x0];
	s2 =	stileid.u32  }
0x99: {  	s1 =	rddreg [dreg:$0x1];
	p0 =	sne.s32 s2, $0x0  }
0x9a: {  	s3 =	rddreg [dreg:$0x2];
	[bflag:$0x3] =	sbarrier.arrive $0xFFFF;
	s2 =	simm.s32 @!p0 $0x1C05  }
0x9b: {  	[timem:s3], [sflag:s2] =	dma.local @!p0 [hbm:s0], s1  }
0x9c: {  	s0 =	simm.s32 @!p0 $0x5  }
0x9d: {  	_ =	swait.ge @!p0 [sflag:s0], s1  }
0x9e: {  	s1 =	ssub.s32 @!p0 $0x0, s1;
	[sflag:s0] =	ssyncset.done @!p0 $0x0  }
0x9f: {  	[sflag:s0] =	ssyncadd.s32 @!p0 s1  }
0xa0: {  	[bflag:$0x3] =	sbarrier.arrive $0xFFFF  }
0xa1: {  	_ =	shalt  }

// kernel: kernel.20.cloned.1.call-start
scs
__scs_entry_jumppad:
0x0: {  	(pc) =	sbr.rel $0x88, $3  }
0x1: {  	(tag) =	ssettag $0x0;
	lr =	simm.s32 $0x1  }
0x2: {  	[smem:$0x3F95] =	sst lr;
	_ =	strace $0xD0000000  }
0x3: {  	_ = 	snop  }
0x4: {  	_ = 	snop  }
0x5: {  	_ = 	snop  }
0x6: {  	_ = 	snop  }
0x7: {  	_ = 	snop  }
__scs_overlays_trampoline_lowered:
0x8: {  	[smem:$0x3FA4] =	sst s0  }
0x9: {  	[smem:$0x3FA5] =	sst s1  }
0xa: {  	[smem:$0x3FA6] =	sst s2  }
0xb: {  	[smem:$0x3FA7] =	sst s3  }
0xc: {  	[smem:$0x3FA8] =	sst s4  }
0xd: {  	[smem:$0x3FA9] =	sst s5  }
0xe: {  	[smem:$0x3FAA] =	sst s6  }
0xf: {  	[smem:$0x3FAB] =	sst s7  }
0x10: {  	[smem:$0x3FAC] =	sst s8  }
0x11: {  	[smem:$0x3FAD] =	sst s9;
	s0 =	simm.s32 @!p0 $0x0  }
0x12: {  	s1 =	sld [smem:$0x3F93];
	s0 =	simm.s32 @p0 $0x1  }
0x13: {  	[smem:$0x3FAE] =	sst s0;
	s0 =	simm.s32 @!p1 $0x0  }
0x14: {  	s2 =	sld [smem:$0x3F92];
	s0 =	simm.s32 @p1 $0x1  }
0x15: {  	[smem:$0x3FAF] =	sst s0;
	s0 =	simm.s32 @!p2 $0x0  }
0x16: {  	s3 =	sld [smem:$0x3FDB];
	s0 =	simm.s32 @p2 $0x1  }
0x17: {  	s4 =	simm.s32 $0x1BF5;
	[smem:$0x3FB1] =	sst s0  }
0x18: {  	s0 =	sld [smem:$0x3F94];
	_ =	swait.ge [sflag:s4], $0x0  }
0x19: {  	s7 =	sld [smem:$0x3F95]  }
0x1a: {  	s8 =	sadd.s32 $0xFFFFE003, lr  }
0x1b: {  	s9 =	sadd.s32 $0xFFFFFEF7, lr;
	s5 =	simm.s32 $0xFFFFFFFF;
	p2 =	slt.u32 s8, $0xFFFFF086  }
0x1c: {  	p1 =	slt.u32 s9, $0xF7A;
	s5 =	simm.s32 @!p2 $0x0  }
0x1d: {  	s5 =	simm.s32 @p1 $0x1;
	p0 =	seq.s32 s7, s2  }
0x1e: {  	s7 =	smul.u32 @!p0 $0xF7A, s2;
	p2 =	seq.s32 @!p0 s5, $0x0  }
0x1f: {  	s9 =	smul.u32 $0xF7A, s1;
	s8 =	simm.s32 @!p0 $0x1BF5;
	p2 =	por !p2, p0  }
0x20: {  	[sflag:s8] =	ssyncset.s32 @!p0 $0xFFFFF086;
	s6 =	sadd.s32 @!p0 s3, s7;
	s7 =	simm.s32 @!p0 $0x108  }
0x21: {  	s3 =	sadd.s32 s3, s9;
	s6 =	sadd.s32 @!p0 $0x88, s6;
	s7 =	simm.s32 @p2 $0x1082  }
0x22: {  	[simem:s7], [sflag:s8] =	dma.local @!p0 [hbm:s6], $0xF7A  }
0x23: {  	s9 =	sor.u32 $0xD0000000, s2;
	s6 =	simm.s32 $0x108;
	_ =	swait.ge @!p0 [sflag:s8], $0x0  }
0x24: {  	s3 =	sadd.s32 $0x88, s3;
	s6 =	simm.s32 @!p1 $0x1082;
	[sflag:s4] =	ssyncset.s32 $0xFFFFF086  }
0x25: {  	[simem:s6], [sflag:s4] =	dma.local [hbm:s3], $0xF7A  }
0x26: {  	[smem:$0x3F95] =	sst s1;
	(tag) =	ssettag s2;
	_ =	strace s9  }
0x27: {  	s1 =	sld [smem:$0x3FA5]  }
0x28: {  	s2 =	sld [smem:$0x3FA6]  }
0x29: {  	s4 =	sld [smem:$0x3FA8]  }
0x2a: {  	p0 =	seq.s32 s5, $0x0;
	s5 =	sld [smem:$0x3FA9]  }
0x2b: {  	s6 =	sld [smem:$0x3FAA]  }
0x2c: {  	s7 =	sld [smem:$0x3FAB]  }
0x2d: {  	s3 =	simm.s32 $0x108;
	s8 =	sld [smem:$0x3FAC]  }
0x2e: {  	s3 =	simm.s32 @!p0 $0x1082;
	s9 =	sld [smem:$0x3FAD]  }
0x2f: {  	lr =	sadd.s32 s0, s3;
	s0 =	sld [smem:$0x3FA4]  }
0x30: {  	s3 =	sld [smem:$0x3FA7]  }
0x31: {  	[smem:$0x3FB0] =	sst s10  }
0x32: {  	s10 =	sld [smem:$0x3FAE];
	_ =	sdelay $0x3  }
0x33: {  	p0 =	seq.s32 s10, $0x1;
	s10 =	sld [smem:$0x3FB0];
	_ =	sdelay $0x3  }
0x34: {  	[smem:$0x3FB0] =	sst s10  }
0x35: {  	s10 =	sld [smem:$0x3FAF];
	_ =	sdelay $0x3  }
0x36: {  	p1 =	seq.s32 s10, $0x1;
	s10 =	sld [smem:$0x3FB0];
	_ =	sdelay $0x3  }
0x37: {  	[smem:$0x3FB0] =	sst s10  }
0x38: {  	s10 =	sld [smem:$0x3FB1]  }
0x39: {  	_ = 	snop;
	(pc) =	sbr.ind lr, $3  }
0x3a: {  	_ = 	snop  }
0x3b: {  	_ = 	snop  }
0x3c: {  	p2 =	seq.s32 s10, $0x1;
	s10 =	sld [smem:$0x3FB0]  }
0x3d: {  	_ =	shalt  }
0x3e: {  	_ =	shalt  }
0x3f: {  	_ =	shalt  }
0x40: {  	_ =	shalt  }
0x41: {  	_ =	shalt  }
0x42: {  	_ =	shalt  }
0x43: {  	_ =	shalt  }
0x44: {  	_ =	shalt  }
0x45: {  	_ =	shalt  }
0x46: {  	_ =	shalt  }
0x47: {  	_ =	shalt  }
0x48: {  	_ =	shalt  }
0x49: {  	_ =	shalt  }
0x4a: {  	_ =	shalt  }
0x4b: {  	_ =	shalt  }
0x4c: {  	_ =	shalt  }
0x4d: {  	_ =	shalt  }
0x4e: {  	_ =	shalt  }
0x4f: {  	_ =	shalt  }
0x50: {  	_ =	shalt  }
0x51: {  	_ =	shalt  }
0x52: {  	_ =	shalt  }
0x53: {  	_ =	shalt  }
0x54: {  	_ =	shalt  }
0x55: {  	_ =	shalt  }
0x56: {  	_ =	shalt  }
0x57: {  	_ =	shalt  }
0x58: {  	_ =	shalt  }
0x59: {  	_ =	shalt  }
0x5a: {  	_ =	shalt  }
0x5b: {  	_ =	shalt  }
0x5c: {  	_ =	shalt  }
0x5d: {  	_ =	shalt  }
0x5e: {  	_ =	shalt  }
0x5f: {  	_ =	shalt  }
0x60: {  	_ =	shalt  }
0x61: {  	_ =	shalt  }
0x62: {  	_ =	shalt  }
0x63: {  	_ =	shalt  }
0x64: {  	_ =	shalt  }
0x65: {  	_ =	shalt  }
0x66: {  	_ =	shalt  }
0x67: {  	_ =	shalt  }
0x68: {  	_ =	shalt  }
0x69: {  	_ =	shalt  }
0x6a: {  	_ =	shalt  }
0x6b: {  	_ =	shalt  }
0x6c: {  	_ =	shalt  }
0x6d: {  	_ =	shalt  }
0x6e: {  	_ =	shalt  }
0x6f: {  	_ =	shalt  }
0x70: {  	_ =	shalt  }
0x71: {  	_ =	shalt  }
0x72: {  	_ =	shalt  }
0x73: {  	_ =	shalt  }
0x74: {  	_ =	shalt  }
0x75: {  	_ =	shalt  }
0x76: {  	_ =	shalt  }
0x77: {  	_ =	shalt  }
0x78: {  	_ =	shalt  }
0x79: {  	_ =	shalt  }
0x7a: {  	_ =	shalt  }
0x7b: {  	_ =	shalt  }
0x7c: {  	_ =	shalt  }
0x7d: {  	_ =	shalt  }
0x7e: {  	_ =	shalt  }
0x7f: {  	_ =	shalt  }
0x80: {  	_ =	shalt  }
0x81: {  	_ =	shalt  }
0x82: {  	_ =	shalt  }
0x83: {  	_ =	shalt  }
0x84: {  	_ =	shalt  }
0x85: {  	_ =	shalt  }
0x86: {  	_ =	shalt  }
0x87: {  	_ =	shalt  }
.Lfunc_end0:
.L_simem_size_0:
called_computation.2_lowered:
.L_overlay_start_0:
0x88: {  	s2 =	sld [smem:$0x3FD9]  }
0x89: {  	s3 =	sld [smem:$0x3FFE];
	_ =	sdelay $0x1  }
0x8a: {  	s1 =	srdreg.scid  }
0x8b: {  	s0 =	sand.u32 $0x1, s1  }
0x8c: {  	s17 =	sshll.u32 s0, $0xA;
	s2 =	sadd.s32 s3, s2  }
0x8d: {  	s2 =	sadd.s32 s2, s17  }
0x8e: {  	[smem:$0x3FBC] =	sst s2  }
0x8f: {  	_ = 	snop  }
0x90: {  	s2 =	sld [smem:$0x3FD0];
	(tm) =	ssettm $0x1  }
0x91: {  	s18 =	sld [smem:$0x3FFB];
	_ =	sdelay $0x3  }
0x92: {  	_ =	strace s18  }
0x93: {  	s3 =	sld [smem:$0x3FFC];
	_ =	sdelay $0x3  }
0x94: {  	_ =	strace s3  }
0x95: {  	s3 =	sld [smem:$0x3FFD];
	_ =	sdelay $0x3  }
0x96: {  	_ =	strace s3  }
0x97: {  	_ =	strace $0x8FFFFFFF  }
0x98: {  	s19 =	sld [smem:$0x3FDB];
	_ =	sdelay $0x1  }
0x99: {  	s4 =	simm.s32 $_scs_section_size  }
0x9a: {  	s5 =	simm.s32 $_size__tile_overlayer_lowered;
	s6 =	simm.s32 $_tile_overlayer_lowered  }
0x9b: {  	s22 =	simm.s32 $0x1BFF;
	s21 =	sshll.u32 s6, $0x1;
	s3 =	sadd.s32 s4, s19  }
0x9c: {  	s7 =	simm.s32 $0x0;
	s20 =	sshll.u32 s5, $0x1;
	s5 =	sadd.s32 s21, s3  }
0x9d: {  	[timem:s7], [sflag:s22] =	dma.local [hbm:s5], s20  }
0x9e: {  	_ =	swait.ge [sflag:s22], s20  }
0x9f: {  	s4 =	ssub.s32 $0x0, s20;
	[sflag:s22] =	ssyncset.done $0x0  }
0xa0: {  	[sflag:s22] =	ssyncadd.s32 s4;
	_ =	sdelay $0x1  }
0xa1: {  	s23 =	simm.s32 $0x1B8B  }
0xa2: {  	_ =	swait.ge [sflag:s23], $0x1  }
0xa3: {  	[sflag:s23] =	ssyncset.done $0x0  }
0xa4: {  	s25 =	simm.s32 $0x1B8E;
	s24 =	sld [smem:$0x3FFE];
	[sflag:s23] =	ssyncadd.s32 $0xFFFFFFFF  }
0xa5: {  	s26 =	simm.s32 $execute0_lowered;
	[smem:$0x3FD2] =	sst s25  }
0xa6: {  	s5 =	sshll.u32 s26, $0x1;
	_ =	strace $0x8000004C;
	[dreg:$0x1] =	wrdreg $0xFFFFFFFF  }
0xa7: {  	s28 =	simm.s32 $_size_execute0_lowered;
	s3 =	sadd.s32 s3, s5;
	[dreg:$0x0] =	wrdreg $0x0  }
0xa8: {  	s5 =	sshll.u32 s28, $0x1;
	[dreg:$0x2] =	wrdreg s3  }
0xa9: {  	[dreg:$0x3] =	wrdreg s5  }
0xaa: {  	[dreg:$0x4] =	wrdreg $0xC0  }
0xab: {  	_ =	task [dreg:s7], $0x5FFFF  }
0xac: {  	[dreg:$0x1] =	wrdreg $0xFFFFFFFF  }
0xad: {  	[dreg:$0x0] =	wrdreg $0x60  }
0xae: {  	[dreg:$0x2] =	wrdreg s24  }
0xaf: {  	[dreg:$0x3] =	wrdreg s2  }
0xb0: {  	[dreg:$0x4] =	wrdreg $0xA8000  }
0xb1: {  	[dreg:$0x5] =	wrdreg $0x9  }
0xb2: {  	_ =	task.clear_ibuf [dreg:s7], $0x6FFFF;
	_ =	strace $0x9000004C  }
0xb3: {  	s29 =	simm.s32 $0x9;
	_ =	strace $0x8000004E  }
0xb4: {  	_ =	swait.ge [sflag:s29], $0x1  }
0xb5: {  	[sflag:s29] =	ssyncadd.s32 $0xFFFFFFFF  }
0xb6: {  	_ =	strace $0x9000004E  }
0xb7: {  	_ =	sfence  }
0xb8: {  	s30 =	sld [smem:$0x0];
	_ =	sdelay $0x2  }
0xb9: {  	s31 =	sshll.u32 s1, $0xD;
	s1 =	sshrl.u32 s1, $0x2  }
0xba: {  	s3 =	sand.u32 $0x4000, s31;
	s1 =	sadd.s32 s1, s30  }
0xbb: {  	s0 =	sor.u32 s3, s0;
	s1 =	sshll.u32 s1, $0x11  }
0xbc: {  	s0 =	sor.u32 s1, s0  }
0xbd: {  	s0 =	sadd.s32 $0x8F2B, s0  }
0xbe: {  	[sflag:s0] =	ssyncadd.remote.s32 $0x1  }
0xbf: {  	_ =	sfence.sel $0xFFFF  }
0xc0: {  	[dreg:$0x0] =	wrdreg $0xFFFFFFFF;
	(pc) =	sbr.abs _section_cstart, $3  }
0xc1: {  	[dreg:$0x1] =	wrdreg $0xFFFFFFFF  }
0xc2: {  	_ =	task.clear_ibuf [dreg:s7], $0x2FFFF;
	_ =	strace $0x9FFFFFFF  }
0xc3: {  	(tm) =	ssettm $0x7FFFFFFF  }
tec
execute0_lowered:
.L_overlay_start_1:
0x0: {  	(tag) =	ssettag $0x1  }
0x1: {  	s5 =	rddreg [dreg:$0x0]  }
0x2: {  	s11 =	rddreg [dreg:$0x1]  }
0x3: {  	s2 =	rddreg [dreg:$0x2]  }
0x4: {  	s0 =	rddreg [dreg:$0x3]  }
0x5: {  	s3 =	simm.s32 $0x0;
	s4 =	srdreg.scid;
	s1 =	stileid.u32  }
0x6: {  	s17 =	simm.s32 $0x1;
	s18 =	simm.s32 $0x80;
	s19 =	simm.s32 $0x2800  }
0x7: {  	s20 =	simm.s32 $0x6800;
	s21 =	simm.s32 $0x2;
	s22 =	simm.s32 $0x1480  }
0x8: {  	s23 =	simm.s32 $0x3;
	s24 =	simm.s32 $0x4;
	s25 =	simm.s32 $0x0  }
0x9: {  	[smem:$0x7FF] =	sst s3;
	s6 =	sand.u32 $0x1, s4;
	s7 =	smul.u32 $0x2800, s1  }
0xa: {  	s4 =	sadd.s32 $0xEA00, s5;
	s10 =	sadd.s32 $0x4A00, s5;
	s9 =	smul.u32 $0x50000, s1  }
0xb: {  	s8 =	smul.u32 $0x28000, s6;
	s12 =	sshll.u32 s6, $0x4;
	s6 =	ssub.s32 $0x2, s6  }
0xc: {  	_ =	strace $0x8000004D;
	s12 =	sor.u32 s1, s12;
	s13 =	sshrl.u32 s6, $0x1  }
0xd: {  	s9 =	sshrl.u32 s9, $0x2;
	s8 =	sadd.s32 s7, s8;
	s14 =	smul.u32 $0x2800, s12  }
0xe: {  	s13 =	ssub.s32 s6, s13;
	s16 =	sadd.s32 s9, s2;
	s29 =	smul.u32 $0x500, s12  }
0xf: {  	s6 =	sadd.s32 s4, s7;
	s15 =	sadd.s32 s8, s5;
	s5 =	sshll.u32 s1, $0x6  }
0x10: {  	s13 =	smax.u32 s13, $0x1;
	s30 =	sshrl.u32 s14, $0x3;
	s7 =	sor.u32 $0x1C01, s5  }
0x11: {  	s8 =	sadd.s32 s10, s29;
	s9 =	sadd.s32 s11, s29;
	s12 =	sadd.s32 $0x36A00, s15  }
0x12: {  	s14 =	sshrl.u32 s16, $0x3;
	s15 =	simm.s32 $0x5;
	s31 =	sadd.s32 $0x280, s30  }
0x13: {  	s16 =	simm.s32 $0x1400;
	s10 =	sadd.s32 s10, s31;
	s11 =	sadd.s32 s11, s31  }
.LBB2_1:
0x14: {  	[spmem:s14], [sflag:s7] =	dma.local [hbm:s6], $0x2800  }
0x15: {  	[tilespmem:s3], [sflag:$0x5] =	stream.linear.gather [hbm4b:s8+s3], $0x1400, $0x38;
	[tilespmem:$0x1E800] =	vst v63  }
0x16: {  	_ =	swait.ge [sflag:s15], $0x1400  }
0x17: {  	[sflag:s15] =	ssyncset.done $0x0  }
0x18: {  	[sflag:s15] =	ssyncadd.s32 $0xFFFFEC00  }
0x19: {  	[tilespmem:s16], [sflag:$0x5] =	stream.linear.gather [hbm4b:s9+s3], $0x1400, $0x38;
	[tilespmem:$0x1E800] =	vst v63  }
0x1a: {  	_ =	swait.ge [sflag:s15], $0x1400  }
0x1b: {  	[sflag:s15] =	ssyncset.done $0x0  }
0x1c: {  	[sflag:s15] =	ssyncadd.s32 $0xFFFFEC00  }
0x1d: {  	_ =	swait.ge [sflag:s17], $0x2800  }
0x1e: {  	[sflag:s17] =	ssyncset.done $0x0  }
0x1f: {  	[sflag:s17] =	ssyncadd.s32 $0xFFFFD800  }
0x20: {  	[bflag:$0x0] =	sbarrier.arrive $0xFFFF  }
0x21: {  	[tilespmem:s19], [sflag:$0x1] =	stream.indirect.gather [hbm4b:s4+s18], $0x80, s3, s18, $0xb8;
	[tilespmem:$0x1E800] =	vst v63  }
0x22: {  	_ = 	snop  }
0x23: {  	[tilespmem:s20], [sflag:$0x2] =	stream.indirect.gather [hbm4b:s4+s18], $0x80, s18, s18, $0xb8;
	[tilespmem:$0x1E800] =	vst v63  }
0x24: {  	_ =	swait.ge [sflag:s17], $0x4000  }
0x25: {  	[sflag:s17] =	ssyncset.done $0x0  }
0x26: {  	[sflag:s17] =	ssyncadd.s32 $0xFFFFC000  }
0x27: {  	[spmem:s2] =	stream.indirect.scatter.add.f32 [tilespmem:s19], [sflag:$0x3], $0x80, s16, s18, $0xb8;
	[tilespmem:$0x1E800] =	vst v63  }
0x28: {  	_ =	swait.ge [sflag:s21], $0x4000  }
0x29: {  	[sflag:s21] =	ssyncset.done $0x0  }
0x2a: {  	[sflag:s21] =	ssyncadd.s32 $0xFFFFC000  }
0x2b: {  	[spmem:s2] =	stream.indirect.scatter.add.f32 [tilespmem:s20], [sflag:$0x4], $0x80, s22, s18, $0xb8;
	[tilespmem:$0x1E800] =	vst v63  }
0x2c: {  	_ =	swait.ge [sflag:s23], $0x4000  }
0x2d: {  	[sflag:s23] =	ssyncset.done $0x0  }
0x2e: {  	s26 =	simm.s32 $0x100;
	[sflag:s23] =	ssyncadd.s32 $0xFFFFC000  }
0x2f: {  	[tilespmem:s19], [sflag:$0x1] =	stream.indirect.gather [hbm4b:s4+s18], $0x80, s26, s18, $0xb8;
	[tilespmem:$0x1E800] =	vst v63  }
0x30: {  	_ =	swait.ge [sflag:s24], $0x4000  }
0x31: {  	[sflag:s24] =	ssyncset.done $0x0  }
0x32: {  	s30 =	simm.s32 $0x180;
	[sflag:s24] =	ssyncadd.s32 $0xFFFFC000  }
0x33: {  	[tilespmem:s20], [sflag:$0x2] =	stream.indirect.gather [hbm4b:s4+s18], $0x80, s30, s18, $0xb8;
	[tilespmem:$0x1E800] =	vst v63  }
0x34: {  	_ =	swait.ge [sflag:s17], $0x4000  }
0x35: {  	[sflag:s17] =	ssyncset.done $0x0  }
0x36: {  	s31 =	simm.s32 $0x1500;
	[sflag:s17] =	ssyncadd.s32 $0xFFFFC000  }
0x37: {  	[spmem:s2] =	stream.indirect.scatter.add.f32 [tilespmem:s19], [sflag:$0x3], $0x80, s31, s18, $0xb8;
	[tilespmem:$0x1E800] =	vst v63  }
0x38: {  	_ =	swait.ge [sflag:s21], $0x4000  }
0x39: {  	[sflag:s21] =	ssyncset.done $0x0  }
0x3a: {  	s28 =	simm.s32 $0x1580;
	s26 =	simm.s32 $0xFFFFB800;
	[sflag:s21] =	ssyncadd.s32 $0xFFFFC000  }
.LBB2_2:
0x3b: {  	[spmem:s2] =	stream.indirect.scatter.add.f32 [tilespmem:s20], [sflag:$0x4], $0x80, s28, s18, $0xb8;
	[tilespmem:$0x1E800] =	vst v63  }
0x3c: {  	s28 =	smov.u32 s26  }
0x3d: {  	p0 =	sne.s32 s26, $0xFFFFFC00;
	s26 =	sadd.s32 $0x400, s26;
	_ =	swait.ge [sflag:s23], $0x4000  }
0x3e: {  	s28 =	sshra.s32 s28, $0x2;
	[sflag:s23] =	ssyncset.done $0x0  }
0x3f: {  	s29 =	sadd.s32 $0x1400, s28;
	[sflag:s23] =	ssyncadd.s32 $0xFFFFC000  }
0x40: {  	[tilespmem:s19], [sflag:$0x1] =	stream.indirect.gather [hbm4b:s4+s18], $0x80, s29, s18, $0xb8;
	[tilespmem:$0x1E800] =	vst v63  }
0x41: {  	_ =	swait.ge [sflag:s24], $0x4000  }
0x42: {  	[sflag:s24] =	ssyncset.done $0x0  }
0x43: {  	s29 =	sadd.s32 $0x1480, s28;
	[sflag:s24] =	ssyncadd.s32 $0xFFFFC000  }
0x44: {  	[tilespmem:s20], [sflag:$0x2] =	stream.indirect.gather [hbm4b:s4+s18], $0x80, s29, s18, $0xb8;
	[tilespmem:$0x1E800] =	vst v63  }
0x45: {  	_ =	swait.ge [sflag:s17], $0x4000  }
0x46: {  	[sflag:s17] =	ssyncset.done $0x0  }
.Ltmp0:
0x47: {  	s29 =	sadd.s32 $0x2800, s28;
	[sflag:s17] =	ssyncadd.s32 $0xFFFFC000;
	(pc) =	sbr.rel @p0 .LBB2_2-.Ltmp0, $4  }
0x48: {  	[spmem:s2] =	stream.indirect.scatter.add.f32 [tilespmem:s19], [sflag:$0x3], $0x80, s29, s18, $0xb8;
	[tilespmem:$0x1E800] =	vst v63  }
0x49: {  	_ =	swait.ge [sflag:s21], $0x4000  }
0x4a: {  	[sflag:s21] =	ssyncset.done $0x0  }
0x4b: {  	s28 =	sadd.s32 $0x2880, s28;
	[sflag:s21] =	ssyncadd.s32 $0xFFFFC000  }
0x4c: {  	[spmem:s2] =	stream.indirect.scatter.add.f32 [tilespmem:s20], [sflag:$0x4], $0x80, s28, s18, $0xb8;
	[tilespmem:$0x1E800] =	vst v63  }
0x4d: {  	_ =	swait.ge [sflag:s23], $0x4000  }
0x4e: {  	[sflag:s23] =	ssyncset.done $0x0  }
0x4f: {  	[sflag:s23] =	ssyncadd.s32 $0xFFFFC000  }
0x50: {  	_ =	swait.ge [sflag:s24], $0x4000  }
0x51: {  	[sflag:s24] =	ssyncset.done $0x0  }
0x52: {  	[sflag:s24] =	ssyncadd.s32 $0xFFFFC000  }
0x53: {  	[tilespmem:s3], [sflag:$0x5] =	stream.linear.gather [hbm4b:s10+s3], $0x1400, $0x38;
	[tilespmem:$0x1E800] =	vst v63  }
0x54: {  	_ =	swait.ge [sflag:s15], $0x1400  }
0x55: {  	[sflag:s15] =	ssyncset.done $0x0  }
0x56: {  	[sflag:s15] =	ssyncadd.s32 $0xFFFFEC00  }
0x57: {  	[tilespmem:s16], [sflag:$0x5] =	stream.linear.gather [hbm4b:s11+s3], $0x1400, $0x38;
	[tilespmem:$0x1E800] =	vst v63  }
0x58: {  	_ =	swait.ge [sflag:s15], $0x1400  }
0x59: {  	[sflag:s15] =	ssyncset.done $0x0  }
0x5a: {  	[sflag:s15] =	ssyncadd.s32 $0xFFFFEC00  }
0x5b: {  	[tilespmem:s19], [sflag:$0x1] =	stream.indirect.gather [hbm4b:s4+s18], $0x80, s3, s18, $0xb8;
	[tilespmem:$0x1E800] =	vst v63  }
0x5c: {  	_ = 	snop  }
0x5d: {  	[tilespmem:s20], [sflag:$0x2] =	stream.indirect.gather [hbm4b:s4+s18], $0x80, s18, s18, $0xb8;
	[tilespmem:$0x1E800] =	vst v63  }
0x5e: {  	_ =	swait.ge [sflag:s17], $0x4000  }
0x5f: {  	[sflag:s17] =	ssyncset.done $0x0  }
0x60: {  	[sflag:s17] =	ssyncadd.s32 $0xFFFFC000  }
0x61: {  	[spmem:s2] =	stream.indirect.scatter.add.f32 [tilespmem:s19], [sflag:$0x3], $0x80, s16, s18, $0xb8;
	[tilespmem:$0x1E800] =	vst v63  }
0x62: {  	_ =	swait.ge [sflag:s21], $0x4000  }
0x63: {  	[sflag:s21] =	ssyncset.done $0x0  }
0x64: {  	[sflag:s21] =	ssyncadd.s32 $0xFFFFC000  }
0x65: {  	[spmem:s2] =	stream.indirect.scatter.add.f32 [tilespmem:s20], [sflag:$0x4], $0x80, s22, s18, $0xb8;
	[tilespmem:$0x1E800] =	vst v63  }
0x66: {  	_ =	swait.ge [sflag:s23], $0x4000  }
0x67: {  	[sflag:s23] =	ssyncset.done $0x0  }
0x68: {  	s26 =	simm.s32 $0x100;
	[sflag:s23] =	ssyncadd.s32 $0xFFFFC000  }
0x69: {  	[tilespmem:s19], [sflag:$0x1] =	stream.indirect.gather [hbm4b:s4+s18], $0x80, s26, s18, $0xb8;
	[tilespmem:$0x1E800] =	vst v63  }
0x6a: {  	_ =	swait.ge [sflag:s24], $0x4000  }
0x6b: {  	[sflag:s24] =	ssyncset.done $0x0  }
0x6c: {  	s30 =	simm.s32 $0x180;
	[sflag:s24] =	ssyncadd.s32 $0xFFFFC000  }
0x6d: {  	[tilespmem:s20], [sflag:$0x2] =	stream.indirect.gather [hbm4b:s4+s18], $0x80, s30, s18, $0xb8;
	[tilespmem:$0x1E800] =	vst v63  }
0x6e: {  	_ =	swait.ge [sflag:s17], $0x4000  }
0x6f: {  	[sflag:s17] =	ssyncset.done $0x0  }
0x70: {  	s31 =	simm.s32 $0x1500;
	[sflag:s17] =	ssyncadd.s32 $0xFFFFC000  }
0x71: {  	[spmem:s2] =	stream.indirect.scatter.add.f32 [tilespmem:s19], [sflag:$0x3], $0x80, s31, s18, $0xb8;
	[tilespmem:$0x1E800] =	vst v63  }
0x72: {  	_ =	swait.ge [sflag:s21], $0x4000  }
0x73: {  	[sflag:s21] =	ssyncset.done $0x0  }
0x74: {  	s28 =	simm.s32 $0x1580;
	s26 =	simm.s32 $0xFFFFB800;
	[sflag:s21] =	ssyncadd.s32 $0xFFFFC000  }
.LBB2_4:
0x75: {  	[spmem:s2] =	stream.indirect.scatter.add.f32 [tilespmem:s20], [sflag:$0x4], $0x80, s28, s18, $0xb8;
	[tilespmem:$0x1E800] =	vst v63  }
0x76: {  	s28 =	smov.u32 s26  }
0x77: {  	p0 =	sne.s32 s26, $0xFFFFFC00;
	s26 =	sadd.s32 $0x400, s26;
	_ =	swait.ge [sflag:s23], $0x4000  }
0x78: {  	s28 =	sshra.s32 s28, $0x2;
	[sflag:s23] =	ssyncset.done $0x0  }
0x79: {  	s29 =	sadd.s32 $0x1400, s28;
	[sflag:s23] =	ssyncadd.s32 $0xFFFFC000  }
0x7a: {  	[tilespmem:s19], [sflag:$0x1] =	stream.indirect.gather [hbm4b:s4+s18], $0x80, s29, s18, $0xb8;
	[tilespmem:$0x1E800] =	vst v63  }
0x7b: {  	_ =	swait.ge [sflag:s24], $0x4000  }
0x7c: {  	[sflag:s24] =	ssyncset.done $0x0  }
0x7d: {  	s29 =	sadd.s32 $0x1480, s28;
	[sflag:s24] =	ssyncadd.s32 $0xFFFFC000  }
0x7e: {  	[tilespmem:s20], [sflag:$0x2] =	stream.indirect.gather [hbm4b:s4+s18], $0x80, s29, s18, $0xb8;
	[tilespmem:$0x1E800] =	vst v63  }
0x7f: {  	_ =	swait.ge [sflag:s17], $0x4000  }
0x80: {  	[sflag:s17] =	ssyncset.done $0x0  }
.Ltmp1:
0x81: {  	s29 =	sadd.s32 $0x2800, s28;
	[sflag:s17] =	ssyncadd.s32 $0xFFFFC000;
	(pc) =	sbr.rel @p0 .LBB2_4-.Ltmp1, $4  }
0x82: {  	[spmem:s2] =	stream.indirect.scatter.add.f32 [tilespmem:s19], [sflag:$0x3], $0x80, s29, s18, $0xb8;
	[tilespmem:$0x1E800] =	vst v63  }
0x83: {  	_ =	swait.ge [sflag:s21], $0x4000  }
0x84: {  	[sflag:s21] =	ssyncset.done $0x0  }
0x85: {  	s28 =	sadd.s32 $0x2880, s28;
	[sflag:s21] =	ssyncadd.s32 $0xFFFFC000  }
0x86: {  	[spmem:s2] =	stream.indirect.scatter.add.f32 [tilespmem:s20], [sflag:$0x4], $0x80, s28, s18, $0xb8;
	[tilespmem:$0x1E800] =	vst v63  }
0x87: {  	_ =	swait.ge [sflag:s23], $0x4000  }
0x88: {  	[sflag:s23] =	ssyncset.done $0x0  }
0x89: {  	[sflag:s23] =	ssyncadd.s32 $0xFFFFC000  }
0x8a: {  	_ =	swait.ge [sflag:s24], $0x4000  }
0x8b: {  	s25 =	sadd.s32 $0x1, s25;
	[sflag:s24] =	ssyncset.done $0x0  }
0x8c: {  	p0 =	sne.s32 s25, s13;
	[sflag:s24] =	ssyncadd.s32 $0xFFFFC000  }
.Ltmp2:
0x8d: {  	s26 =	sor.u32 $0x1C05, s5;
	[bflag:$0x0] =	sbarrier.arrive $0xFFFF;
	(pc) =	sbr.rel @p0 .LBB2_1-.Ltmp2, $4  }
0x8e: {  	[hbm:s12], [sflag:s26] =	dma.local [spmem:s14], $0x2800  }
0x8f: {  	_ =	swait.ge [sflag:s15], $0x2800  }
0x90: {  	[sflag:s15] =	ssyncset.done $0x0  }
0x91: {  	[sflag:s15] =	ssyncadd.s32 $0xFFFFD800  }
0x92: {  	_ =	sfence.sel $0x180000  }
0x93: {  	[bflag:$0x0] =	sbarrier.arrive $0xFFFF  }
0x94: {  	p0 =	sne.s32 s1, $0x0;
	_ =	strace $0x9000004D  }
0x95: {  	s0 =	sadd.s32 @!p0 $0x100000, s0;
	[bflag:$0x2] =	sbarrier.arrive $0xFFFF  }
0x96: {  	[sflag:s0] =	ssyncadd.tile.s32 @!p0 $0x1;
	_ =	shalt  }
.Lfunc_end2:
_tile_overlayer_lowered:
.L_overlay_start_2:
0x97: {  	(tag) =	ssettag $0x2  }
0x98: {  	s0 =	rddreg [dreg:$0x0];
	s2 =	stileid.u32  }
0x99: {  	s1 =	rddreg [dreg:$0x1];
	p0 =	sne.s32 s2, $0x0  }
0x9a: {  	s3 =	rddreg [dreg:$0x2];
	[bflag:$0x3] =	sbarrier.arrive $0xFFFF;
	s2 =	simm.s32 @!p0 $0x1C05  }
0x9b: {  	[timem:s3], [sflag:s2] =	dma.local @!p0 [hbm:s0], s1  }
0x9c: {  	s0 =	simm.s32 @!p0 $0x5  }
0x9d: {  	_ =	swait.ge @!p0 [sflag:s0], s1  }
0x9e: {  	s1 =	ssub.s32 @!p0 $0x0, s1;
	[sflag:s0] =	ssyncset.done @!p0 $0x0  }
0x9f: {  	[sflag:s0] =	ssyncadd.s32 @!p0 s1  }
0xa0: {  	[bflag:$0x3] =	sbarrier.arrive $0xFFFF  }
0xa1: {  	_ =	shalt  }

// kernel: kernel.23.cloned.1.call-start
scs
__scs_entry_jumppad:
0x0: {  	(pc) =	sbr.rel $0x88, $3  }
0x1: {  	(tag) =	ssettag $0x0;
	lr =	simm.s32 $0x1  }
0x2: {  	[smem:$0x3F95] =	sst lr;
	_ =	strace $0xD0000000  }
0x3: {  	_ = 	snop  }
0x4: {  	_ = 	snop  }
0x5: {  	_ = 	snop  }
0x6: {  	_ = 	snop  }
0x7: {  	_ = 	snop  }
__scs_overlays_trampoline_lowered:
0x8: {  	[smem:$0x3FA4] =	sst s0  }
0x9: {  	[smem:$0x3FA5] =	sst s1  }
0xa: {  	[smem:$0x3FA6] =	sst s2  }
0xb: {  	[smem:$0x3FA7] =	sst s3  }
0xc: {  	[smem:$0x3FA8] =	sst s4  }
0xd: {  	[smem:$0x3FA9] =	sst s5  }
0xe: {  	[smem:$0x3FAA] =	sst s6  }
0xf: {  	[smem:$0x3FAB] =	sst s7  }
0x10: {  	[smem:$0x3FAC] =	sst s8  }
0x11: {  	[smem:$0x3FAD] =	sst s9;
	s0 =	simm.s32 @!p0 $0x0  }
0x12: {  	s1 =	sld [smem:$0x3F93];
	s0 =	simm.s32 @p0 $0x1  }
0x13: {  	[smem:$0x3FAE] =	sst s0;
	s0 =	simm.s32 @!p1 $0x0  }
0x14: {  	s2 =	sld [smem:$0x3F92];
	s0 =	simm.s32 @p1 $0x1  }
0x15: {  	[smem:$0x3FAF] =	sst s0;
	s0 =	simm.s32 @!p2 $0x0  }
0x16: {  	s3 =	sld [smem:$0x3FDB];
	s0 =	simm.s32 @p2 $0x1  }
0x17: {  	s4 =	simm.s32 $0x1BF5;
	[smem:$0x3FB1] =	sst s0  }
0x18: {  	s0 =	sld [smem:$0x3F94];
	_ =	swait.ge [sflag:s4], $0x0  }
0x19: {  	s7 =	sld [smem:$0x3F95]  }
0x1a: {  	s8 =	sadd.s32 $0xFFFFE003, lr  }
0x1b: {  	s9 =	sadd.s32 $0xFFFFFEF7, lr;
	s5 =	simm.s32 $0xFFFFFFFF;
	p2 =	slt.u32 s8, $0xFFFFF086  }
0x1c: {  	p1 =	slt.u32 s9, $0xF7A;
	s5 =	simm.s32 @!p2 $0x0  }
0x1d: {  	s5 =	simm.s32 @p1 $0x1;
	p0 =	seq.s32 s7, s2  }
0x1e: {  	s7 =	smul.u32 @!p0 $0xF7A, s2;
	p2 =	seq.s32 @!p0 s5, $0x0  }
0x1f: {  	s9 =	smul.u32 $0xF7A, s1;
	s8 =	simm.s32 @!p0 $0x1BF5;
	p2 =	por !p2, p0  }
0x20: {  	[sflag:s8] =	ssyncset.s32 @!p0 $0xFFFFF086;
	s6 =	sadd.s32 @!p0 s3, s7;
	s7 =	simm.s32 @!p0 $0x108  }
0x21: {  	s3 =	sadd.s32 s3, s9;
	s6 =	sadd.s32 @!p0 $0x88, s6;
	s7 =	simm.s32 @p2 $0x1082  }
0x22: {  	[simem:s7], [sflag:s8] =	dma.local @!p0 [hbm:s6], $0xF7A  }
0x23: {  	s9 =	sor.u32 $0xD0000000, s2;
	s6 =	simm.s32 $0x108;
	_ =	swait.ge @!p0 [sflag:s8], $0x0  }
0x24: {  	s3 =	sadd.s32 $0x88, s3;
	s6 =	simm.s32 @!p1 $0x1082;
	[sflag:s4] =	ssyncset.s32 $0xFFFFF086  }
0x25: {  	[simem:s6], [sflag:s4] =	dma.local [hbm:s3], $0xF7A  }
0x26: {  	[smem:$0x3F95] =	sst s1;
	(tag) =	ssettag s2;
	_ =	strace s9  }
0x27: {  	s1 =	sld [smem:$0x3FA5]  }
0x28: {  	s2 =	sld [smem:$0x3FA6]  }
0x29: {  	s4 =	sld [smem:$0x3FA8]  }
0x2a: {  	p0 =	seq.s32 s5, $0x0;
	s5 =	sld [smem:$0x3FA9]  }
0x2b: {  	s6 =	sld [smem:$0x3FAA]  }
0x2c: {  	s7 =	sld [smem:$0x3FAB]  }
0x2d: {  	s3 =	simm.s32 $0x108;
	s8 =	sld [smem:$0x3FAC]  }
0x2e: {  	s3 =	simm.s32 @!p0 $0x1082;
	s9 =	sld [smem:$0x3FAD]  }
0x2f: {  	lr =	sadd.s32 s0, s3;
	s0 =	sld [smem:$0x3FA4]  }
0x30: {  	s3 =	sld [smem:$0x3FA7]  }
0x31: {  	[smem:$0x3FB0] =	sst s10  }
0x32: {  	s10 =	sld [smem:$0x3FAE];
	_ =	sdelay $0x3  }
0x33: {  	p0 =	seq.s32 s10, $0x1;
	s10 =	sld [smem:$0x3FB0];
	_ =	sdelay $0x3  }
0x34: {  	[smem:$0x3FB0] =	sst s10  }
0x35: {  	s10 =	sld [smem:$0x3FAF];
	_ =	sdelay $0x3  }
0x36: {  	p1 =	seq.s32 s10, $0x1;
	s10 =	sld [smem:$0x3FB0];
	_ =	sdelay $0x3  }
0x37: {  	[smem:$0x3FB0] =	sst s10  }
0x38: {  	s10 =	sld [smem:$0x3FB1]  }
0x39: {  	_ = 	snop;
	(pc) =	sbr.ind lr, $3  }
0x3a: {  	_ = 	snop  }
0x3b: {  	_ = 	snop  }
0x3c: {  	p2 =	seq.s32 s10, $0x1;
	s10 =	sld [smem:$0x3FB0]  }
0x3d: {  	_ =	shalt  }
0x3e: {  	_ =	shalt  }
0x3f: {  	_ =	shalt  }
0x40: {  	_ =	shalt  }
0x41: {  	_ =	shalt  }
0x42: {  	_ =	shalt  }
0x43: {  	_ =	shalt  }
0x44: {  	_ =	shalt  }
0x45: {  	_ =	shalt  }
0x46: {  	_ =	shalt  }
0x47: {  	_ =	shalt  }
0x48: {  	_ =	shalt  }
0x49: {  	_ =	shalt  }
0x4a: {  	_ =	shalt  }
0x4b: {  	_ =	shalt  }
0x4c: {  	_ =	shalt  }
0x4d: {  	_ =	shalt  }
0x4e: {  	_ =	shalt  }
0x4f: {  	_ =	shalt  }
0x50: {  	_ =	shalt  }
0x51: {  	_ =	shalt  }
0x52: {  	_ =	shalt  }
0x53: {  	_ =	shalt  }
0x54: {  	_ =	shalt  }
0x55: {  	_ =	shalt  }
0x56: {  	_ =	shalt  }
0x57: {  	_ =	shalt  }
0x58: {  	_ =	shalt  }
0x59: {  	_ =	shalt  }
0x5a: {  	_ =	shalt  }
0x5b: {  	_ =	shalt  }
0x5c: {  	_ =	shalt  }
0x5d: {  	_ =	shalt  }
0x5e: {  	_ =	shalt  }
0x5f: {  	_ =	shalt  }
0x60: {  	_ =	shalt  }
0x61: {  	_ =	shalt  }
0x62: {  	_ =	shalt  }
0x63: {  	_ =	shalt  }
0x64: {  	_ =	shalt  }
0x65: {  	_ =	shalt  }
0x66: {  	_ =	shalt  }
0x67: {  	_ =	shalt  }
0x68: {  	_ =	shalt  }
0x69: {  	_ =	shalt  }
0x6a: {  	_ =	shalt  }
0x6b: {  	_ =	shalt  }
0x6c: {  	_ =	shalt  }
0x6d: {  	_ =	shalt  }
0x6e: {  	_ =	shalt  }
0x6f: {  	_ =	shalt  }
0x70: {  	_ =	shalt  }
0x71: {  	_ =	shalt  }
0x72: {  	_ =	shalt  }
0x73: {  	_ =	shalt  }
0x74: {  	_ =	shalt  }
0x75: {  	_ =	shalt  }
0x76: {  	_ =	shalt  }
0x77: {  	_ =	shalt  }
0x78: {  	_ =	shalt  }
0x79: {  	_ =	shalt  }
0x7a: {  	_ =	shalt  }
0x7b: {  	_ =	shalt  }
0x7c: {  	_ =	shalt  }
0x7d: {  	_ =	shalt  }
0x7e: {  	_ =	shalt  }
0x7f: {  	_ =	shalt  }
0x80: {  	_ =	shalt  }
0x81: {  	_ =	shalt  }
0x82: {  	_ =	shalt  }
0x83: {  	_ =	shalt  }
0x84: {  	_ =	shalt  }
0x85: {  	_ =	shalt  }
0x86: {  	_ =	shalt  }
0x87: {  	_ =	shalt  }
.Lfunc_end0:
.L_simem_size_0:
called_computation.3_lowered:
.L_overlay_start_0:
0x88: {  	s2 =	sld [smem:$0x3FD9]  }
0x89: {  	s3 =	sld [smem:$0x3FFE];
	_ =	sdelay $0x1  }
0x8a: {  	s1 =	srdreg.scid  }
0x8b: {  	s0 =	sand.u32 $0x1, s1  }
0x8c: {  	s17 =	sshll.u32 s0, $0xA;
	s2 =	sadd.s32 s3, s2  }
0x8d: {  	s2 =	sadd.s32 s2, s17  }
0x8e: {  	[smem:$0x3FBC] =	sst s2  }
0x8f: {  	_ = 	snop  }
0x90: {  	s2 =	sld [smem:$0x3FD0];
	(tm) =	ssettm $0x1  }
0x91: {  	s18 =	sld [smem:$0x3FFB];
	_ =	sdelay $0x3  }
0x92: {  	_ =	strace s18  }
0x93: {  	s3 =	sld [smem:$0x3FFC];
	_ =	sdelay $0x3  }
0x94: {  	_ =	strace s3  }
0x95: {  	s3 =	sld [smem:$0x3FFD];
	_ =	sdelay $0x3  }
0x96: {  	_ =	strace s3  }
0x97: {  	_ =	strace $0x8FFFFFFF  }
0x98: {  	s19 =	sld [smem:$0x3FDB];
	_ =	sdelay $0x1  }
0x99: {  	s4 =	simm.s32 $_scs_section_size  }
0x9a: {  	s5 =	simm.s32 $_size__tile_overlayer_lowered;
	s6 =	simm.s32 $_tile_overlayer_lowered  }
0x9b: {  	s22 =	simm.s32 $0x1BFF;
	s21 =	sshll.u32 s6, $0x1;
	s3 =	sadd.s32 s4, s19  }
0x9c: {  	s7 =	simm.s32 $0x0;
	s20 =	sshll.u32 s5, $0x1;
	s5 =	sadd.s32 s21, s3  }
0x9d: {  	[timem:s7], [sflag:s22] =	dma.local [hbm:s5], s20  }
0x9e: {  	_ =	swait.ge [sflag:s22], s20  }
0x9f: {  	s4 =	ssub.s32 $0x0, s20;
	[sflag:s22] =	ssyncset.done $0x0  }
0xa0: {  	[sflag:s22] =	ssyncadd.s32 s4;
	_ =	sdelay $0x1  }
0xa1: {  	s23 =	simm.s32 $0x1B8B  }
0xa2: {  	_ =	swait.ge [sflag:s23], $0x1  }
0xa3: {  	[sflag:s23] =	ssyncset.done $0x0  }
0xa4: {  	s25 =	simm.s32 $0x1B8E;
	s24 =	sld [smem:$0x3FFE];
	[sflag:s23] =	ssyncadd.s32 $0xFFFFFFFF  }
0xa5: {  	s26 =	simm.s32 $execute0_lowered;
	[smem:$0x3FD2] =	sst s25  }
0xa6: {  	s5 =	sshll.u32 s26, $0x1;
	_ =	strace $0x8000004F;
	[dreg:$0x1] =	wrdreg $0xFFFFFFFF  }
0xa7: {  	s28 =	simm.s32 $_size_execute0_lowered;
	s3 =	sadd.s32 s3, s5;
	[dreg:$0x0] =	wrdreg $0x0  }
0xa8: {  	s5 =	sshll.u32 s28, $0x1;
	[dreg:$0x2] =	wrdreg s3  }
0xa9: {  	[dreg:$0x3] =	wrdreg s5  }
0xaa: {  	[dreg:$0x4] =	wrdreg $0xC0  }
0xab: {  	_ =	task [dreg:s7], $0x5FFFF  }
0xac: {  	[dreg:$0x1] =	wrdreg $0xFFFFFFFF  }
0xad: {  	[dreg:$0x0] =	wrdreg $0x60  }
0xae: {  	[dreg:$0x2] =	wrdreg s24  }
0xaf: {  	[dreg:$0x3] =	wrdreg s2  }
0xb0: {  	[dreg:$0x4] =	wrdreg $0xA8000  }
0xb1: {  	[dreg:$0x5] =	wrdreg $0x9  }
0xb2: {  	_ =	task.clear_ibuf [dreg:s7], $0x6FFFF;
	_ =	strace $0x9000004F  }
0xb3: {  	s29 =	simm.s32 $0x9;
	_ =	strace $0x80000051  }
0xb4: {  	_ =	swait.ge [sflag:s29], $0x1  }
0xb5: {  	[sflag:s29] =	ssyncadd.s32 $0xFFFFFFFF  }
0xb6: {  	_ =	strace $0x90000051  }
0xb7: {  	_ =	sfence  }
0xb8: {  	s30 =	sld [smem:$0x0];
	_ =	sdelay $0x2  }
0xb9: {  	s31 =	sshll.u32 s1, $0xD;
	s1 =	sshrl.u32 s1, $0x2  }
0xba: {  	s3 =	sand.u32 $0x4000, s31;
	s1 =	sadd.s32 s1, s30  }
0xbb: {  	s0 =	sor.u32 s3, s0;
	s1 =	sshll.u32 s1, $0x11  }
0xbc: {  	s0 =	sor.u32 s1, s0  }
0xbd: {  	s0 =	sadd.s32 $0x8F2B, s0  }
0xbe: {  	[sflag:s0] =	ssyncadd.remote.s32 $0x1  }
0xbf: {  	_ =	sfence.sel $0xFFFF  }
0xc0: {  	[dreg:$0x0] =	wrdreg $0xFFFFFFFF;
	(pc) =	sbr.abs _section_cstart, $3  }
0xc1: {  	[dreg:$0x1] =	wrdreg $0xFFFFFFFF  }
0xc2: {  	_ =	task.clear_ibuf [dreg:s7], $0x2FFFF;
	_ =	strace $0x9FFFFFFF  }
0xc3: {  	(tm) =	ssettm $0x7FFFFFFF  }
tec
execute0_lowered:
.L_overlay_start_1:
0x0: {  	(tag) =	ssettag $0x1  }
0x1: {  	s5 =	rddreg [dreg:$0x0]  }
0x2: {  	s11 =	rddreg [dreg:$0x1]  }
0x3: {  	s2 =	rddreg [dreg:$0x2]  }
0x4: {  	s0 =	rddreg [dreg:$0x3]  }
0x5: {  	s3 =	simm.s32 $0x0;
	s4 =	srdreg.scid;
	s1 =	stileid.u32  }
0x6: {  	s17 =	simm.s32 $0x1;
	s18 =	simm.s32 $0x80;
	s19 =	simm.s32 $0x2800  }
0x7: {  	s20 =	simm.s32 $0x6800;
	s21 =	simm.s32 $0x2;
	s22 =	simm.s32 $0x1480  }
0x8: {  	s23 =	simm.s32 $0x3;
	s24 =	simm.s32 $0x4;
	s25 =	simm.s32 $0x0  }
0x9: {  	[smem:$0x7FF] =	sst s3;
	s6 =	sand.u32 $0x1, s4;
	s7 =	smul.u32 $0x2800, s1  }
0xa: {  	s4 =	sadd.s32 $0xEA00, s5;
	s10 =	sadd.s32 $0x4A00, s5;
	s9 =	smul.u32 $0x50000, s1  }
0xb: {  	s8 =	smul.u32 $0x28000, s6;
	s12 =	sshll.u32 s6, $0x4;
	s6 =	ssub.s32 $0x2, s6  }
0xc: {  	_ =	strace $0x80000050;
	s12 =	sor.u32 s1, s12;
	s13 =	sshrl.u32 s6, $0x1  }
0xd: {  	s9 =	sshrl.u32 s9, $0x2;
	s8 =	sadd.s32 s7, s8;
	s14 =	smul.u32 $0x2800, s12  }
0xe: {  	s13 =	ssub.s32 s6, s13;
	s16 =	sadd.s32 s9, s2;
	s29 =	smul.u32 $0x500, s12  }
0xf: {  	s6 =	sadd.s32 s4, s7;
	s15 =	sadd.s32 s8, s5;
	s5 =	sshll.u32 s1, $0x6  }
0x10: {  	s13 =	smax.u32 s13, $0x1;
	s30 =	sshrl.u32 s14, $0x3;
	s7 =	sor.u32 $0x1C01, s5  }
0x11: {  	s8 =	sadd.s32 s10, s29;
	s9 =	sadd.s32 s11, s29;
	s12 =	sadd.s32 $0x36A00, s15  }
0x12: {  	s14 =	sshrl.u32 s16, $0x3;
	s15 =	simm.s32 $0x5;
	s31 =	sadd.s32 $0x280, s30  }
0x13: {  	s16 =	simm.s32 $0x1400;
	s10 =	sadd.s32 s10, s31;
	s11 =	sadd.s32 s11, s31  }
.LBB2_1:
0x14: {  	[spmem:s14], [sflag:s7] =	dma.local [hbm:s6], $0x2800  }
0x15: {  	[tilespmem:s3], [sflag:$0x5] =	stream.linear.gather [hbm4b:s8+s3], $0x1400, $0x38;
	[tilespmem:$0x1E800] =	vst v63  }
0x16: {  	_ =	swait.ge [sflag:s15], $0x1400  }
0x17: {  	[sflag:s15] =	ssyncset.done $0x0  }
0x18: {  	[sflag:s15] =	ssyncadd.s32 $0xFFFFEC00  }
0x19: {  	[tilespmem:s16], [sflag:$0x5] =	stream.linear.gather [hbm4b:s9+s3], $0x1400, $0x38;
	[tilespmem:$0x1E800] =	vst v63  }
0x1a: {  	_ =	swait.ge [sflag:s15], $0x1400  }
0x1b: {  	[sflag:s15] =	ssyncset.done $0x0  }
0x1c: {  	[sflag:s15] =	ssyncadd.s32 $0xFFFFEC00  }
0x1d: {  	_ =	swait.ge [sflag:s17], $0x2800  }
0x1e: {  	[sflag:s17] =	ssyncset.done $0x0  }
0x1f: {  	[sflag:s17] =	ssyncadd.s32 $0xFFFFD800  }
0x20: {  	[bflag:$0x0] =	sbarrier.arrive $0xFFFF  }
0x21: {  	[tilespmem:s19], [sflag:$0x1] =	stream.indirect.gather [hbm4b:s4+s18], $0x80, s3, s18, $0xb8;
	[tilespmem:$0x1E800] =	vst v63  }
0x22: {  	_ = 	snop  }
0x23: {  	[tilespmem:s20], [sflag:$0x2] =	stream.indirect.gather [hbm4b:s4+s18], $0x80, s18, s18, $0xb8;
	[tilespmem:$0x1E800] =	vst v63  }
0x24: {  	_ =	swait.ge [sflag:s17], $0x4000  }
0x25: {  	[sflag:s17] =	ssyncset.done $0x0  }
0x26: {  	[sflag:s17] =	ssyncadd.s32 $0xFFFFC000  }
0x27: {  	[spmem:s2] =	stream.indirect.scatter.add.f32 [tilespmem:s19], [sflag:$0x3], $0x80, s16, s18, $0xb8;
	[tilespmem:$0x1E800] =	vst v63  }
0x28: {  	_ =	swait.ge [sflag:s21], $0x4000  }
0x29: {  	[sflag:s21] =	ssyncset.done $0x0  }
0x2a: {  	[sflag:s21] =	ssyncadd.s32 $0xFFFFC000  }
0x2b: {  	[spmem:s2] =	stream.indirect.scatter.add.f32 [tilespmem:s20], [sflag:$0x4], $0x80, s22, s18, $0xb8;
	[tilespmem:$0x1E800] =	vst v63  }
0x2c: {  	_ =	swait.ge [sflag:s23], $0x4000  }
0x2d: {  	[sflag:s23] =	ssyncset.done $0x0  }
0x2e: {  	s26 =	simm.s32 $0x100;
	[sflag:s23] =	ssyncadd.s32 $0xFFFFC000  }
0x2f: {  	[tilespmem:s19], [sflag:$0x1] =	stream.indirect.gather [hbm4b:s4+s18], $0x80, s26, s18, $0xb8;
	[tilespmem:$0x1E800] =	vst v63  }
0x30: {  	_ =	swait.ge [sflag:s24], $0x4000  }
0x31: {  	[sflag:s24] =	ssyncset.done $0x0  }
0x32: {  	s30 =	simm.s32 $0x180;
	[sflag:s24] =	ssyncadd.s32 $0xFFFFC000  }
0x33: {  	[tilespmem:s20], [sflag:$0x2] =	stream.indirect.gather [hbm4b:s4+s18], $0x80, s30, s18, $0xb8;
	[tilespmem:$0x1E800] =	vst v63  }
0x34: {  	_ =	swait.ge [sflag:s17], $0x4000  }
0x35: {  	[sflag:s17] =	ssyncset.done $0x0  }
0x36: {  	s31 =	simm.s32 $0x1500;
	[sflag:s17] =	ssyncadd.s32 $0xFFFFC000  }
0x37: {  	[spmem:s2] =	stream.indirect.scatter.add.f32 [tilespmem:s19], [sflag:$0x3], $0x80, s31, s18, $0xb8;
	[tilespmem:$0x1E800] =	vst v63  }
0x38: {  	_ =	swait.ge [sflag:s21], $0x4000  }
0x39: {  	[sflag:s21] =	ssyncset.done $0x0  }
0x3a: {  	s28 =	simm.s32 $0x1580;
	s26 =	simm.s32 $0xFFFFB800;
	[sflag:s21] =	ssyncadd.s32 $0xFFFFC000  }
.LBB2_2:
0x3b: {  	[spmem:s2] =	stream.indirect.scatter.add.f32 [tilespmem:s20], [sflag:$0x4], $0x80, s28, s18, $0xb8;
	[tilespmem:$0x1E800] =	vst v63  }
0x3c: {  	s28 =	smov.u32 s26  }
0x3d: {  	p0 =	sne.s32 s26, $0xFFFFFC00;
	s26 =	sadd.s32 $0x400, s26;
	_ =	swait.ge [sflag:s23], $0x4000  }
0x3e: {  	s28 =	sshra.s32 s28, $0x2;
	[sflag:s23] =	ssyncset.done $0x0  }
0x3f: {  	s29 =	sadd.s32 $0x1400, s28;
	[sflag:s23] =	ssyncadd.s32 $0xFFFFC000  }
0x40: {  	[tilespmem:s19], [sflag:$0x1] =	stream.indirect.gather [hbm4b:s4+s18], $0x80, s29, s18, $0xb8;
	[tilespmem:$0x1E800] =	vst v63  }
0x41: {  	_ =	swait.ge [sflag:s24], $0x4000  }
0x42: {  	[sflag:s24] =	ssyncset.done $0x0  }
0x43: {  	s29 =	sadd.s32 $0x1480, s28;
	[sflag:s24] =	ssyncadd.s32 $0xFFFFC000  }
0x44: {  	[tilespmem:s20], [sflag:$0x2] =	stream.indirect.gather [hbm4b:s4+s18], $0x80, s29, s18, $0xb8;
	[tilespmem:$0x1E800] =	vst v63  }
0x45: {  	_ =	swait.ge [sflag:s17], $0x4000  }
0x46: {  	[sflag:s17] =	ssyncset.done $0x0  }
.Ltmp0:
0x47: {  	s29 =	sadd.s32 $0x2800, s28;
	[sflag:s17] =	ssyncadd.s32 $0xFFFFC000;
	(pc) =	sbr.rel @p0 .LBB2_2-.Ltmp0, $4  }
0x48: {  	[spmem:s2] =	stream.indirect.scatter.add.f32 [tilespmem:s19], [sflag:$0x3], $0x80, s29, s18, $0xb8;
	[tilespmem:$0x1E800] =	vst v63  }
0x49: {  	_ =	swait.ge [sflag:s21], $0x4000  }
0x4a: {  	[sflag:s21] =	ssyncset.done $0x0  }
0x4b: {  	s28 =	sadd.s32 $0x2880, s28;
	[sflag:s21] =	ssyncadd.s32 $0xFFFFC000  }
0x4c: {  	[spmem:s2] =	stream.indirect.scatter.add.f32 [tilespmem:s20], [sflag:$0x4], $0x80, s28, s18, $0xb8;
	[tilespmem:$0x1E800] =	vst v63  }
0x4d: {  	_ =	swait.ge [sflag:s23], $0x4000  }
0x4e: {  	[sflag:s23] =	ssyncset.done $0x0  }
0x4f: {  	[sflag:s23] =	ssyncadd.s32 $0xFFFFC000  }
0x50: {  	_ =	swait.ge [sflag:s24], $0x4000  }
0x51: {  	[sflag:s24] =	ssyncset.done $0x0  }
0x52: {  	[sflag:s24] =	ssyncadd.s32 $0xFFFFC000  }
0x53: {  	[tilespmem:s3], [sflag:$0x5] =	stream.linear.gather [hbm4b:s10+s3], $0x1400, $0x38;
	[tilespmem:$0x1E800] =	vst v63  }
0x54: {  	_ =	swait.ge [sflag:s15], $0x1400  }
0x55: {  	[sflag:s15] =	ssyncset.done $0x0  }
0x56: {  	[sflag:s15] =	ssyncadd.s32 $0xFFFFEC00  }
0x57: {  	[tilespmem:s16], [sflag:$0x5] =	stream.linear.gather [hbm4b:s11+s3], $0x1400, $0x38;
	[tilespmem:$0x1E800] =	vst v63  }
0x58: {  	_ =	swait.ge [sflag:s15], $0x1400  }
0x59: {  	[sflag:s15] =	ssyncset.done $0x0  }
0x5a: {  	[sflag:s15] =	ssyncadd.s32 $0xFFFFEC00  }
0x5b: {  	[tilespmem:s19], [sflag:$0x1] =	stream.indirect.gather [hbm4b:s4+s18], $0x80, s3, s18, $0xb8;
	[tilespmem:$0x1E800] =	vst v63  }
0x5c: {  	_ = 	snop  }
0x5d: {  	[tilespmem:s20], [sflag:$0x2] =	stream.indirect.gather [hbm4b:s4+s18], $0x80, s18, s18, $0xb8;
	[tilespmem:$0x1E800] =	vst v63  }
0x5e: {  	_ =	swait.ge [sflag:s17], $0x4000  }
0x5f: {  	[sflag:s17] =	ssyncset.done $0x0  }
0x60: {  	[sflag:s17] =	ssyncadd.s32 $0xFFFFC000  }
0x61: {  	[spmem:s2] =	stream.indirect.scatter.add.f32 [tilespmem:s19], [sflag:$0x3], $0x80, s16, s18, $0xb8;
	[tilespmem:$0x1E800] =	vst v63  }
0x62: {  	_ =	swait.ge [sflag:s21], $0x4000  }
0x63: {  	[sflag:s21] =	ssyncset.done $0x0  }
0x64: {  	[sflag:s21] =	ssyncadd.s32 $0xFFFFC000  }
0x65: {  	[spmem:s2] =	stream.indirect.scatter.add.f32 [tilespmem:s20], [sflag:$0x4], $0x80, s22, s18, $0xb8;
	[tilespmem:$0x1E800] =	vst v63  }
0x66: {  	_ =	swait.ge [sflag:s23], $0x4000  }
0x67: {  	[sflag:s23] =	ssyncset.done $0x0  }
0x68: {  	s26 =	simm.s32 $0x100;
	[sflag:s23] =	ssyncadd.s32 $0xFFFFC000  }
0x69: {  	[tilespmem:s19], [sflag:$0x1] =	stream.indirect.gather [hbm4b:s4+s18], $0x80, s26, s18, $0xb8;
	[tilespmem:$0x1E800] =	vst v63  }
0x6a: {  	_ =	swait.ge [sflag:s24], $0x4000  }
0x6b: {  	[sflag:s24] =	ssyncset.done $0x0  }
0x6c: {  	s30 =	simm.s32 $0x180;
	[sflag:s24] =	ssyncadd.s32 $0xFFFFC000  }
0x6d: {  	[tilespmem:s20], [sflag:$0x2] =	stream.indirect.gather [hbm4b:s4+s18], $0x80, s30, s18, $0xb8;
	[tilespmem:$0x1E800] =	vst v63  }
0x6e: {  	_ =	swait.ge [sflag:s17], $0x4000  }
0x6f: {  	[sflag:s17] =	ssyncset.done $0x0  }
0x70: {  	s31 =	simm.s32 $0x1500;
	[sflag:s17] =	ssyncadd.s32 $0xFFFFC000  }
0x71: {  	[spmem:s2] =	stream.indirect.scatter.add.f32 [tilespmem:s19], [sflag:$0x3], $0x80, s31, s18, $0xb8;
	[tilespmem:$0x1E800] =	vst v63  }
0x72: {  	_ =	swait.ge [sflag:s21], $0x4000  }
0x73: {  	[sflag:s21] =	ssyncset.done $0x0  }
0x74: {  	s28 =	simm.s32 $0x1580;
	s26 =	simm.s32 $0xFFFFB800;
	[sflag:s21] =	ssyncadd.s32 $0xFFFFC000  }
.LBB2_4:
0x75: {  	[spmem:s2] =	stream.indirect.scatter.add.f32 [tilespmem:s20], [sflag:$0x4], $0x80, s28, s18, $0xb8;
	[tilespmem:$0x1E800] =	vst v63  }
0x76: {  	s28 =	smov.u32 s26  }
0x77: {  	p0 =	sne.s32 s26, $0xFFFFFC00;
	s26 =	sadd.s32 $0x400, s26;
	_ =	swait.ge [sflag:s23], $0x4000  }
0x78: {  	s28 =	sshra.s32 s28, $0x2;
	[sflag:s23] =	ssyncset.done $0x0  }
0x79: {  	s29 =	sadd.s32 $0x1400, s28;
	[sflag:s23] =	ssyncadd.s32 $0xFFFFC000  }
0x7a: {  	[tilespmem:s19], [sflag:$0x1] =	stream.indirect.gather [hbm4b:s4+s18], $0x80, s29, s18, $0xb8;
	[tilespmem:$0x1E800] =	vst v63  }
0x7b: {  	_ =	swait.ge [sflag:s24], $0x4000  }
0x7c: {  	[sflag:s24] =	ssyncset.done $0x0  }
0x7d: {  	s29 =	sadd.s32 $0x1480, s28;
	[sflag:s24] =	ssyncadd.s32 $0xFFFFC000  }
0x7e: {  	[tilespmem:s20], [sflag:$0x2] =	stream.indirect.gather [hbm4b:s4+s18], $0x80, s29, s18, $0xb8;
	[tilespmem:$0x1E800] =	vst v63  }
0x7f: {  	_ =	swait.ge [sflag:s17], $0x4000  }
0x80: {  	[sflag:s17] =	ssyncset.done $0x0  }
.Ltmp1:
0x81: {  	s29 =	sadd.s32 $0x2800, s28;
	[sflag:s17] =	ssyncadd.s32 $0xFFFFC000;
	(pc) =	sbr.rel @p0 .LBB2_4-.Ltmp1, $4  }
0x82: {  	[spmem:s2] =	stream.indirect.scatter.add.f32 [tilespmem:s19], [sflag:$0x3], $0x80, s29, s18, $0xb8;
	[tilespmem:$0x1E800] =	vst v63  }
0x83: {  	_ =	swait.ge [sflag:s21], $0x4000  }
0x84: {  	[sflag:s21] =	ssyncset.done $0x0  }
0x85: {  	s28 =	sadd.s32 $0x2880, s28;
	[sflag:s21] =	ssyncadd.s32 $0xFFFFC000  }
0x86: {  	[spmem:s2] =	stream.indirect.scatter.add.f32 [tilespmem:s20], [sflag:$0x4], $0x80, s28, s18, $0xb8;
	[tilespmem:$0x1E800] =	vst v63  }
0x87: {  	_ =	swait.ge [sflag:s23], $0x4000  }
0x88: {  	[sflag:s23] =	ssyncset.done $0x0  }
0x89: {  	[sflag:s23] =	ssyncadd.s32 $0xFFFFC000  }
0x8a: {  	_ =	swait.ge [sflag:s24], $0x4000  }
0x8b: {  	s25 =	sadd.s32 $0x1, s25;
	[sflag:s24] =	ssyncset.done $0x0  }
0x8c: {  	p0 =	sne.s32 s25, s13;
	[sflag:s24] =	ssyncadd.s32 $0xFFFFC000  }
.Ltmp2:
0x8d: {  	s26 =	sor.u32 $0x1C05, s5;
	[bflag:$0x0] =	sbarrier.arrive $0xFFFF;
	(pc) =	sbr.rel @p0 .LBB2_1-.Ltmp2, $4  }
0x8e: {  	[hbm:s12], [sflag:s26] =	dma.local [spmem:s14], $0x2800  }
0x8f: {  	_ =	swait.ge [sflag:s15], $0x2800  }
0x90: {  	[sflag:s15] =	ssyncset.done $0x0  }
0x91: {  	[sflag:s15] =	ssyncadd.s32 $0xFFFFD800  }
0x92: {  	_ =	sfence.sel $0x180000  }
0x93: {  	[bflag:$0x0] =	sbarrier.arrive $0xFFFF  }
0x94: {  	p0 =	sne.s32 s1, $0x0;
	_ =	strace $0x90000050  }
0x95: {  	s0 =	sadd.s32 @!p0 $0x100000, s0;
	[bflag:$0x2] =	sbarrier.arrive $0xFFFF  }
0x96: {  	[sflag:s0] =	ssyncadd.tile.s32 @!p0 $0x1;
	_ =	shalt  }
.Lfunc_end2:
_tile_overlayer_lowered:
.L_overlay_start_2:
0x97: {  	(tag) =	ssettag $0x2  }
0x98: {  	s0 =	rddreg [dreg:$0x0];
	s2 =	stileid.u32  }
0x99: {  	s1 =	rddreg [dreg:$0x1];
	p0 =	sne.s32 s2, $0x0  }
0x9a: {  	s3 =	rddreg [dreg:$0x2];
	[bflag:$0x3] =	sbarrier.arrive $0xFFFF;
	s2 =	simm.s32 @!p0 $0x1C05  }
0x9b: {  	[timem:s3], [sflag:s2] =	dma.local @!p0 [hbm:s0], s1  }
0x9c: {  	s0 =	simm.s32 @!p0 $0x5  }
0x9d: {  	_ =	swait.ge @!p0 [sflag:s0], s1  }
0x9e: {  	s1 =	ssub.s32 @!p0 $0x0, s1;
	[sflag:s0] =	ssyncset.done @!p0 $0x0  }
0x9f: {  	[sflag:s0] =	ssyncadd.s32 @!p0 s1  }
0xa0: {  	[bflag:$0x3] =	sbarrier.arrive $0xFFFF  }
0xa1: {  	_ =	shalt  }

// kernel: kernel.26.cloned.1.call-start
scs
__scs_entry_jumppad:
0x0: {  	(pc) =	sbr.rel $0x88, $3  }
0x1: {  	(tag) =	ssettag $0x0;
	lr =	simm.s32 $0x1  }
0x2: {  	[smem:$0x3F95] =	sst lr;
	_ =	strace $0xD0000000  }
0x3: {  	_ = 	snop  }
0x4: {  	_ = 	snop  }
0x5: {  	_ = 	snop  }
0x6: {  	_ = 	snop  }
0x7: {  	_ = 	snop  }
__scs_overlays_trampoline_lowered:
0x8: {  	[smem:$0x3FA4] =	sst s0  }
0x9: {  	[smem:$0x3FA5] =	sst s1  }
0xa: {  	[smem:$0x3FA6] =	sst s2  }
0xb: {  	[smem:$0x3FA7] =	sst s3  }
0xc: {  	[smem:$0x3FA8] =	sst s4  }
0xd: {  	[smem:$0x3FA9] =	sst s5  }
0xe: {  	[smem:$0x3FAA] =	sst s6  }
0xf: {  	[smem:$0x3FAB] =	sst s7  }
0x10: {  	[smem:$0x3FAC] =	sst s8  }
0x11: {  	[smem:$0x3FAD] =	sst s9;
	s0 =	simm.s32 @!p0 $0x0  }
0x12: {  	s1 =	sld [smem:$0x3F93];
	s0 =	simm.s32 @p0 $0x1  }
0x13: {  	[smem:$0x3FAE] =	sst s0;
	s0 =	simm.s32 @!p1 $0x0  }
0x14: {  	s2 =	sld [smem:$0x3F92];
	s0 =	simm.s32 @p1 $0x1  }
0x15: {  	[smem:$0x3FAF] =	sst s0;
	s0 =	simm.s32 @!p2 $0x0  }
0x16: {  	s3 =	sld [smem:$0x3FDB];
	s0 =	simm.s32 @p2 $0x1  }
0x17: {  	s4 =	simm.s32 $0x1BF5;
	[smem:$0x3FB1] =	sst s0  }
0x18: {  	s0 =	sld [smem:$0x3F94];
	_ =	swait.ge [sflag:s4], $0x0  }
0x19: {  	s7 =	sld [smem:$0x3F95]  }
0x1a: {  	s8 =	sadd.s32 $0xFFFFE003, lr  }
0x1b: {  	s9 =	sadd.s32 $0xFFFFFEF7, lr;
	s5 =	simm.s32 $0xFFFFFFFF;
	p2 =	slt.u32 s8, $0xFFFFF086  }
0x1c: {  	p1 =	slt.u32 s9, $0xF7A;
	s5 =	simm.s32 @!p2 $0x0  }
0x1d: {  	s5 =	simm.s32 @p1 $0x1;
	p0 =	seq.s32 s7, s2  }
0x1e: {  	s7 =	smul.u32 @!p0 $0xF7A, s2;
	p2 =	seq.s32 @!p0 s5, $0x0  }
0x1f: {  	s9 =	smul.u32 $0xF7A, s1;
	s8 =	simm.s32 @!p0 $0x1BF5;
	p2 =	por !p2, p0  }
0x20: {  	[sflag:s8] =	ssyncset.s32 @!p0 $0xFFFFF086;
	s6 =	sadd.s32 @!p0 s3, s7;
	s7 =	simm.s32 @!p0 $0x108  }
0x21: {  	s3 =	sadd.s32 s3, s9;
	s6 =	sadd.s32 @!p0 $0x88, s6;
	s7 =	simm.s32 @p2 $0x1082  }
0x22: {  	[simem:s7], [sflag:s8] =	dma.local @!p0 [hbm:s6], $0xF7A  }
0x23: {  	s9 =	sor.u32 $0xD0000000, s2;
	s6 =	simm.s32 $0x108;
	_ =	swait.ge @!p0 [sflag:s8], $0x0  }
0x24: {  	s3 =	sadd.s32 $0x88, s3;
	s6 =	simm.s32 @!p1 $0x1082;
	[sflag:s4] =	ssyncset.s32 $0xFFFFF086  }
0x25: {  	[simem:s6], [sflag:s4] =	dma.local [hbm:s3], $0xF7A  }
0x26: {  	[smem:$0x3F95] =	sst s1;
	(tag) =	ssettag s2;
	_ =	strace s9  }
0x27: {  	s1 =	sld [smem:$0x3FA5]  }
0x28: {  	s2 =	sld [smem:$0x3FA6]  }
0x29: {  	s4 =	sld [smem:$0x3FA8]  }
0x2a: {  	p0 =	seq.s32 s5, $0x0;
	s5 =	sld [smem:$0x3FA9]  }
0x2b: {  	s6 =	sld [smem:$0x3FAA]  }
0x2c: {  	s7 =	sld [smem:$0x3FAB]  }
0x2d: {  	s3 =	simm.s32 $0x108;
	s8 =	sld [smem:$0x3FAC]  }
0x2e: {  	s3 =	simm.s32 @!p0 $0x1082;
	s9 =	sld [smem:$0x3FAD]  }
0x2f: {  	lr =	sadd.s32 s0, s3;
	s0 =	sld [smem:$0x3FA4]  }
0x30: {  	s3 =	sld [smem:$0x3FA7]  }
0x31: {  	[smem:$0x3FB0] =	sst s10  }
0x32: {  	s10 =	sld [smem:$0x3FAE];
	_ =	sdelay $0x3  }
0x33: {  	p0 =	seq.s32 s10, $0x1;
	s10 =	sld [smem:$0x3FB0];
	_ =	sdelay $0x3  }
0x34: {  	[smem:$0x3FB0] =	sst s10  }
0x35: {  	s10 =	sld [smem:$0x3FAF];
	_ =	sdelay $0x3  }
0x36: {  	p1 =	seq.s32 s10, $0x1;
	s10 =	sld [smem:$0x3FB0];
	_ =	sdelay $0x3  }
0x37: {  	[smem:$0x3FB0] =	sst s10  }
0x38: {  	s10 =	sld [smem:$0x3FB1]  }
0x39: {  	_ = 	snop;
	(pc) =	sbr.ind lr, $3  }
0x3a: {  	_ = 	snop  }
0x3b: {  	_ = 	snop  }
0x3c: {  	p2 =	seq.s32 s10, $0x1;
	s10 =	sld [smem:$0x3FB0]  }
0x3d: {  	_ =	shalt  }
0x3e: {  	_ =	shalt  }
0x3f: {  	_ =	shalt  }
0x40: {  	_ =	shalt  }
0x41: {  	_ =	shalt  }
0x42: {  	_ =	shalt  }
0x43: {  	_ =	shalt  }
0x44: {  	_ =	shalt  }
0x45: {  	_ =	shalt  }
0x46: {  	_ =	shalt  }
0x47: {  	_ =	shalt  }
0x48: {  	_ =	shalt  }
0x49: {  	_ =	shalt  }
0x4a: {  	_ =	shalt  }
0x4b: {  	_ =	shalt  }
0x4c: {  	_ =	shalt  }
0x4d: {  	_ =	shalt  }
0x4e: {  	_ =	shalt  }
0x4f: {  	_ =	shalt  }
0x50: {  	_ =	shalt  }
0x51: {  	_ =	shalt  }
0x52: {  	_ =	shalt  }
0x53: {  	_ =	shalt  }
0x54: {  	_ =	shalt  }
0x55: {  	_ =	shalt  }
0x56: {  	_ =	shalt  }
0x57: {  	_ =	shalt  }
0x58: {  	_ =	shalt  }
0x59: {  	_ =	shalt  }
0x5a: {  	_ =	shalt  }
0x5b: {  	_ =	shalt  }
0x5c: {  	_ =	shalt  }
0x5d: {  	_ =	shalt  }
0x5e: {  	_ =	shalt  }
0x5f: {  	_ =	shalt  }
0x60: {  	_ =	shalt  }
0x61: {  	_ =	shalt  }
0x62: {  	_ =	shalt  }
0x63: {  	_ =	shalt  }
0x64: {  	_ =	shalt  }
0x65: {  	_ =	shalt  }
0x66: {  	_ =	shalt  }
0x67: {  	_ =	shalt  }
0x68: {  	_ =	shalt  }
0x69: {  	_ =	shalt  }
0x6a: {  	_ =	shalt  }
0x6b: {  	_ =	shalt  }
0x6c: {  	_ =	shalt  }
0x6d: {  	_ =	shalt  }
0x6e: {  	_ =	shalt  }
0x6f: {  	_ =	shalt  }
0x70: {  	_ =	shalt  }
0x71: {  	_ =	shalt  }
0x72: {  	_ =	shalt  }
0x73: {  	_ =	shalt  }
0x74: {  	_ =	shalt  }
0x75: {  	_ =	shalt  }
0x76: {  	_ =	shalt  }
0x77: {  	_ =	shalt  }
0x78: {  	_ =	shalt  }
0x79: {  	_ =	shalt  }
0x7a: {  	_ =	shalt  }
0x7b: {  	_ =	shalt  }
0x7c: {  	_ =	shalt  }
0x7d: {  	_ =	shalt  }
0x7e: {  	_ =	shalt  }
0x7f: {  	_ =	shalt  }
0x80: {  	_ =	shalt  }
0x81: {  	_ =	shalt  }
0x82: {  	_ =	shalt  }
0x83: {  	_ =	shalt  }
0x84: {  	_ =	shalt  }
0x85: {  	_ =	shalt  }
0x86: {  	_ =	shalt  }
0x87: {  	_ =	shalt  }
.Lfunc_end0:
.L_simem_size_0:
called_computation.4_lowered:
.L_overlay_start_0:
0x88: {  	s2 =	sld [smem:$0x3FD9]  }
0x89: {  	s3 =	sld [smem:$0x3FFE];
	_ =	sdelay $0x1  }
0x8a: {  	s1 =	srdreg.scid  }
0x8b: {  	s0 =	sand.u32 $0x1, s1  }
0x8c: {  	s17 =	sshll.u32 s0, $0xA;
	s2 =	sadd.s32 s3, s2  }
0x8d: {  	s2 =	sadd.s32 s2, s17  }
0x8e: {  	[smem:$0x3FBC] =	sst s2  }
0x8f: {  	_ = 	snop  }
0x90: {  	s2 =	sld [smem:$0x3FD0];
	(tm) =	ssettm $0x1  }
0x91: {  	s18 =	sld [smem:$0x3FFB];
	_ =	sdelay $0x3  }
0x92: {  	_ =	strace s18  }
0x93: {  	s3 =	sld [smem:$0x3FFC];
	_ =	sdelay $0x3  }
0x94: {  	_ =	strace s3  }
0x95: {  	s3 =	sld [smem:$0x3FFD];
	_ =	sdelay $0x3  }
0x96: {  	_ =	strace s3  }
0x97: {  	_ =	strace $0x8FFFFFFF  }
0x98: {  	s19 =	sld [smem:$0x3FDB];
	_ =	sdelay $0x1  }
0x99: {  	s4 =	simm.s32 $_scs_section_size  }
0x9a: {  	s5 =	simm.s32 $_size__tile_overlayer_lowered;
	s6 =	simm.s32 $_tile_overlayer_lowered  }
0x9b: {  	s22 =	simm.s32 $0x1BFF;
	s21 =	sshll.u32 s6, $0x1;
	s3 =	sadd.s32 s4, s19  }
0x9c: {  	s7 =	simm.s32 $0x0;
	s20 =	sshll.u32 s5, $0x1;
	s5 =	sadd.s32 s21, s3  }
0x9d: {  	[timem:s7], [sflag:s22] =	dma.local [hbm:s5], s20  }
0x9e: {  	_ =	swait.ge [sflag:s22], s20  }
0x9f: {  	s4 =	ssub.s32 $0x0, s20;
	[sflag:s22] =	ssyncset.done $0x0  }
0xa0: {  	[sflag:s22] =	ssyncadd.s32 s4;
	_ =	sdelay $0x1  }
0xa1: {  	s23 =	simm.s32 $0x1B8B  }
0xa2: {  	_ =	swait.ge [sflag:s23], $0x1  }
0xa3: {  	[sflag:s23] =	ssyncset.done $0x0  }
0xa4: {  	s25 =	simm.s32 $0x1B8E;
	s24 =	sld [smem:$0x3FFE];
	[sflag:s23] =	ssyncadd.s32 $0xFFFFFFFF  }
0xa5: {  	s26 =	simm.s32 $execute0_lowered;
	[smem:$0x3FD2] =	sst s25  }
0xa6: {  	s5 =	sshll.u32 s26, $0x1;
	_ =	strace $0x80000052;
	[dreg:$0x1] =	wrdreg $0xFFFFFFFF  }
0xa7: {  	s28 =	simm.s32 $_size_execute0_lowered;
	s3 =	sadd.s32 s3, s5;
	[dreg:$0x0] =	wrdreg $0x0  }
0xa8: {  	s5 =	sshll.u32 s28, $0x1;
	[dreg:$0x2] =	wrdreg s3  }
0xa9: {  	[dreg:$0x3] =	wrdreg s5  }
0xaa: {  	[dreg:$0x4] =	wrdreg $0xC0  }
0xab: {  	_ =	task [dreg:s7], $0x5FFFF  }
0xac: {  	[dreg:$0x1] =	wrdreg $0xFFFFFFFF  }
0xad: {  	[dreg:$0x0] =	wrdreg $0x60  }
0xae: {  	[dreg:$0x2] =	wrdreg s24  }
0xaf: {  	[dreg:$0x3] =	wrdreg s2  }
0xb0: {  	[dreg:$0x4] =	wrdreg $0xA8000  }
0xb1: {  	[dreg:$0x5] =	wrdreg $0x9  }
0xb2: {  	_ =	task.clear_ibuf [dreg:s7], $0x6FFFF;
	_ =	strace $0x90000052  }
0xb3: {  	s29 =	simm.s32 $0x9;
	_ =	strace $0x80000054  }
0xb4: {  	_ =	swait.ge [sflag:s29], $0x1  }
0xb5: {  	[sflag:s29] =	ssyncadd.s32 $0xFFFFFFFF  }
0xb6: {  	_ =	strace $0x90000054  }
0xb7: {  	_ =	sfence  }
0xb8: {  	s30 =	sld [smem:$0x0];
	_ =	sdelay $0x2  }
0xb9: {  	s31 =	sshll.u32 s1, $0xD;
	s1 =	sshrl.u32 s1, $0x2  }
0xba: {  	s3 =	sand.u32 $0x4000, s31;
	s1 =	sadd.s32 s1, s30  }
0xbb: {  	s0 =	sor.u32 s3, s0;
	s1 =	sshll.u32 s1, $0x11  }
0xbc: {  	s0 =	sor.u32 s1, s0  }
0xbd: {  	s0 =	sadd.s32 $0x8F2B, s0  }
0xbe: {  	[sflag:s0] =	ssyncadd.remote.s32 $0x1  }
0xbf: {  	_ =	sfence.sel $0xFFFF  }
0xc0: {  	[dreg:$0x0] =	wrdreg $0xFFFFFFFF;
	(pc) =	sbr.abs _section_cstart, $3  }
0xc1: {  	[dreg:$0x1] =	wrdreg $0xFFFFFFFF  }
0xc2: {  	_ =	task.clear_ibuf [dreg:s7], $0x2FFFF;
	_ =	strace $0x9FFFFFFF  }
0xc3: {  	(tm) =	ssettm $0x7FFFFFFF  }
tec
execute0_lowered:
.L_overlay_start_1:
0x0: {  	(tag) =	ssettag $0x1  }
0x1: {  	s5 =	rddreg [dreg:$0x0]  }
0x2: {  	s11 =	rddreg [dreg:$0x1]  }
0x3: {  	s2 =	rddreg [dreg:$0x2]  }
0x4: {  	s0 =	rddreg [dreg:$0x3]  }
0x5: {  	s3 =	simm.s32 $0x0;
	s4 =	srdreg.scid;
	s1 =	stileid.u32  }
0x6: {  	s17 =	simm.s32 $0x1;
	s18 =	simm.s32 $0x80;
	s19 =	simm.s32 $0x2800  }
0x7: {  	s20 =	simm.s32 $0x6800;
	s21 =	simm.s32 $0x2;
	s22 =	simm.s32 $0x1480  }
0x8: {  	s23 =	simm.s32 $0x3;
	s24 =	simm.s32 $0x4;
	s25 =	simm.s32 $0x0  }
0x9: {  	[smem:$0x7FF] =	sst s3;
	s6 =	sand.u32 $0x1, s4;
	s7 =	smul.u32 $0x2800, s1  }
0xa: {  	s4 =	sadd.s32 $0xEA00, s5;
	s10 =	sadd.s32 $0x4A00, s5;
	s9 =	smul.u32 $0x50000, s1  }
0xb: {  	s8 =	smul.u32 $0x28000, s6;
	s12 =	sshll.u32 s6, $0x4;
	s6 =	ssub.s32 $0x2, s6  }
0xc: {  	_ =	strace $0x80000053;
	s12 =	sor.u32 s1, s12;
	s13 =	sshrl.u32 s6, $0x1  }
0xd: {  	s9 =	sshrl.u32 s9, $0x2;
	s8 =	sadd.s32 s7, s8;
	s14 =	smul.u32 $0x2800, s12  }
0xe: {  	s13 =	ssub.s32 s6, s13;
	s16 =	sadd.s32 s9, s2;
	s29 =	smul.u32 $0x500, s12  }
0xf: {  	s6 =	sadd.s32 s4, s7;
	s15 =	sadd.s32 s8, s5;
	s5 =	sshll.u32 s1, $0x6  }
0x10: {  	s13 =	smax.u32 s13, $0x1;
	s30 =	sshrl.u32 s14, $0x3;
	s7 =	sor.u32 $0x1C01, s5  }
0x11: {  	s8 =	sadd.s32 s10, s29;
	s9 =	sadd.s32 s11, s29;
	s12 =	sadd.s32 $0x36A00, s15  }
0x12: {  	s14 =	sshrl.u32 s16, $0x3;
	s15 =	simm.s32 $0x5;
	s31 =	sadd.s32 $0x280, s30  }
0x13: {  	s16 =	simm.s32 $0x1400;
	s10 =	sadd.s32 s10, s31;
	s11 =	sadd.s32 s11, s31  }
.LBB2_1:
0x14: {  	[spmem:s14], [sflag:s7] =	dma.local [hbm:s6], $0x2800  }
0x15: {  	[tilespmem:s3], [sflag:$0x5] =	stream.linear.gather [hbm4b:s8+s3], $0x1400, $0x38;
	[tilespmem:$0x1E800] =	vst v63  }
0x16: {  	_ =	swait.ge [sflag:s15], $0x1400  }
0x17: {  	[sflag:s15] =	ssyncset.done $0x0  }
0x18: {  	[sflag:s15] =	ssyncadd.s32 $0xFFFFEC00  }
0x19: {  	[tilespmem:s16], [sflag:$0x5] =	stream.linear.gather [hbm4b:s9+s3], $0x1400, $0x38;
	[tilespmem:$0x1E800] =	vst v63  }
0x1a: {  	_ =	swait.ge [sflag:s15], $0x1400  }
0x1b: {  	[sflag:s15] =	ssyncset.done $0x0  }
0x1c: {  	[sflag:s15] =	ssyncadd.s32 $0xFFFFEC00  }
0x1d: {  	_ =	swait.ge [sflag:s17], $0x2800  }
0x1e: {  	[sflag:s17] =	ssyncset.done $0x0  }
0x1f: {  	[sflag:s17] =	ssyncadd.s32 $0xFFFFD800  }
0x20: {  	[bflag:$0x0] =	sbarrier.arrive $0xFFFF  }
0x21: {  	[tilespmem:s19], [sflag:$0x1] =	stream.indirect.gather [hbm4b:s4+s18], $0x80, s3, s18, $0xb8;
	[tilespmem:$0x1E800] =	vst v63  }
0x22: {  	_ = 	snop  }
0x23: {  	[tilespmem:s20], [sflag:$0x2] =	stream.indirect.gather [hbm4b:s4+s18], $0x80, s18, s18, $0xb8;
	[tilespmem:$0x1E800] =	vst v63  }
0x24: {  	_ =	swait.ge [sflag:s17], $0x4000  }
0x25: {  	[sflag:s17] =	ssyncset.done $0x0  }
0x26: {  	[sflag:s17] =	ssyncadd.s32 $0xFFFFC000  }
0x27: {  	[spmem:s2] =	stream.indirect.scatter.add.f32 [tilespmem:s19], [sflag:$0x3], $0x80, s16, s18, $0xb8;
	[tilespmem:$0x1E800] =	vst v63  }
0x28: {  	_ =	swait.ge [sflag:s21], $0x4000  }
0x29: {  	[sflag:s21] =	ssyncset.done $0x0  }
0x2a: {  	[sflag:s21] =	ssyncadd.s32 $0xFFFFC000  }
0x2b: {  	[spmem:s2] =	stream.indirect.scatter.add.f32 [tilespmem:s20], [sflag:$0x4], $0x80, s22, s18, $0xb8;
	[tilespmem:$0x1E800] =	vst v63  }
0x2c: {  	_ =	swait.ge [sflag:s23], $0x4000  }
0x2d: {  	[sflag:s23] =	ssyncset.done $0x0  }
0x2e: {  	s26 =	simm.s32 $0x100;
	[sflag:s23] =	ssyncadd.s32 $0xFFFFC000  }
0x2f: {  	[tilespmem:s19], [sflag:$0x1] =	stream.indirect.gather [hbm4b:s4+s18], $0x80, s26, s18, $0xb8;
	[tilespmem:$0x1E800] =	vst v63  }
0x30: {  	_ =	swait.ge [sflag:s24], $0x4000  }
0x31: {  	[sflag:s24] =	ssyncset.done $0x0  }
0x32: {  	s30 =	simm.s32 $0x180;
	[sflag:s24] =	ssyncadd.s32 $0xFFFFC000  }
0x33: {  	[tilespmem:s20], [sflag:$0x2] =	stream.indirect.gather [hbm4b:s4+s18], $0x80, s30, s18, $0xb8;
	[tilespmem:$0x1E800] =	vst v63  }
0x34: {  	_ =	swait.ge [sflag:s17], $0x4000  }
0x35: {  	[sflag:s17] =	ssyncset.done $0x0  }
0x36: {  	s31 =	simm.s32 $0x1500;
	[sflag:s17] =	ssyncadd.s32 $0xFFFFC000  }
0x37: {  	[spmem:s2] =	stream.indirect.scatter.add.f32 [tilespmem:s19], [sflag:$0x3], $0x80, s31, s18, $0xb8;
	[tilespmem:$0x1E800] =	vst v63  }
0x38: {  	_ =	swait.ge [sflag:s21], $0x4000  }
0x39: {  	[sflag:s21] =	ssyncset.done $0x0  }
0x3a: {  	s28 =	simm.s32 $0x1580;
	s26 =	simm.s32 $0xFFFFB800;
	[sflag:s21] =	ssyncadd.s32 $0xFFFFC000  }
.LBB2_2:
0x3b: {  	[spmem:s2] =	stream.indirect.scatter.add.f32 [tilespmem:s20], [sflag:$0x4], $0x80, s28, s18, $0xb8;
	[tilespmem:$0x1E800] =	vst v63  }
0x3c: {  	s28 =	smov.u32 s26  }
0x3d: {  	p0 =	sne.s32 s26, $0xFFFFFC00;
	s26 =	sadd.s32 $0x400, s26;
	_ =	swait.ge [sflag:s23], $0x4000  }
0x3e: {  	s28 =	sshra.s32 s28, $0x2;
	[sflag:s23] =	ssyncset.done $0x0  }
0x3f: {  	s29 =	sadd.s32 $0x1400, s28;
	[sflag:s23] =	ssyncadd.s32 $0xFFFFC000  }
0x40: {  	[tilespmem:s19], [sflag:$0x1] =	stream.indirect.gather [hbm4b:s4+s18], $0x80, s29, s18, $0xb8;
	[tilespmem:$0x1E800] =	vst v63  }
0x41: {  	_ =	swait.ge [sflag:s24], $0x4000  }
0x42: {  	[sflag:s24] =	ssyncset.done $0x0  }
0x43: {  	s29 =	sadd.s32 $0x1480, s28;
	[sflag:s24] =	ssyncadd.s32 $0xFFFFC000  }
0x44: {  	[tilespmem:s20], [sflag:$0x2] =	stream.indirect.gather [hbm4b:s4+s18], $0x80, s29, s18, $0xb8;
	[tilespmem:$0x1E800] =	vst v63  }
0x45: {  	_ =	swait.ge [sflag:s17], $0x4000  }
0x46: {  	[sflag:s17] =	ssyncset.done $0x0  }
.Ltmp0:
0x47: {  	s29 =	sadd.s32 $0x2800, s28;
	[sflag:s17] =	ssyncadd.s32 $0xFFFFC000;
	(pc) =	sbr.rel @p0 .LBB2_2-.Ltmp0, $4  }
0x48: {  	[spmem:s2] =	stream.indirect.scatter.add.f32 [tilespmem:s19], [sflag:$0x3], $0x80, s29, s18, $0xb8;
	[tilespmem:$0x1E800] =	vst v63  }
0x49: {  	_ =	swait.ge [sflag:s21], $0x4000  }
0x4a: {  	[sflag:s21] =	ssyncset.done $0x0  }
0x4b: {  	s28 =	sadd.s32 $0x2880, s28;
	[sflag:s21] =	ssyncadd.s32 $0xFFFFC000  }
0x4c: {  	[spmem:s2] =	stream.indirect.scatter.add.f32 [tilespmem:s20], [sflag:$0x4], $0x80, s28, s18, $0xb8;
	[tilespmem:$0x1E800] =	vst v63  }
0x4d: {  	_ =	swait.ge [sflag:s23], $0x4000  }
0x4e: {  	[sflag:s23] =	ssyncset.done $0x0  }
0x4f: {  	[sflag:s23] =	ssyncadd.s32 $0xFFFFC000  }
0x50: {  	_ =	swait.ge [sflag:s24], $0x4000  }
0x51: {  	[sflag:s24] =	ssyncset.done $0x0  }
0x52: {  	[sflag:s24] =	ssyncadd.s32 $0xFFFFC000  }
0x53: {  	[tilespmem:s3], [sflag:$0x5] =	stream.linear.gather [hbm4b:s10+s3], $0x1400, $0x38;
	[tilespmem:$0x1E800] =	vst v63  }
0x54: {  	_ =	swait.ge [sflag:s15], $0x1400  }
0x55: {  	[sflag:s15] =	ssyncset.done $0x0  }
0x56: {  	[sflag:s15] =	ssyncadd.s32 $0xFFFFEC00  }
0x57: {  	[tilespmem:s16], [sflag:$0x5] =	stream.linear.gather [hbm4b:s11+s3], $0x1400, $0x38;
	[tilespmem:$0x1E800] =	vst v63  }
0x58: {  	_ =	swait.ge [sflag:s15], $0x1400  }
0x59: {  	[sflag:s15] =	ssyncset.done $0x0  }
0x5a: {  	[sflag:s15] =	ssyncadd.s32 $0xFFFFEC00  }
0x5b: {  	[tilespmem:s19], [sflag:$0x1] =	stream.indirect.gather [hbm4b:s4+s18], $0x80, s3, s18, $0xb8;
	[tilespmem:$0x1E800] =	vst v63  }
0x5c: {  	_ = 	snop  }
0x5d: {  	[tilespmem:s20], [sflag:$0x2] =	stream.indirect.gather [hbm4b:s4+s18], $0x80, s18, s18, $0xb8;
	[tilespmem:$0x1E800] =	vst v63  }
0x5e: {  	_ =	swait.ge [sflag:s17], $0x4000  }
0x5f: {  	[sflag:s17] =	ssyncset.done $0x0  }
0x60: {  	[sflag:s17] =	ssyncadd.s32 $0xFFFFC000  }
0x61: {  	[spmem:s2] =	stream.indirect.scatter.add.f32 [tilespmem:s19], [sflag:$0x3], $0x80, s16, s18, $0xb8;
	[tilespmem:$0x1E800] =	vst v63  }
0x62: {  	_ =	swait.ge [sflag:s21], $0x4000  }
0x63: {  	[sflag:s21] =	ssyncset.done $0x0  }
0x64: {  	[sflag:s21] =	ssyncadd.s32 $0xFFFFC000  }
0x65: {  	[spmem:s2] =	stream.indirect.scatter.add.f32 [tilespmem:s20], [sflag:$0x4], $0x80, s22, s18, $0xb8;
	[tilespmem:$0x1E800] =	vst v63  }
0x66: {  	_ =	swait.ge [sflag:s23], $0x4000  }
0x67: {  	[sflag:s23] =	ssyncset.done $0x0  }
0x68: {  	s26 =	simm.s32 $0x100;
	[sflag:s23] =	ssyncadd.s32 $0xFFFFC000  }
0x69: {  	[tilespmem:s19], [sflag:$0x1] =	stream.indirect.gather [hbm4b:s4+s18], $0x80, s26, s18, $0xb8;
	[tilespmem:$0x1E800] =	vst v63  }
0x6a: {  	_ =	swait.ge [sflag:s24], $0x4000  }
0x6b: {  	[sflag:s24] =	ssyncset.done $0x0  }
0x6c: {  	s30 =	simm.s32 $0x180;
	[sflag:s24] =	ssyncadd.s32 $0xFFFFC000  }
0x6d: {  	[tilespmem:s20], [sflag:$0x2] =	stream.indirect.gather [hbm4b:s4+s18], $0x80, s30, s18, $0xb8;
	[tilespmem:$0x1E800] =	vst v63  }
0x6e: {  	_ =	swait.ge [sflag:s17], $0x4000  }
0x6f: {  	[sflag:s17] =	ssyncset.done $0x0  }
0x70: {  	s31 =	simm.s32 $0x1500;
	[sflag:s17] =	ssyncadd.s32 $0xFFFFC000  }
0x71: {  	[spmem:s2] =	stream.indirect.scatter.add.f32 [tilespmem:s19], [sflag:$0x3], $0x80, s31, s18, $0xb8;
	[tilespmem:$0x1E800] =	vst v63  }
0x72: {  	_ =	swait.ge [sflag:s21], $0x4000  }
0x73: {  	[sflag:s21] =	ssyncset.done $0x0  }
0x74: {  	s28 =	simm.s32 $0x1580;
	s26 =	simm.s32 $0xFFFFB800;
	[sflag:s21] =	ssyncadd.s32 $0xFFFFC000  }
.LBB2_4:
0x75: {  	[spmem:s2] =	stream.indirect.scatter.add.f32 [tilespmem:s20], [sflag:$0x4], $0x80, s28, s18, $0xb8;
	[tilespmem:$0x1E800] =	vst v63  }
0x76: {  	s28 =	smov.u32 s26  }
0x77: {  	p0 =	sne.s32 s26, $0xFFFFFC00;
	s26 =	sadd.s32 $0x400, s26;
	_ =	swait.ge [sflag:s23], $0x4000  }
0x78: {  	s28 =	sshra.s32 s28, $0x2;
	[sflag:s23] =	ssyncset.done $0x0  }
0x79: {  	s29 =	sadd.s32 $0x1400, s28;
	[sflag:s23] =	ssyncadd.s32 $0xFFFFC000  }
0x7a: {  	[tilespmem:s19], [sflag:$0x1] =	stream.indirect.gather [hbm4b:s4+s18], $0x80, s29, s18, $0xb8;
	[tilespmem:$0x1E800] =	vst v63  }
0x7b: {  	_ =	swait.ge [sflag:s24], $0x4000  }
0x7c: {  	[sflag:s24] =	ssyncset.done $0x0  }
0x7d: {  	s29 =	sadd.s32 $0x1480, s28;
	[sflag:s24] =	ssyncadd.s32 $0xFFFFC000  }
0x7e: {  	[tilespmem:s20], [sflag:$0x2] =	stream.indirect.gather [hbm4b:s4+s18], $0x80, s29, s18, $0xb8;
	[tilespmem:$0x1E800] =	vst v63  }
0x7f: {  	_ =	swait.ge [sflag:s17], $0x4000  }
0x80: {  	[sflag:s17] =	ssyncset.done $0x0  }
.Ltmp1:
0x81: {  	s29 =	sadd.s32 $0x2800, s28;
	[sflag:s17] =	ssyncadd.s32 $0xFFFFC000;
	(pc) =	sbr.rel @p0 .LBB2_4-.Ltmp1, $4  }
0x82: {  	[spmem:s2] =	stream.indirect.scatter.add.f32 [tilespmem:s19], [sflag:$0x3], $0x80, s29, s18, $0xb8;
	[tilespmem:$0x1E800] =	vst v63  }
0x83: {  	_ =	swait.ge [sflag:s21], $0x4000  }
0x84: {  	[sflag:s21] =	ssyncset.done $0x0  }
0x85: {  	s28 =	sadd.s32 $0x2880, s28;
	[sflag:s21] =	ssyncadd.s32 $0xFFFFC000  }
0x86: {  	[spmem:s2] =	stream.indirect.scatter.add.f32 [tilespmem:s20], [sflag:$0x4], $0x80, s28, s18, $0xb8;
	[tilespmem:$0x1E800] =	vst v63  }
0x87: {  	_ =	swait.ge [sflag:s23], $0x4000  }
0x88: {  	[sflag:s23] =	ssyncset.done $0x0  }
0x89: {  	[sflag:s23] =	ssyncadd.s32 $0xFFFFC000  }
0x8a: {  	_ =	swait.ge [sflag:s24], $0x4000  }
0x8b: {  	s25 =	sadd.s32 $0x1, s25;
	[sflag:s24] =	ssyncset.done $0x0  }
0x8c: {  	p0 =	sne.s32 s25, s13;
	[sflag:s24] =	ssyncadd.s32 $0xFFFFC000  }
.Ltmp2:
0x8d: {  	s26 =	sor.u32 $0x1C05, s5;
	[bflag:$0x0] =	sbarrier.arrive $0xFFFF;
	(pc) =	sbr.rel @p0 .LBB2_1-.Ltmp2, $4  }
0x8e: {  	[hbm:s12], [sflag:s26] =	dma.local [spmem:s14], $0x2800  }
0x8f: {  	_ =	swait.ge [sflag:s15], $0x2800  }
0x90: {  	[sflag:s15] =	ssyncset.done $0x0  }
0x91: {  	[sflag:s15] =	ssyncadd.s32 $0xFFFFD800  }
0x92: {  	_ =	sfence.sel $0x180000  }
0x93: {  	[bflag:$0x0] =	sbarrier.arrive $0xFFFF  }
0x94: {  	p0 =	sne.s32 s1, $0x0;
	_ =	strace $0x90000053  }
0x95: {  	s0 =	sadd.s32 @!p0 $0x100000, s0;
	[bflag:$0x2] =	sbarrier.arrive $0xFFFF  }
0x96: {  	[sflag:s0] =	ssyncadd.tile.s32 @!p0 $0x1;
	_ =	shalt  }
.Lfunc_end2:
_tile_overlayer_lowered:
.L_overlay_start_2:
0x97: {  	(tag) =	ssettag $0x2  }
0x98: {  	s0 =	rddreg [dreg:$0x0];
	s2 =	stileid.u32  }
0x99: {  	s1 =	rddreg [dreg:$0x1];
	p0 =	sne.s32 s2, $0x0  }
0x9a: {  	s3 =	rddreg [dreg:$0x2];
	[bflag:$0x3] =	sbarrier.arrive $0xFFFF;
	s2 =	simm.s32 @!p0 $0x1C05  }
0x9b: {  	[timem:s3], [sflag:s2] =	dma.local @!p0 [hbm:s0], s1  }
0x9c: {  	s0 =	simm.s32 @!p0 $0x5  }
0x9d: {  	_ =	swait.ge @!p0 [sflag:s0], s1  }
0x9e: {  	s1 =	ssub.s32 @!p0 $0x0, s1;
	[sflag:s0] =	ssyncset.done @!p0 $0x0  }
0x9f: {  	[sflag:s0] =	ssyncadd.s32 @!p0 s1  }
0xa0: {  	[bflag:$0x3] =	sbarrier.arrive $0xFFFF  }
0xa1: {  	_ =	shalt  }

// kernel: kernel.29.cloned.1.call-start
scs
__scs_entry_jumppad:
0x0: {  	(pc) =	sbr.rel $0x88, $3  }
0x1: {  	(tag) =	ssettag $0x0;
	lr =	simm.s32 $0x1  }
0x2: {  	[smem:$0x3F95] =	sst lr;
	_ =	strace $0xD0000000  }
0x3: {  	_ = 	snop  }
0x4: {  	_ = 	snop  }
0x5: {  	_ = 	snop  }
0x6: {  	_ = 	snop  }
0x7: {  	_ = 	snop  }
__scs_overlays_trampoline_lowered:
0x8: {  	[smem:$0x3FA4] =	sst s0  }
0x9: {  	[smem:$0x3FA5] =	sst s1  }
0xa: {  	[smem:$0x3FA6] =	sst s2  }
0xb: {  	[smem:$0x3FA7] =	sst s3  }
0xc: {  	[smem:$0x3FA8] =	sst s4  }
0xd: {  	[smem:$0x3FA9] =	sst s5  }
0xe: {  	[smem:$0x3FAA] =	sst s6  }
0xf: {  	[smem:$0x3FAB] =	sst s7  }
0x10: {  	[smem:$0x3FAC] =	sst s8  }
0x11: {  	[smem:$0x3FAD] =	sst s9;
	s0 =	simm.s32 @!p0 $0x0  }
0x12: {  	s1 =	sld [smem:$0x3F93];
	s0 =	simm.s32 @p0 $0x1  }
0x13: {  	[smem:$0x3FAE] =	sst s0;
	s0 =	simm.s32 @!p1 $0x0  }
0x14: {  	s2 =	sld [smem:$0x3F92];
	s0 =	simm.s32 @p1 $0x1  }
0x15: {  	[smem:$0x3FAF] =	sst s0;
	s0 =	simm.s32 @!p2 $0x0  }
0x16: {  	s3 =	sld [smem:$0x3FDB];
	s0 =	simm.s32 @p2 $0x1  }
0x17: {  	s4 =	simm.s32 $0x1BF5;
	[smem:$0x3FB1] =	sst s0  }
0x18: {  	s0 =	sld [smem:$0x3F94];
	_ =	swait.ge [sflag:s4], $0x0  }
0x19: {  	s7 =	sld [smem:$0x3F95]  }
0x1a: {  	s8 =	sadd.s32 $0xFFFFE003, lr  }
0x1b: {  	s9 =	sadd.s32 $0xFFFFFEF7, lr;
	s5 =	simm.s32 $0xFFFFFFFF;
	p2 =	slt.u32 s8, $0xFFFFF086  }
0x1c: {  	p1 =	slt.u32 s9, $0xF7A;
	s5 =	simm.s32 @!p2 $0x0  }
0x1d: {  	s5 =	simm.s32 @p1 $0x1;
	p0 =	seq.s32 s7, s2  }
0x1e: {  	s7 =	smul.u32 @!p0 $0xF7A, s2;
	p2 =	seq.s32 @!p0 s5, $0x0  }
0x1f: {  	s9 =	smul.u32 $0xF7A, s1;
	s8 =	simm.s32 @!p0 $0x1BF5;
	p2 =	por !p2, p0  }
0x20: {  	[sflag:s8] =	ssyncset.s32 @!p0 $0xFFFFF086;
	s6 =	sadd.s32 @!p0 s3, s7;
	s7 =	simm.s32 @!p0 $0x108  }
0x21: {  	s3 =	sadd.s32 s3, s9;
	s6 =	sadd.s32 @!p0 $0x88, s6;
	s7 =	simm.s32 @p2 $0x1082  }
0x22: {  	[simem:s7], [sflag:s8] =	dma.local @!p0 [hbm:s6], $0xF7A  }
0x23: {  	s9 =	sor.u32 $0xD0000000, s2;
	s6 =	simm.s32 $0x108;
	_ =	swait.ge @!p0 [sflag:s8], $0x0  }
0x24: {  	s3 =	sadd.s32 $0x88, s3;
	s6 =	simm.s32 @!p1 $0x1082;
	[sflag:s4] =	ssyncset.s32 $0xFFFFF086  }
0x25: {  	[simem:s6], [sflag:s4] =	dma.local [hbm:s3], $0xF7A  }
0x26: {  	[smem:$0x3F95] =	sst s1;
	(tag) =	ssettag s2;
	_ =	strace s9  }
0x27: {  	s1 =	sld [smem:$0x3FA5]  }
0x28: {  	s2 =	sld [smem:$0x3FA6]  }
0x29: {  	s4 =	sld [smem:$0x3FA8]  }
0x2a: {  	p0 =	seq.s32 s5, $0x0;
	s5 =	sld [smem:$0x3FA9]  }
0x2b: {  	s6 =	sld [smem:$0x3FAA]  }
0x2c: {  	s7 =	sld [smem:$0x3FAB]  }
0x2d: {  	s3 =	simm.s32 $0x108;
	s8 =	sld [smem:$0x3FAC]  }
0x2e: {  	s3 =	simm.s32 @!p0 $0x1082;
	s9 =	sld [smem:$0x3FAD]  }
0x2f: {  	lr =	sadd.s32 s0, s3;
	s0 =	sld [smem:$0x3FA4]  }
0x30: {  	s3 =	sld [smem:$0x3FA7]  }
0x31: {  	[smem:$0x3FB0] =	sst s10  }
0x32: {  	s10 =	sld [smem:$0x3FAE];
	_ =	sdelay $0x3  }
0x33: {  	p0 =	seq.s32 s10, $0x1;
	s10 =	sld [smem:$0x3FB0];
	_ =	sdelay $0x3  }
0x34: {  	[smem:$0x3FB0] =	sst s10  }
0x35: {  	s10 =	sld [smem:$0x3FAF];
	_ =	sdelay $0x3  }
0x36: {  	p1 =	seq.s32 s10, $0x1;
	s10 =	sld [smem:$0x3FB0];
	_ =	sdelay $0x3  }
0x37: {  	[smem:$0x3FB0] =	sst s10  }
0x38: {  	s10 =	sld [smem:$0x3FB1]  }
0x39: {  	_ = 	snop;
	(pc) =	sbr.ind lr, $3  }
0x3a: {  	_ = 	snop  }
0x3b: {  	_ = 	snop  }
0x3c: {  	p2 =	seq.s32 s10, $0x1;
	s10 =	sld [smem:$0x3FB0]  }
0x3d: {  	_ =	shalt  }
0x3e: {  	_ =	shalt  }
0x3f: {  	_ =	shalt  }
0x40: {  	_ =	shalt  }
0x41: {  	_ =	shalt  }
0x42: {  	_ =	shalt  }
0x43: {  	_ =	shalt  }
0x44: {  	_ =	shalt  }
0x45: {  	_ =	shalt  }
0x46: {  	_ =	shalt  }
0x47: {  	_ =	shalt  }
0x48: {  	_ =	shalt  }
0x49: {  	_ =	shalt  }
0x4a: {  	_ =	shalt  }
0x4b: {  	_ =	shalt  }
0x4c: {  	_ =	shalt  }
0x4d: {  	_ =	shalt  }
0x4e: {  	_ =	shalt  }
0x4f: {  	_ =	shalt  }
0x50: {  	_ =	shalt  }
0x51: {  	_ =	shalt  }
0x52: {  	_ =	shalt  }
0x53: {  	_ =	shalt  }
0x54: {  	_ =	shalt  }
0x55: {  	_ =	shalt  }
0x56: {  	_ =	shalt  }
0x57: {  	_ =	shalt  }
0x58: {  	_ =	shalt  }
0x59: {  	_ =	shalt  }
0x5a: {  	_ =	shalt  }
0x5b: {  	_ =	shalt  }
0x5c: {  	_ =	shalt  }
0x5d: {  	_ =	shalt  }
0x5e: {  	_ =	shalt  }
0x5f: {  	_ =	shalt  }
0x60: {  	_ =	shalt  }
0x61: {  	_ =	shalt  }
0x62: {  	_ =	shalt  }
0x63: {  	_ =	shalt  }
0x64: {  	_ =	shalt  }
0x65: {  	_ =	shalt  }
0x66: {  	_ =	shalt  }
0x67: {  	_ =	shalt  }
0x68: {  	_ =	shalt  }
0x69: {  	_ =	shalt  }
0x6a: {  	_ =	shalt  }
0x6b: {  	_ =	shalt  }
0x6c: {  	_ =	shalt  }
0x6d: {  	_ =	shalt  }
0x6e: {  	_ =	shalt  }
0x6f: {  	_ =	shalt  }
0x70: {  	_ =	shalt  }
0x71: {  	_ =	shalt  }
0x72: {  	_ =	shalt  }
0x73: {  	_ =	shalt  }
0x74: {  	_ =	shalt  }
0x75: {  	_ =	shalt  }
0x76: {  	_ =	shalt  }
0x77: {  	_ =	shalt  }
0x78: {  	_ =	shalt  }
0x79: {  	_ =	shalt  }
0x7a: {  	_ =	shalt  }
0x7b: {  	_ =	shalt  }
0x7c: {  	_ =	shalt  }
0x7d: {  	_ =	shalt  }
0x7e: {  	_ =	shalt  }
0x7f: {  	_ =	shalt  }
0x80: {  	_ =	shalt  }
0x81: {  	_ =	shalt  }
0x82: {  	_ =	shalt  }
0x83: {  	_ =	shalt  }
0x84: {  	_ =	shalt  }
0x85: {  	_ =	shalt  }
0x86: {  	_ =	shalt  }
0x87: {  	_ =	shalt  }
.Lfunc_end0:
.L_simem_size_0:
called_computation.5_lowered:
.L_overlay_start_0:
0x88: {  	s2 =	sld [smem:$0x3FD9]  }
0x89: {  	s3 =	sld [smem:$0x3FFE];
	_ =	sdelay $0x1  }
0x8a: {  	s1 =	srdreg.scid  }
0x8b: {  	s0 =	sand.u32 $0x1, s1  }
0x8c: {  	s17 =	sshll.u32 s0, $0xA;
	s2 =	sadd.s32 s3, s2  }
0x8d: {  	s2 =	sadd.s32 s2, s17  }
0x8e: {  	[smem:$0x3FBC] =	sst s2  }
0x8f: {  	_ = 	snop  }
0x90: {  	s2 =	sld [smem:$0x3FD0];
	(tm) =	ssettm $0x1  }
0x91: {  	s18 =	sld [smem:$0x3FFB];
	_ =	sdelay $0x3  }
0x92: {  	_ =	strace s18  }
0x93: {  	s3 =	sld [smem:$0x3FFC];
	_ =	sdelay $0x3  }
0x94: {  	_ =	strace s3  }
0x95: {  	s3 =	sld [smem:$0x3FFD];
	_ =	sdelay $0x3  }
0x96: {  	_ =	strace s3  }
0x97: {  	_ =	strace $0x8FFFFFFF  }
0x98: {  	s19 =	sld [smem:$0x3FDB];
	_ =	sdelay $0x1  }
0x99: {  	s4 =	simm.s32 $_scs_section_size  }
0x9a: {  	s5 =	simm.s32 $_size__tile_overlayer_lowered;
	s6 =	simm.s32 $_tile_overlayer_lowered  }
0x9b: {  	s22 =	simm.s32 $0x1BFF;
	s21 =	sshll.u32 s6, $0x1;
	s3 =	sadd.s32 s4, s19  }
0x9c: {  	s7 =	simm.s32 $0x0;
	s20 =	sshll.u32 s5, $0x1;
	s5 =	sadd.s32 s21, s3  }
0x9d: {  	[timem:s7], [sflag:s22] =	dma.local [hbm:s5], s20  }
0x9e: {  	_ =	swait.ge [sflag:s22], s20  }
0x9f: {  	s4 =	ssub.s32 $0x0, s20;
	[sflag:s22] =	ssyncset.done $0x0  }
0xa0: {  	[sflag:s22] =	ssyncadd.s32 s4;
	_ =	sdelay $0x1  }
0xa1: {  	s23 =	simm.s32 $0x1B8B  }
0xa2: {  	_ =	swait.ge [sflag:s23], $0x1  }
0xa3: {  	[sflag:s23] =	ssyncset.done $0x0  }
0xa4: {  	s25 =	simm.s32 $0x1B8E;
	s24 =	sld [smem:$0x3FFE];
	[sflag:s23] =	ssyncadd.s32 $0xFFFFFFFF  }
0xa5: {  	s26 =	simm.s32 $execute0_lowered;
	[smem:$0x3FD2] =	sst s25  }
0xa6: {  	s5 =	sshll.u32 s26, $0x1;
	_ =	strace $0x80000055;
	[dreg:$0x1] =	wrdreg $0xFFFFFFFF  }
0xa7: {  	s28 =	simm.s32 $_size_execute0_lowered;
	s3 =	sadd.s32 s3, s5;
	[dreg:$0x0] =	wrdreg $0x0  }
0xa8: {  	s5 =	sshll.u32 s28, $0x1;
	[dreg:$0x2] =	wrdreg s3  }
0xa9: {  	[dreg:$0x3] =	wrdreg s5  }
0xaa: {  	[dreg:$0x4] =	wrdreg $0xC0  }
0xab: {  	_ =	task [dreg:s7], $0x5FFFF  }
0xac: {  	[dreg:$0x1] =	wrdreg $0xFFFFFFFF  }
0xad: {  	[dreg:$0x0] =	wrdreg $0x60  }
0xae: {  	[dreg:$0x2] =	wrdreg s24  }
0xaf: {  	[dreg:$0x3] =	wrdreg s2  }
0xb0: {  	[dreg:$0x4] =	wrdreg $0xA8000  }
0xb1: {  	[dreg:$0x5] =	wrdreg $0x9  }
0xb2: {  	_ =	task.clear_ibuf [dreg:s7], $0x6FFFF;
	_ =	strace $0x90000055  }
0xb3: {  	s29 =	simm.s32 $0x9;
	_ =	strace $0x80000057  }
0xb4: {  	_ =	swait.ge [sflag:s29], $0x1  }
0xb5: {  	[sflag:s29] =	ssyncadd.s32 $0xFFFFFFFF  }
0xb6: {  	_ =	strace $0x90000057  }
0xb7: {  	_ =	sfence  }
0xb8: {  	s30 =	sld [smem:$0x0];
	_ =	sdelay $0x2  }
0xb9: {  	s31 =	sshll.u32 s1, $0xD;
	s1 =	sshrl.u32 s1, $0x2  }
0xba: {  	s3 =	sand.u32 $0x4000, s31;
	s1 =	sadd.s32 s1, s30  }
0xbb: {  	s0 =	sor.u32 s3, s0;
	s1 =	sshll.u32 s1, $0x11  }
0xbc: {  	s0 =	sor.u32 s1, s0  }
0xbd: {  	s0 =	sadd.s32 $0x8F2B, s0  }
0xbe: {  	[sflag:s0] =	ssyncadd.remote.s32 $0x1  }
0xbf: {  	_ =	sfence.sel $0xFFFF  }
0xc0: {  	[dreg:$0x0] =	wrdreg $0xFFFFFFFF;
	(pc) =	sbr.abs _section_cstart, $3  }
0xc1: {  	[dreg:$0x1] =	wrdreg $0xFFFFFFFF  }
0xc2: {  	_ =	task.clear_ibuf [dreg:s7], $0x2FFFF;
	_ =	strace $0x9FFFFFFF  }
0xc3: {  	(tm) =	ssettm $0x7FFFFFFF  }
tec
execute0_lowered:
.L_overlay_start_1:
0x0: {  	(tag) =	ssettag $0x1  }
0x1: {  	s5 =	rddreg [dreg:$0x0]  }
0x2: {  	s11 =	rddreg [dreg:$0x1]  }
0x3: {  	s2 =	rddreg [dreg:$0x2]  }
0x4: {  	s0 =	rddreg [dreg:$0x3]  }
0x5: {  	s3 =	simm.s32 $0x0;
	s4 =	srdreg.scid;
	s1 =	stileid.u32  }
0x6: {  	s17 =	simm.s32 $0x1;
	s18 =	simm.s32 $0x80;
	s19 =	simm.s32 $0x2800  }
0x7: {  	s20 =	simm.s32 $0x6800;
	s21 =	simm.s32 $0x2;
	s22 =	simm.s32 $0x1480  }
0x8: {  	s23 =	simm.s32 $0x3;
	s24 =	simm.s32 $0x4;
	s25 =	simm.s32 $0x0  }
0x9: {  	[smem:$0x7FF] =	sst s3;
	s6 =	sand.u32 $0x1, s4;
	s7 =	smul.u32 $0x2800, s1  }
0xa: {  	s4 =	sadd.s32 $0xEA00, s5;
	s10 =	sadd.s32 $0x4A00, s5;
	s9 =	smul.u32 $0x50000, s1  }
0xb: {  	s8 =	smul.u32 $0x28000, s6;
	s12 =	sshll.u32 s6, $0x4;
	s6 =	ssub.s32 $0x2, s6  }
0xc: {  	_ =	strace $0x80000056;
	s12 =	sor.u32 s1, s12;
	s13 =	sshrl.u32 s6, $0x1  }
0xd: {  	s9 =	sshrl.u32 s9, $0x2;
	s8 =	sadd.s32 s7, s8;
	s14 =	smul.u32 $0x2800, s12  }
0xe: {  	s13 =	ssub.s32 s6, s13;
	s16 =	sadd.s32 s9, s2;
	s29 =	smul.u32 $0x500, s12  }
0xf: {  	s6 =	sadd.s32 s4, s7;
	s15 =	sadd.s32 s8, s5;
	s5 =	sshll.u32 s1, $0x6  }
0x10: {  	s13 =	smax.u32 s13, $0x1;
	s30 =	sshrl.u32 s14, $0x3;
	s7 =	sor.u32 $0x1C01, s5  }
0x11: {  	s8 =	sadd.s32 s10, s29;
	s9 =	sadd.s32 s11, s29;
	s12 =	sadd.s32 $0x36A00, s15  }
0x12: {  	s14 =	sshrl.u32 s16, $0x3;
	s15 =	simm.s32 $0x5;
	s31 =	sadd.s32 $0x280, s30  }
0x13: {  	s16 =	simm.s32 $0x1400;
	s10 =	sadd.s32 s10, s31;
	s11 =	sadd.s32 s11, s31  }
.LBB2_1:
0x14: {  	[spmem:s14], [sflag:s7] =	dma.local [hbm:s6], $0x2800  }
0x15: {  	[tilespmem:s3], [sflag:$0x5] =	stream.linear.gather [hbm4b:s8+s3], $0x1400, $0x38;
	[tilespmem:$0x1E800] =	vst v63  }
0x16: {  	_ =	swait.ge [sflag:s15], $0x1400  }
0x17: {  	[sflag:s15] =	ssyncset.done $0x0  }
0x18: {  	[sflag:s15] =	ssyncadd.s32 $0xFFFFEC00  }
0x19: {  	[tilespmem:s16], [sflag:$0x5] =	stream.linear.gather [hbm4b:s9+s3], $0x1400, $0x38;
	[tilespmem:$0x1E800] =	vst v63  }
0x1a: {  	_ =	swait.ge [sflag:s15], $0x1400  }
0x1b: {  	[sflag:s15] =	ssyncset.done $0x0  }
0x1c: {  	[sflag:s15] =	ssyncadd.s32 $0xFFFFEC00  }
0x1d: {  	_ =	swait.ge [sflag:s17], $0x2800  }
0x1e: {  	[sflag:s17] =	ssyncset.done $0x0  }
0x1f: {  	[sflag:s17] =	ssyncadd.s32 $0xFFFFD800  }
0x20: {  	[bflag:$0x0] =	sbarrier.arrive $0xFFFF  }
0x21: {  	[tilespmem:s19], [sflag:$0x1] =	stream.indirect.gather [hbm4b:s4+s18], $0x80, s3, s18, $0xb8;
	[tilespmem:$0x1E800] =	vst v63  }
0x22: {  	_ = 	snop  }
0x23: {  	[tilespmem:s20], [sflag:$0x2] =	stream.indirect.gather [hbm4b:s4+s18], $0x80, s18, s18, $0xb8;
	[tilespmem:$0x1E800] =	vst v63  }
0x24: {  	_ =	swait.ge [sflag:s17], $0x4000  }
0x25: {  	[sflag:s17] =	ssyncset.done $0x0  }
0x26: {  	[sflag:s17] =	ssyncadd.s32 $0xFFFFC000  }
0x27: {  	[spmem:s2] =	stream.indirect.scatter.add.f32 [tilespmem:s19], [sflag:$0x3], $0x80, s16, s18, $0xb8;
	[tilespmem:$0x1E800] =	vst v63  }
0x28: {  	_ =	swait.ge [sflag:s21], $0x4000  }
0x29: {  	[sflag:s21] =	ssyncset.done $0x0  }
0x2a: {  	[sflag:s21] =	ssyncadd.s32 $0xFFFFC000  }
0x2b: {  	[spmem:s2] =	stream.indirect.scatter.add.f32 [tilespmem:s20], [sflag:$0x4], $0x80, s22, s18, $0xb8;
	[tilespmem:$0x1E800] =	vst v63  }
0x2c: {  	_ =	swait.ge [sflag:s23], $0x4000  }
0x2d: {  	[sflag:s23] =	ssyncset.done $0x0  }
0x2e: {  	s26 =	simm.s32 $0x100;
	[sflag:s23] =	ssyncadd.s32 $0xFFFFC000  }
0x2f: {  	[tilespmem:s19], [sflag:$0x1] =	stream.indirect.gather [hbm4b:s4+s18], $0x80, s26, s18, $0xb8;
	[tilespmem:$0x1E800] =	vst v63  }
0x30: {  	_ =	swait.ge [sflag:s24], $0x4000  }
0x31: {  	[sflag:s24] =	ssyncset.done $0x0  }
0x32: {  	s30 =	simm.s32 $0x180;
	[sflag:s24] =	ssyncadd.s32 $0xFFFFC000  }
0x33: {  	[tilespmem:s20], [sflag:$0x2] =	stream.indirect.gather [hbm4b:s4+s18], $0x80, s30, s18, $0xb8;
	[tilespmem:$0x1E800] =	vst v63  }
0x34: {  	_ =	swait.ge [sflag:s17], $0x4000  }
0x35: {  	[sflag:s17] =	ssyncset.done $0x0  }
0x36: {  	s31 =	simm.s32 $0x1500;
	[sflag:s17] =	ssyncadd.s32 $0xFFFFC000  }
0x37: {  	[spmem:s2] =	stream.indirect.scatter.add.f32 [tilespmem:s19], [sflag:$0x3], $0x80, s31, s18, $0xb8;
	[tilespmem:$0x1E800] =	vst v63  }
0x38: {  	_ =	swait.ge [sflag:s21], $0x4000  }
0x39: {  	[sflag:s21] =	ssyncset.done $0x0  }
0x3a: {  	s28 =	simm.s32 $0x1580;
	s26 =	simm.s32 $0xFFFFB800;
	[sflag:s21] =	ssyncadd.s32 $0xFFFFC000  }
.LBB2_2:
0x3b: {  	[spmem:s2] =	stream.indirect.scatter.add.f32 [tilespmem:s20], [sflag:$0x4], $0x80, s28, s18, $0xb8;
	[tilespmem:$0x1E800] =	vst v63  }
0x3c: {  	s28 =	smov.u32 s26  }
0x3d: {  	p0 =	sne.s32 s26, $0xFFFFFC00;
	s26 =	sadd.s32 $0x400, s26;
	_ =	swait.ge [sflag:s23], $0x4000  }
0x3e: {  	s28 =	sshra.s32 s28, $0x2;
	[sflag:s23] =	ssyncset.done $0x0  }
0x3f: {  	s29 =	sadd.s32 $0x1400, s28;
	[sflag:s23] =	ssyncadd.s32 $0xFFFFC000  }
0x40: {  	[tilespmem:s19], [sflag:$0x1] =	stream.indirect.gather [hbm4b:s4+s18], $0x80, s29, s18, $0xb8;
	[tilespmem:$0x1E800] =	vst v63  }
0x41: {  	_ =	swait.ge [sflag:s24], $0x4000  }
0x42: {  	[sflag:s24] =	ssyncset.done $0x0  }
0x43: {  	s29 =	sadd.s32 $0x1480, s28;
	[sflag:s24] =	ssyncadd.s32 $0xFFFFC000  }
0x44: {  	[tilespmem:s20], [sflag:$0x2] =	stream.indirect.gather [hbm4b:s4+s18], $0x80, s29, s18, $0xb8;
	[tilespmem:$0x1E800] =	vst v63  }
0x45: {  	_ =	swait.ge [sflag:s17], $0x4000  }
0x46: {  	[sflag:s17] =	ssyncset.done $0x0  }
.Ltmp0:
0x47: {  	s29 =	sadd.s32 $0x2800, s28;
	[sflag:s17] =	ssyncadd.s32 $0xFFFFC000;
	(pc) =	sbr.rel @p0 .LBB2_2-.Ltmp0, $4  }
0x48: {  	[spmem:s2] =	stream.indirect.scatter.add.f32 [tilespmem:s19], [sflag:$0x3], $0x80, s29, s18, $0xb8;
	[tilespmem:$0x1E800] =	vst v63  }
0x49: {  	_ =	swait.ge [sflag:s21], $0x4000  }
0x4a: {  	[sflag:s21] =	ssyncset.done $0x0  }
0x4b: {  	s28 =	sadd.s32 $0x2880, s28;
	[sflag:s21] =	ssyncadd.s32 $0xFFFFC000  }
0x4c: {  	[spmem:s2] =	stream.indirect.scatter.add.f32 [tilespmem:s20], [sflag:$0x4], $0x80, s28, s18, $0xb8;
	[tilespmem:$0x1E800] =	vst v63  }
0x4d: {  	_ =	swait.ge [sflag:s23], $0x4000  }
0x4e: {  	[sflag:s23] =	ssyncset.done $0x0  }
0x4f: {  	[sflag:s23] =	ssyncadd.s32 $0xFFFFC000  }
0x50: {  	_ =	swait.ge [sflag:s24], $0x4000  }
0x51: {  	[sflag:s24] =	ssyncset.done $0x0  }
0x52: {  	[sflag:s24] =	ssyncadd.s32 $0xFFFFC000  }
0x53: {  	[tilespmem:s3], [sflag:$0x5] =	stream.linear.gather [hbm4b:s10+s3], $0x1400, $0x38;
	[tilespmem:$0x1E800] =	vst v63  }
0x54: {  	_ =	swait.ge [sflag:s15], $0x1400  }
0x55: {  	[sflag:s15] =	ssyncset.done $0x0  }
0x56: {  	[sflag:s15] =	ssyncadd.s32 $0xFFFFEC00  }
0x57: {  	[tilespmem:s16], [sflag:$0x5] =	stream.linear.gather [hbm4b:s11+s3], $0x1400, $0x38;
	[tilespmem:$0x1E800] =	vst v63  }
0x58: {  	_ =	swait.ge [sflag:s15], $0x1400  }
0x59: {  	[sflag:s15] =	ssyncset.done $0x0  }
0x5a: {  	[sflag:s15] =	ssyncadd.s32 $0xFFFFEC00  }
0x5b: {  	[tilespmem:s19], [sflag:$0x1] =	stream.indirect.gather [hbm4b:s4+s18], $0x80, s3, s18, $0xb8;
	[tilespmem:$0x1E800] =	vst v63  }
0x5c: {  	_ = 	snop  }
0x5d: {  	[tilespmem:s20], [sflag:$0x2] =	stream.indirect.gather [hbm4b:s4+s18], $0x80, s18, s18, $0xb8;
	[tilespmem:$0x1E800] =	vst v63  }
0x5e: {  	_ =	swait.ge [sflag:s17], $0x4000  }
0x5f: {  	[sflag:s17] =	ssyncset.done $0x0  }
0x60: {  	[sflag:s17] =	ssyncadd.s32 $0xFFFFC000  }
0x61: {  	[spmem:s2] =	stream.indirect.scatter.add.f32 [tilespmem:s19], [sflag:$0x3], $0x80, s16, s18, $0xb8;
	[tilespmem:$0x1E800] =	vst v63  }
0x62: {  	_ =	swait.ge [sflag:s21], $0x4000  }
0x63: {  	[sflag:s21] =	ssyncset.done $0x0  }
0x64: {  	[sflag:s21] =	ssyncadd.s32 $0xFFFFC000  }
0x65: {  	[spmem:s2] =	stream.indirect.scatter.add.f32 [tilespmem:s20], [sflag:$0x4], $0x80, s22, s18, $0xb8;
	[tilespmem:$0x1E800] =	vst v63  }
0x66: {  	_ =	swait.ge [sflag:s23], $0x4000  }
0x67: {  	[sflag:s23] =	ssyncset.done $0x0  }
0x68: {  	s26 =	simm.s32 $0x100;
	[sflag:s23] =	ssyncadd.s32 $0xFFFFC000  }
0x69: {  	[tilespmem:s19], [sflag:$0x1] =	stream.indirect.gather [hbm4b:s4+s18], $0x80, s26, s18, $0xb8;
	[tilespmem:$0x1E800] =	vst v63  }
0x6a: {  	_ =	swait.ge [sflag:s24], $0x4000  }
0x6b: {  	[sflag:s24] =	ssyncset.done $0x0  }
0x6c: {  	s30 =	simm.s32 $0x180;
	[sflag:s24] =	ssyncadd.s32 $0xFFFFC000  }
0x6d: {  	[tilespmem:s20], [sflag:$0x2] =	stream.indirect.gather [hbm4b:s4+s18], $0x80, s30, s18, $0xb8;
	[tilespmem:$0x1E800] =	vst v63  }
0x6e: {  	_ =	swait.ge [sflag:s17], $0x4000  }
0x6f: {  	[sflag:s17] =	ssyncset.done $0x0  }
0x70: {  	s31 =	simm.s32 $0x1500;
	[sflag:s17] =	ssyncadd.s32 $0xFFFFC000  }
0x71: {  	[spmem:s2] =	stream.indirect.scatter.add.f32 [tilespmem:s19], [sflag:$0x3], $0x80, s31, s18, $0xb8;
	[tilespmem:$0x1E800] =	vst v63  }
0x72: {  	_ =	swait.ge [sflag:s21], $0x4000  }
0x73: {  	[sflag:s21] =	ssyncset.done $0x0  }
0x74: {  	s28 =	simm.s32 $0x1580;
	s26 =	simm.s32 $0xFFFFB800;
	[sflag:s21] =	ssyncadd.s32 $0xFFFFC000  }
.LBB2_4:
0x75: {  	[spmem:s2] =	stream.indirect.scatter.add.f32 [tilespmem:s20], [sflag:$0x4], $0x80, s28, s18, $0xb8;
	[tilespmem:$0x1E800] =	vst v63  }
0x76: {  	s28 =	smov.u32 s26  }
0x77: {  	p0 =	sne.s32 s26, $0xFFFFFC00;
	s26 =	sadd.s32 $0x400, s26;
	_ =	swait.ge [sflag:s23], $0x4000  }
0x78: {  	s28 =	sshra.s32 s28, $0x2;
	[sflag:s23] =	ssyncset.done $0x0  }
0x79: {  	s29 =	sadd.s32 $0x1400, s28;
	[sflag:s23] =	ssyncadd.s32 $0xFFFFC000  }
0x7a: {  	[tilespmem:s19], [sflag:$0x1] =	stream.indirect.gather [hbm4b:s4+s18], $0x80, s29, s18, $0xb8;
	[tilespmem:$0x1E800] =	vst v63  }
0x7b: {  	_ =	swait.ge [sflag:s24], $0x4000  }
0x7c: {  	[sflag:s24] =	ssyncset.done $0x0  }
0x7d: {  	s29 =	sadd.s32 $0x1480, s28;
	[sflag:s24] =	ssyncadd.s32 $0xFFFFC000  }
0x7e: {  	[tilespmem:s20], [sflag:$0x2] =	stream.indirect.gather [hbm4b:s4+s18], $0x80, s29, s18, $0xb8;
	[tilespmem:$0x1E800] =	vst v63  }
0x7f: {  	_ =	swait.ge [sflag:s17], $0x4000  }
0x80: {  	[sflag:s17] =	ssyncset.done $0x0  }
.Ltmp1:
0x81: {  	s29 =	sadd.s32 $0x2800, s28;
	[sflag:s17] =	ssyncadd.s32 $0xFFFFC000;
	(pc) =	sbr.rel @p0 .LBB2_4-.Ltmp1, $4  }
0x82: {  	[spmem:s2] =	stream.indirect.scatter.add.f32 [tilespmem:s19], [sflag:$0x3], $0x80, s29, s18, $0xb8;
	[tilespmem:$0x1E800] =	vst v63  }
0x83: {  	_ =	swait.ge [sflag:s21], $0x4000  }
0x84: {  	[sflag:s21] =	ssyncset.done $0x0  }
0x85: {  	s28 =	sadd.s32 $0x2880, s28;
	[sflag:s21] =	ssyncadd.s32 $0xFFFFC000  }
0x86: {  	[spmem:s2] =	stream.indirect.scatter.add.f32 [tilespmem:s20], [sflag:$0x4], $0x80, s28, s18, $0xb8;
	[tilespmem:$0x1E800] =	vst v63  }
0x87: {  	_ =	swait.ge [sflag:s23], $0x4000  }
0x88: {  	[sflag:s23] =	ssyncset.done $0x0  }
0x89: {  	[sflag:s23] =	ssyncadd.s32 $0xFFFFC000  }
0x8a: {  	_ =	swait.ge [sflag:s24], $0x4000  }
0x8b: {  	s25 =	sadd.s32 $0x1, s25;
	[sflag:s24] =	ssyncset.done $0x0  }
0x8c: {  	p0 =	sne.s32 s25, s13;
	[sflag:s24] =	ssyncadd.s32 $0xFFFFC000  }
.Ltmp2:
0x8d: {  	s26 =	sor.u32 $0x1C05, s5;
	[bflag:$0x0] =	sbarrier.arrive $0xFFFF;
	(pc) =	sbr.rel @p0 .LBB2_1-.Ltmp2, $4  }
0x8e: {  	[hbm:s12], [sflag:s26] =	dma.local [spmem:s14], $0x2800  }
0x8f: {  	_ =	swait.ge [sflag:s15], $0x2800  }
0x90: {  	[sflag:s15] =	ssyncset.done $0x0  }
0x91: {  	[sflag:s15] =	ssyncadd.s32 $0xFFFFD800  }
0x92: {  	_ =	sfence.sel $0x180000  }
0x93: {  	[bflag:$0x0] =	sbarrier.arrive $0xFFFF  }
0x94: {  	p0 =	sne.s32 s1, $0x0;
	_ =	strace $0x90000056  }
0x95: {  	s0 =	sadd.s32 @!p0 $0x100000, s0;
	[bflag:$0x2] =	sbarrier.arrive $0xFFFF  }
0x96: {  	[sflag:s0] =	ssyncadd.tile.s32 @!p0 $0x1;
	_ =	shalt  }
.Lfunc_end2:
_tile_overlayer_lowered:
.L_overlay_start_2:
0x97: {  	(tag) =	ssettag $0x2  }
0x98: {  	s0 =	rddreg [dreg:$0x0];
	s2 =	stileid.u32  }
0x99: {  	s1 =	rddreg [dreg:$0x1];
	p0 =	sne.s32 s2, $0x0  }
0x9a: {  	s3 =	rddreg [dreg:$0x2];
	[bflag:$0x3] =	sbarrier.arrive $0xFFFF;
	s2 =	simm.s32 @!p0 $0x1C05  }
0x9b: {  	[timem:s3], [sflag:s2] =	dma.local @!p0 [hbm:s0], s1  }
0x9c: {  	s0 =	simm.s32 @!p0 $0x5  }
0x9d: {  	_ =	swait.ge @!p0 [sflag:s0], s1  }
0x9e: {  	s1 =	ssub.s32 @!p0 $0x0, s1;
	[sflag:s0] =	ssyncset.done @!p0 $0x0  }
0x9f: {  	[sflag:s0] =	ssyncadd.s32 @!p0 s1  }
0xa0: {  	[bflag:$0x3] =	sbarrier.arrive $0xFFFF  }
0xa1: {  	_ =	shalt  }

</sc_bundles>
